<compile_context>
chip_gen: v7x
topology: tpu7x:2x2x1
jax: 0.10.2.dev20260603
libtpu: 0.0.44.dev20260713+nightly
codegen_flags: <defaults>
</compile_context>

<pallas_src>
import functools

import jax
import jax.numpy as jnp
from jax import lax
from jax.experimental import pallas as pl
from jax.experimental.pallas import tpu as pltpu
from jax.experimental.pallas import tpu_sc as plsc

_N = 10000
_E = 320000
_D = 128

_NC = 2
_NS = 16
_NW = _NC * _NS
_EW = _E // _NW
_K = 80
_NCH = _EW // _K
_NP = 10240
_RPS = _NP // _NS
_DG = 16
_KC = 80
_TCH = _E // _KC
_JMAX = (_TCH + _NW - 1) // _NW


def _sc_mesh():
  return plsc.VectorSubcoreMesh(core_axis_name="c", subcore_axis_name="s")


@functools.partial(
    pl.kernel,
    out_type=jax.ShapeDtypeStruct((_NC, _NP, _D), jnp.float32),
    mesh=_sc_mesh(),
    scratch_types=[
        pltpu.VMEM((_K,), jnp.int32),
        pltpu.VMEM((_K,), jnp.int32),
        pltpu.VMEM((_K,), jnp.int32),
        pltpu.VMEM((_K,), jnp.int32),
        pltpu.VMEM((_K,), jnp.int32),
        pltpu.VMEM((_K,), jnp.int32),
        pltpu.VMEM((_K,), jnp.int32),
        pltpu.VMEM((_K,), jnp.int32),
        pltpu.VMEM((_K, _D), jnp.float32),
        pltpu.VMEM((_K, _D), jnp.float32),
        pltpu.VMEM_SHARED((_NP, _D), jnp.float32),
        pltpu.SemaphoreType.DMA,
        pltpu.SemaphoreType.DMA,
        pltpu.SemaphoreType.DMA,
        pltpu.SemaphoreType.DMA,
        pltpu.SemaphoreType.DMA,
        pltpu.SemaphoreType.DMA,
        pltpu.SemaphoreType.DMA,
        pltpu.SemaphoreType.DMA,
    ],
)
def _sc_degrees(src_hbm, dst_hbm, onesa_hbm, onesb_hbm, z_hbm, out_hbm,
                is0, is1, is2, is3, id0, id1, id2, id3, va, vb, acc,
                i0, i1, i2, i3, s0, s1, s2, s3):
  cid = lax.axis_index("c")
  sid = lax.axis_index("s")
  wid = sid * _NC + cid
  row0 = sid * _RPS
  pltpu.sync_copy(z_hbm, acc.at[pl.ds(row0, _RPS)])
  pltpu.sync_copy(onesa_hbm, va)
  pltpu.sync_copy(onesb_hbm, vb)
  plsc.subcore_barrier()

  iss = (is0, is1, is2, is3)
  ids = (id0, id1, id2, id3)
  isems = (i0, i1, i2, i3)
  ssems = (s0, s1, s2, s3)
  e0 = wid * _EW

  def prefetch(ch, b):
    base = pl.multiple_of(e0 + ch * _K, 8)
    pltpu.async_copy(src_hbm.at[pl.ds(base, _K)], iss[b], isems[b])
    pltpu.async_copy(dst_hbm.at[pl.ds(base, _K)], ids[b], isems[b])

  def drain(b):
    pltpu.make_async_copy(va, acc.at[iss[b]], ssems[b]).wait()
    pltpu.make_async_copy(vb, acc.at[ids[b]], ssems[b]).wait()

  prefetch(0, 0)
  prefetch(1, 1)

  def visit(ch, b, c):
    @pl.when(ch < _NCH)
    def _():
      pltpu.make_async_copy(src_hbm.at[pl.ds(0, _K)], iss[b], isems[b]).wait()
      pltpu.make_async_copy(dst_hbm.at[pl.ds(0, _K)], ids[b], isems[b]).wait()
      pltpu.async_copy(va, acc.at[iss[b]], ssems[b], add=True)
      pltpu.async_copy(vb, acc.at[ids[b]], ssems[b], add=True)

    @pl.when(ch + 2 < _NCH)
    def _():
      @pl.when(ch >= 2)
      def _():
        drain(c)

      prefetch(ch + 2, c)

  def quad(q, carry):
    for b in range(4):
      ch = q * 4 + b
      visit(ch, b, (b + 2) % 4)
    return carry

  lax.fori_loop(0, (_NCH + 3) // 4, quad, 0)
  for b in range(4):
    drain(b)

  plsc.subcore_barrier()
  pltpu.sync_copy(acc.at[pl.ds(row0, _RPS)], out_hbm.at[cid, pl.ds(row0, _RPS)])


@functools.partial(
    pl.kernel,
    out_type=jax.ShapeDtypeStruct((_NC, _NP, _D), jnp.float32),
    mesh=_sc_mesh(),
    scratch_types=[
        pltpu.VMEM((_KC,), jnp.int32),
        pltpu.VMEM((_KC,), jnp.int32),
        pltpu.VMEM((_KC,), jnp.int32),
        pltpu.VMEM((_KC,), jnp.int32),
        pltpu.VMEM((_KC,), jnp.int32),
        pltpu.VMEM((_KC,), jnp.int32),
        pltpu.VMEM((_KC,), jnp.int32),
        pltpu.VMEM((_KC,), jnp.int32),
        pltpu.VMEM((4, _KC, _D), jnp.float32),
        pltpu.VMEM_SHARED((_NP, _D), jnp.float32),
        pltpu.SemaphoreType.DMA,
        pltpu.SemaphoreType.DMA,
        pltpu.SemaphoreType.DMA,
        pltpu.SemaphoreType.DMA,
        pltpu.SemaphoreType.DMA,
        pltpu.SemaphoreType.DMA,
        pltpu.SemaphoreType.DMA,
        pltpu.SemaphoreType.DMA,
    ],
)
def _sc_aggregate(g_hbm, src_hbm, dst_hbm, z_hbm, out_hbm,
                  is0, is1, is2, is3, id0, id1, id2, id3, rows, acc,
                  g0, g1, g2, g3, s0, s1, s2, s3):
  cid = lax.axis_index("c")
  sid = lax.axis_index("s")
  wid = sid * _NC + cid
  row0 = sid * _RPS
  pltpu.sync_copy(z_hbm, acc.at[pl.ds(row0, _RPS)])
  plsc.subcore_barrier()

  gsems = (g0, g1, g2, g3)
  ssems = (s0, s1, s2, s3)
  iss = (is0, is1, is2, is3)
  ids = (id0, id1, id2, id3)

  def valid(j):
    return wid + j * _NW < _TCH

  def prefetch(j, b):
    base = pl.multiple_of((wid + j * _NW) * _KC, 8)
    pltpu.sync_copy(src_hbm.at[pl.ds(base, _KC)], iss[b])
    pltpu.sync_copy(dst_hbm.at[pl.ds(base, _KC)], ids[b])
    pltpu.async_copy(g_hbm.at[iss[b]], rows.at[b], gsems[b])

  prefetch(0, 0)
  prefetch(1, 1)

  def visit(j, b, c):
    @pl.when(valid(j))
    def _():
      pltpu.make_async_copy(g_hbm.at[iss[b]], rows.at[b], gsems[b]).wait()
      pltpu.async_copy(rows.at[b], acc.at[ids[b]], ssems[b], add=True)

    @pl.when(valid(j + 2))
    def _():
      @pl.when(j >= 2)
      def _():
        pltpu.make_async_copy(
            rows.at[c], acc.at[ids[c]], ssems[c]).wait()

      prefetch(j + 2, c)

  def quad(q, carry):
    for b in range(4):
      j = q * 4 + b
      visit(j, b, (b + 2) % 4)
    return carry

  lax.fori_loop(0, (_JMAX + 3) // 4, quad, 0)
  for b in range(4):
    pltpu.make_async_copy(rows.at[b], acc.at[ids[b]], ssems[b]).wait()

  plsc.subcore_barrier()
  pltpu.sync_copy(acc.at[pl.ds(row0, _RPS)], out_hbm.at[cid, pl.ds(row0, _RPS)])


_R = 1280
_GB = _NP // _R


def _prep_body(x_ref, deg_ref, g_ref, ns_ref, nd_ref):
  d = deg_ref[0] + deg_ref[1]
  ns = lax.rsqrt(jnp.maximum(d[:, 0:1], 1.0))
  nd = lax.rsqrt(jnp.maximum(d[:, 64:65], 1.0))
  ns_ref[...] = jnp.broadcast_to(ns, (_R, _DG))
  nd_ref[...] = jnp.broadcast_to(nd, (_R, _DG))
  g_ref[...] = x_ref[...] * ns


def _tc_prep(x, deg):
  return pl.pallas_call(
      _prep_body,
      grid=(_GB,),
      in_specs=[
          pl.BlockSpec((_R, _D), lambda i: (i, 0)),
          pl.BlockSpec((_NC, _R, _D), lambda i: (0, i, 0)),
      ],
      out_specs=[
          pl.BlockSpec((_R, _D), lambda i: (i, 0)),
          pl.BlockSpec((_R, _DG), lambda i: (i, 0)),
          pl.BlockSpec((_R, _DG), lambda i: (i, 0)),
      ],
      out_shape=[
          jax.ShapeDtypeStruct((_N, _D), jnp.float32),
          jax.ShapeDtypeStruct((_N, _DG), jnp.float32),
          jax.ShapeDtypeStruct((_N, _DG), jnp.float32),
      ],
  )(x, deg)


def _layer_body(acc_ref, nd_ref, ns_ref, w_ref, b_ref, o_ref, *, relu, scale_next):
  t = (acc_ref[0] + acc_ref[1]) * nd_ref[...][:, :1]
  y = jnp.dot(t, w_ref[...], preferred_element_type=jnp.float32) + b_ref[...]
  if relu:
    y = jnp.maximum(y, 0.0)
  if scale_next:
    y = y * ns_ref[...][:, :1]
  o_ref[...] = y


def _tc_layer(acc, nd, ns, w, b, relu, scale_next):
  body = functools.partial(_layer_body, relu=relu, scale_next=scale_next)
  return pl.pallas_call(
      body,
      grid=(_GB,),
      in_specs=[
          pl.BlockSpec((_NC, _R, _D), lambda i: (0, i, 0)),
          pl.BlockSpec((_R, _DG), lambda i: (i, 0)),
          pl.BlockSpec((_R, _DG), lambda i: (i, 0)),
          pl.BlockSpec((_D, _D), lambda i: (0, 0)),
          pl.BlockSpec((1, _D), lambda i: (0, 0)),
      ],
      out_specs=pl.BlockSpec((_R, _D), lambda i: (i, 0)),
      out_shape=jax.ShapeDtypeStruct((_N, _D), jnp.float32),
  )(acc, nd, ns, w, b)


def kernel(x, edge_index, W1, b1, W2, b2, W3, b3):
  src = edge_index[0].astype(jnp.int32)
  dst = edge_index[1].astype(jnp.int32)
  zd = jnp.zeros((_RPS, _D), jnp.float32)
  onesa = jnp.zeros((_K, _D), jnp.float32).at[:, 0].set(1.0)
  onesb = jnp.zeros((_K, _D), jnp.float32).at[:, 64].set(1.0)

  deg = _sc_degrees(src, dst, onesa, onesb, zd)
  g, ns, nd = _tc_prep(x, deg)

  acc = _sc_aggregate(g, src, dst, zd)
  g = _tc_layer(acc, nd, ns, W1, b1.reshape(1, _D), relu=True, scale_next=True)

  acc = _sc_aggregate(g, src, dst, zd)
  g = _tc_layer(acc, nd, ns, W2, b2.reshape(1, _D), relu=True, scale_next=True)

  acc = _sc_aggregate(g, src, dst, zd)
  return _tc_layer(acc, nd, ns, W3, b3.reshape(1, _D), relu=False, scale_next=False)

# --- scband reference (transcript-rebuilt; emitter-appended) ---
"""Pipeline reference for scband-sage-7739531067740 (READ-ONLY COPY).

The authoritative reference and input builder live on the scoring server;
editing this copy changes nothing except your own understanding.
"""

import jax, jax.numpy as jnp
import numpy as np

N_NODES = 10000
N_EDGES = 320000
D_IN = 128
D_HID = 128
D_OUT = 128

def setup_inputs(seed: int = 0) -> dict:
    key = jax.random.key(seed)
    k1, k2, k3, k4, k5 = jax.random.split(key, 5)
    x = jax.random.normal(k1, (N_NODES, D_IN), dtype=jnp.float32)
    edge_index = jax.random.randint(k2, (2, N_EDGES), 0, N_NODES, dtype=jnp.int64)
    W1 = jax.random.normal(k3, (D_IN, D_HID), dtype=jnp.float32) * (1.0 / np.sqrt(D_IN))
    b1 = jnp.zeros((D_HID,), dtype=jnp.float32)
    W2 = jax.random.normal(k4, (D_HID, D_OUT), dtype=jnp.float32) * (1.0 / np.sqrt(D_HID))
    b2 = jnp.zeros((D_OUT,), dtype=jnp.float32)
    W3 = jax.random.normal(k5, (D_OUT, D_OUT), dtype=jnp.float32) * (1.0 / np.sqrt(D_OUT))
    b3 = jnp.zeros((D_OUT,), dtype=jnp.float32)
    return {"x": x, "edge_index": edge_index, "W1": W1, "b1": b1, "W2": W2, "b2": b2, "W3": W3, "b3": b3}

def _graph_conv(h, src, dst, W, b, n_nodes):
    # DGL GraphConv with norm='both': D_dst^{-1/2} * A^T * (D_src^{-1/2} * h) @ W + b
    deg_out = jnp.bincount(src, length=n_nodes).astype(jnp.float32)
    deg_in = jnp.bincount(dst, length=n_nodes).astype(jnp.float32)
    norm_src = jnp.clip(deg_out, 1.0, None) ** -0.5
    norm_dst = jnp.clip(deg_in, 1.0, None) ** -0.5
    h = h * norm_src[:, None]
    msg = jnp.take(h, src, axis=0)
    agg = jax.ops.segment_sum(msg, dst, num_segments=n_nodes)
    agg = agg * norm_dst[:, None]
    return agg @ W + b

def reference(x, edge_index, W1, b1, W2, b2, W3, b3):
    src = edge_index[0]
    dst = edge_index[1]
    h = _graph_conv(x, src, dst, W1, b1, N_NODES)
    h = jax.nn.relu(h)
    h = _graph_conv(h, src, dst, W2, b2, N_NODES)
    h = jax.nn.relu(h)
    h = _graph_conv(h, src, dst, W3, b3, N_NODES)
    return h

if __name__ == "__main__":
    import jax
    _d = setup_inputs()
    print(jax.jit(kernel)(*tuple(_d.values())))

</pallas_src>

<mosaic_0001>
#map = affine_map<(d0, d1) -> (0, 0)>
#map1 = affine_map<(d0, d1) -> (0)>
#map2 = affine_map<(d0, d1) -> (0, 0, 0)>
module attributes {stable_mosaic.version = 14 : i64} {
  func.func @_sc_aggregate(%arg0: i32, %arg1: i32, %arg2: memref<10000x128xf32, #tpu.memory_space<hbm>>, %arg3: memref<320000xi32, #tpu.memory_space<hbm>>, %arg4: memref<320000xi32, #tpu.memory_space<hbm>>, %arg5: memref<640x128xf32, #tpu.memory_space<hbm>>, %arg6: memref<2x10240x128xf32, #tpu.memory_space<hbm>>, %arg7: memref<80xi32, #tpu.memory_space<vmem>>, %arg8: memref<80xi32, #tpu.memory_space<vmem>>, %arg9: memref<80xi32, #tpu.memory_space<vmem>>, %arg10: memref<80xi32, #tpu.memory_space<vmem>>, %arg11: memref<80xi32, #tpu.memory_space<vmem>>, %arg12: memref<80xi32, #tpu.memory_space<vmem>>, %arg13: memref<80xi32, #tpu.memory_space<vmem>>, %arg14: memref<80xi32, #tpu.memory_space<vmem>>, %arg15: memref<4x80x128xf32, #tpu.memory_space<vmem>>, %arg16: memref<10240x128xf32, #tpu.memory_space<vmem_shared>>, %arg17: memref<!tpu.dma_semaphore, #tpu.memory_space<semaphore_mem>>, %arg18: memref<!tpu.dma_semaphore, #tpu.memory_space<semaphore_mem>>, %arg19: memref<!tpu.dma_semaphore, #tpu.memory_space<semaphore_mem>>, %arg20: memref<!tpu.dma_semaphore, #tpu.memory_space<semaphore_mem>>, %arg21: memref<!tpu.dma_semaphore, #tpu.memory_space<semaphore_mem>>, %arg22: memref<!tpu.dma_semaphore, #tpu.memory_space<semaphore_mem>>, %arg23: memref<!tpu.dma_semaphore, #tpu.memory_space<semaphore_mem>>, %arg24: memref<!tpu.dma_semaphore, #tpu.memory_space<semaphore_mem>>) attributes {dimension_semantics = [#tpu.dimension_semantics<core_parallel>, #tpu.dimension_semantics<subcore_parallel>], iteration_bounds = array<i64: 2, 16>, scalar_prefetch = 0 : i64, scratch_operands = 18 : i64, tpu.core_type = #tpu.core_type<sc_vector_subcore>, window_params = [{transform_indices = #map}, {transform_indices = #map1}, {transform_indices = #map1}, {transform_indices = #map}, {transform_indices = #map2}]} {
    %mul3A = arith.constant 2 : i32
    %mul3A_0 = arith.muli %arg1, %mul3A : i32
    %add3A = arith.addi %mul3A_0, %arg0 : i32
    %mul3A_1 = arith.constant 640 : i32
    %mul3A_2 = arith.muli %arg1, %mul3A_1 : i32
    "tpu.region"() ({
      %run_scoped3A = tpu.sem_alloc : memref<!tpu.dma_semaphore, #tpu.memory_space<semaphore_mem>>
      %dma_start3A_64 = arith.constant 0 : i32
      %dma_start3A_65 = tpu.memref_slice %arg16[%mul3A_2, %dma_start3A_64] : memref<10240x128xf32, #tpu.memory_space<vmem_shared>> -> memref<640x128xf32, #tpu.memory_space<vmem_shared>>
      tpu.enqueue_dma source(%arg5 : memref<640x128xf32, #tpu.memory_space<hbm>>) target(%dma_start3A_65 : memref<640x128xf32, #tpu.memory_space<vmem_shared>>) target_semaphore(%run_scoped3A : memref<!tpu.dma_semaphore, #tpu.memory_space<semaphore_mem>>)
      %dma_wait3A_66 = arith.constant 0 : i32
      %dma_wait3A_67 = tpu.memref_slice %arg16[%mul3A_2, %dma_wait3A_66] : memref<10240x128xf32, #tpu.memory_space<vmem_shared>> -> memref<640x128xf32, #tpu.memory_space<vmem_shared>>
      tpu.wait_dma2 semaphore(%run_scoped3A : memref<!tpu.dma_semaphore, #tpu.memory_space<semaphore_mem>>) src(%arg5 : memref<640x128xf32, #tpu.memory_space<hbm>>) dst(%dma_wait3A_67 : memref<640x128xf32, #tpu.memory_space<vmem_shared>>)
      tpu.yield
    }) : () -> ()
    %barrier3A = arith.constant 0 : index
    tpu.barrier barrier_id(%barrier3A)
    %add3A_3 = arith.constant 0 : i32
    %add3A_4 = arith.addi %add3A, %add3A_3 : i32
    %mul3A_5 = arith.constant 80 : i32
    %mul3A_6 = arith.muli %add3A_4, %mul3A_5 : i32
    %multiple_of3A = tpu.assume_multiple %mul3A_6, 8 : i32
    "tpu.region"() ({
      %run_scoped3A = tpu.sem_alloc : memref<!tpu.dma_semaphore, #tpu.memory_space<semaphore_mem>>
      %dma_start3A_64 = tpu.memref_slice %arg3[%multiple_of3A] : memref<320000xi32, #tpu.memory_space<hbm>> -> memref<80xi32, #tpu.memory_space<hbm>>
      %dma_start3A_65 = tpu.memref_slice %arg3[%multiple_of3A] : memref<320000xi32, #tpu.memory_space<hbm>> -> memref<80xi32, #tpu.memory_space<hbm>>
      tpu.enqueue_dma source(%dma_start3A_65 : memref<80xi32, #tpu.memory_space<hbm>>) target(%arg7 : memref<80xi32, #tpu.memory_space<vmem>>) target_semaphore(%run_scoped3A : memref<!tpu.dma_semaphore, #tpu.memory_space<semaphore_mem>>)
      %dma_wait3A_66 = tpu.memref_slice %arg3[%multiple_of3A] : memref<320000xi32, #tpu.memory_space<hbm>> -> memref<80xi32, #tpu.memory_space<hbm>>
      %dma_wait3A_67 = tpu.memref_slice %arg3[%multiple_of3A] : memref<320000xi32, #tpu.memory_space<hbm>> -> memref<80xi32, #tpu.memory_space<hbm>>
      tpu.wait_dma2 semaphore(%run_scoped3A : memref<!tpu.dma_semaphore, #tpu.memory_space<semaphore_mem>>) src(%dma_wait3A_67 : memref<80xi32, #tpu.memory_space<hbm>>) dst(%arg7 : memref<80xi32, #tpu.memory_space<vmem>>)
      tpu.yield
    }) : () -> ()
    "tpu.region"() ({
      %run_scoped3A = tpu.sem_alloc : memref<!tpu.dma_semaphore, #tpu.memory_space<semaphore_mem>>
      %dma_start3A_64 = tpu.memref_slice %arg4[%multiple_of3A] : memref<320000xi32, #tpu.memory_space<hbm>> -> memref<80xi32, #tpu.memory_space<hbm>>
      %dma_start3A_65 = tpu.memref_slice %arg4[%multiple_of3A] : memref<320000xi32, #tpu.memory_space<hbm>> -> memref<80xi32, #tpu.memory_space<hbm>>
      tpu.enqueue_dma source(%dma_start3A_65 : memref<80xi32, #tpu.memory_space<hbm>>) target(%arg11 : memref<80xi32, #tpu.memory_space<vmem>>) target_semaphore(%run_scoped3A : memref<!tpu.dma_semaphore, #tpu.memory_space<semaphore_mem>>)
      %dma_wait3A_66 = tpu.memref_slice %arg4[%multiple_of3A] : memref<320000xi32, #tpu.memory_space<hbm>> -> memref<80xi32, #tpu.memory_space<hbm>>
      %dma_wait3A_67 = tpu.memref_slice %arg4[%multiple_of3A] : memref<320000xi32, #tpu.memory_space<hbm>> -> memref<80xi32, #tpu.memory_space<hbm>>
      tpu.wait_dma2 semaphore(%run_scoped3A : memref<!tpu.dma_semaphore, #tpu.memory_space<semaphore_mem>>) src(%dma_wait3A_67 : memref<80xi32, #tpu.memory_space<hbm>>) dst(%arg11 : memref<80xi32, #tpu.memory_space<vmem>>)
      tpu.yield
    }) : () -> ()
    %dma_start3A = arith.constant 0 : i32
    %dma_start3A_7 = arith.constant 0 : i32
    %dma_start3A_8 = arith.constant 0 : i32
    %dma_start3A_9 = tpu.memref_slice %arg15[%dma_start3A, %dma_start3A_7, %dma_start3A_8] : memref<4x80x128xf32, #tpu.memory_space<vmem>> -> memref<1x80x128xf32, #tpu.memory_space<vmem>>
    %dma_start3A_10 = tpu.memref_squeeze %dma_start3A_9 : memref<1x80x128xf32, #tpu.memory_space<vmem>> -> memref<80x128xf32, #tpu.memory_space<vmem>>
    %dma_start3A_11 = arith.constant 0 : i32
    %dma_start3A_12 = arith.constant 0 : i32
    %dma_start3A_13 = tpu.memref_slice %arg2[%dma_start3A_11, %dma_start3A_12] : memref<10000x128xf32, #tpu.memory_space<hbm>> -> memref<10000x128xf32, #tpu.memory_space<hbm>>
    tpu.enqueue_indirect_dma source(%dma_start3A_13 : memref<10000x128xf32, #tpu.memory_space<hbm>>) target(%dma_start3A_10 : memref<80x128xf32, #tpu.memory_space<vmem>>) offsets(%arg7 : memref<80xi32, #tpu.memory_space<vmem>>) semaphore(%arg17 : memref<!tpu.dma_semaphore, #tpu.memory_space<semaphore_mem>>)
    %add3A_14 = arith.constant 32 : i32
    %add3A_15 = arith.addi %add3A, %add3A_14 : i32
    %mul3A_16 = arith.constant 80 : i32
    %mul3A_17 = arith.muli %add3A_15, %mul3A_16 : i32
    %multiple_of3A_18 = tpu.assume_multiple %mul3A_17, 8 : i32
    "tpu.region"() ({
      %run_scoped3A = tpu.sem_alloc : memref<!tpu.dma_semaphore, #tpu.memory_space<semaphore_mem>>
      %dma_start3A_64 = tpu.memref_slice %arg3[%multiple_of3A_18] : memref<320000xi32, #tpu.memory_space<hbm>> -> memref<80xi32, #tpu.memory_space<hbm>>
      %dma_start3A_65 = tpu.memref_slice %arg3[%multiple_of3A_18] : memref<320000xi32, #tpu.memory_space<hbm>> -> memref<80xi32, #tpu.memory_space<hbm>>
      tpu.enqueue_dma source(%dma_start3A_65 : memref<80xi32, #tpu.memory_space<hbm>>) target(%arg8 : memref<80xi32, #tpu.memory_space<vmem>>) target_semaphore(%run_scoped3A : memref<!tpu.dma_semaphore, #tpu.memory_space<semaphore_mem>>)
      %dma_wait3A_66 = tpu.memref_slice %arg3[%multiple_of3A_18] : memref<320000xi32, #tpu.memory_space<hbm>> -> memref<80xi32, #tpu.memory_space<hbm>>
      %dma_wait3A_67 = tpu.memref_slice %arg3[%multiple_of3A_18] : memref<320000xi32, #tpu.memory_space<hbm>> -> memref<80xi32, #tpu.memory_space<hbm>>
      tpu.wait_dma2 semaphore(%run_scoped3A : memref<!tpu.dma_semaphore, #tpu.memory_space<semaphore_mem>>) src(%dma_wait3A_67 : memref<80xi32, #tpu.memory_space<hbm>>) dst(%arg8 : memref<80xi32, #tpu.memory_space<vmem>>)
      tpu.yield
    }) : () -> ()
    "tpu.region"() ({
      %run_scoped3A = tpu.sem_alloc : memref<!tpu.dma_semaphore, #tpu.memory_space<semaphore_mem>>
      %dma_start3A_64 = tpu.memref_slice %arg4[%multiple_of3A_18] : memref<320000xi32, #tpu.memory_space<hbm>> -> memref<80xi32, #tpu.memory_space<hbm>>
      %dma_start3A_65 = tpu.memref_slice %arg4[%multiple_of3A_18] : memref<320000xi32, #tpu.memory_space<hbm>> -> memref<80xi32, #tpu.memory_space<hbm>>
      tpu.enqueue_dma source(%dma_start3A_65 : memref<80xi32, #tpu.memory_space<hbm>>) target(%arg12 : memref<80xi32, #tpu.memory_space<vmem>>) target_semaphore(%run_scoped3A : memref<!tpu.dma_semaphore, #tpu.memory_space<semaphore_mem>>)
      %dma_wait3A_66 = tpu.memref_slice %arg4[%multiple_of3A_18] : memref<320000xi32, #tpu.memory_space<hbm>> -> memref<80xi32, #tpu.memory_space<hbm>>
      %dma_wait3A_67 = tpu.memref_slice %arg4[%multiple_of3A_18] : memref<320000xi32, #tpu.memory_space<hbm>> -> memref<80xi32, #tpu.memory_space<hbm>>
      tpu.wait_dma2 semaphore(%run_scoped3A : memref<!tpu.dma_semaphore, #tpu.memory_space<semaphore_mem>>) src(%dma_wait3A_67 : memref<80xi32, #tpu.memory_space<hbm>>) dst(%arg12 : memref<80xi32, #tpu.memory_space<vmem>>)
      tpu.yield
    }) : () -> ()
    %dma_start3A_19 = arith.constant 1 : i32
    %dma_start3A_20 = arith.constant 0 : i32
    %dma_start3A_21 = arith.constant 0 : i32
    %dma_start3A_22 = tpu.memref_slice %arg15[%dma_start3A_19, %dma_start3A_20, %dma_start3A_21] : memref<4x80x128xf32, #tpu.memory_space<vmem>> -> memref<1x80x128xf32, #tpu.memory_space<vmem>>
    %dma_start3A_23 = tpu.memref_squeeze %dma_start3A_22 : memref<1x80x128xf32, #tpu.memory_space<vmem>> -> memref<80x128xf32, #tpu.memory_space<vmem>>
    %dma_start3A_24 = arith.constant 0 : i32
    %dma_start3A_25 = arith.constant 0 : i32
    %dma_start3A_26 = tpu.memref_slice %arg2[%dma_start3A_24, %dma_start3A_25] : memref<10000x128xf32, #tpu.memory_space<hbm>> -> memref<10000x128xf32, #tpu.memory_space<hbm>>
    tpu.enqueue_indirect_dma source(%dma_start3A_26 : memref<10000x128xf32, #tpu.memory_space<hbm>>) target(%dma_start3A_23 : memref<80x128xf32, #tpu.memory_space<vmem>>) offsets(%arg8 : memref<80xi32, #tpu.memory_space<vmem>>) semaphore(%arg18 : memref<!tpu.dma_semaphore, #tpu.memory_space<semaphore_mem>>)
    %scan3A = arith.constant 0 : i32
    %scan3A_27 = arith.constant 0 : i32
    %scan3A_28 = arith.constant 32 : i32
    %scan3A_29 = arith.addi %scan3A_27, %scan3A_28 : i32
    %scan3A_30 = arith.constant 1 : i32
    scf.for %scan3A_64 = %scan3A_27 to %scan3A_29 step %scan3A_30  : i32 {
      %mul3A_65 = arith.constant 4 : i32
      %mul3A_66 = arith.muli %scan3A_64, %mul3A_65 : i32
      %add3A_67 = arith.constant 0 : i32
      %add3A_68 = arith.addi %mul3A_66, %add3A_67 : i32
      %mul3A_69 = arith.constant 32 : i32
      %mul3A_70 = arith.muli %add3A_68, %mul3A_69 : i32
      %add3A_71 = arith.addi %add3A, %mul3A_70 : i32
      %lt3A = arith.constant 4000 : i32
      %lt3A_72 = arith.cmpi slt, %add3A_71, %lt3A : i32
      %convert_element_type3A = arith.extui %lt3A_72 : i1 to i32
      %cond3A = arith.constant 0 : i32
      %cond3A_73 = arith.cmpi ne, %convert_element_type3A, %cond3A : i32
      scf.if %cond3A_73 {
        %dma_wait3A_150 = arith.constant 0 : i32
        %dma_wait3A_151 = arith.constant 0 : i32
        %dma_wait3A_152 = arith.constant 0 : i32
        %dma_wait3A_153 = tpu.memref_slice %arg15[%dma_wait3A_150, %dma_wait3A_151, %dma_wait3A_152] : memref<4x80x128xf32, #tpu.memory_space<vmem>> -> memref<1x80x128xf32, #tpu.memory_space<vmem>>
        %dma_wait3A_154 = tpu.memref_squeeze %dma_wait3A_153 : memref<1x80x128xf32, #tpu.memory_space<vmem>> -> memref<80x128xf32, #tpu.memory_space<vmem>>
        %dma_wait3A_155 = arith.constant 0 : i32
        %dma_wait3A_156 = arith.constant 0 : i32
        %dma_wait3A_157 = tpu.memref_slice %arg2[%dma_wait3A_155, %dma_wait3A_156] : memref<10000x128xf32, #tpu.memory_space<hbm>> -> memref<10000x128xf32, #tpu.memory_space<hbm>>
        tpu.wait_indirect_dma semaphore(%arg17 : memref<!tpu.dma_semaphore, #tpu.memory_space<semaphore_mem>>) src(%dma_wait3A_157 : memref<10000x128xf32, #tpu.memory_space<hbm>>) dst(%dma_wait3A_154 : memref<80x128xf32, #tpu.memory_space<vmem>>)
        %dma_start3A_158 = arith.constant 0 : i32
        %dma_start3A_159 = arith.constant 0 : i32
        %dma_start3A_160 = arith.constant 0 : i32
        %dma_start3A_161 = tpu.memref_slice %arg15[%dma_start3A_158, %dma_start3A_159, %dma_start3A_160] : memref<4x80x128xf32, #tpu.memory_space<vmem>> -> memref<1x80x128xf32, #tpu.memory_space<vmem>>
        %dma_start3A_162 = tpu.memref_squeeze %dma_start3A_161 : memref<1x80x128xf32, #tpu.memory_space<vmem>> -> memref<80x128xf32, #tpu.memory_space<vmem>>
        %dma_start3A_163 = arith.constant 0 : i32
        %dma_start3A_164 = arith.constant 0 : i32
        %dma_start3A_165 = tpu.memref_slice %arg16[%dma_start3A_163, %dma_start3A_164] : memref<10240x128xf32, #tpu.memory_space<vmem_shared>> -> memref<10240x128xf32, #tpu.memory_space<vmem_shared>>
        tpu.enqueue_indirect_dma source(%dma_start3A_162 : memref<80x128xf32, #tpu.memory_space<vmem>>) target(%dma_start3A_165 : memref<10240x128xf32, #tpu.memory_space<vmem_shared>>) offsets(%arg11 : memref<80xi32, #tpu.memory_space<vmem>>) semaphore(%arg21 : memref<!tpu.dma_semaphore, #tpu.memory_space<semaphore_mem>>) {add = true}
      } else {
      }
      %add3A_74 = arith.constant 2 : i32
      %add3A_75 = arith.addi %add3A_68, %add3A_74 : i32
      %mul3A_76 = arith.constant 32 : i32
      %mul3A_77 = arith.muli %add3A_75, %mul3A_76 : i32
      %add3A_78 = arith.addi %add3A, %mul3A_77 : i32
      %lt3A_79 = arith.constant 4000 : i32
      %lt3A_80 = arith.cmpi slt, %add3A_78, %lt3A_79 : i32
      %convert_element_type3A_81 = arith.extui %lt3A_80 : i1 to i32
      %cond3A_82 = arith.constant 0 : i32
      %cond3A_83 = arith.cmpi ne, %convert_element_type3A_81, %cond3A_82 : i32
      scf.if %cond3A_83 {
        %ge3A = arith.constant 2 : i32
        %ge3A_150 = arith.cmpi sge, %add3A_68, %ge3A : i32
        %convert_element_type3A_151 = arith.extui %ge3A_150 : i1 to i32
        %cond3A_152 = arith.constant 0 : i32
        %cond3A_153 = arith.cmpi ne, %convert_element_type3A_151, %cond3A_152 : i32
        scf.if %cond3A_153 {
          %dma_wait3A_170 = arith.constant 2 : i32
          %dma_wait3A_171 = arith.constant 0 : i32
          %dma_wait3A_172 = arith.constant 0 : i32
          %dma_wait3A_173 = tpu.memref_slice %arg15[%dma_wait3A_170, %dma_wait3A_171, %dma_wait3A_172] : memref<4x80x128xf32, #tpu.memory_space<vmem>> -> memref<1x80x128xf32, #tpu.memory_space<vmem>>
          %dma_wait3A_174 = tpu.memref_squeeze %dma_wait3A_173 : memref<1x80x128xf32, #tpu.memory_space<vmem>> -> memref<80x128xf32, #tpu.memory_space<vmem>>
          %dma_wait3A_175 = arith.constant 0 : i32
          %dma_wait3A_176 = arith.constant 0 : i32
          %dma_wait3A_177 = tpu.memref_slice %arg16[%dma_wait3A_175, %dma_wait3A_176] : memref<10240x128xf32, #tpu.memory_space<vmem_shared>> -> memref<10240x128xf32, #tpu.memory_space<vmem_shared>>
          tpu.wait_indirect_dma semaphore(%arg23 : memref<!tpu.dma_semaphore, #tpu.memory_space<semaphore_mem>>) src(%dma_wait3A_174 : memref<80x128xf32, #tpu.memory_space<vmem>>) dst(%dma_wait3A_177 : memref<10240x128xf32, #tpu.memory_space<vmem_shared>>)
        } else {
        }
        %add3A_154 = arith.constant 2 : i32
        %add3A_155 = arith.addi %add3A_68, %add3A_154 : i32
        %mul3A_156 = arith.constant 32 : i32
        %mul3A_157 = arith.muli %add3A_155, %mul3A_156 : i32
        %add3A_158 = arith.addi %add3A, %mul3A_157 : i32
        %mul3A_159 = arith.constant 80 : i32
        %mul3A_160 = arith.muli %add3A_158, %mul3A_159 : i32
        %multiple_of3A_161 = tpu.assume_multiple %mul3A_160, 8 : i32
        "tpu.region"() ({
          %run_scoped3A = tpu.sem_alloc : memref<!tpu.dma_semaphore, #tpu.memory_space<semaphore_mem>>
          %dma_start3A_170 = tpu.memref_slice %arg3[%multiple_of3A_161] : memref<320000xi32, #tpu.memory_space<hbm>> -> memref<80xi32, #tpu.memory_space<hbm>>
          %dma_start3A_171 = tpu.memref_slice %arg3[%multiple_of3A_161] : memref<320000xi32, #tpu.memory_space<hbm>> -> memref<80xi32, #tpu.memory_space<hbm>>
          tpu.enqueue_dma source(%dma_start3A_171 : memref<80xi32, #tpu.memory_space<hbm>>) target(%arg9 : memref<80xi32, #tpu.memory_space<vmem>>) target_semaphore(%run_scoped3A : memref<!tpu.dma_semaphore, #tpu.memory_space<semaphore_mem>>)
          %dma_wait3A_172 = tpu.memref_slice %arg3[%multiple_of3A_161] : memref<320000xi32, #tpu.memory_space<hbm>> -> memref<80xi32, #tpu.memory_space<hbm>>
          %dma_wait3A_173 = tpu.memref_slice %arg3[%multiple_of3A_161] : memref<320000xi32, #tpu.memory_space<hbm>> -> memref<80xi32, #tpu.memory_space<hbm>>
          tpu.wait_dma2 semaphore(%run_scoped3A : memref<!tpu.dma_semaphore, #tpu.memory_space<semaphore_mem>>) src(%dma_wait3A_173 : memref<80xi32, #tpu.memory_space<hbm>>) dst(%arg9 : memref<80xi32, #tpu.memory_space<vmem>>)
          tpu.yield
        }) : () -> ()
        "tpu.region"() ({
          %run_scoped3A = tpu.sem_alloc : memref<!tpu.dma_semaphore, #tpu.memory_space<semaphore_mem>>
          %dma_start3A_170 = tpu.memref_slice %arg4[%multiple_of3A_161] : memref<320000xi32, #tpu.memory_space<hbm>> -> memref<80xi32, #tpu.memory_space<hbm>>
          %dma_start3A_171 = tpu.memref_slice %arg4[%multiple_of3A_161] : memref<320000xi32, #tpu.memory_space<hbm>> -> memref<80xi32, #tpu.memory_space<hbm>>
          tpu.enqueue_dma source(%dma_start3A_171 : memref<80xi32, #tpu.memory_space<hbm>>) target(%arg13 : memref<80xi32, #tpu.memory_space<vmem>>) target_semaphore(%run_scoped3A : memref<!tpu.dma_semaphore, #tpu.memory_space<semaphore_mem>>)
          %dma_wait3A_172 = tpu.memref_slice %arg4[%multiple_of3A_161] : memref<320000xi32, #tpu.memory_space<hbm>> -> memref<80xi32, #tpu.memory_space<hbm>>
          %dma_wait3A_173 = tpu.memref_slice %arg4[%multiple_of3A_161] : memref<320000xi32, #tpu.memory_space<hbm>> -> memref<80xi32, #tpu.memory_space<hbm>>
          tpu.wait_dma2 semaphore(%run_scoped3A : memref<!tpu.dma_semaphore, #tpu.memory_space<semaphore_mem>>) src(%dma_wait3A_173 : memref<80xi32, #tpu.memory_space<hbm>>) dst(%arg13 : memref<80xi32, #tpu.memory_space<vmem>>)
          tpu.yield
        }) : () -> ()
        %dma_start3A_162 = arith.constant 2 : i32
        %dma_start3A_163 = arith.constant 0 : i32
        %dma_start3A_164 = arith.constant 0 : i32
        %dma_start3A_165 = tpu.memref_slice %arg15[%dma_start3A_162, %dma_start3A_163, %dma_start3A_164] : memref<4x80x128xf32, #tpu.memory_space<vmem>> -> memref<1x80x128xf32, #tpu.memory_space<vmem>>
        %dma_start3A_166 = tpu.memref_squeeze %dma_start3A_165 : memref<1x80x128xf32, #tpu.memory_space<vmem>> -> memref<80x128xf32, #tpu.memory_space<vmem>>
        %dma_start3A_167 = arith.constant 0 : i32
        %dma_start3A_168 = arith.constant 0 : i32
        %dma_start3A_169 = tpu.memref_slice %arg2[%dma_start3A_167, %dma_start3A_168] : memref<10000x128xf32, #tpu.memory_space<hbm>> -> memref<10000x128xf32, #tpu.memory_space<hbm>>
        tpu.enqueue_indirect_dma source(%dma_start3A_169 : memref<10000x128xf32, #tpu.memory_space<hbm>>) target(%dma_start3A_166 : memref<80x128xf32, #tpu.memory_space<vmem>>) offsets(%arg9 : memref<80xi32, #tpu.memory_space<vmem>>) semaphore(%arg19 : memref<!tpu.dma_semaphore, #tpu.memory_space<semaphore_mem>>)
      } else {
      }
      %mul3A_84 = arith.constant 4 : i32
      %mul3A_85 = arith.muli %scan3A_64, %mul3A_84 : i32
      %add3A_86 = arith.constant 1 : i32
      %add3A_87 = arith.addi %mul3A_85, %add3A_86 : i32
      %mul3A_88 = arith.constant 32 : i32
      %mul3A_89 = arith.muli %add3A_87, %mul3A_88 : i32
      %add3A_90 = arith.addi %add3A, %mul3A_89 : i32
      %lt3A_91 = arith.constant 4000 : i32
      %lt3A_92 = arith.cmpi slt, %add3A_90, %lt3A_91 : i32
      %convert_element_type3A_93 = arith.extui %lt3A_92 : i1 to i32
      %cond3A_94 = arith.constant 0 : i32
      %cond3A_95 = arith.cmpi ne, %convert_element_type3A_93, %cond3A_94 : i32
      scf.if %cond3A_95 {
        %dma_wait3A_150 = arith.constant 1 : i32
        %dma_wait3A_151 = arith.constant 0 : i32
        %dma_wait3A_152 = arith.constant 0 : i32
        %dma_wait3A_153 = tpu.memref_slice %arg15[%dma_wait3A_150, %dma_wait3A_151, %dma_wait3A_152] : memref<4x80x128xf32, #tpu.memory_space<vmem>> -> memref<1x80x128xf32, #tpu.memory_space<vmem>>
        %dma_wait3A_154 = tpu.memref_squeeze %dma_wait3A_153 : memref<1x80x128xf32, #tpu.memory_space<vmem>> -> memref<80x128xf32, #tpu.memory_space<vmem>>
        %dma_wait3A_155 = arith.constant 0 : i32
        %dma_wait3A_156 = arith.constant 0 : i32
        %dma_wait3A_157 = tpu.memref_slice %arg2[%dma_wait3A_155, %dma_wait3A_156] : memref<10000x128xf32, #tpu.memory_space<hbm>> -> memref<10000x128xf32, #tpu.memory_space<hbm>>
        tpu.wait_indirect_dma semaphore(%arg18 : memref<!tpu.dma_semaphore, #tpu.memory_space<semaphore_mem>>) src(%dma_wait3A_157 : memref<10000x128xf32, #tpu.memory_space<hbm>>) dst(%dma_wait3A_154 : memref<80x128xf32, #tpu.memory_space<vmem>>)
        %dma_start3A_158 = arith.constant 1 : i32
        %dma_start3A_159 = arith.constant 0 : i32
        %dma_start3A_160 = arith.constant 0 : i32
        %dma_start3A_161 = tpu.memref_slice %arg15[%dma_start3A_158, %dma_start3A_159, %dma_start3A_160] : memref<4x80x128xf32, #tpu.memory_space<vmem>> -> memref<1x80x128xf32, #tpu.memory_space<vmem>>
        %dma_start3A_162 = tpu.memref_squeeze %dma_start3A_161 : memref<1x80x128xf32, #tpu.memory_space<vmem>> -> memref<80x128xf32, #tpu.memory_space<vmem>>
        %dma_start3A_163 = arith.constant 0 : i32
        %dma_start3A_164 = arith.constant 0 : i32
        %dma_start3A_165 = tpu.memref_slice %arg16[%dma_start3A_163, %dma_start3A_164] : memref<10240x128xf32, #tpu.memory_space<vmem_shared>> -> memref<10240x128xf32, #tpu.memory_space<vmem_shared>>
        tpu.enqueue_indirect_dma source(%dma_start3A_162 : memref<80x128xf32, #tpu.memory_space<vmem>>) target(%dma_start3A_165 : memref<10240x128xf32, #tpu.memory_space<vmem_shared>>) offsets(%arg12 : memref<80xi32, #tpu.memory_space<vmem>>) semaphore(%arg22 : memref<!tpu.dma_semaphore, #tpu.memory_space<semaphore_mem>>) {add = true}
      } else {
      }
      %add3A_96 = arith.constant 2 : i32
      %add3A_97 = arith.addi %add3A_87, %add3A_96 : i32
      %mul3A_98 = arith.constant 32 : i32
      %mul3A_99 = arith.muli %add3A_97, %mul3A_98 : i32
      %add3A_100 = arith.addi %add3A, %mul3A_99 : i32
      %lt3A_101 = arith.constant 4000 : i32
      %lt3A_102 = arith.cmpi slt, %add3A_100, %lt3A_101 : i32
      %convert_element_type3A_103 = arith.extui %lt3A_102 : i1 to i32
      %cond3A_104 = arith.constant 0 : i32
      %cond3A_105 = arith.cmpi ne, %convert_element_type3A_103, %cond3A_104 : i32
      scf.if %cond3A_105 {
        %ge3A = arith.constant 2 : i32
        %ge3A_150 = arith.cmpi sge, %add3A_87, %ge3A : i32
        %convert_element_type3A_151 = arith.extui %ge3A_150 : i1 to i32
        %cond3A_152 = arith.constant 0 : i32
        %cond3A_153 = arith.cmpi ne, %convert_element_type3A_151, %cond3A_152 : i32
        scf.if %cond3A_153 {
          %dma_wait3A_170 = arith.constant 3 : i32
          %dma_wait3A_171 = arith.constant 0 : i32
          %dma_wait3A_172 = arith.constant 0 : i32
          %dma_wait3A_173 = tpu.memref_slice %arg15[%dma_wait3A_170, %dma_wait3A_171, %dma_wait3A_172] : memref<4x80x128xf32, #tpu.memory_space<vmem>> -> memref<1x80x128xf32, #tpu.memory_space<vmem>>
          %dma_wait3A_174 = tpu.memref_squeeze %dma_wait3A_173 : memref<1x80x128xf32, #tpu.memory_space<vmem>> -> memref<80x128xf32, #tpu.memory_space<vmem>>
          %dma_wait3A_175 = arith.constant 0 : i32
          %dma_wait3A_176 = arith.constant 0 : i32
          %dma_wait3A_177 = tpu.memref_slice %arg16[%dma_wait3A_175, %dma_wait3A_176] : memref<10240x128xf32, #tpu.memory_space<vmem_shared>> -> memref<10240x128xf32, #tpu.memory_space<vmem_shared>>
          tpu.wait_indirect_dma semaphore(%arg24 : memref<!tpu.dma_semaphore, #tpu.memory_space<semaphore_mem>>) src(%dma_wait3A_174 : memref<80x128xf32, #tpu.memory_space<vmem>>) dst(%dma_wait3A_177 : memref<10240x128xf32, #tpu.memory_space<vmem_shared>>)
        } else {
        }
        %add3A_154 = arith.constant 2 : i32
        %add3A_155 = arith.addi %add3A_87, %add3A_154 : i32
        %mul3A_156 = arith.constant 32 : i32
        %mul3A_157 = arith.muli %add3A_155, %mul3A_156 : i32
        %add3A_158 = arith.addi %add3A, %mul3A_157 : i32
        %mul3A_159 = arith.constant 80 : i32
        %mul3A_160 = arith.muli %add3A_158, %mul3A_159 : i32
        %multiple_of3A_161 = tpu.assume_multiple %mul3A_160, 8 : i32
        "tpu.region"() ({
          %run_scoped3A = tpu.sem_alloc : memref<!tpu.dma_semaphore, #tpu.memory_space<semaphore_mem>>
          %dma_start3A_170 = tpu.memref_slice %arg3[%multiple_of3A_161] : memref<320000xi32, #tpu.memory_space<hbm>> -> memref<80xi32, #tpu.memory_space<hbm>>
          %dma_start3A_171 = tpu.memref_slice %arg3[%multiple_of3A_161] : memref<320000xi32, #tpu.memory_space<hbm>> -> memref<80xi32, #tpu.memory_space<hbm>>
          tpu.enqueue_dma source(%dma_start3A_171 : memref<80xi32, #tpu.memory_space<hbm>>) target(%arg10 : memref<80xi32, #tpu.memory_space<vmem>>) target_semaphore(%run_scoped3A : memref<!tpu.dma_semaphore, #tpu.memory_space<semaphore_mem>>)
          %dma_wait3A_172 = tpu.memref_slice %arg3[%multiple_of3A_161] : memref<320000xi32, #tpu.memory_space<hbm>> -> memref<80xi32, #tpu.memory_space<hbm>>
          %dma_wait3A_173 = tpu.memref_slice %arg3[%multiple_of3A_161] : memref<320000xi32, #tpu.memory_space<hbm>> -> memref<80xi32, #tpu.memory_space<hbm>>
          tpu.wait_dma2 semaphore(%run_scoped3A : memref<!tpu.dma_semaphore, #tpu.memory_space<semaphore_mem>>) src(%dma_wait3A_173 : memref<80xi32, #tpu.memory_space<hbm>>) dst(%arg10 : memref<80xi32, #tpu.memory_space<vmem>>)
          tpu.yield
        }) : () -> ()
        "tpu.region"() ({
          %run_scoped3A = tpu.sem_alloc : memref<!tpu.dma_semaphore, #tpu.memory_space<semaphore_mem>>
          %dma_start3A_170 = tpu.memref_slice %arg4[%multiple_of3A_161] : memref<320000xi32, #tpu.memory_space<hbm>> -> memref<80xi32, #tpu.memory_space<hbm>>
          %dma_start3A_171 = tpu.memref_slice %arg4[%multiple_of3A_161] : memref<320000xi32, #tpu.memory_space<hbm>> -> memref<80xi32, #tpu.memory_space<hbm>>
          tpu.enqueue_dma source(%dma_start3A_171 : memref<80xi32, #tpu.memory_space<hbm>>) target(%arg14 : memref<80xi32, #tpu.memory_space<vmem>>) target_semaphore(%run_scoped3A : memref<!tpu.dma_semaphore, #tpu.memory_space<semaphore_mem>>)
          %dma_wait3A_172 = tpu.memref_slice %arg4[%multiple_of3A_161] : memref<320000xi32, #tpu.memory_space<hbm>> -> memref<80xi32, #tpu.memory_space<hbm>>
          %dma_wait3A_173 = tpu.memref_slice %arg4[%multiple_of3A_161] : memref<320000xi32, #tpu.memory_space<hbm>> -> memref<80xi32, #tpu.memory_space<hbm>>
          tpu.wait_dma2 semaphore(%run_scoped3A : memref<!tpu.dma_semaphore, #tpu.memory_space<semaphore_mem>>) src(%dma_wait3A_173 : memref<80xi32, #tpu.memory_space<hbm>>) dst(%arg14 : memref<80xi32, #tpu.memory_space<vmem>>)
          tpu.yield
        }) : () -> ()
        %dma_start3A_162 = arith.constant 3 : i32
        %dma_start3A_163 = arith.constant 0 : i32
        %dma_start3A_164 = arith.constant 0 : i32
        %dma_start3A_165 = tpu.memref_slice %arg15[%dma_start3A_162, %dma_start3A_163, %dma_start3A_164] : memref<4x80x128xf32, #tpu.memory_space<vmem>> -> memref<1x80x128xf32, #tpu.memory_space<vmem>>
        %dma_start3A_166 = tpu.memref_squeeze %dma_start3A_165 : memref<1x80x128xf32, #tpu.memory_space<vmem>> -> memref<80x128xf32, #tpu.memory_space<vmem>>
        %dma_start3A_167 = arith.constant 0 : i32
        %dma_start3A_168 = arith.constant 0 : i32
        %dma_start3A_169 = tpu.memref_slice %arg2[%dma_start3A_167, %dma_start3A_168] : memref<10000x128xf32, #tpu.memory_space<hbm>> -> memref<10000x128xf32, #tpu.memory_space<hbm>>
        tpu.enqueue_indirect_dma source(%dma_start3A_169 : memref<10000x128xf32, #tpu.memory_space<hbm>>) target(%dma_start3A_166 : memref<80x128xf32, #tpu.memory_space<vmem>>) offsets(%arg10 : memref<80xi32, #tpu.memory_space<vmem>>) semaphore(%arg20 : memref<!tpu.dma_semaphore, #tpu.memory_space<semaphore_mem>>)
      } else {
      }
      %mul3A_106 = arith.constant 4 : i32
      %mul3A_107 = arith.muli %scan3A_64, %mul3A_106 : i32
      %add3A_108 = arith.constant 2 : i32
      %add3A_109 = arith.addi %mul3A_107, %add3A_108 : i32
      %mul3A_110 = arith.constant 32 : i32
      %mul3A_111 = arith.muli %add3A_109, %mul3A_110 : i32
      %add3A_112 = arith.addi %add3A, %mul3A_111 : i32
      %lt3A_113 = arith.constant 4000 : i32
      %lt3A_114 = arith.cmpi slt, %add3A_112, %lt3A_113 : i32
      %convert_element_type3A_115 = arith.extui %lt3A_114 : i1 to i32
      %cond3A_116 = arith.constant 0 : i32
      %cond3A_117 = arith.cmpi ne, %convert_element_type3A_115, %cond3A_116 : i32
      scf.if %cond3A_117 {
        %dma_wait3A_150 = arith.constant 2 : i32
        %dma_wait3A_151 = arith.constant 0 : i32
        %dma_wait3A_152 = arith.constant 0 : i32
        %dma_wait3A_153 = tpu.memref_slice %arg15[%dma_wait3A_150, %dma_wait3A_151, %dma_wait3A_152] : memref<4x80x128xf32, #tpu.memory_space<vmem>> -> memref<1x80x128xf32, #tpu.memory_space<vmem>>
        %dma_wait3A_154 = tpu.memref_squeeze %dma_wait3A_153 : memref<1x80x128xf32, #tpu.memory_space<vmem>> -> memref<80x128xf32, #tpu.memory_space<vmem>>
        %dma_wait3A_155 = arith.constant 0 : i32
        %dma_wait3A_156 = arith.constant 0 : i32
        %dma_wait3A_157 = tpu.memref_slice %arg2[%dma_wait3A_155, %dma_wait3A_156] : memref<10000x128xf32, #tpu.memory_space<hbm>> -> memref<10000x128xf32, #tpu.memory_space<hbm>>
        tpu.wait_indirect_dma semaphore(%arg19 : memref<!tpu.dma_semaphore, #tpu.memory_space<semaphore_mem>>) src(%dma_wait3A_157 : memref<10000x128xf32, #tpu.memory_space<hbm>>) dst(%dma_wait3A_154 : memref<80x128xf32, #tpu.memory_space<vmem>>)
        %dma_start3A_158 = arith.constant 2 : i32
        %dma_start3A_159 = arith.constant 0 : i32
        %dma_start3A_160 = arith.constant 0 : i32
        %dma_start3A_161 = tpu.memref_slice %arg15[%dma_start3A_158, %dma_start3A_159, %dma_start3A_160] : memref<4x80x128xf32, #tpu.memory_space<vmem>> -> memref<1x80x128xf32, #tpu.memory_space<vmem>>
        %dma_start3A_162 = tpu.memref_squeeze %dma_start3A_161 : memref<1x80x128xf32, #tpu.memory_space<vmem>> -> memref<80x128xf32, #tpu.memory_space<vmem>>
        %dma_start3A_163 = arith.constant 0 : i32
        %dma_start3A_164 = arith.constant 0 : i32
        %dma_start3A_165 = tpu.memref_slice %arg16[%dma_start3A_163, %dma_start3A_164] : memref<10240x128xf32, #tpu.memory_space<vmem_shared>> -> memref<10240x128xf32, #tpu.memory_space<vmem_shared>>
        tpu.enqueue_indirect_dma source(%dma_start3A_162 : memref<80x128xf32, #tpu.memory_space<vmem>>) target(%dma_start3A_165 : memref<10240x128xf32, #tpu.memory_space<vmem_shared>>) offsets(%arg13 : memref<80xi32, #tpu.memory_space<vmem>>) semaphore(%arg23 : memref<!tpu.dma_semaphore, #tpu.memory_space<semaphore_mem>>) {add = true}
      } else {
      }
      %add3A_118 = arith.constant 2 : i32
      %add3A_119 = arith.addi %add3A_109, %add3A_118 : i32
      %mul3A_120 = arith.constant 32 : i32
      %mul3A_121 = arith.muli %add3A_119, %mul3A_120 : i32
      %add3A_122 = arith.addi %add3A, %mul3A_121 : i32
      %lt3A_123 = arith.constant 4000 : i32
      %lt3A_124 = arith.cmpi slt, %add3A_122, %lt3A_123 : i32
      %convert_element_type3A_125 = arith.extui %lt3A_124 : i1 to i32
      %cond3A_126 = arith.constant 0 : i32
      %cond3A_127 = arith.cmpi ne, %convert_element_type3A_125, %cond3A_126 : i32
      scf.if %cond3A_127 {
        %ge3A = arith.constant 2 : i32
        %ge3A_150 = arith.cmpi sge, %add3A_109, %ge3A : i32
        %convert_element_type3A_151 = arith.extui %ge3A_150 : i1 to i32
        %cond3A_152 = arith.constant 0 : i32
        %cond3A_153 = arith.cmpi ne, %convert_element_type3A_151, %cond3A_152 : i32
        scf.if %cond3A_153 {
          %dma_wait3A_170 = arith.constant 0 : i32
          %dma_wait3A_171 = arith.constant 0 : i32
          %dma_wait3A_172 = arith.constant 0 : i32
          %dma_wait3A_173 = tpu.memref_slice %arg15[%dma_wait3A_170, %dma_wait3A_171, %dma_wait3A_172] : memref<4x80x128xf32, #tpu.memory_space<vmem>> -> memref<1x80x128xf32, #tpu.memory_space<vmem>>
          %dma_wait3A_174 = tpu.memref_squeeze %dma_wait3A_173 : memref<1x80x128xf32, #tpu.memory_space<vmem>> -> memref<80x128xf32, #tpu.memory_space<vmem>>
          %dma_wait3A_175 = arith.constant 0 : i32
          %dma_wait3A_176 = arith.constant 0 : i32
          %dma_wait3A_177 = tpu.memref_slice %arg16[%dma_wait3A_175, %dma_wait3A_176] : memref<10240x128xf32, #tpu.memory_space<vmem_shared>> -> memref<10240x128xf32, #tpu.memory_space<vmem_shared>>
          tpu.wait_indirect_dma semaphore(%arg21 : memref<!tpu.dma_semaphore, #tpu.memory_space<semaphore_mem>>) src(%dma_wait3A_174 : memref<80x128xf32, #tpu.memory_space<vmem>>) dst(%dma_wait3A_177 : memref<10240x128xf32, #tpu.memory_space<vmem_shared>>)
        } else {
        }
        %add3A_154 = arith.constant 2 : i32
        %add3A_155 = arith.addi %add3A_109, %add3A_154 : i32
        %mul3A_156 = arith.constant 32 : i32
        %mul3A_157 = arith.muli %add3A_155, %mul3A_156 : i32
        %add3A_158 = arith.addi %add3A, %mul3A_157 : i32
        %mul3A_159 = arith.constant 80 : i32
        %mul3A_160 = arith.muli %add3A_158, %mul3A_159 : i32
        %multiple_of3A_161 = tpu.assume_multiple %mul3A_160, 8 : i32
        "tpu.region"() ({
          %run_scoped3A = tpu.sem_alloc : memref<!tpu.dma_semaphore, #tpu.memory_space<semaphore_mem>>
          %dma_start3A_170 = tpu.memref_slice %arg3[%multiple_of3A_161] : memref<320000xi32, #tpu.memory_space<hbm>> -> memref<80xi32, #tpu.memory_space<hbm>>
          %dma_start3A_171 = tpu.memref_slice %arg3[%multiple_of3A_161] : memref<320000xi32, #tpu.memory_space<hbm>> -> memref<80xi32, #tpu.memory_space<hbm>>
          tpu.enqueue_dma source(%dma_start3A_171 : memref<80xi32, #tpu.memory_space<hbm>>) target(%arg7 : memref<80xi32, #tpu.memory_space<vmem>>) target_semaphore(%run_scoped3A : memref<!tpu.dma_semaphore, #tpu.memory_space<semaphore_mem>>)
          %dma_wait3A_172 = tpu.memref_slice %arg3[%multiple_of3A_161] : memref<320000xi32, #tpu.memory_space<hbm>> -> memref<80xi32, #tpu.memory_space<hbm>>
          %dma_wait3A_173 = tpu.memref_slice %arg3[%multiple_of3A_161] : memref<320000xi32, #tpu.memory_space<hbm>> -> memref<80xi32, #tpu.memory_space<hbm>>
          tpu.wait_dma2 semaphore(%run_scoped3A : memref<!tpu.dma_semaphore, #tpu.memory_space<semaphore_mem>>) src(%dma_wait3A_173 : memref<80xi32, #tpu.memory_space<hbm>>) dst(%arg7 : memref<80xi32, #tpu.memory_space<vmem>>)
          tpu.yield
        }) : () -> ()
        "tpu.region"() ({
          %run_scoped3A = tpu.sem_alloc : memref<!tpu.dma_semaphore, #tpu.memory_space<semaphore_mem>>
          %dma_start3A_170 = tpu.memref_slice %arg4[%multiple_of3A_161] : memref<320000xi32, #tpu.memory_space<hbm>> -> memref<80xi32, #tpu.memory_space<hbm>>
          %dma_start3A_171 = tpu.memref_slice %arg4[%multiple_of3A_161] : memref<320000xi32, #tpu.memory_space<hbm>> -> memref<80xi32, #tpu.memory_space<hbm>>
          tpu.enqueue_dma source(%dma_start3A_171 : memref<80xi32, #tpu.memory_space<hbm>>) target(%arg11 : memref<80xi32, #tpu.memory_space<vmem>>) target_semaphore(%run_scoped3A : memref<!tpu.dma_semaphore, #tpu.memory_space<semaphore_mem>>)
          %dma_wait3A_172 = tpu.memref_slice %arg4[%multiple_of3A_161] : memref<320000xi32, #tpu.memory_space<hbm>> -> memref<80xi32, #tpu.memory_space<hbm>>
          %dma_wait3A_173 = tpu.memref_slice %arg4[%multiple_of3A_161] : memref<320000xi32, #tpu.memory_space<hbm>> -> memref<80xi32, #tpu.memory_space<hbm>>
          tpu.wait_dma2 semaphore(%run_scoped3A : memref<!tpu.dma_semaphore, #tpu.memory_space<semaphore_mem>>) src(%dma_wait3A_173 : memref<80xi32, #tpu.memory_space<hbm>>) dst(%arg11 : memref<80xi32, #tpu.memory_space<vmem>>)
          tpu.yield
        }) : () -> ()
        %dma_start3A_162 = arith.constant 0 : i32
        %dma_start3A_163 = arith.constant 0 : i32
        %dma_start3A_164 = arith.constant 0 : i32
        %dma_start3A_165 = tpu.memref_slice %arg15[%dma_start3A_162, %dma_start3A_163, %dma_start3A_164] : memref<4x80x128xf32, #tpu.memory_space<vmem>> -> memref<1x80x128xf32, #tpu.memory_space<vmem>>
        %dma_start3A_166 = tpu.memref_squeeze %dma_start3A_165 : memref<1x80x128xf32, #tpu.memory_space<vmem>> -> memref<80x128xf32, #tpu.memory_space<vmem>>
        %dma_start3A_167 = arith.constant 0 : i32
        %dma_start3A_168 = arith.constant 0 : i32
        %dma_start3A_169 = tpu.memref_slice %arg2[%dma_start3A_167, %dma_start3A_168] : memref<10000x128xf32, #tpu.memory_space<hbm>> -> memref<10000x128xf32, #tpu.memory_space<hbm>>
        tpu.enqueue_indirect_dma source(%dma_start3A_169 : memref<10000x128xf32, #tpu.memory_space<hbm>>) target(%dma_start3A_166 : memref<80x128xf32, #tpu.memory_space<vmem>>) offsets(%arg7 : memref<80xi32, #tpu.memory_space<vmem>>) semaphore(%arg17 : memref<!tpu.dma_semaphore, #tpu.memory_space<semaphore_mem>>)
      } else {
      }
      %mul3A_128 = arith.constant 4 : i32
      %mul3A_129 = arith.muli %scan3A_64, %mul3A_128 : i32
      %add3A_130 = arith.constant 3 : i32
      %add3A_131 = arith.addi %mul3A_129, %add3A_130 : i32
      %mul3A_132 = arith.constant 32 : i32
      %mul3A_133 = arith.muli %add3A_131, %mul3A_132 : i32
      %add3A_134 = arith.addi %add3A, %mul3A_133 : i32
      %lt3A_135 = arith.constant 4000 : i32
      %lt3A_136 = arith.cmpi slt, %add3A_134, %lt3A_135 : i32
      %convert_element_type3A_137 = arith.extui %lt3A_136 : i1 to i32
      %cond3A_138 = arith.constant 0 : i32
      %cond3A_139 = arith.cmpi ne, %convert_element_type3A_137, %cond3A_138 : i32
      scf.if %cond3A_139 {
        %dma_wait3A_150 = arith.constant 3 : i32
        %dma_wait3A_151 = arith.constant 0 : i32
        %dma_wait3A_152 = arith.constant 0 : i32
        %dma_wait3A_153 = tpu.memref_slice %arg15[%dma_wait3A_150, %dma_wait3A_151, %dma_wait3A_152] : memref<4x80x128xf32, #tpu.memory_space<vmem>> -> memref<1x80x128xf32, #tpu.memory_space<vmem>>
        %dma_wait3A_154 = tpu.memref_squeeze %dma_wait3A_153 : memref<1x80x128xf32, #tpu.memory_space<vmem>> -> memref<80x128xf32, #tpu.memory_space<vmem>>
        %dma_wait3A_155 = arith.constant 0 : i32
        %dma_wait3A_156 = arith.constant 0 : i32
        %dma_wait3A_157 = tpu.memref_slice %arg2[%dma_wait3A_155, %dma_wait3A_156] : memref<10000x128xf32, #tpu.memory_space<hbm>> -> memref<10000x128xf32, #tpu.memory_space<hbm>>
        tpu.wait_indirect_dma semaphore(%arg20 : memref<!tpu.dma_semaphore, #tpu.memory_space<semaphore_mem>>) src(%dma_wait3A_157 : memref<10000x128xf32, #tpu.memory_space<hbm>>) dst(%dma_wait3A_154 : memref<80x128xf32, #tpu.memory_space<vmem>>)
        %dma_start3A_158 = arith.constant 3 : i32
        %dma_start3A_159 = arith.constant 0 : i32
        %dma_start3A_160 = arith.constant 0 : i32
        %dma_start3A_161 = tpu.memref_slice %arg15[%dma_start3A_158, %dma_start3A_159, %dma_start3A_160] : memref<4x80x128xf32, #tpu.memory_space<vmem>> -> memref<1x80x128xf32, #tpu.memory_space<vmem>>
        %dma_start3A_162 = tpu.memref_squeeze %dma_start3A_161 : memref<1x80x128xf32, #tpu.memory_space<vmem>> -> memref<80x128xf32, #tpu.memory_space<vmem>>
        %dma_start3A_163 = arith.constant 0 : i32
        %dma_start3A_164 = arith.constant 0 : i32
        %dma_start3A_165 = tpu.memref_slice %arg16[%dma_start3A_163, %dma_start3A_164] : memref<10240x128xf32, #tpu.memory_space<vmem_shared>> -> memref<10240x128xf32, #tpu.memory_space<vmem_shared>>
        tpu.enqueue_indirect_dma source(%dma_start3A_162 : memref<80x128xf32, #tpu.memory_space<vmem>>) target(%dma_start3A_165 : memref<10240x128xf32, #tpu.memory_space<vmem_shared>>) offsets(%arg14 : memref<80xi32, #tpu.memory_space<vmem>>) semaphore(%arg24 : memref<!tpu.dma_semaphore, #tpu.memory_space<semaphore_mem>>) {add = true}
      } else {
      }
      %add3A_140 = arith.constant 2 : i32
      %add3A_141 = arith.addi %add3A_131, %add3A_140 : i32
      %mul3A_142 = arith.constant 32 : i32
      %mul3A_143 = arith.muli %add3A_141, %mul3A_142 : i32
      %add3A_144 = arith.addi %add3A, %mul3A_143 : i32
      %lt3A_145 = arith.constant 4000 : i32
      %lt3A_146 = arith.cmpi slt, %add3A_144, %lt3A_145 : i32
      %convert_element_type3A_147 = arith.extui %lt3A_146 : i1 to i32
      %cond3A_148 = arith.constant 0 : i32
      %cond3A_149 = arith.cmpi ne, %convert_element_type3A_147, %cond3A_148 : i32
      scf.if %cond3A_149 {
        %ge3A = arith.constant 2 : i32
        %ge3A_150 = arith.cmpi sge, %add3A_131, %ge3A : i32
        %convert_element_type3A_151 = arith.extui %ge3A_150 : i1 to i32
        %cond3A_152 = arith.constant 0 : i32
        %cond3A_153 = arith.cmpi ne, %convert_element_type3A_151, %cond3A_152 : i32
        scf.if %cond3A_153 {
          %dma_wait3A_170 = arith.constant 1 : i32
          %dma_wait3A_171 = arith.constant 0 : i32
          %dma_wait3A_172 = arith.constant 0 : i32
          %dma_wait3A_173 = tpu.memref_slice %arg15[%dma_wait3A_170, %dma_wait3A_171, %dma_wait3A_172] : memref<4x80x128xf32, #tpu.memory_space<vmem>> -> memref<1x80x128xf32, #tpu.memory_space<vmem>>
          %dma_wait3A_174 = tpu.memref_squeeze %dma_wait3A_173 : memref<1x80x128xf32, #tpu.memory_space<vmem>> -> memref<80x128xf32, #tpu.memory_space<vmem>>
          %dma_wait3A_175 = arith.constant 0 : i32
          %dma_wait3A_176 = arith.constant 0 : i32
          %dma_wait3A_177 = tpu.memref_slice %arg16[%dma_wait3A_175, %dma_wait3A_176] : memref<10240x128xf32, #tpu.memory_space<vmem_shared>> -> memref<10240x128xf32, #tpu.memory_space<vmem_shared>>
          tpu.wait_indirect_dma semaphore(%arg22 : memref<!tpu.dma_semaphore, #tpu.memory_space<semaphore_mem>>) src(%dma_wait3A_174 : memref<80x128xf32, #tpu.memory_space<vmem>>) dst(%dma_wait3A_177 : memref<10240x128xf32, #tpu.memory_space<vmem_shared>>)
        } else {
        }
        %add3A_154 = arith.constant 2 : i32
        %add3A_155 = arith.addi %add3A_131, %add3A_154 : i32
        %mul3A_156 = arith.constant 32 : i32
        %mul3A_157 = arith.muli %add3A_155, %mul3A_156 : i32
        %add3A_158 = arith.addi %add3A, %mul3A_157 : i32
        %mul3A_159 = arith.constant 80 : i32
        %mul3A_160 = arith.muli %add3A_158, %mul3A_159 : i32
        %multiple_of3A_161 = tpu.assume_multiple %mul3A_160, 8 : i32
        "tpu.region"() ({
          %run_scoped3A = tpu.sem_alloc : memref<!tpu.dma_semaphore, #tpu.memory_space<semaphore_mem>>
          %dma_start3A_170 = tpu.memref_slice %arg3[%multiple_of3A_161] : memref<320000xi32, #tpu.memory_space<hbm>> -> memref<80xi32, #tpu.memory_space<hbm>>
          %dma_start3A_171 = tpu.memref_slice %arg3[%multiple_of3A_161] : memref<320000xi32, #tpu.memory_space<hbm>> -> memref<80xi32, #tpu.memory_space<hbm>>
          tpu.enqueue_dma source(%dma_start3A_171 : memref<80xi32, #tpu.memory_space<hbm>>) target(%arg8 : memref<80xi32, #tpu.memory_space<vmem>>) target_semaphore(%run_scoped3A : memref<!tpu.dma_semaphore, #tpu.memory_space<semaphore_mem>>)
          %dma_wait3A_172 = tpu.memref_slice %arg3[%multiple_of3A_161] : memref<320000xi32, #tpu.memory_space<hbm>> -> memref<80xi32, #tpu.memory_space<hbm>>
          %dma_wait3A_173 = tpu.memref_slice %arg3[%multiple_of3A_161] : memref<320000xi32, #tpu.memory_space<hbm>> -> memref<80xi32, #tpu.memory_space<hbm>>
          tpu.wait_dma2 semaphore(%run_scoped3A : memref<!tpu.dma_semaphore, #tpu.memory_space<semaphore_mem>>) src(%dma_wait3A_173 : memref<80xi32, #tpu.memory_space<hbm>>) dst(%arg8 : memref<80xi32, #tpu.memory_space<vmem>>)
          tpu.yield
        }) : () -> ()
        "tpu.region"() ({
          %run_scoped3A = tpu.sem_alloc : memref<!tpu.dma_semaphore, #tpu.memory_space<semaphore_mem>>
          %dma_start3A_170 = tpu.memref_slice %arg4[%multiple_of3A_161] : memref<320000xi32, #tpu.memory_space<hbm>> -> memref<80xi32, #tpu.memory_space<hbm>>
          %dma_start3A_171 = tpu.memref_slice %arg4[%multiple_of3A_161] : memref<320000xi32, #tpu.memory_space<hbm>> -> memref<80xi32, #tpu.memory_space<hbm>>
          tpu.enqueue_dma source(%dma_start3A_171 : memref<80xi32, #tpu.memory_space<hbm>>) target(%arg12 : memref<80xi32, #tpu.memory_space<vmem>>) target_semaphore(%run_scoped3A : memref<!tpu.dma_semaphore, #tpu.memory_space<semaphore_mem>>)
          %dma_wait3A_172 = tpu.memref_slice %arg4[%multiple_of3A_161] : memref<320000xi32, #tpu.memory_space<hbm>> -> memref<80xi32, #tpu.memory_space<hbm>>
          %dma_wait3A_173 = tpu.memref_slice %arg4[%multiple_of3A_161] : memref<320000xi32, #tpu.memory_space<hbm>> -> memref<80xi32, #tpu.memory_space<hbm>>
          tpu.wait_dma2 semaphore(%run_scoped3A : memref<!tpu.dma_semaphore, #tpu.memory_space<semaphore_mem>>) src(%dma_wait3A_173 : memref<80xi32, #tpu.memory_space<hbm>>) dst(%arg12 : memref<80xi32, #tpu.memory_space<vmem>>)
          tpu.yield
        }) : () -> ()
        %dma_start3A_162 = arith.constant 1 : i32
        %dma_start3A_163 = arith.constant 0 : i32
        %dma_start3A_164 = arith.constant 0 : i32
        %dma_start3A_165 = tpu.memref_slice %arg15[%dma_start3A_162, %dma_start3A_163, %dma_start3A_164] : memref<4x80x128xf32, #tpu.memory_space<vmem>> -> memref<1x80x128xf32, #tpu.memory_space<vmem>>
        %dma_start3A_166 = tpu.memref_squeeze %dma_start3A_165 : memref<1x80x128xf32, #tpu.memory_space<vmem>> -> memref<80x128xf32, #tpu.memory_space<vmem>>
        %dma_start3A_167 = arith.constant 0 : i32
        %dma_start3A_168 = arith.constant 0 : i32
        %dma_start3A_169 = tpu.memref_slice %arg2[%dma_start3A_167, %dma_start3A_168] : memref<10000x128xf32, #tpu.memory_space<hbm>> -> memref<10000x128xf32, #tpu.memory_space<hbm>>
        tpu.enqueue_indirect_dma source(%dma_start3A_169 : memref<10000x128xf32, #tpu.memory_space<hbm>>) target(%dma_start3A_166 : memref<80x128xf32, #tpu.memory_space<vmem>>) offsets(%arg8 : memref<80xi32, #tpu.memory_space<vmem>>) semaphore(%arg18 : memref<!tpu.dma_semaphore, #tpu.memory_space<semaphore_mem>>)
      } else {
      }
    }
    %scan3A_31 = arith.constant 32 : i32
    %dma_wait3A = arith.constant 0 : i32
    %dma_wait3A_32 = arith.constant 0 : i32
    %dma_wait3A_33 = arith.constant 0 : i32
    %dma_wait3A_34 = tpu.memref_slice %arg15[%dma_wait3A, %dma_wait3A_32, %dma_wait3A_33] : memref<4x80x128xf32, #tpu.memory_space<vmem>> -> memref<1x80x128xf32, #tpu.memory_space<vmem>>
    %dma_wait3A_35 = tpu.memref_squeeze %dma_wait3A_34 : memref<1x80x128xf32, #tpu.memory_space<vmem>> -> memref<80x128xf32, #tpu.memory_space<vmem>>
    %dma_wait3A_36 = arith.constant 0 : i32
    %dma_wait3A_37 = arith.constant 0 : i32
    %dma_wait3A_38 = tpu.memref_slice %arg16[%dma_wait3A_36, %dma_wait3A_37] : memref<10240x128xf32, #tpu.memory_space<vmem_shared>> -> memref<10240x128xf32, #tpu.memory_space<vmem_shared>>
    tpu.wait_indirect_dma semaphore(%arg21 : memref<!tpu.dma_semaphore, #tpu.memory_space<semaphore_mem>>) src(%dma_wait3A_35 : memref<80x128xf32, #tpu.memory_space<vmem>>) dst(%dma_wait3A_38 : memref<10240x128xf32, #tpu.memory_space<vmem_shared>>)
    %dma_wait3A_39 = arith.constant 1 : i32
    %dma_wait3A_40 = arith.constant 0 : i32
    %dma_wait3A_41 = arith.constant 0 : i32
    %dma_wait3A_42 = tpu.memref_slice %arg15[%dma_wait3A_39, %dma_wait3A_40, %dma_wait3A_41] : memref<4x80x128xf32, #tpu.memory_space<vmem>> -> memref<1x80x128xf32, #tpu.memory_space<vmem>>
    %dma_wait3A_43 = tpu.memref_squeeze %dma_wait3A_42 : memref<1x80x128xf32, #tpu.memory_space<vmem>> -> memref<80x128xf32, #tpu.memory_space<vmem>>
    %dma_wait3A_44 = arith.constant 0 : i32
    %dma_wait3A_45 = arith.constant 0 : i32
    %dma_wait3A_46 = tpu.memref_slice %arg16[%dma_wait3A_44, %dma_wait3A_45] : memref<10240x128xf32, #tpu.memory_space<vmem_shared>> -> memref<10240x128xf32, #tpu.memory_space<vmem_shared>>
    tpu.wait_indirect_dma semaphore(%arg22 : memref<!tpu.dma_semaphore, #tpu.memory_space<semaphore_mem>>) src(%dma_wait3A_43 : memref<80x128xf32, #tpu.memory_space<vmem>>) dst(%dma_wait3A_46 : memref<10240x128xf32, #tpu.memory_space<vmem_shared>>)
    %dma_wait3A_47 = arith.constant 2 : i32
    %dma_wait3A_48 = arith.constant 0 : i32
    %dma_wait3A_49 = arith.constant 0 : i32
    %dma_wait3A_50 = tpu.memref_slice %arg15[%dma_wait3A_47, %dma_wait3A_48, %dma_wait3A_49] : memref<4x80x128xf32, #tpu.memory_space<vmem>> -> memref<1x80x128xf32, #tpu.memory_space<vmem>>
    %dma_wait3A_51 = tpu.memref_squeeze %dma_wait3A_50 : memref<1x80x128xf32, #tpu.memory_space<vmem>> -> memref<80x128xf32, #tpu.memory_space<vmem>>
    %dma_wait3A_52 = arith.constant 0 : i32
    %dma_wait3A_53 = arith.constant 0 : i32
    %dma_wait3A_54 = tpu.memref_slice %arg16[%dma_wait3A_52, %dma_wait3A_53] : memref<10240x128xf32, #tpu.memory_space<vmem_shared>> -> memref<10240x128xf32, #tpu.memory_space<vmem_shared>>
    tpu.wait_indirect_dma semaphore(%arg23 : memref<!tpu.dma_semaphore, #tpu.memory_space<semaphore_mem>>) src(%dma_wait3A_51 : memref<80x128xf32, #tpu.memory_space<vmem>>) dst(%dma_wait3A_54 : memref<10240x128xf32, #tpu.memory_space<vmem_shared>>)
    %dma_wait3A_55 = arith.constant 3 : i32
    %dma_wait3A_56 = arith.constant 0 : i32
    %dma_wait3A_57 = arith.constant 0 : i32
    %dma_wait3A_58 = tpu.memref_slice %arg15[%dma_wait3A_55, %dma_wait3A_56, %dma_wait3A_57] : memref<4x80x128xf32, #tpu.memory_space<vmem>> -> memref<1x80x128xf32, #tpu.memory_space<vmem>>
    %dma_wait3A_59 = tpu.memref_squeeze %dma_wait3A_58 : memref<1x80x128xf32, #tpu.memory_space<vmem>> -> memref<80x128xf32, #tpu.memory_space<vmem>>
    %dma_wait3A_60 = arith.constant 0 : i32
    %dma_wait3A_61 = arith.constant 0 : i32
    %dma_wait3A_62 = tpu.memref_slice %arg16[%dma_wait3A_60, %dma_wait3A_61] : memref<10240x128xf32, #tpu.memory_space<vmem_shared>> -> memref<10240x128xf32, #tpu.memory_space<vmem_shared>>
    tpu.wait_indirect_dma semaphore(%arg24 : memref<!tpu.dma_semaphore, #tpu.memory_space<semaphore_mem>>) src(%dma_wait3A_59 : memref<80x128xf32, #tpu.memory_space<vmem>>) dst(%dma_wait3A_62 : memref<10240x128xf32, #tpu.memory_space<vmem_shared>>)
    %barrier3A_63 = arith.constant 0 : index
    tpu.barrier barrier_id(%barrier3A_63)
    "tpu.region"() ({
      %run_scoped3A = tpu.sem_alloc : memref<!tpu.dma_semaphore, #tpu.memory_space<semaphore_mem>>
      %dma_start3A_64 = arith.constant 0 : i32
      %dma_start3A_65 = tpu.memref_slice %arg6[%arg0, %mul3A_2, %dma_start3A_64] : memref<2x10240x128xf32, #tpu.memory_space<hbm>> -> memref<1x640x128xf32, #tpu.memory_space<hbm>>
      %dma_start3A_66 = tpu.memref_squeeze %dma_start3A_65 : memref<1x640x128xf32, #tpu.memory_space<hbm>> -> memref<640x128xf32, #tpu.memory_space<hbm>>
      %dma_start3A_67 = arith.constant 0 : i32
      %dma_start3A_68 = tpu.memref_slice %arg16[%mul3A_2, %dma_start3A_67] : memref<10240x128xf32, #tpu.memory_space<vmem_shared>> -> memref<640x128xf32, #tpu.memory_space<vmem_shared>>
      tpu.enqueue_dma source(%dma_start3A_68 : memref<640x128xf32, #tpu.memory_space<vmem_shared>>) target(%dma_start3A_66 : memref<640x128xf32, #tpu.memory_space<hbm>>) target_semaphore(%run_scoped3A : memref<!tpu.dma_semaphore, #tpu.memory_space<semaphore_mem>>)
      %dma_wait3A_69 = arith.constant 0 : i32
      %dma_wait3A_70 = tpu.memref_slice %arg6[%arg0, %mul3A_2, %dma_wait3A_69] : memref<2x10240x128xf32, #tpu.memory_space<hbm>> -> memref<1x640x128xf32, #tpu.memory_space<hbm>>
      %dma_wait3A_71 = tpu.memref_squeeze %dma_wait3A_70 : memref<1x640x128xf32, #tpu.memory_space<hbm>> -> memref<640x128xf32, #tpu.memory_space<hbm>>
      %dma_wait3A_72 = arith.constant 0 : i32
      %dma_wait3A_73 = tpu.memref_slice %arg16[%mul3A_2, %dma_wait3A_72] : memref<10240x128xf32, #tpu.memory_space<vmem_shared>> -> memref<640x128xf32, #tpu.memory_space<vmem_shared>>
      tpu.wait_dma2 semaphore(%run_scoped3A : memref<!tpu.dma_semaphore, #tpu.memory_space<semaphore_mem>>) src(%dma_wait3A_73 : memref<640x128xf32, #tpu.memory_space<vmem_shared>>) dst(%dma_wait3A_71 : memref<640x128xf32, #tpu.memory_space<hbm>>)
      tpu.yield
    }) : () -> ()
    return
  }
}

#map = affine_map<(d0, d1) -> (0)>
#map1 = affine_map<(d0, d1) -> (0, 0)>
#map2 = affine_map<(d0, d1) -> (0, 0, 0)>
module attributes {stable_mosaic.version = 14 : i64} {
  func.func @_sc_degrees(%arg0: i32, %arg1: i32, %arg2: memref<320000xi32, #tpu.memory_space<hbm>>, %arg3: memref<320000xi32, #tpu.memory_space<hbm>>, %arg4: memref<80x128xf32, #tpu.memory_space<hbm>>, %arg5: memref<80x128xf32, #tpu.memory_space<hbm>>, %arg6: memref<640x128xf32, #tpu.memory_space<hbm>>, %arg7: memref<2x10240x128xf32, #tpu.memory_space<hbm>>, %arg8: memref<80xi32, #tpu.memory_space<vmem>>, %arg9: memref<80xi32, #tpu.memory_space<vmem>>, %arg10: memref<80xi32, #tpu.memory_space<vmem>>, %arg11: memref<80xi32, #tpu.memory_space<vmem>>, %arg12: memref<80xi32, #tpu.memory_space<vmem>>, %arg13: memref<80xi32, #tpu.memory_space<vmem>>, %arg14: memref<80xi32, #tpu.memory_space<vmem>>, %arg15: memref<80xi32, #tpu.memory_space<vmem>>, %arg16: memref<80x128xf32, #tpu.memory_space<vmem>>, %arg17: memref<80x128xf32, #tpu.memory_space<vmem>>, %arg18: memref<10240x128xf32, #tpu.memory_space<vmem_shared>>, %arg19: memref<!tpu.dma_semaphore, #tpu.memory_space<semaphore_mem>>, %arg20: memref<!tpu.dma_semaphore, #tpu.memory_space<semaphore_mem>>, %arg21: memref<!tpu.dma_semaphore, #tpu.memory_space<semaphore_mem>>, %arg22: memref<!tpu.dma_semaphore, #tpu.memory_space<semaphore_mem>>, %arg23: memref<!tpu.dma_semaphore, #tpu.memory_space<semaphore_mem>>, %arg24: memref<!tpu.dma_semaphore, #tpu.memory_space<semaphore_mem>>, %arg25: memref<!tpu.dma_semaphore, #tpu.memory_space<semaphore_mem>>, %arg26: memref<!tpu.dma_semaphore, #tpu.memory_space<semaphore_mem>>) attributes {dimension_semantics = [#tpu.dimension_semantics<core_parallel>, #tpu.dimension_semantics<subcore_parallel>], iteration_bounds = array<i64: 2, 16>, scalar_prefetch = 0 : i64, scratch_operands = 19 : i64, tpu.core_type = #tpu.core_type<sc_vector_subcore>, window_params = [{transform_indices = #map}, {transform_indices = #map}, {transform_indices = #map1}, {transform_indices = #map1}, {transform_indices = #map1}, {transform_indices = #map2}]} {
    %mul3A = arith.constant 2 : i32
    %mul3A_0 = arith.muli %arg1, %mul3A : i32
    %add3A = arith.addi %mul3A_0, %arg0 : i32
    %mul3A_1 = arith.constant 640 : i32
    %mul3A_2 = arith.muli %arg1, %mul3A_1 : i32
    "tpu.region"() ({
      %run_scoped3A = tpu.sem_alloc : memref<!tpu.dma_semaphore, #tpu.memory_space<semaphore_mem>>
      %dma_start3A_46 = arith.constant 0 : i32
      %dma_start3A_47 = tpu.memref_slice %arg18[%mul3A_2, %dma_start3A_46] : memref<10240x128xf32, #tpu.memory_space<vmem_shared>> -> memref<640x128xf32, #tpu.memory_space<vmem_shared>>
      tpu.enqueue_dma source(%arg6 : memref<640x128xf32, #tpu.memory_space<hbm>>) target(%dma_start3A_47 : memref<640x128xf32, #tpu.memory_space<vmem_shared>>) target_semaphore(%run_scoped3A : memref<!tpu.dma_semaphore, #tpu.memory_space<semaphore_mem>>)
      %dma_wait3A_48 = arith.constant 0 : i32
      %dma_wait3A_49 = tpu.memref_slice %arg18[%mul3A_2, %dma_wait3A_48] : memref<10240x128xf32, #tpu.memory_space<vmem_shared>> -> memref<640x128xf32, #tpu.memory_space<vmem_shared>>
      tpu.wait_dma2 semaphore(%run_scoped3A : memref<!tpu.dma_semaphore, #tpu.memory_space<semaphore_mem>>) src(%arg6 : memref<640x128xf32, #tpu.memory_space<hbm>>) dst(%dma_wait3A_49 : memref<640x128xf32, #tpu.memory_space<vmem_shared>>)
      tpu.yield
    }) : () -> ()
    "tpu.region"() ({
      %run_scoped3A = tpu.sem_alloc : memref<!tpu.dma_semaphore, #tpu.memory_space<semaphore_mem>>
      tpu.enqueue_dma source(%arg4 : memref<80x128xf32, #tpu.memory_space<hbm>>) target(%arg16 : memref<80x128xf32, #tpu.memory_space<vmem>>) target_semaphore(%run_scoped3A : memref<!tpu.dma_semaphore, #tpu.memory_space<semaphore_mem>>)
      tpu.wait_dma2 semaphore(%run_scoped3A : memref<!tpu.dma_semaphore, #tpu.memory_space<semaphore_mem>>) src(%arg4 : memref<80x128xf32, #tpu.memory_space<hbm>>) dst(%arg16 : memref<80x128xf32, #tpu.memory_space<vmem>>)
      tpu.yield
    }) : () -> ()
    "tpu.region"() ({
      %run_scoped3A = tpu.sem_alloc : memref<!tpu.dma_semaphore, #tpu.memory_space<semaphore_mem>>
      tpu.enqueue_dma source(%arg5 : memref<80x128xf32, #tpu.memory_space<hbm>>) target(%arg17 : memref<80x128xf32, #tpu.memory_space<vmem>>) target_semaphore(%run_scoped3A : memref<!tpu.dma_semaphore, #tpu.memory_space<semaphore_mem>>)
      tpu.wait_dma2 semaphore(%run_scoped3A : memref<!tpu.dma_semaphore, #tpu.memory_space<semaphore_mem>>) src(%arg5 : memref<80x128xf32, #tpu.memory_space<hbm>>) dst(%arg17 : memref<80x128xf32, #tpu.memory_space<vmem>>)
      tpu.yield
    }) : () -> ()
    %barrier3A = arith.constant 0 : index
    tpu.barrier barrier_id(%barrier3A)
    %mul3A_3 = arith.constant 10000 : i32
    %mul3A_4 = arith.muli %add3A, %mul3A_3 : i32
    %add3A_5 = arith.constant 0 : i32
    %add3A_6 = arith.addi %mul3A_4, %add3A_5 : i32
    %multiple_of3A = tpu.assume_multiple %add3A_6, 8 : i32
    %dma_start3A = tpu.memref_slice %arg2[%multiple_of3A] : memref<320000xi32, #tpu.memory_space<hbm>> -> memref<80xi32, #tpu.memory_space<hbm>>
    %dma_start3A_7 = tpu.memref_slice %arg2[%multiple_of3A] : memref<320000xi32, #tpu.memory_space<hbm>> -> memref<80xi32, #tpu.memory_space<hbm>>
    tpu.enqueue_dma source(%dma_start3A_7 : memref<80xi32, #tpu.memory_space<hbm>>) target(%arg8 : memref<80xi32, #tpu.memory_space<vmem>>) target_semaphore(%arg19 : memref<!tpu.dma_semaphore, #tpu.memory_space<semaphore_mem>>)
    %dma_start3A_8 = tpu.memref_slice %arg3[%multiple_of3A] : memref<320000xi32, #tpu.memory_space<hbm>> -> memref<80xi32, #tpu.memory_space<hbm>>
    %dma_start3A_9 = tpu.memref_slice %arg3[%multiple_of3A] : memref<320000xi32, #tpu.memory_space<hbm>> -> memref<80xi32, #tpu.memory_space<hbm>>
    tpu.enqueue_dma source(%dma_start3A_9 : memref<80xi32, #tpu.memory_space<hbm>>) target(%arg12 : memref<80xi32, #tpu.memory_space<vmem>>) target_semaphore(%arg19 : memref<!tpu.dma_semaphore, #tpu.memory_space<semaphore_mem>>)
    %add3A_10 = arith.constant 80 : i32
    %add3A_11 = arith.addi %mul3A_4, %add3A_10 : i32
    %multiple_of3A_12 = tpu.assume_multiple %add3A_11, 8 : i32
    %dma_start3A_13 = tpu.memref_slice %arg2[%multiple_of3A_12] : memref<320000xi32, #tpu.memory_space<hbm>> -> memref<80xi32, #tpu.memory_space<hbm>>
    %dma_start3A_14 = tpu.memref_slice %arg2[%multiple_of3A_12] : memref<320000xi32, #tpu.memory_space<hbm>> -> memref<80xi32, #tpu.memory_space<hbm>>
    tpu.enqueue_dma source(%dma_start3A_14 : memref<80xi32, #tpu.memory_space<hbm>>) target(%arg9 : memref<80xi32, #tpu.memory_space<vmem>>) target_semaphore(%arg20 : memref<!tpu.dma_semaphore, #tpu.memory_space<semaphore_mem>>)
    %dma_start3A_15 = tpu.memref_slice %arg3[%multiple_of3A_12] : memref<320000xi32, #tpu.memory_space<hbm>> -> memref<80xi32, #tpu.memory_space<hbm>>
    %dma_start3A_16 = tpu.memref_slice %arg3[%multiple_of3A_12] : memref<320000xi32, #tpu.memory_space<hbm>> -> memref<80xi32, #tpu.memory_space<hbm>>
    tpu.enqueue_dma source(%dma_start3A_16 : memref<80xi32, #tpu.memory_space<hbm>>) target(%arg13 : memref<80xi32, #tpu.memory_space<vmem>>) target_semaphore(%arg20 : memref<!tpu.dma_semaphore, #tpu.memory_space<semaphore_mem>>)
    %scan3A = arith.constant 0 : i32
    %scan3A_17 = arith.constant 0 : i32
    %scan3A_18 = arith.constant 32 : i32
    %scan3A_19 = arith.addi %scan3A_17, %scan3A_18 : i32
    %scan3A_20 = arith.constant 1 : i32
    scf.for %scan3A_46 = %scan3A_17 to %scan3A_19 step %scan3A_20  : i32 {
      %mul3A_47 = arith.constant 4 : i32
      %mul3A_48 = arith.muli %scan3A_46, %mul3A_47 : i32
      %add3A_49 = arith.constant 0 : i32
      %add3A_50 = arith.addi %mul3A_48, %add3A_49 : i32
      %lt3A = arith.constant 125 : i32
      %lt3A_51 = arith.cmpi slt, %add3A_50, %lt3A : i32
      %convert_element_type3A = arith.extui %lt3A_51 : i1 to i32
      %cond3A = arith.constant 0 : i32
      %cond3A_52 = arith.cmpi ne, %convert_element_type3A, %cond3A : i32
      scf.if %cond3A_52 {
        %dma_wait3A_108 = arith.constant 0 : i32
        %dma_wait3A_109 = tpu.memref_slice %arg2[%dma_wait3A_108] : memref<320000xi32, #tpu.memory_space<hbm>> -> memref<80xi32, #tpu.memory_space<hbm>>
        %dma_wait3A_110 = arith.constant 0 : i32
        %dma_wait3A_111 = tpu.memref_slice %arg2[%dma_wait3A_110] : memref<320000xi32, #tpu.memory_space<hbm>> -> memref<80xi32, #tpu.memory_space<hbm>>
        tpu.wait_dma2 semaphore(%arg19 : memref<!tpu.dma_semaphore, #tpu.memory_space<semaphore_mem>>) src(%dma_wait3A_111 : memref<80xi32, #tpu.memory_space<hbm>>) dst(%arg8 : memref<80xi32, #tpu.memory_space<vmem>>)
        %dma_wait3A_112 = arith.constant 0 : i32
        %dma_wait3A_113 = tpu.memref_slice %arg3[%dma_wait3A_112] : memref<320000xi32, #tpu.memory_space<hbm>> -> memref<80xi32, #tpu.memory_space<hbm>>
        %dma_wait3A_114 = arith.constant 0 : i32
        %dma_wait3A_115 = tpu.memref_slice %arg3[%dma_wait3A_114] : memref<320000xi32, #tpu.memory_space<hbm>> -> memref<80xi32, #tpu.memory_space<hbm>>
        tpu.wait_dma2 semaphore(%arg19 : memref<!tpu.dma_semaphore, #tpu.memory_space<semaphore_mem>>) src(%dma_wait3A_115 : memref<80xi32, #tpu.memory_space<hbm>>) dst(%arg12 : memref<80xi32, #tpu.memory_space<vmem>>)
        %dma_start3A_116 = arith.constant 0 : i32
        %dma_start3A_117 = arith.constant 0 : i32
        %dma_start3A_118 = tpu.memref_slice %arg18[%dma_start3A_116, %dma_start3A_117] : memref<10240x128xf32, #tpu.memory_space<vmem_shared>> -> memref<10240x128xf32, #tpu.memory_space<vmem_shared>>
        tpu.enqueue_indirect_dma source(%arg16 : memref<80x128xf32, #tpu.memory_space<vmem>>) target(%dma_start3A_118 : memref<10240x128xf32, #tpu.memory_space<vmem_shared>>) offsets(%arg8 : memref<80xi32, #tpu.memory_space<vmem>>) semaphore(%arg23 : memref<!tpu.dma_semaphore, #tpu.memory_space<semaphore_mem>>) {add = true}
        %dma_start3A_119 = arith.constant 0 : i32
        %dma_start3A_120 = arith.constant 0 : i32
        %dma_start3A_121 = tpu.memref_slice %arg18[%dma_start3A_119, %dma_start3A_120] : memref<10240x128xf32, #tpu.memory_space<vmem_shared>> -> memref<10240x128xf32, #tpu.memory_space<vmem_shared>>
        tpu.enqueue_indirect_dma source(%arg17 : memref<80x128xf32, #tpu.memory_space<vmem>>) target(%dma_start3A_121 : memref<10240x128xf32, #tpu.memory_space<vmem_shared>>) offsets(%arg12 : memref<80xi32, #tpu.memory_space<vmem>>) semaphore(%arg23 : memref<!tpu.dma_semaphore, #tpu.memory_space<semaphore_mem>>) {add = true}
      } else {
      }
      %add3A_53 = arith.constant 2 : i32
      %add3A_54 = arith.addi %add3A_50, %add3A_53 : i32
      %lt3A_55 = arith.constant 125 : i32
      %lt3A_56 = arith.cmpi slt, %add3A_54, %lt3A_55 : i32
      %convert_element_type3A_57 = arith.extui %lt3A_56 : i1 to i32
      %cond3A_58 = arith.constant 0 : i32
      %cond3A_59 = arith.cmpi ne, %convert_element_type3A_57, %cond3A_58 : i32
      scf.if %cond3A_59 {
        %ge3A = arith.constant 2 : i32
        %ge3A_108 = arith.cmpi sge, %add3A_50, %ge3A : i32
        %convert_element_type3A_109 = arith.extui %ge3A_108 : i1 to i32
        %cond3A_110 = arith.constant 0 : i32
        %cond3A_111 = arith.cmpi ne, %convert_element_type3A_109, %cond3A_110 : i32
        scf.if %cond3A_111 {
          %dma_wait3A_122 = arith.constant 0 : i32
          %dma_wait3A_123 = arith.constant 0 : i32
          %dma_wait3A_124 = tpu.memref_slice %arg18[%dma_wait3A_122, %dma_wait3A_123] : memref<10240x128xf32, #tpu.memory_space<vmem_shared>> -> memref<10240x128xf32, #tpu.memory_space<vmem_shared>>
          tpu.wait_indirect_dma semaphore(%arg25 : memref<!tpu.dma_semaphore, #tpu.memory_space<semaphore_mem>>) src(%arg16 : memref<80x128xf32, #tpu.memory_space<vmem>>) dst(%dma_wait3A_124 : memref<10240x128xf32, #tpu.memory_space<vmem_shared>>)
          %dma_wait3A_125 = arith.constant 0 : i32
          %dma_wait3A_126 = arith.constant 0 : i32
          %dma_wait3A_127 = tpu.memref_slice %arg18[%dma_wait3A_125, %dma_wait3A_126] : memref<10240x128xf32, #tpu.memory_space<vmem_shared>> -> memref<10240x128xf32, #tpu.memory_space<vmem_shared>>
          tpu.wait_indirect_dma semaphore(%arg25 : memref<!tpu.dma_semaphore, #tpu.memory_space<semaphore_mem>>) src(%arg17 : memref<80x128xf32, #tpu.memory_space<vmem>>) dst(%dma_wait3A_127 : memref<10240x128xf32, #tpu.memory_space<vmem_shared>>)
        } else {
        }
        %add3A_112 = arith.constant 2 : i32
        %add3A_113 = arith.addi %add3A_50, %add3A_112 : i32
        %mul3A_114 = arith.constant 80 : i32
        %mul3A_115 = arith.muli %add3A_113, %mul3A_114 : i32
        %add3A_116 = arith.addi %mul3A_4, %mul3A_115 : i32
        %multiple_of3A_117 = tpu.assume_multiple %add3A_116, 8 : i32
        %dma_start3A_118 = tpu.memref_slice %arg2[%multiple_of3A_117] : memref<320000xi32, #tpu.memory_space<hbm>> -> memref<80xi32, #tpu.memory_space<hbm>>
        %dma_start3A_119 = tpu.memref_slice %arg2[%multiple_of3A_117] : memref<320000xi32, #tpu.memory_space<hbm>> -> memref<80xi32, #tpu.memory_space<hbm>>
        tpu.enqueue_dma source(%dma_start3A_119 : memref<80xi32, #tpu.memory_space<hbm>>) target(%arg10 : memref<80xi32, #tpu.memory_space<vmem>>) target_semaphore(%arg21 : memref<!tpu.dma_semaphore, #tpu.memory_space<semaphore_mem>>)
        %dma_start3A_120 = tpu.memref_slice %arg3[%multiple_of3A_117] : memref<320000xi32, #tpu.memory_space<hbm>> -> memref<80xi32, #tpu.memory_space<hbm>>
        %dma_start3A_121 = tpu.memref_slice %arg3[%multiple_of3A_117] : memref<320000xi32, #tpu.memory_space<hbm>> -> memref<80xi32, #tpu.memory_space<hbm>>
        tpu.enqueue_dma source(%dma_start3A_121 : memref<80xi32, #tpu.memory_space<hbm>>) target(%arg14 : memref<80xi32, #tpu.memory_space<vmem>>) target_semaphore(%arg21 : memref<!tpu.dma_semaphore, #tpu.memory_space<semaphore_mem>>)
      } else {
      }
      %mul3A_60 = arith.constant 4 : i32
      %mul3A_61 = arith.muli %scan3A_46, %mul3A_60 : i32
      %add3A_62 = arith.constant 1 : i32
      %add3A_63 = arith.addi %mul3A_61, %add3A_62 : i32
      %lt3A_64 = arith.constant 125 : i32
      %lt3A_65 = arith.cmpi slt, %add3A_63, %lt3A_64 : i32
      %convert_element_type3A_66 = arith.extui %lt3A_65 : i1 to i32
      %cond3A_67 = arith.constant 0 : i32
      %cond3A_68 = arith.cmpi ne, %convert_element_type3A_66, %cond3A_67 : i32
      scf.if %cond3A_68 {
        %dma_wait3A_108 = arith.constant 0 : i32
        %dma_wait3A_109 = tpu.memref_slice %arg2[%dma_wait3A_108] : memref<320000xi32, #tpu.memory_space<hbm>> -> memref<80xi32, #tpu.memory_space<hbm>>
        %dma_wait3A_110 = arith.constant 0 : i32
        %dma_wait3A_111 = tpu.memref_slice %arg2[%dma_wait3A_110] : memref<320000xi32, #tpu.memory_space<hbm>> -> memref<80xi32, #tpu.memory_space<hbm>>
        tpu.wait_dma2 semaphore(%arg20 : memref<!tpu.dma_semaphore, #tpu.memory_space<semaphore_mem>>) src(%dma_wait3A_111 : memref<80xi32, #tpu.memory_space<hbm>>) dst(%arg9 : memref<80xi32, #tpu.memory_space<vmem>>)
        %dma_wait3A_112 = arith.constant 0 : i32
        %dma_wait3A_113 = tpu.memref_slice %arg3[%dma_wait3A_112] : memref<320000xi32, #tpu.memory_space<hbm>> -> memref<80xi32, #tpu.memory_space<hbm>>
        %dma_wait3A_114 = arith.constant 0 : i32
        %dma_wait3A_115 = tpu.memref_slice %arg3[%dma_wait3A_114] : memref<320000xi32, #tpu.memory_space<hbm>> -> memref<80xi32, #tpu.memory_space<hbm>>
        tpu.wait_dma2 semaphore(%arg20 : memref<!tpu.dma_semaphore, #tpu.memory_space<semaphore_mem>>) src(%dma_wait3A_115 : memref<80xi32, #tpu.memory_space<hbm>>) dst(%arg13 : memref<80xi32, #tpu.memory_space<vmem>>)
        %dma_start3A_116 = arith.constant 0 : i32
        %dma_start3A_117 = arith.constant 0 : i32
        %dma_start3A_118 = tpu.memref_slice %arg18[%dma_start3A_116, %dma_start3A_117] : memref<10240x128xf32, #tpu.memory_space<vmem_shared>> -> memref<10240x128xf32, #tpu.memory_space<vmem_shared>>
        tpu.enqueue_indirect_dma source(%arg16 : memref<80x128xf32, #tpu.memory_space<vmem>>) target(%dma_start3A_118 : memref<10240x128xf32, #tpu.memory_space<vmem_shared>>) offsets(%arg9 : memref<80xi32, #tpu.memory_space<vmem>>) semaphore(%arg24 : memref<!tpu.dma_semaphore, #tpu.memory_space<semaphore_mem>>) {add = true}
        %dma_start3A_119 = arith.constant 0 : i32
        %dma_start3A_120 = arith.constant 0 : i32
        %dma_start3A_121 = tpu.memref_slice %arg18[%dma_start3A_119, %dma_start3A_120] : memref<10240x128xf32, #tpu.memory_space<vmem_shared>> -> memref<10240x128xf32, #tpu.memory_space<vmem_shared>>
        tpu.enqueue_indirect_dma source(%arg17 : memref<80x128xf32, #tpu.memory_space<vmem>>) target(%dma_start3A_121 : memref<10240x128xf32, #tpu.memory_space<vmem_shared>>) offsets(%arg13 : memref<80xi32, #tpu.memory_space<vmem>>) semaphore(%arg24 : memref<!tpu.dma_semaphore, #tpu.memory_space<semaphore_mem>>) {add = true}
      } else {
      }
      %add3A_69 = arith.constant 2 : i32
      %add3A_70 = arith.addi %add3A_63, %add3A_69 : i32
      %lt3A_71 = arith.constant 125 : i32
      %lt3A_72 = arith.cmpi slt, %add3A_70, %lt3A_71 : i32
      %convert_element_type3A_73 = arith.extui %lt3A_72 : i1 to i32
      %cond3A_74 = arith.constant 0 : i32
      %cond3A_75 = arith.cmpi ne, %convert_element_type3A_73, %cond3A_74 : i32
      scf.if %cond3A_75 {
        %ge3A = arith.constant 2 : i32
        %ge3A_108 = arith.cmpi sge, %add3A_63, %ge3A : i32
        %convert_element_type3A_109 = arith.extui %ge3A_108 : i1 to i32
        %cond3A_110 = arith.constant 0 : i32
        %cond3A_111 = arith.cmpi ne, %convert_element_type3A_109, %cond3A_110 : i32
        scf.if %cond3A_111 {
          %dma_wait3A_122 = arith.constant 0 : i32
          %dma_wait3A_123 = arith.constant 0 : i32
          %dma_wait3A_124 = tpu.memref_slice %arg18[%dma_wait3A_122, %dma_wait3A_123] : memref<10240x128xf32, #tpu.memory_space<vmem_shared>> -> memref<10240x128xf32, #tpu.memory_space<vmem_shared>>
          tpu.wait_indirect_dma semaphore(%arg26 : memref<!tpu.dma_semaphore, #tpu.memory_space<semaphore_mem>>) src(%arg16 : memref<80x128xf32, #tpu.memory_space<vmem>>) dst(%dma_wait3A_124 : memref<10240x128xf32, #tpu.memory_space<vmem_shared>>)
          %dma_wait3A_125 = arith.constant 0 : i32
          %dma_wait3A_126 = arith.constant 0 : i32
          %dma_wait3A_127 = tpu.memref_slice %arg18[%dma_wait3A_125, %dma_wait3A_126] : memref<10240x128xf32, #tpu.memory_space<vmem_shared>> -> memref<10240x128xf32, #tpu.memory_space<vmem_shared>>
          tpu.wait_indirect_dma semaphore(%arg26 : memref<!tpu.dma_semaphore, #tpu.memory_space<semaphore_mem>>) src(%arg17 : memref<80x128xf32, #tpu.memory_space<vmem>>) dst(%dma_wait3A_127 : memref<10240x128xf32, #tpu.memory_space<vmem_shared>>)
        } else {
        }
        %add3A_112 = arith.constant 2 : i32
        %add3A_113 = arith.addi %add3A_63, %add3A_112 : i32
        %mul3A_114 = arith.constant 80 : i32
        %mul3A_115 = arith.muli %add3A_113, %mul3A_114 : i32
        %add3A_116 = arith.addi %mul3A_4, %mul3A_115 : i32
        %multiple_of3A_117 = tpu.assume_multiple %add3A_116, 8 : i32
        %dma_start3A_118 = tpu.memref_slice %arg2[%multiple_of3A_117] : memref<320000xi32, #tpu.memory_space<hbm>> -> memref<80xi32, #tpu.memory_space<hbm>>
        %dma_start3A_119 = tpu.memref_slice %arg2[%multiple_of3A_117] : memref<320000xi32, #tpu.memory_space<hbm>> -> memref<80xi32, #tpu.memory_space<hbm>>
        tpu.enqueue_dma source(%dma_start3A_119 : memref<80xi32, #tpu.memory_space<hbm>>) target(%arg11 : memref<80xi32, #tpu.memory_space<vmem>>) target_semaphore(%arg22 : memref<!tpu.dma_semaphore, #tpu.memory_space<semaphore_mem>>)
        %dma_start3A_120 = tpu.memref_slice %arg3[%multiple_of3A_117] : memref<320000xi32, #tpu.memory_space<hbm>> -> memref<80xi32, #tpu.memory_space<hbm>>
        %dma_start3A_121 = tpu.memref_slice %arg3[%multiple_of3A_117] : memref<320000xi32, #tpu.memory_space<hbm>> -> memref<80xi32, #tpu.memory_space<hbm>>
        tpu.enqueue_dma source(%dma_start3A_121 : memref<80xi32, #tpu.memory_space<hbm>>) target(%arg15 : memref<80xi32, #tpu.memory_space<vmem>>) target_semaphore(%arg22 : memref<!tpu.dma_semaphore, #tpu.memory_space<semaphore_mem>>)
      } else {
      }
      %mul3A_76 = arith.constant 4 : i32
      %mul3A_77 = arith.muli %scan3A_46, %mul3A_76 : i32
      %add3A_78 = arith.constant 2 : i32
      %add3A_79 = arith.addi %mul3A_77, %add3A_78 : i32
      %lt3A_80 = arith.constant 125 : i32
      %lt3A_81 = arith.cmpi slt, %add3A_79, %lt3A_80 : i32
      %convert_element_type3A_82 = arith.extui %lt3A_81 : i1 to i32
      %cond3A_83 = arith.constant 0 : i32
      %cond3A_84 = arith.cmpi ne, %convert_element_type3A_82, %cond3A_83 : i32
      scf.if %cond3A_84 {
        %dma_wait3A_108 = arith.constant 0 : i32
        %dma_wait3A_109 = tpu.memref_slice %arg2[%dma_wait3A_108] : memref<320000xi32, #tpu.memory_space<hbm>> -> memref<80xi32, #tpu.memory_space<hbm>>
        %dma_wait3A_110 = arith.constant 0 : i32
        %dma_wait3A_111 = tpu.memref_slice %arg2[%dma_wait3A_110] : memref<320000xi32, #tpu.memory_space<hbm>> -> memref<80xi32, #tpu.memory_space<hbm>>
        tpu.wait_dma2 semaphore(%arg21 : memref<!tpu.dma_semaphore, #tpu.memory_space<semaphore_mem>>) src(%dma_wait3A_111 : memref<80xi32, #tpu.memory_space<hbm>>) dst(%arg10 : memref<80xi32, #tpu.memory_space<vmem>>)
        %dma_wait3A_112 = arith.constant 0 : i32
        %dma_wait3A_113 = tpu.memref_slice %arg3[%dma_wait3A_112] : memref<320000xi32, #tpu.memory_space<hbm>> -> memref<80xi32, #tpu.memory_space<hbm>>
        %dma_wait3A_114 = arith.constant 0 : i32
        %dma_wait3A_115 = tpu.memref_slice %arg3[%dma_wait3A_114] : memref<320000xi32, #tpu.memory_space<hbm>> -> memref<80xi32, #tpu.memory_space<hbm>>
        tpu.wait_dma2 semaphore(%arg21 : memref<!tpu.dma_semaphore, #tpu.memory_space<semaphore_mem>>) src(%dma_wait3A_115 : memref<80xi32, #tpu.memory_space<hbm>>) dst(%arg14 : memref<80xi32, #tpu.memory_space<vmem>>)
        %dma_start3A_116 = arith.constant 0 : i32
        %dma_start3A_117 = arith.constant 0 : i32
        %dma_start3A_118 = tpu.memref_slice %arg18[%dma_start3A_116, %dma_start3A_117] : memref<10240x128xf32, #tpu.memory_space<vmem_shared>> -> memref<10240x128xf32, #tpu.memory_space<vmem_shared>>
        tpu.enqueue_indirect_dma source(%arg16 : memref<80x128xf32, #tpu.memory_space<vmem>>) target(%dma_start3A_118 : memref<10240x128xf32, #tpu.memory_space<vmem_shared>>) offsets(%arg10 : memref<80xi32, #tpu.memory_space<vmem>>) semaphore(%arg25 : memref<!tpu.dma_semaphore, #tpu.memory_space<semaphore_mem>>) {add = true}
        %dma_start3A_119 = arith.constant 0 : i32
        %dma_start3A_120 = arith.constant 0 : i32
        %dma_start3A_121 = tpu.memref_slice %arg18[%dma_start3A_119, %dma_start3A_120] : memref<10240x128xf32, #tpu.memory_space<vmem_shared>> -> memref<10240x128xf32, #tpu.memory_space<vmem_shared>>
        tpu.enqueue_indirect_dma source(%arg17 : memref<80x128xf32, #tpu.memory_space<vmem>>) target(%dma_start3A_121 : memref<10240x128xf32, #tpu.memory_space<vmem_shared>>) offsets(%arg14 : memref<80xi32, #tpu.memory_space<vmem>>) semaphore(%arg25 : memref<!tpu.dma_semaphore, #tpu.memory_space<semaphore_mem>>) {add = true}
      } else {
      }
      %add3A_85 = arith.constant 2 : i32
      %add3A_86 = arith.addi %add3A_79, %add3A_85 : i32
      %lt3A_87 = arith.constant 125 : i32
      %lt3A_88 = arith.cmpi slt, %add3A_86, %lt3A_87 : i32
      %convert_element_type3A_89 = arith.extui %lt3A_88 : i1 to i32
      %cond3A_90 = arith.constant 0 : i32
      %cond3A_91 = arith.cmpi ne, %convert_element_type3A_89, %cond3A_90 : i32
      scf.if %cond3A_91 {
        %ge3A = arith.constant 2 : i32
        %ge3A_108 = arith.cmpi sge, %add3A_79, %ge3A : i32
        %convert_element_type3A_109 = arith.extui %ge3A_108 : i1 to i32
        %cond3A_110 = arith.constant 0 : i32
        %cond3A_111 = arith.cmpi ne, %convert_element_type3A_109, %cond3A_110 : i32
        scf.if %cond3A_111 {
          %dma_wait3A_122 = arith.constant 0 : i32
          %dma_wait3A_123 = arith.constant 0 : i32
          %dma_wait3A_124 = tpu.memref_slice %arg18[%dma_wait3A_122, %dma_wait3A_123] : memref<10240x128xf32, #tpu.memory_space<vmem_shared>> -> memref<10240x128xf32, #tpu.memory_space<vmem_shared>>
          tpu.wait_indirect_dma semaphore(%arg23 : memref<!tpu.dma_semaphore, #tpu.memory_space<semaphore_mem>>) src(%arg16 : memref<80x128xf32, #tpu.memory_space<vmem>>) dst(%dma_wait3A_124 : memref<10240x128xf32, #tpu.memory_space<vmem_shared>>)
          %dma_wait3A_125 = arith.constant 0 : i32
          %dma_wait3A_126 = arith.constant 0 : i32
          %dma_wait3A_127 = tpu.memref_slice %arg18[%dma_wait3A_125, %dma_wait3A_126] : memref<10240x128xf32, #tpu.memory_space<vmem_shared>> -> memref<10240x128xf32, #tpu.memory_space<vmem_shared>>
          tpu.wait_indirect_dma semaphore(%arg23 : memref<!tpu.dma_semaphore, #tpu.memory_space<semaphore_mem>>) src(%arg17 : memref<80x128xf32, #tpu.memory_space<vmem>>) dst(%dma_wait3A_127 : memref<10240x128xf32, #tpu.memory_space<vmem_shared>>)
        } else {
        }
        %add3A_112 = arith.constant 2 : i32
        %add3A_113 = arith.addi %add3A_79, %add3A_112 : i32
        %mul3A_114 = arith.constant 80 : i32
        %mul3A_115 = arith.muli %add3A_113, %mul3A_114 : i32
        %add3A_116 = arith.addi %mul3A_4, %mul3A_115 : i32
        %multiple_of3A_117 = tpu.assume_multiple %add3A_116, 8 : i32
        %dma_start3A_118 = tpu.memref_slice %arg2[%multiple_of3A_117] : memref<320000xi32, #tpu.memory_space<hbm>> -> memref<80xi32, #tpu.memory_space<hbm>>
        %dma_start3A_119 = tpu.memref_slice %arg2[%multiple_of3A_117] : memref<320000xi32, #tpu.memory_space<hbm>> -> memref<80xi32, #tpu.memory_space<hbm>>
        tpu.enqueue_dma source(%dma_start3A_119 : memref<80xi32, #tpu.memory_space<hbm>>) target(%arg8 : memref<80xi32, #tpu.memory_space<vmem>>) target_semaphore(%arg19 : memref<!tpu.dma_semaphore, #tpu.memory_space<semaphore_mem>>)
        %dma_start3A_120 = tpu.memref_slice %arg3[%multiple_of3A_117] : memref<320000xi32, #tpu.memory_space<hbm>> -> memref<80xi32, #tpu.memory_space<hbm>>
        %dma_start3A_121 = tpu.memref_slice %arg3[%multiple_of3A_117] : memref<320000xi32, #tpu.memory_space<hbm>> -> memref<80xi32, #tpu.memory_space<hbm>>
        tpu.enqueue_dma source(%dma_start3A_121 : memref<80xi32, #tpu.memory_space<hbm>>) target(%arg12 : memref<80xi32, #tpu.memory_space<vmem>>) target_semaphore(%arg19 : memref<!tpu.dma_semaphore, #tpu.memory_space<semaphore_mem>>)
      } else {
      }
      %mul3A_92 = arith.constant 4 : i32
      %mul3A_93 = arith.muli %scan3A_46, %mul3A_92 : i32
      %add3A_94 = arith.constant 3 : i32
      %add3A_95 = arith.addi %mul3A_93, %add3A_94 : i32
      %lt3A_96 = arith.constant 125 : i32
      %lt3A_97 = arith.cmpi slt, %add3A_95, %lt3A_96 : i32
      %convert_element_type3A_98 = arith.extui %lt3A_97 : i1 to i32
      %cond3A_99 = arith.constant 0 : i32
      %cond3A_100 = arith.cmpi ne, %convert_element_type3A_98, %cond3A_99 : i32
      scf.if %cond3A_100 {
        %dma_wait3A_108 = arith.constant 0 : i32
        %dma_wait3A_109 = tpu.memref_slice %arg2[%dma_wait3A_108] : memref<320000xi32, #tpu.memory_space<hbm>> -> memref<80xi32, #tpu.memory_space<hbm>>
        %dma_wait3A_110 = arith.constant 0 : i32
        %dma_wait3A_111 = tpu.memref_slice %arg2[%dma_wait3A_110] : memref<320000xi32, #tpu.memory_space<hbm>> -> memref<80xi32, #tpu.memory_space<hbm>>
        tpu.wait_dma2 semaphore(%arg22 : memref<!tpu.dma_semaphore, #tpu.memory_space<semaphore_mem>>) src(%dma_wait3A_111 : memref<80xi32, #tpu.memory_space<hbm>>) dst(%arg11 : memref<80xi32, #tpu.memory_space<vmem>>)
        %dma_wait3A_112 = arith.constant 0 : i32
        %dma_wait3A_113 = tpu.memref_slice %arg3[%dma_wait3A_112] : memref<320000xi32, #tpu.memory_space<hbm>> -> memref<80xi32, #tpu.memory_space<hbm>>
        %dma_wait3A_114 = arith.constant 0 : i32
        %dma_wait3A_115 = tpu.memref_slice %arg3[%dma_wait3A_114] : memref<320000xi32, #tpu.memory_space<hbm>> -> memref<80xi32, #tpu.memory_space<hbm>>
        tpu.wait_dma2 semaphore(%arg22 : memref<!tpu.dma_semaphore, #tpu.memory_space<semaphore_mem>>) src(%dma_wait3A_115 : memref<80xi32, #tpu.memory_space<hbm>>) dst(%arg15 : memref<80xi32, #tpu.memory_space<vmem>>)
        %dma_start3A_116 = arith.constant 0 : i32
        %dma_start3A_117 = arith.constant 0 : i32
        %dma_start3A_118 = tpu.memref_slice %arg18[%dma_start3A_116, %dma_start3A_117] : memref<10240x128xf32, #tpu.memory_space<vmem_shared>> -> memref<10240x128xf32, #tpu.memory_space<vmem_shared>>
        tpu.enqueue_indirect_dma source(%arg16 : memref<80x128xf32, #tpu.memory_space<vmem>>) target(%dma_start3A_118 : memref<10240x128xf32, #tpu.memory_space<vmem_shared>>) offsets(%arg11 : memref<80xi32, #tpu.memory_space<vmem>>) semaphore(%arg26 : memref<!tpu.dma_semaphore, #tpu.memory_space<semaphore_mem>>) {add = true}
        %dma_start3A_119 = arith.constant 0 : i32
        %dma_start3A_120 = arith.constant 0 : i32
        %dma_start3A_121 = tpu.memref_slice %arg18[%dma_start3A_119, %dma_start3A_120] : memref<10240x128xf32, #tpu.memory_space<vmem_shared>> -> memref<10240x128xf32, #tpu.memory_space<vmem_shared>>
        tpu.enqueue_indirect_dma source(%arg17 : memref<80x128xf32, #tpu.memory_space<vmem>>) target(%dma_start3A_121 : memref<10240x128xf32, #tpu.memory_space<vmem_shared>>) offsets(%arg15 : memref<80xi32, #tpu.memory_space<vmem>>) semaphore(%arg26 : memref<!tpu.dma_semaphore, #tpu.memory_space<semaphore_mem>>) {add = true}
      } else {
      }
      %add3A_101 = arith.constant 2 : i32
      %add3A_102 = arith.addi %add3A_95, %add3A_101 : i32
      %lt3A_103 = arith.constant 125 : i32
      %lt3A_104 = arith.cmpi slt, %add3A_102, %lt3A_103 : i32
      %convert_element_type3A_105 = arith.extui %lt3A_104 : i1 to i32
      %cond3A_106 = arith.constant 0 : i32
      %cond3A_107 = arith.cmpi ne, %convert_element_type3A_105, %cond3A_106 : i32
      scf.if %cond3A_107 {
        %ge3A = arith.constant 2 : i32
        %ge3A_108 = arith.cmpi sge, %add3A_95, %ge3A : i32
        %convert_element_type3A_109 = arith.extui %ge3A_108 : i1 to i32
        %cond3A_110 = arith.constant 0 : i32
        %cond3A_111 = arith.cmpi ne, %convert_element_type3A_109, %cond3A_110 : i32
        scf.if %cond3A_111 {
          %dma_wait3A_122 = arith.constant 0 : i32
          %dma_wait3A_123 = arith.constant 0 : i32
          %dma_wait3A_124 = tpu.memref_slice %arg18[%dma_wait3A_122, %dma_wait3A_123] : memref<10240x128xf32, #tpu.memory_space<vmem_shared>> -> memref<10240x128xf32, #tpu.memory_space<vmem_shared>>
          tpu.wait_indirect_dma semaphore(%arg24 : memref<!tpu.dma_semaphore, #tpu.memory_space<semaphore_mem>>) src(%arg16 : memref<80x128xf32, #tpu.memory_space<vmem>>) dst(%dma_wait3A_124 : memref<10240x128xf32, #tpu.memory_space<vmem_shared>>)
          %dma_wait3A_125 = arith.constant 0 : i32
          %dma_wait3A_126 = arith.constant 0 : i32
          %dma_wait3A_127 = tpu.memref_slice %arg18[%dma_wait3A_125, %dma_wait3A_126] : memref<10240x128xf32, #tpu.memory_space<vmem_shared>> -> memref<10240x128xf32, #tpu.memory_space<vmem_shared>>
          tpu.wait_indirect_dma semaphore(%arg24 : memref<!tpu.dma_semaphore, #tpu.memory_space<semaphore_mem>>) src(%arg17 : memref<80x128xf32, #tpu.memory_space<vmem>>) dst(%dma_wait3A_127 : memref<10240x128xf32, #tpu.memory_space<vmem_shared>>)
        } else {
        }
        %add3A_112 = arith.constant 2 : i32
        %add3A_113 = arith.addi %add3A_95, %add3A_112 : i32
        %mul3A_114 = arith.constant 80 : i32
        %mul3A_115 = arith.muli %add3A_113, %mul3A_114 : i32
        %add3A_116 = arith.addi %mul3A_4, %mul3A_115 : i32
        %multiple_of3A_117 = tpu.assume_multiple %add3A_116, 8 : i32
        %dma_start3A_118 = tpu.memref_slice %arg2[%multiple_of3A_117] : memref<320000xi32, #tpu.memory_space<hbm>> -> memref<80xi32, #tpu.memory_space<hbm>>
        %dma_start3A_119 = tpu.memref_slice %arg2[%multiple_of3A_117] : memref<320000xi32, #tpu.memory_space<hbm>> -> memref<80xi32, #tpu.memory_space<hbm>>
        tpu.enqueue_dma source(%dma_start3A_119 : memref<80xi32, #tpu.memory_space<hbm>>) target(%arg9 : memref<80xi32, #tpu.memory_space<vmem>>) target_semaphore(%arg20 : memref<!tpu.dma_semaphore, #tpu.memory_space<semaphore_mem>>)
        %dma_start3A_120 = tpu.memref_slice %arg3[%multiple_of3A_117] : memref<320000xi32, #tpu.memory_space<hbm>> -> memref<80xi32, #tpu.memory_space<hbm>>
        %dma_start3A_121 = tpu.memref_slice %arg3[%multiple_of3A_117] : memref<320000xi32, #tpu.memory_space<hbm>> -> memref<80xi32, #tpu.memory_space<hbm>>
        tpu.enqueue_dma source(%dma_start3A_121 : memref<80xi32, #tpu.memory_space<hbm>>) target(%arg13 : memref<80xi32, #tpu.memory_space<vmem>>) target_semaphore(%arg20 : memref<!tpu.dma_semaphore, #tpu.memory_space<semaphore_mem>>)
      } else {
      }
    }
    %scan3A_21 = arith.constant 32 : i32
    %dma_wait3A = arith.constant 0 : i32
    %dma_wait3A_22 = arith.constant 0 : i32
    %dma_wait3A_23 = tpu.memref_slice %arg18[%dma_wait3A, %dma_wait3A_22] : memref<10240x128xf32, #tpu.memory_space<vmem_shared>> -> memref<10240x128xf32, #tpu.memory_space<vmem_shared>>
    tpu.wait_indirect_dma semaphore(%arg23 : memref<!tpu.dma_semaphore, #tpu.memory_space<semaphore_mem>>) src(%arg16 : memref<80x128xf32, #tpu.memory_space<vmem>>) dst(%dma_wait3A_23 : memref<10240x128xf32, #tpu.memory_space<vmem_shared>>)
    %dma_wait3A_24 = arith.constant 0 : i32
    %dma_wait3A_25 = arith.constant 0 : i32
    %dma_wait3A_26 = tpu.memref_slice %arg18[%dma_wait3A_24, %dma_wait3A_25] : memref<10240x128xf32, #tpu.memory_space<vmem_shared>> -> memref<10240x128xf32, #tpu.memory_space<vmem_shared>>
    tpu.wait_indirect_dma semaphore(%arg23 : memref<!tpu.dma_semaphore, #tpu.memory_space<semaphore_mem>>) src(%arg17 : memref<80x128xf32, #tpu.memory_space<vmem>>) dst(%dma_wait3A_26 : memref<10240x128xf32, #tpu.memory_space<vmem_shared>>)
    %dma_wait3A_27 = arith.constant 0 : i32
    %dma_wait3A_28 = arith.constant 0 : i32
    %dma_wait3A_29 = tpu.memref_slice %arg18[%dma_wait3A_27, %dma_wait3A_28] : memref<10240x128xf32, #tpu.memory_space<vmem_shared>> -> memref<10240x128xf32, #tpu.memory_space<vmem_shared>>
    tpu.wait_indirect_dma semaphore(%arg24 : memref<!tpu.dma_semaphore, #tpu.memory_space<semaphore_mem>>) src(%arg16 : memref<80x128xf32, #tpu.memory_space<vmem>>) dst(%dma_wait3A_29 : memref<10240x128xf32, #tpu.memory_space<vmem_shared>>)
    %dma_wait3A_30 = arith.constant 0 : i32
    %dma_wait3A_31 = arith.constant 0 : i32
    %dma_wait3A_32 = tpu.memref_slice %arg18[%dma_wait3A_30, %dma_wait3A_31] : memref<10240x128xf32, #tpu.memory_space<vmem_shared>> -> memref<10240x128xf32, #tpu.memory_space<vmem_shared>>
    tpu.wait_indirect_dma semaphore(%arg24 : memref<!tpu.dma_semaphore, #tpu.memory_space<semaphore_mem>>) src(%arg17 : memref<80x128xf32, #tpu.memory_space<vmem>>) dst(%dma_wait3A_32 : memref<10240x128xf32, #tpu.memory_space<vmem_shared>>)
    %dma_wait3A_33 = arith.constant 0 : i32
    %dma_wait3A_34 = arith.constant 0 : i32
    %dma_wait3A_35 = tpu.memref_slice %arg18[%dma_wait3A_33, %dma_wait3A_34] : memref<10240x128xf32, #tpu.memory_space<vmem_shared>> -> memref<10240x128xf32, #tpu.memory_space<vmem_shared>>
    tpu.wait_indirect_dma semaphore(%arg25 : memref<!tpu.dma_semaphore, #tpu.memory_space<semaphore_mem>>) src(%arg16 : memref<80x128xf32, #tpu.memory_space<vmem>>) dst(%dma_wait3A_35 : memref<10240x128xf32, #tpu.memory_space<vmem_shared>>)
    %dma_wait3A_36 = arith.constant 0 : i32
    %dma_wait3A_37 = arith.constant 0 : i32
    %dma_wait3A_38 = tpu.memref_slice %arg18[%dma_wait3A_36, %dma_wait3A_37] : memref<10240x128xf32, #tpu.memory_space<vmem_shared>> -> memref<10240x128xf32, #tpu.memory_space<vmem_shared>>
    tpu.wait_indirect_dma semaphore(%arg25 : memref<!tpu.dma_semaphore, #tpu.memory_space<semaphore_mem>>) src(%arg17 : memref<80x128xf32, #tpu.memory_space<vmem>>) dst(%dma_wait3A_38 : memref<10240x128xf32, #tpu.memory_space<vmem_shared>>)
    %dma_wait3A_39 = arith.constant 0 : i32
    %dma_wait3A_40 = arith.constant 0 : i32
    %dma_wait3A_41 = tpu.memref_slice %arg18[%dma_wait3A_39, %dma_wait3A_40] : memref<10240x128xf32, #tpu.memory_space<vmem_shared>> -> memref<10240x128xf32, #tpu.memory_space<vmem_shared>>
    tpu.wait_indirect_dma semaphore(%arg26 : memref<!tpu.dma_semaphore, #tpu.memory_space<semaphore_mem>>) src(%arg16 : memref<80x128xf32, #tpu.memory_space<vmem>>) dst(%dma_wait3A_41 : memref<10240x128xf32, #tpu.memory_space<vmem_shared>>)
    %dma_wait3A_42 = arith.constant 0 : i32
    %dma_wait3A_43 = arith.constant 0 : i32
    %dma_wait3A_44 = tpu.memref_slice %arg18[%dma_wait3A_42, %dma_wait3A_43] : memref<10240x128xf32, #tpu.memory_space<vmem_shared>> -> memref<10240x128xf32, #tpu.memory_space<vmem_shared>>
    tpu.wait_indirect_dma semaphore(%arg26 : memref<!tpu.dma_semaphore, #tpu.memory_space<semaphore_mem>>) src(%arg17 : memref<80x128xf32, #tpu.memory_space<vmem>>) dst(%dma_wait3A_44 : memref<10240x128xf32, #tpu.memory_space<vmem_shared>>)
    %barrier3A_45 = arith.constant 0 : index
    tpu.barrier barrier_id(%barrier3A_45)
    "tpu.region"() ({
      %run_scoped3A = tpu.sem_alloc : memref<!tpu.dma_semaphore, #tpu.memory_space<semaphore_mem>>
      %dma_start3A_46 = arith.constant 0 : i32
      %dma_start3A_47 = tpu.memref_slice %arg7[%arg0, %mul3A_2, %dma_start3A_46] : memref<2x10240x128xf32, #tpu.memory_space<hbm>> -> memref<1x640x128xf32, #tpu.memory_space<hbm>>
      %dma_start3A_48 = tpu.memref_squeeze %dma_start3A_47 : memref<1x640x128xf32, #tpu.memory_space<hbm>> -> memref<640x128xf32, #tpu.memory_space<hbm>>
      %dma_start3A_49 = arith.constant 0 : i32
      %dma_start3A_50 = tpu.memref_slice %arg18[%mul3A_2, %dma_start3A_49] : memref<10240x128xf32, #tpu.memory_space<vmem_shared>> -> memref<640x128xf32, #tpu.memory_space<vmem_shared>>
      tpu.enqueue_dma source(%dma_start3A_50 : memref<640x128xf32, #tpu.memory_space<vmem_shared>>) target(%dma_start3A_48 : memref<640x128xf32, #tpu.memory_space<hbm>>) target_semaphore(%run_scoped3A : memref<!tpu.dma_semaphore, #tpu.memory_space<semaphore_mem>>)
      %dma_wait3A_51 = arith.constant 0 : i32
      %dma_wait3A_52 = tpu.memref_slice %arg7[%arg0, %mul3A_2, %dma_wait3A_51] : memref<2x10240x128xf32, #tpu.memory_space<hbm>> -> memref<1x640x128xf32, #tpu.memory_space<hbm>>
      %dma_wait3A_53 = tpu.memref_squeeze %dma_wait3A_52 : memref<1x640x128xf32, #tpu.memory_space<hbm>> -> memref<640x128xf32, #tpu.memory_space<hbm>>
      %dma_wait3A_54 = arith.constant 0 : i32
      %dma_wait3A_55 = tpu.memref_slice %arg18[%mul3A_2, %dma_wait3A_54] : memref<10240x128xf32, #tpu.memory_space<vmem_shared>> -> memref<640x128xf32, #tpu.memory_space<vmem_shared>>
      tpu.wait_dma2 semaphore(%run_scoped3A : memref<!tpu.dma_semaphore, #tpu.memory_space<semaphore_mem>>) src(%dma_wait3A_55 : memref<640x128xf32, #tpu.memory_space<vmem_shared>>) dst(%dma_wait3A_53 : memref<640x128xf32, #tpu.memory_space<hbm>>)
      tpu.yield
    }) : () -> ()
    return
  }
}

#map = affine_map<(d0, d1) -> (0, 0)>
#map1 = affine_map<(d0, d1) -> (0)>
#map2 = affine_map<(d0, d1) -> (0, 0, 0)>
module attributes {stable_mosaic.version = 14 : i64} {
  func.func @_sc_aggregate(%arg0: i32, %arg1: i32, %arg2: memref<10000x128xf32, #tpu.memory_space<hbm>>, %arg3: memref<320000xi32, #tpu.memory_space<hbm>>, %arg4: memref<320000xi32, #tpu.memory_space<hbm>>, %arg5: memref<640x128xf32, #tpu.memory_space<hbm>>, %arg6: memref<2x10240x128xf32, #tpu.memory_space<hbm>>, %arg7: memref<80xi32, #tpu.memory_space<vmem>>, %arg8: memref<80xi32, #tpu.memory_space<vmem>>, %arg9: memref<80xi32, #tpu.memory_space<vmem>>, %arg10: memref<80xi32, #tpu.memory_space<vmem>>, %arg11: memref<80xi32, #tpu.memory_space<vmem>>, %arg12: memref<80xi32, #tpu.memory_space<vmem>>, %arg13: memref<80xi32, #tpu.memory_space<vmem>>, %arg14: memref<80xi32, #tpu.memory_space<vmem>>, %arg15: memref<4x80x128xf32, #tpu.memory_space<vmem>>, %arg16: memref<10240x128xf32, #tpu.memory_space<vmem_shared>>, %arg17: memref<!tpu.dma_semaphore, #tpu.memory_space<semaphore_mem>>, %arg18: memref<!tpu.dma_semaphore, #tpu.memory_space<semaphore_mem>>, %arg19: memref<!tpu.dma_semaphore, #tpu.memory_space<semaphore_mem>>, %arg20: memref<!tpu.dma_semaphore, #tpu.memory_space<semaphore_mem>>, %arg21: memref<!tpu.dma_semaphore, #tpu.memory_space<semaphore_mem>>, %arg22: memref<!tpu.dma_semaphore, #tpu.memory_space<semaphore_mem>>, %arg23: memref<!tpu.dma_semaphore, #tpu.memory_space<semaphore_mem>>, %arg24: memref<!tpu.dma_semaphore, #tpu.memory_space<semaphore_mem>>) attributes {dimension_semantics = [#tpu.dimension_semantics<core_parallel>, #tpu.dimension_semantics<subcore_parallel>], iteration_bounds = array<i64: 2, 16>, scalar_prefetch = 0 : i64, scratch_operands = 18 : i64, tpu.core_type = #tpu.core_type<sc_vector_subcore>, window_params = [{transform_indices = #map}, {transform_indices = #map1}, {transform_indices = #map1}, {transform_indices = #map}, {transform_indices = #map2}]} {
    %mul3A = arith.constant 2 : i32
    %mul3A_0 = arith.muli %arg1, %mul3A : i32
    %add3A = arith.addi %mul3A_0, %arg0 : i32
    %mul3A_1 = arith.constant 640 : i32
    %mul3A_2 = arith.muli %arg1, %mul3A_1 : i32
    "tpu.region"() ({
      %run_scoped3A = tpu.sem_alloc : memref<!tpu.dma_semaphore, #tpu.memory_space<semaphore_mem>>
      %dma_start3A_64 = arith.constant 0 : i32
      %dma_start3A_65 = tpu.memref_slice %arg16[%mul3A_2, %dma_start3A_64] : memref<10240x128xf32, #tpu.memory_space<vmem_shared>> -> memref<640x128xf32, #tpu.memory_space<vmem_shared>>
      tpu.enqueue_dma source(%arg5 : memref<640x128xf32, #tpu.memory_space<hbm>>) target(%dma_start3A_65 : memref<640x128xf32, #tpu.memory_space<vmem_shared>>) target_semaphore(%run_scoped3A : memref<!tpu.dma_semaphore, #tpu.memory_space<semaphore_mem>>)
      %dma_wait3A_66 = arith.constant 0 : i32
      %dma_wait3A_67 = tpu.memref_slice %arg16[%mul3A_2, %dma_wait3A_66] : memref<10240x128xf32, #tpu.memory_space<vmem_shared>> -> memref<640x128xf32, #tpu.memory_space<vmem_shared>>
      tpu.wait_dma2 semaphore(%run_scoped3A : memref<!tpu.dma_semaphore, #tpu.memory_space<semaphore_mem>>) src(%arg5 : memref<640x128xf32, #tpu.memory_space<hbm>>) dst(%dma_wait3A_67 : memref<640x128xf32, #tpu.memory_space<vmem_shared>>)
      tpu.yield
    }) : () -> ()
    %barrier3A = arith.constant 0 : index
    tpu.barrier barrier_id(%barrier3A)
    %add3A_3 = arith.constant 0 : i32
    %add3A_4 = arith.addi %add3A, %add3A_3 : i32
    %mul3A_5 = arith.constant 80 : i32
    %mul3A_6 = arith.muli %add3A_4, %mul3A_5 : i32
    %multiple_of3A = tpu.assume_multiple %mul3A_6, 8 : i32
    "tpu.region"() ({
      %run_scoped3A = tpu.sem_alloc : memref<!tpu.dma_semaphore, #tpu.memory_space<semaphore_mem>>
      %dma_start3A_64 = tpu.memref_slice %arg3[%multiple_of3A] : memref<320000xi32, #tpu.memory_space<hbm>> -> memref<80xi32, #tpu.memory_space<hbm>>
      %dma_start3A_65 = tpu.memref_slice %arg3[%multiple_of3A] : memref<320000xi32, #tpu.memory_space<hbm>> -> memref<80xi32, #tpu.memory_space<hbm>>
      tpu.enqueue_dma source(%dma_start3A_65 : memref<80xi32, #tpu.memory_space<hbm>>) target(%arg7 : memref<80xi32, #tpu.memory_space<vmem>>) target_semaphore(%run_scoped3A : memref<!tpu.dma_semaphore, #tpu.memory_space<semaphore_mem>>)
      %dma_wait3A_66 = tpu.memref_slice %arg3[%multiple_of3A] : memref<320000xi32, #tpu.memory_space<hbm>> -> memref<80xi32, #tpu.memory_space<hbm>>
      %dma_wait3A_67 = tpu.memref_slice %arg3[%multiple_of3A] : memref<320000xi32, #tpu.memory_space<hbm>> -> memref<80xi32, #tpu.memory_space<hbm>>
      tpu.wait_dma2 semaphore(%run_scoped3A : memref<!tpu.dma_semaphore, #tpu.memory_space<semaphore_mem>>) src(%dma_wait3A_67 : memref<80xi32, #tpu.memory_space<hbm>>) dst(%arg7 : memref<80xi32, #tpu.memory_space<vmem>>)
      tpu.yield
    }) : () -> ()
    "tpu.region"() ({
      %run_scoped3A = tpu.sem_alloc : memref<!tpu.dma_semaphore, #tpu.memory_space<semaphore_mem>>
      %dma_start3A_64 = tpu.memref_slice %arg4[%multiple_of3A] : memref<320000xi32, #tpu.memory_space<hbm>> -> memref<80xi32, #tpu.memory_space<hbm>>
      %dma_start3A_65 = tpu.memref_slice %arg4[%multiple_of3A] : memref<320000xi32, #tpu.memory_space<hbm>> -> memref<80xi32, #tpu.memory_space<hbm>>
      tpu.enqueue_dma source(%dma_start3A_65 : memref<80xi32, #tpu.memory_space<hbm>>) target(%arg11 : memref<80xi32, #tpu.memory_space<vmem>>) target_semaphore(%run_scoped3A : memref<!tpu.dma_semaphore, #tpu.memory_space<semaphore_mem>>)
      %dma_wait3A_66 = tpu.memref_slice %arg4[%multiple_of3A] : memref<320000xi32, #tpu.memory_space<hbm>> -> memref<80xi32, #tpu.memory_space<hbm>>
      %dma_wait3A_67 = tpu.memref_slice %arg4[%multiple_of3A] : memref<320000xi32, #tpu.memory_space<hbm>> -> memref<80xi32, #tpu.memory_space<hbm>>
      tpu.wait_dma2 semaphore(%run_scoped3A : memref<!tpu.dma_semaphore, #tpu.memory_space<semaphore_mem>>) src(%dma_wait3A_67 : memref<80xi32, #tpu.memory_space<hbm>>) dst(%arg11 : memref<80xi32, #tpu.memory_space<vmem>>)
      tpu.yield
    }) : () -> ()
    %dma_start3A = arith.constant 0 : i32
    %dma_start3A_7 = arith.constant 0 : i32
    %dma_start3A_8 = arith.constant 0 : i32
    %dma_start3A_9 = tpu.memref_slice %arg15[%dma_start3A, %dma_start3A_7, %dma_start3A_8] : memref<4x80x128xf32, #tpu.memory_space<vmem>> -> memref<1x80x128xf32, #tpu.memory_space<vmem>>
    %dma_start3A_10 = tpu.memref_squeeze %dma_start3A_9 : memref<1x80x128xf32, #tpu.memory_space<vmem>> -> memref<80x128xf32, #tpu.memory_space<vmem>>
    %dma_start3A_11 = arith.constant 0 : i32
    %dma_start3A_12 = arith.constant 0 : i32
    %dma_start3A_13 = tpu.memref_slice %arg2[%dma_start3A_11, %dma_start3A_12] : memref<10000x128xf32, #tpu.memory_space<hbm>> -> memref<10000x128xf32, #tpu.memory_space<hbm>>
    tpu.enqueue_indirect_dma source(%dma_start3A_13 : memref<10000x128xf32, #tpu.memory_space<hbm>>) target(%dma_start3A_10 : memref<80x128xf32, #tpu.memory_space<vmem>>) offsets(%arg7 : memref<80xi32, #tpu.memory_space<vmem>>) semaphore(%arg17 : memref<!tpu.dma_semaphore, #tpu.memory_space<semaphore_mem>>)
    %add3A_14 = arith.constant 32 : i32
    %add3A_15 = arith.addi %add3A, %add3A_14 : i32
    %mul3A_16 = arith.constant 80 : i32
    %mul3A_17 = arith.muli %add3A_15, %mul3A_16 : i32
    %multiple_of3A_18 = tpu.assume_multiple %mul3A_17, 8 : i32
    "tpu.region"() ({
      %run_scoped3A = tpu.sem_alloc : memref<!tpu.dma_semaphore, #tpu.memory_space<semaphore_mem>>
      %dma_start3A_64 = tpu.memref_slice %arg3[%multiple_of3A_18] : memref<320000xi32, #tpu.memory_space<hbm>> -> memref<80xi32, #tpu.memory_space<hbm>>
      %dma_start3A_65 = tpu.memref_slice %arg3[%multiple_of3A_18] : memref<320000xi32, #tpu.memory_space<hbm>> -> memref<80xi32, #tpu.memory_space<hbm>>
      tpu.enqueue_dma source(%dma_start3A_65 : memref<80xi32, #tpu.memory_space<hbm>>) target(%arg8 : memref<80xi32, #tpu.memory_space<vmem>>) target_semaphore(%run_scoped3A : memref<!tpu.dma_semaphore, #tpu.memory_space<semaphore_mem>>)
      %dma_wait3A_66 = tpu.memref_slice %arg3[%multiple_of3A_18] : memref<320000xi32, #tpu.memory_space<hbm>> -> memref<80xi32, #tpu.memory_space<hbm>>
      %dma_wait3A_67 = tpu.memref_slice %arg3[%multiple_of3A_18] : memref<320000xi32, #tpu.memory_space<hbm>> -> memref<80xi32, #tpu.memory_space<hbm>>
      tpu.wait_dma2 semaphore(%run_scoped3A : memref<!tpu.dma_semaphore, #tpu.memory_space<semaphore_mem>>) src(%dma_wait3A_67 : memref<80xi32, #tpu.memory_space<hbm>>) dst(%arg8 : memref<80xi32, #tpu.memory_space<vmem>>)
      tpu.yield
    }) : () -> ()
    "tpu.region"() ({
      %run_scoped3A = tpu.sem_alloc : memref<!tpu.dma_semaphore, #tpu.memory_space<semaphore_mem>>
      %dma_start3A_64 = tpu.memref_slice %arg4[%multiple_of3A_18] : memref<320000xi32, #tpu.memory_space<hbm>> -> memref<80xi32, #tpu.memory_space<hbm>>
      %dma_start3A_65 = tpu.memref_slice %arg4[%multiple_of3A_18] : memref<320000xi32, #tpu.memory_space<hbm>> -> memref<80xi32, #tpu.memory_space<hbm>>
      tpu.enqueue_dma source(%dma_start3A_65 : memref<80xi32, #tpu.memory_space<hbm>>) target(%arg12 : memref<80xi32, #tpu.memory_space<vmem>>) target_semaphore(%run_scoped3A : memref<!tpu.dma_semaphore, #tpu.memory_space<semaphore_mem>>)
      %dma_wait3A_66 = tpu.memref_slice %arg4[%multiple_of3A_18] : memref<320000xi32, #tpu.memory_space<hbm>> -> memref<80xi32, #tpu.memory_space<hbm>>
      %dma_wait3A_67 = tpu.memref_slice %arg4[%multiple_of3A_18] : memref<320000xi32, #tpu.memory_space<hbm>> -> memref<80xi32, #tpu.memory_space<hbm>>
      tpu.wait_dma2 semaphore(%run_scoped3A : memref<!tpu.dma_semaphore, #tpu.memory_space<semaphore_mem>>) src(%dma_wait3A_67 : memref<80xi32, #tpu.memory_space<hbm>>) dst(%arg12 : memref<80xi32, #tpu.memory_space<vmem>>)
      tpu.yield
    }) : () -> ()
    %dma_start3A_19 = arith.constant 1 : i32
    %dma_start3A_20 = arith.constant 0 : i32
    %dma_start3A_21 = arith.constant 0 : i32
    %dma_start3A_22 = tpu.memref_slice %arg15[%dma_start3A_19, %dma_start3A_20, %dma_start3A_21] : memref<4x80x128xf32, #tpu.memory_space<vmem>> -> memref<1x80x128xf32, #tpu.memory_space<vmem>>
    %dma_start3A_23 = tpu.memref_squeeze %dma_start3A_22 : memref<1x80x128xf32, #tpu.memory_space<vmem>> -> memref<80x128xf32, #tpu.memory_space<vmem>>
    %dma_start3A_24 = arith.constant 0 : i32
    %dma_start3A_25 = arith.constant 0 : i32
    %dma_start3A_26 = tpu.memref_slice %arg2[%dma_start3A_24, %dma_start3A_25] : memref<10000x128xf32, #tpu.memory_space<hbm>> -> memref<10000x128xf32, #tpu.memory_space<hbm>>
    tpu.enqueue_indirect_dma source(%dma_start3A_26 : memref<10000x128xf32, #tpu.memory_space<hbm>>) target(%dma_start3A_23 : memref<80x128xf32, #tpu.memory_space<vmem>>) offsets(%arg8 : memref<80xi32, #tpu.memory_space<vmem>>) semaphore(%arg18 : memref<!tpu.dma_semaphore, #tpu.memory_space<semaphore_mem>>)
    %scan3A = arith.constant 0 : i32
    %scan3A_27 = arith.constant 0 : i32
    %scan3A_28 = arith.constant 32 : i32
    %scan3A_29 = arith.addi %scan3A_27, %scan3A_28 : i32
    %scan3A_30 = arith.constant 1 : i32
    scf.for %scan3A_64 = %scan3A_27 to %scan3A_29 step %scan3A_30  : i32 {
      %mul3A_65 = arith.constant 4 : i32
      %mul3A_66 = arith.muli %scan3A_64, %mul3A_65 : i32
      %add3A_67 = arith.constant 0 : i32
      %add3A_68 = arith.addi %mul3A_66, %add3A_67 : i32
      %mul3A_69 = arith.constant 32 : i32
      %mul3A_70 = arith.muli %add3A_68, %mul3A_69 : i32
      %add3A_71 = arith.addi %add3A, %mul3A_70 : i32
      %lt3A = arith.constant 4000 : i32
      %lt3A_72 = arith.cmpi slt, %add3A_71, %lt3A : i32
      %convert_element_type3A = arith.extui %lt3A_72 : i1 to i32
      %cond3A = arith.constant 0 : i32
      %cond3A_73 = arith.cmpi ne, %convert_element_type3A, %cond3A : i32
      scf.if %cond3A_73 {
        %dma_wait3A_150 = arith.constant 0 : i32
        %dma_wait3A_151 = arith.constant 0 : i32
        %dma_wait3A_152 = arith.constant 0 : i32
        %dma_wait3A_153 = tpu.memref_slice %arg15[%dma_wait3A_150, %dma_wait3A_151, %dma_wait3A_152] : memref<4x80x128xf32, #tpu.memory_space<vmem>> -> memref<1x80x128xf32, #tpu.memory_space<vmem>>
        %dma_wait3A_154 = tpu.memref_squeeze %dma_wait3A_153 : memref<1x80x128xf32, #tpu.memory_space<vmem>> -> memref<80x128xf32, #tpu.memory_space<vmem>>
        %dma_wait3A_155 = arith.constant 0 : i32
        %dma_wait3A_156 = arith.constant 0 : i32
        %dma_wait3A_157 = tpu.memref_slice %arg2[%dma_wait3A_155, %dma_wait3A_156] : memref<10000x128xf32, #tpu.memory_space<hbm>> -> memref<10000x128xf32, #tpu.memory_space<hbm>>
        tpu.wait_indirect_dma semaphore(%arg17 : memref<!tpu.dma_semaphore, #tpu.memory_space<semaphore_mem>>) src(%dma_wait3A_157 : memref<10000x128xf32, #tpu.memory_space<hbm>>) dst(%dma_wait3A_154 : memref<80x128xf32, #tpu.memory_space<vmem>>)
        %dma_start3A_158 = arith.constant 0 : i32
        %dma_start3A_159 = arith.constant 0 : i32
        %dma_start3A_160 = arith.constant 0 : i32
        %dma_start3A_161 = tpu.memref_slice %arg15[%dma_start3A_158, %dma_start3A_159, %dma_start3A_160] : memref<4x80x128xf32, #tpu.memory_space<vmem>> -> memref<1x80x128xf32, #tpu.memory_space<vmem>>
        %dma_start3A_162 = tpu.memref_squeeze %dma_start3A_161 : memref<1x80x128xf32, #tpu.memory_space<vmem>> -> memref<80x128xf32, #tpu.memory_space<vmem>>
        %dma_start3A_163 = arith.constant 0 : i32
        %dma_start3A_164 = arith.constant 0 : i32
        %dma_start3A_165 = tpu.memref_slice %arg16[%dma_start3A_163, %dma_start3A_164] : memref<10240x128xf32, #tpu.memory_space<vmem_shared>> -> memref<10240x128xf32, #tpu.memory_space<vmem_shared>>
        tpu.enqueue_indirect_dma source(%dma_start3A_162 : memref<80x128xf32, #tpu.memory_space<vmem>>) target(%dma_start3A_165 : memref<10240x128xf32, #tpu.memory_space<vmem_shared>>) offsets(%arg11 : memref<80xi32, #tpu.memory_space<vmem>>) semaphore(%arg21 : memref<!tpu.dma_semaphore, #tpu.memory_space<semaphore_mem>>) {add = true}
      } else {
      }
      %add3A_74 = arith.constant 2 : i32
      %add3A_75 = arith.addi %add3A_68, %add3A_74 : i32
      %mul3A_76 = arith.constant 32 : i32
      %mul3A_77 = arith.muli %add3A_75, %mul3A_76 : i32
      %add3A_78 = arith.addi %add3A, %mul3A_77 : i32
      %lt3A_79 = arith.constant 4000 : i32
      %lt3A_80 = arith.cmpi slt, %add3A_78, %lt3A_79 : i32
      %convert_element_type3A_81 = arith.extui %lt3A_80 : i1 to i32
      %cond3A_82 = arith.constant 0 : i32
      %cond3A_83 = arith.cmpi ne, %convert_element_type3A_81, %cond3A_82 : i32
      scf.if %cond3A_83 {
        %ge3A = arith.constant 2 : i32
        %ge3A_150 = arith.cmpi sge, %add3A_68, %ge3A : i32
        %convert_element_type3A_151 = arith.extui %ge3A_150 : i1 to i32
        %cond3A_152 = arith.constant 0 : i32
        %cond3A_153 = arith.cmpi ne, %convert_element_type3A_151, %cond3A_152 : i32
        scf.if %cond3A_153 {
          %dma_wait3A_170 = arith.constant 2 : i32
          %dma_wait3A_171 = arith.constant 0 : i32
          %dma_wait3A_172 = arith.constant 0 : i32
          %dma_wait3A_173 = tpu.memref_slice %arg15[%dma_wait3A_170, %dma_wait3A_171, %dma_wait3A_172] : memref<4x80x128xf32, #tpu.memory_space<vmem>> -> memref<1x80x128xf32, #tpu.memory_space<vmem>>
          %dma_wait3A_174 = tpu.memref_squeeze %dma_wait3A_173 : memref<1x80x128xf32, #tpu.memory_space<vmem>> -> memref<80x128xf32, #tpu.memory_space<vmem>>
          %dma_wait3A_175 = arith.constant 0 : i32
          %dma_wait3A_176 = arith.constant 0 : i32
          %dma_wait3A_177 = tpu.memref_slice %arg16[%dma_wait3A_175, %dma_wait3A_176] : memref<10240x128xf32, #tpu.memory_space<vmem_shared>> -> memref<10240x128xf32, #tpu.memory_space<vmem_shared>>
          tpu.wait_indirect_dma semaphore(%arg23 : memref<!tpu.dma_semaphore, #tpu.memory_space<semaphore_mem>>) src(%dma_wait3A_174 : memref<80x128xf32, #tpu.memory_space<vmem>>) dst(%dma_wait3A_177 : memref<10240x128xf32, #tpu.memory_space<vmem_shared>>)
        } else {
        }
        %add3A_154 = arith.constant 2 : i32
        %add3A_155 = arith.addi %add3A_68, %add3A_154 : i32
        %mul3A_156 = arith.constant 32 : i32
        %mul3A_157 = arith.muli %add3A_155, %mul3A_156 : i32
        %add3A_158 = arith.addi %add3A, %mul3A_157 : i32
        %mul3A_159 = arith.constant 80 : i32
        %mul3A_160 = arith.muli %add3A_158, %mul3A_159 : i32
        %multiple_of3A_161 = tpu.assume_multiple %mul3A_160, 8 : i32
        "tpu.region"() ({
          %run_scoped3A = tpu.sem_alloc : memref<!tpu.dma_semaphore, #tpu.memory_space<semaphore_mem>>
          %dma_start3A_170 = tpu.memref_slice %arg3[%multiple_of3A_161] : memref<320000xi32, #tpu.memory_space<hbm>> -> memref<80xi32, #tpu.memory_space<hbm>>
          %dma_start3A_171 = tpu.memref_slice %arg3[%multiple_of3A_161] : memref<320000xi32, #tpu.memory_space<hbm>> -> memref<80xi32, #tpu.memory_space<hbm>>
          tpu.enqueue_dma source(%dma_start3A_171 : memref<80xi32, #tpu.memory_space<hbm>>) target(%arg9 : memref<80xi32, #tpu.memory_space<vmem>>) target_semaphore(%run_scoped3A : memref<!tpu.dma_semaphore, #tpu.memory_space<semaphore_mem>>)
          %dma_wait3A_172 = tpu.memref_slice %arg3[%multiple_of3A_161] : memref<320000xi32, #tpu.memory_space<hbm>> -> memref<80xi32, #tpu.memory_space<hbm>>
          %dma_wait3A_173 = tpu.memref_slice %arg3[%multiple_of3A_161] : memref<320000xi32, #tpu.memory_space<hbm>> -> memref<80xi32, #tpu.memory_space<hbm>>
          tpu.wait_dma2 semaphore(%run_scoped3A : memref<!tpu.dma_semaphore, #tpu.memory_space<semaphore_mem>>) src(%dma_wait3A_173 : memref<80xi32, #tpu.memory_space<hbm>>) dst(%arg9 : memref<80xi32, #tpu.memory_space<vmem>>)
          tpu.yield
        }) : () -> ()
        "tpu.region"() ({
          %run_scoped3A = tpu.sem_alloc : memref<!tpu.dma_semaphore, #tpu.memory_space<semaphore_mem>>
          %dma_start3A_170 = tpu.memref_slice %arg4[%multiple_of3A_161] : memref<320000xi32, #tpu.memory_space<hbm>> -> memref<80xi32, #tpu.memory_space<hbm>>
          %dma_start3A_171 = tpu.memref_slice %arg4[%multiple_of3A_161] : memref<320000xi32, #tpu.memory_space<hbm>> -> memref<80xi32, #tpu.memory_space<hbm>>
          tpu.enqueue_dma source(%dma_start3A_171 : memref<80xi32, #tpu.memory_space<hbm>>) target(%arg13 : memref<80xi32, #tpu.memory_space<vmem>>) target_semaphore(%run_scoped3A : memref<!tpu.dma_semaphore, #tpu.memory_space<semaphore_mem>>)
          %dma_wait3A_172 = tpu.memref_slice %arg4[%multiple_of3A_161] : memref<320000xi32, #tpu.memory_space<hbm>> -> memref<80xi32, #tpu.memory_space<hbm>>
          %dma_wait3A_173 = tpu.memref_slice %arg4[%multiple_of3A_161] : memref<320000xi32, #tpu.memory_space<hbm>> -> memref<80xi32, #tpu.memory_space<hbm>>
          tpu.wait_dma2 semaphore(%run_scoped3A : memref<!tpu.dma_semaphore, #tpu.memory_space<semaphore_mem>>) src(%dma_wait3A_173 : memref<80xi32, #tpu.memory_space<hbm>>) dst(%arg13 : memref<80xi32, #tpu.memory_space<vmem>>)
          tpu.yield
        }) : () -> ()
        %dma_start3A_162 = arith.constant 2 : i32
        %dma_start3A_163 = arith.constant 0 : i32
        %dma_start3A_164 = arith.constant 0 : i32
        %dma_start3A_165 = tpu.memref_slice %arg15[%dma_start3A_162, %dma_start3A_163, %dma_start3A_164] : memref<4x80x128xf32, #tpu.memory_space<vmem>> -> memref<1x80x128xf32, #tpu.memory_space<vmem>>
        %dma_start3A_166 = tpu.memref_squeeze %dma_start3A_165 : memref<1x80x128xf32, #tpu.memory_space<vmem>> -> memref<80x128xf32, #tpu.memory_space<vmem>>
        %dma_start3A_167 = arith.constant 0 : i32
        %dma_start3A_168 = arith.constant 0 : i32
        %dma_start3A_169 = tpu.memref_slice %arg2[%dma_start3A_167, %dma_start3A_168] : memref<10000x128xf32, #tpu.memory_space<hbm>> -> memref<10000x128xf32, #tpu.memory_space<hbm>>
        tpu.enqueue_indirect_dma source(%dma_start3A_169 : memref<10000x128xf32, #tpu.memory_space<hbm>>) target(%dma_start3A_166 : memref<80x128xf32, #tpu.memory_space<vmem>>) offsets(%arg9 : memref<80xi32, #tpu.memory_space<vmem>>) semaphore(%arg19 : memref<!tpu.dma_semaphore, #tpu.memory_space<semaphore_mem>>)
      } else {
      }
      %mul3A_84 = arith.constant 4 : i32
      %mul3A_85 = arith.muli %scan3A_64, %mul3A_84 : i32
      %add3A_86 = arith.constant 1 : i32
      %add3A_87 = arith.addi %mul3A_85, %add3A_86 : i32
      %mul3A_88 = arith.constant 32 : i32
      %mul3A_89 = arith.muli %add3A_87, %mul3A_88 : i32
      %add3A_90 = arith.addi %add3A, %mul3A_89 : i32
      %lt3A_91 = arith.constant 4000 : i32
      %lt3A_92 = arith.cmpi slt, %add3A_90, %lt3A_91 : i32
      %convert_element_type3A_93 = arith.extui %lt3A_92 : i1 to i32
      %cond3A_94 = arith.constant 0 : i32
      %cond3A_95 = arith.cmpi ne, %convert_element_type3A_93, %cond3A_94 : i32
      scf.if %cond3A_95 {
        %dma_wait3A_150 = arith.constant 1 : i32
        %dma_wait3A_151 = arith.constant 0 : i32
        %dma_wait3A_152 = arith.constant 0 : i32
        %dma_wait3A_153 = tpu.memref_slice %arg15[%dma_wait3A_150, %dma_wait3A_151, %dma_wait3A_152] : memref<4x80x128xf32, #tpu.memory_space<vmem>> -> memref<1x80x128xf32, #tpu.memory_space<vmem>>
        %dma_wait3A_154 = tpu.memref_squeeze %dma_wait3A_153 : memref<1x80x128xf32, #tpu.memory_space<vmem>> -> memref<80x128xf32, #tpu.memory_space<vmem>>
        %dma_wait3A_155 = arith.constant 0 : i32
        %dma_wait3A_156 = arith.constant 0 : i32
        %dma_wait3A_157 = tpu.memref_slice %arg2[%dma_wait3A_155, %dma_wait3A_156] : memref<10000x128xf32, #tpu.memory_space<hbm>> -> memref<10000x128xf32, #tpu.memory_space<hbm>>
        tpu.wait_indirect_dma semaphore(%arg18 : memref<!tpu.dma_semaphore, #tpu.memory_space<semaphore_mem>>) src(%dma_wait3A_157 : memref<10000x128xf32, #tpu.memory_space<hbm>>) dst(%dma_wait3A_154 : memref<80x128xf32, #tpu.memory_space<vmem>>)
        %dma_start3A_158 = arith.constant 1 : i32
        %dma_start3A_159 = arith.constant 0 : i32
        %dma_start3A_160 = arith.constant 0 : i32
        %dma_start3A_161 = tpu.memref_slice %arg15[%dma_start3A_158, %dma_start3A_159, %dma_start3A_160] : memref<4x80x128xf32, #tpu.memory_space<vmem>> -> memref<1x80x128xf32, #tpu.memory_space<vmem>>
        %dma_start3A_162 = tpu.memref_squeeze %dma_start3A_161 : memref<1x80x128xf32, #tpu.memory_space<vmem>> -> memref<80x128xf32, #tpu.memory_space<vmem>>
        %dma_start3A_163 = arith.constant 0 : i32
        %dma_start3A_164 = arith.constant 0 : i32
        %dma_start3A_165 = tpu.memref_slice %arg16[%dma_start3A_163, %dma_start3A_164] : memref<10240x128xf32, #tpu.memory_space<vmem_shared>> -> memref<10240x128xf32, #tpu.memory_space<vmem_shared>>
        tpu.enqueue_indirect_dma source(%dma_start3A_162 : memref<80x128xf32, #tpu.memory_space<vmem>>) target(%dma_start3A_165 : memref<10240x128xf32, #tpu.memory_space<vmem_shared>>) offsets(%arg12 : memref<80xi32, #tpu.memory_space<vmem>>) semaphore(%arg22 : memref<!tpu.dma_semaphore, #tpu.memory_space<semaphore_mem>>) {add = true}
      } else {
      }
      %add3A_96 = arith.constant 2 : i32
      %add3A_97 = arith.addi %add3A_87, %add3A_96 : i32
      %mul3A_98 = arith.constant 32 : i32
      %mul3A_99 = arith.muli %add3A_97, %mul3A_98 : i32
      %add3A_100 = arith.addi %add3A, %mul3A_99 : i32
      %lt3A_101 = arith.constant 4000 : i32
      %lt3A_102 = arith.cmpi slt, %add3A_100, %lt3A_101 : i32
      %convert_element_type3A_103 = arith.extui %lt3A_102 : i1 to i32
      %cond3A_104 = arith.constant 0 : i32
      %cond3A_105 = arith.cmpi ne, %convert_element_type3A_103, %cond3A_104 : i32
      scf.if %cond3A_105 {
        %ge3A = arith.constant 2 : i32
        %ge3A_150 = arith.cmpi sge, %add3A_87, %ge3A : i32
        %convert_element_type3A_151 = arith.extui %ge3A_150 : i1 to i32
        %cond3A_152 = arith.constant 0 : i32
        %cond3A_153 = arith.cmpi ne, %convert_element_type3A_151, %cond3A_152 : i32
        scf.if %cond3A_153 {
          %dma_wait3A_170 = arith.constant 3 : i32
          %dma_wait3A_171 = arith.constant 0 : i32
          %dma_wait3A_172 = arith.constant 0 : i32
          %dma_wait3A_173 = tpu.memref_slice %arg15[%dma_wait3A_170, %dma_wait3A_171, %dma_wait3A_172] : memref<4x80x128xf32, #tpu.memory_space<vmem>> -> memref<1x80x128xf32, #tpu.memory_space<vmem>>
          %dma_wait3A_174 = tpu.memref_squeeze %dma_wait3A_173 : memref<1x80x128xf32, #tpu.memory_space<vmem>> -> memref<80x128xf32, #tpu.memory_space<vmem>>
          %dma_wait3A_175 = arith.constant 0 : i32
          %dma_wait3A_176 = arith.constant 0 : i32
          %dma_wait3A_177 = tpu.memref_slice %arg16[%dma_wait3A_175, %dma_wait3A_176] : memref<10240x128xf32, #tpu.memory_space<vmem_shared>> -> memref<10240x128xf32, #tpu.memory_space<vmem_shared>>
          tpu.wait_indirect_dma semaphore(%arg24 : memref<!tpu.dma_semaphore, #tpu.memory_space<semaphore_mem>>) src(%dma_wait3A_174 : memref<80x128xf32, #tpu.memory_space<vmem>>) dst(%dma_wait3A_177 : memref<10240x128xf32, #tpu.memory_space<vmem_shared>>)
        } else {
        }
        %add3A_154 = arith.constant 2 : i32
        %add3A_155 = arith.addi %add3A_87, %add3A_154 : i32
        %mul3A_156 = arith.constant 32 : i32
        %mul3A_157 = arith.muli %add3A_155, %mul3A_156 : i32
        %add3A_158 = arith.addi %add3A, %mul3A_157 : i32
        %mul3A_159 = arith.constant 80 : i32
        %mul3A_160 = arith.muli %add3A_158, %mul3A_159 : i32
        %multiple_of3A_161 = tpu.assume_multiple %mul3A_160, 8 : i32
        "tpu.region"() ({
          %run_scoped3A = tpu.sem_alloc : memref<!tpu.dma_semaphore, #tpu.memory_space<semaphore_mem>>
          %dma_start3A_170 = tpu.memref_slice %arg3[%multiple_of3A_161] : memref<320000xi32, #tpu.memory_space<hbm>> -> memref<80xi32, #tpu.memory_space<hbm>>
          %dma_start3A_171 = tpu.memref_slice %arg3[%multiple_of3A_161] : memref<320000xi32, #tpu.memory_space<hbm>> -> memref<80xi32, #tpu.memory_space<hbm>>
          tpu.enqueue_dma source(%dma_start3A_171 : memref<80xi32, #tpu.memory_space<hbm>>) target(%arg10 : memref<80xi32, #tpu.memory_space<vmem>>) target_semaphore(%run_scoped3A : memref<!tpu.dma_semaphore, #tpu.memory_space<semaphore_mem>>)
          %dma_wait3A_172 = tpu.memref_slice %arg3[%multiple_of3A_161] : memref<320000xi32, #tpu.memory_space<hbm>> -> memref<80xi32, #tpu.memory_space<hbm>>
          %dma_wait3A_173 = tpu.memref_slice %arg3[%multiple_of3A_161] : memref<320000xi32, #tpu.memory_space<hbm>> -> memref<80xi32, #tpu.memory_space<hbm>>
          tpu.wait_dma2 semaphore(%run_scoped3A : memref<!tpu.dma_semaphore, #tpu.memory_space<semaphore_mem>>) src(%dma_wait3A_173 : memref<80xi32, #tpu.memory_space<hbm>>) dst(%arg10 : memref<80xi32, #tpu.memory_space<vmem>>)
          tpu.yield
        }) : () -> ()
        "tpu.region"() ({
          %run_scoped3A = tpu.sem_alloc : memref<!tpu.dma_semaphore, #tpu.memory_space<semaphore_mem>>
          %dma_start3A_170 = tpu.memref_slice %arg4[%multiple_of3A_161] : memref<320000xi32, #tpu.memory_space<hbm>> -> memref<80xi32, #tpu.memory_space<hbm>>
          %dma_start3A_171 = tpu.memref_slice %arg4[%multiple_of3A_161] : memref<320000xi32, #tpu.memory_space<hbm>> -> memref<80xi32, #tpu.memory_space<hbm>>
          tpu.enqueue_dma source(%dma_start3A_171 : memref<80xi32, #tpu.memory_space<hbm>>) target(%arg14 : memref<80xi32, #tpu.memory_space<vmem>>) target_semaphore(%run_scoped3A : memref<!tpu.dma_semaphore, #tpu.memory_space<semaphore_mem>>)
          %dma_wait3A_172 = tpu.memref_slice %arg4[%multiple_of3A_161] : memref<320000xi32, #tpu.memory_space<hbm>> -> memref<80xi32, #tpu.memory_space<hbm>>
          %dma_wait3A_173 = tpu.memref_slice %arg4[%multiple_of3A_161] : memref<320000xi32, #tpu.memory_space<hbm>> -> memref<80xi32, #tpu.memory_space<hbm>>
          tpu.wait_dma2 semaphore(%run_scoped3A : memref<!tpu.dma_semaphore, #tpu.memory_space<semaphore_mem>>) src(%dma_wait3A_173 : memref<80xi32, #tpu.memory_space<hbm>>) dst(%arg14 : memref<80xi32, #tpu.memory_space<vmem>>)
          tpu.yield
        }) : () -> ()
        %dma_start3A_162 = arith.constant 3 : i32
        %dma_start3A_163 = arith.constant 0 : i32
        %dma_start3A_164 = arith.constant 0 : i32
        %dma_start3A_165 = tpu.memref_slice %arg15[%dma_start3A_162, %dma_start3A_163, %dma_start3A_164] : memref<4x80x128xf32, #tpu.memory_space<vmem>> -> memref<1x80x128xf32, #tpu.memory_space<vmem>>
        %dma_start3A_166 = tpu.memref_squeeze %dma_start3A_165 : memref<1x80x128xf32, #tpu.memory_space<vmem>> -> memref<80x128xf32, #tpu.memory_space<vmem>>
        %dma_start3A_167 = arith.constant 0 : i32
        %dma_start3A_168 = arith.constant 0 : i32
        %dma_start3A_169 = tpu.memref_slice %arg2[%dma_start3A_167, %dma_start3A_168] : memref<10000x128xf32, #tpu.memory_space<hbm>> -> memref<10000x128xf32, #tpu.memory_space<hbm>>
        tpu.enqueue_indirect_dma source(%dma_start3A_169 : memref<10000x128xf32, #tpu.memory_space<hbm>>) target(%dma_start3A_166 : memref<80x128xf32, #tpu.memory_space<vmem>>) offsets(%arg10 : memref<80xi32, #tpu.memory_space<vmem>>) semaphore(%arg20 : memref<!tpu.dma_semaphore, #tpu.memory_space<semaphore_mem>>)
      } else {
      }
      %mul3A_106 = arith.constant 4 : i32
      %mul3A_107 = arith.muli %scan3A_64, %mul3A_106 : i32
      %add3A_108 = arith.constant 2 : i32
      %add3A_109 = arith.addi %mul3A_107, %add3A_108 : i32
      %mul3A_110 = arith.constant 32 : i32
      %mul3A_111 = arith.muli %add3A_109, %mul3A_110 : i32
      %add3A_112 = arith.addi %add3A, %mul3A_111 : i32
      %lt3A_113 = arith.constant 4000 : i32
      %lt3A_114 = arith.cmpi slt, %add3A_112, %lt3A_113 : i32
      %convert_element_type3A_115 = arith.extui %lt3A_114 : i1 to i32
      %cond3A_116 = arith.constant 0 : i32
      %cond3A_117 = arith.cmpi ne, %convert_element_type3A_115, %cond3A_116 : i32
      scf.if %cond3A_117 {
        %dma_wait3A_150 = arith.constant 2 : i32
        %dma_wait3A_151 = arith.constant 0 : i32
        %dma_wait3A_152 = arith.constant 0 : i32
        %dma_wait3A_153 = tpu.memref_slice %arg15[%dma_wait3A_150, %dma_wait3A_151, %dma_wait3A_152] : memref<4x80x128xf32, #tpu.memory_space<vmem>> -> memref<1x80x128xf32, #tpu.memory_space<vmem>>
        %dma_wait3A_154 = tpu.memref_squeeze %dma_wait3A_153 : memref<1x80x128xf32, #tpu.memory_space<vmem>> -> memref<80x128xf32, #tpu.memory_space<vmem>>
        %dma_wait3A_155 = arith.constant 0 : i32
        %dma_wait3A_156 = arith.constant 0 : i32
        %dma_wait3A_157 = tpu.memref_slice %arg2[%dma_wait3A_155, %dma_wait3A_156] : memref<10000x128xf32, #tpu.memory_space<hbm>> -> memref<10000x128xf32, #tpu.memory_space<hbm>>
        tpu.wait_indirect_dma semaphore(%arg19 : memref<!tpu.dma_semaphore, #tpu.memory_space<semaphore_mem>>) src(%dma_wait3A_157 : memref<10000x128xf32, #tpu.memory_space<hbm>>) dst(%dma_wait3A_154 : memref<80x128xf32, #tpu.memory_space<vmem>>)
        %dma_start3A_158 = arith.constant 2 : i32
        %dma_start3A_159 = arith.constant 0 : i32
        %dma_start3A_160 = arith.constant 0 : i32
        %dma_start3A_161 = tpu.memref_slice %arg15[%dma_start3A_158, %dma_start3A_159, %dma_start3A_160] : memref<4x80x128xf32, #tpu.memory_space<vmem>> -> memref<1x80x128xf32, #tpu.memory_space<vmem>>
        %dma_start3A_162 = tpu.memref_squeeze %dma_start3A_161 : memref<1x80x128xf32, #tpu.memory_space<vmem>> -> memref<80x128xf32, #tpu.memory_space<vmem>>
        %dma_start3A_163 = arith.constant 0 : i32
        %dma_start3A_164 = arith.constant 0 : i32
        %dma_start3A_165 = tpu.memref_slice %arg16[%dma_start3A_163, %dma_start3A_164] : memref<10240x128xf32, #tpu.memory_space<vmem_shared>> -> memref<10240x128xf32, #tpu.memory_space<vmem_shared>>
        tpu.enqueue_indirect_dma source(%dma_start3A_162 : memref<80x128xf32, #tpu.memory_space<vmem>>) target(%dma_start3A_165 : memref<10240x128xf32, #tpu.memory_space<vmem_shared>>) offsets(%arg13 : memref<80xi32, #tpu.memory_space<vmem>>) semaphore(%arg23 : memref<!tpu.dma_semaphore, #tpu.memory_space<semaphore_mem>>) {add = true}
      } else {
      }
      %add3A_118 = arith.constant 2 : i32
      %add3A_119 = arith.addi %add3A_109, %add3A_118 : i32
      %mul3A_120 = arith.constant 32 : i32
      %mul3A_121 = arith.muli %add3A_119, %mul3A_120 : i32
      %add3A_122 = arith.addi %add3A, %mul3A_121 : i32
      %lt3A_123 = arith.constant 4000 : i32
      %lt3A_124 = arith.cmpi slt, %add3A_122, %lt3A_123 : i32
      %convert_element_type3A_125 = arith.extui %lt3A_124 : i1 to i32
      %cond3A_126 = arith.constant 0 : i32
      %cond3A_127 = arith.cmpi ne, %convert_element_type3A_125, %cond3A_126 : i32
      scf.if %cond3A_127 {
        %ge3A = arith.constant 2 : i32
        %ge3A_150 = arith.cmpi sge, %add3A_109, %ge3A : i32
        %convert_element_type3A_151 = arith.extui %ge3A_150 : i1 to i32
        %cond3A_152 = arith.constant 0 : i32
        %cond3A_153 = arith.cmpi ne, %convert_element_type3A_151, %cond3A_152 : i32
        scf.if %cond3A_153 {
          %dma_wait3A_170 = arith.constant 0 : i32
          %dma_wait3A_171 = arith.constant 0 : i32
          %dma_wait3A_172 = arith.constant 0 : i32
          %dma_wait3A_173 = tpu.memref_slice %arg15[%dma_wait3A_170, %dma_wait3A_171, %dma_wait3A_172] : memref<4x80x128xf32, #tpu.memory_space<vmem>> -> memref<1x80x128xf32, #tpu.memory_space<vmem>>
          %dma_wait3A_174 = tpu.memref_squeeze %dma_wait3A_173 : memref<1x80x128xf32, #tpu.memory_space<vmem>> -> memref<80x128xf32, #tpu.memory_space<vmem>>
          %dma_wait3A_175 = arith.constant 0 : i32
          %dma_wait3A_176 = arith.constant 0 : i32
          %dma_wait3A_177 = tpu.memref_slice %arg16[%dma_wait3A_175, %dma_wait3A_176] : memref<10240x128xf32, #tpu.memory_space<vmem_shared>> -> memref<10240x128xf32, #tpu.memory_space<vmem_shared>>
          tpu.wait_indirect_dma semaphore(%arg21 : memref<!tpu.dma_semaphore, #tpu.memory_space<semaphore_mem>>) src(%dma_wait3A_174 : memref<80x128xf32, #tpu.memory_space<vmem>>) dst(%dma_wait3A_177 : memref<10240x128xf32, #tpu.memory_space<vmem_shared>>)
        } else {
        }
        %add3A_154 = arith.constant 2 : i32
        %add3A_155 = arith.addi %add3A_109, %add3A_154 : i32
        %mul3A_156 = arith.constant 32 : i32
        %mul3A_157 = arith.muli %add3A_155, %mul3A_156 : i32
        %add3A_158 = arith.addi %add3A, %mul3A_157 : i32
        %mul3A_159 = arith.constant 80 : i32
        %mul3A_160 = arith.muli %add3A_158, %mul3A_159 : i32
        %multiple_of3A_161 = tpu.assume_multiple %mul3A_160, 8 : i32
        "tpu.region"() ({
          %run_scoped3A = tpu.sem_alloc : memref<!tpu.dma_semaphore, #tpu.memory_space<semaphore_mem>>
          %dma_start3A_170 = tpu.memref_slice %arg3[%multiple_of3A_161] : memref<320000xi32, #tpu.memory_space<hbm>> -> memref<80xi32, #tpu.memory_space<hbm>>
          %dma_start3A_171 = tpu.memref_slice %arg3[%multiple_of3A_161] : memref<320000xi32, #tpu.memory_space<hbm>> -> memref<80xi32, #tpu.memory_space<hbm>>
          tpu.enqueue_dma source(%dma_start3A_171 : memref<80xi32, #tpu.memory_space<hbm>>) target(%arg7 : memref<80xi32, #tpu.memory_space<vmem>>) target_semaphore(%run_scoped3A : memref<!tpu.dma_semaphore, #tpu.memory_space<semaphore_mem>>)
          %dma_wait3A_172 = tpu.memref_slice %arg3[%multiple_of3A_161] : memref<320000xi32, #tpu.memory_space<hbm>> -> memref<80xi32, #tpu.memory_space<hbm>>
          %dma_wait3A_173 = tpu.memref_slice %arg3[%multiple_of3A_161] : memref<320000xi32, #tpu.memory_space<hbm>> -> memref<80xi32, #tpu.memory_space<hbm>>
          tpu.wait_dma2 semaphore(%run_scoped3A : memref<!tpu.dma_semaphore, #tpu.memory_space<semaphore_mem>>) src(%dma_wait3A_173 : memref<80xi32, #tpu.memory_space<hbm>>) dst(%arg7 : memref<80xi32, #tpu.memory_space<vmem>>)
          tpu.yield
        }) : () -> ()
        "tpu.region"() ({
          %run_scoped3A = tpu.sem_alloc : memref<!tpu.dma_semaphore, #tpu.memory_space<semaphore_mem>>
          %dma_start3A_170 = tpu.memref_slice %arg4[%multiple_of3A_161] : memref<320000xi32, #tpu.memory_space<hbm>> -> memref<80xi32, #tpu.memory_space<hbm>>
          %dma_start3A_171 = tpu.memref_slice %arg4[%multiple_of3A_161] : memref<320000xi32, #tpu.memory_space<hbm>> -> memref<80xi32, #tpu.memory_space<hbm>>
          tpu.enqueue_dma source(%dma_start3A_171 : memref<80xi32, #tpu.memory_space<hbm>>) target(%arg11 : memref<80xi32, #tpu.memory_space<vmem>>) target_semaphore(%run_scoped3A : memref<!tpu.dma_semaphore, #tpu.memory_space<semaphore_mem>>)
          %dma_wait3A_172 = tpu.memref_slice %arg4[%multiple_of3A_161] : memref<320000xi32, #tpu.memory_space<hbm>> -> memref<80xi32, #tpu.memory_space<hbm>>
          %dma_wait3A_173 = tpu.memref_slice %arg4[%multiple_of3A_161] : memref<320000xi32, #tpu.memory_space<hbm>> -> memref<80xi32, #tpu.memory_space<hbm>>
          tpu.wait_dma2 semaphore(%run_scoped3A : memref<!tpu.dma_semaphore, #tpu.memory_space<semaphore_mem>>) src(%dma_wait3A_173 : memref<80xi32, #tpu.memory_space<hbm>>) dst(%arg11 : memref<80xi32, #tpu.memory_space<vmem>>)
          tpu.yield
        }) : () -> ()
        %dma_start3A_162 = arith.constant 0 : i32
        %dma_start3A_163 = arith.constant 0 : i32
        %dma_start3A_164 = arith.constant 0 : i32
        %dma_start3A_165 = tpu.memref_slice %arg15[%dma_start3A_162, %dma_start3A_163, %dma_start3A_164] : memref<4x80x128xf32, #tpu.memory_space<vmem>> -> memref<1x80x128xf32, #tpu.memory_space<vmem>>
        %dma_start3A_166 = tpu.memref_squeeze %dma_start3A_165 : memref<1x80x128xf32, #tpu.memory_space<vmem>> -> memref<80x128xf32, #tpu.memory_space<vmem>>
        %dma_start3A_167 = arith.constant 0 : i32
        %dma_start3A_168 = arith.constant 0 : i32
        %dma_start3A_169 = tpu.memref_slice %arg2[%dma_start3A_167, %dma_start3A_168] : memref<10000x128xf32, #tpu.memory_space<hbm>> -> memref<10000x128xf32, #tpu.memory_space<hbm>>
        tpu.enqueue_indirect_dma source(%dma_start3A_169 : memref<10000x128xf32, #tpu.memory_space<hbm>>) target(%dma_start3A_166 : memref<80x128xf32, #tpu.memory_space<vmem>>) offsets(%arg7 : memref<80xi32, #tpu.memory_space<vmem>>) semaphore(%arg17 : memref<!tpu.dma_semaphore, #tpu.memory_space<semaphore_mem>>)
      } else {
      }
      %mul3A_128 = arith.constant 4 : i32
      %mul3A_129 = arith.muli %scan3A_64, %mul3A_128 : i32
      %add3A_130 = arith.constant 3 : i32
      %add3A_131 = arith.addi %mul3A_129, %add3A_130 : i32
      %mul3A_132 = arith.constant 32 : i32
      %mul3A_133 = arith.muli %add3A_131, %mul3A_132 : i32
      %add3A_134 = arith.addi %add3A, %mul3A_133 : i32
      %lt3A_135 = arith.constant 4000 : i32
      %lt3A_136 = arith.cmpi slt, %add3A_134, %lt3A_135 : i32
      %convert_element_type3A_137 = arith.extui %lt3A_136 : i1 to i32
      %cond3A_138 = arith.constant 0 : i32
      %cond3A_139 = arith.cmpi ne, %convert_element_type3A_137, %cond3A_138 : i32
      scf.if %cond3A_139 {
        %dma_wait3A_150 = arith.constant 3 : i32
        %dma_wait3A_151 = arith.constant 0 : i32
        %dma_wait3A_152 = arith.constant 0 : i32
        %dma_wait3A_153 = tpu.memref_slice %arg15[%dma_wait3A_150, %dma_wait3A_151, %dma_wait3A_152] : memref<4x80x128xf32, #tpu.memory_space<vmem>> -> memref<1x80x128xf32, #tpu.memory_space<vmem>>
        %dma_wait3A_154 = tpu.memref_squeeze %dma_wait3A_153 : memref<1x80x128xf32, #tpu.memory_space<vmem>> -> memref<80x128xf32, #tpu.memory_space<vmem>>
        %dma_wait3A_155 = arith.constant 0 : i32
        %dma_wait3A_156 = arith.constant 0 : i32
        %dma_wait3A_157 = tpu.memref_slice %arg2[%dma_wait3A_155, %dma_wait3A_156] : memref<10000x128xf32, #tpu.memory_space<hbm>> -> memref<10000x128xf32, #tpu.memory_space<hbm>>
        tpu.wait_indirect_dma semaphore(%arg20 : memref<!tpu.dma_semaphore, #tpu.memory_space<semaphore_mem>>) src(%dma_wait3A_157 : memref<10000x128xf32, #tpu.memory_space<hbm>>) dst(%dma_wait3A_154 : memref<80x128xf32, #tpu.memory_space<vmem>>)
        %dma_start3A_158 = arith.constant 3 : i32
        %dma_start3A_159 = arith.constant 0 : i32
        %dma_start3A_160 = arith.constant 0 : i32
        %dma_start3A_161 = tpu.memref_slice %arg15[%dma_start3A_158, %dma_start3A_159, %dma_start3A_160] : memref<4x80x128xf32, #tpu.memory_space<vmem>> -> memref<1x80x128xf32, #tpu.memory_space<vmem>>
        %dma_start3A_162 = tpu.memref_squeeze %dma_start3A_161 : memref<1x80x128xf32, #tpu.memory_space<vmem>> -> memref<80x128xf32, #tpu.memory_space<vmem>>
        %dma_start3A_163 = arith.constant 0 : i32
        %dma_start3A_164 = arith.constant 0 : i32
        %dma_start3A_165 = tpu.memref_slice %arg16[%dma_start3A_163, %dma_start3A_164] : memref<10240x128xf32, #tpu.memory_space<vmem_shared>> -> memref<10240x128xf32, #tpu.memory_space<vmem_shared>>
        tpu.enqueue_indirect_dma source(%dma_start3A_162 : memref<80x128xf32, #tpu.memory_space<vmem>>) target(%dma_start3A_165 : memref<10240x128xf32, #tpu.memory_space<vmem_shared>>) offsets(%arg14 : memref<80xi32, #tpu.memory_space<vmem>>) semaphore(%arg24 : memref<!tpu.dma_semaphore, #tpu.memory_space<semaphore_mem>>) {add = true}
      } else {
      }
      %add3A_140 = arith.constant 2 : i32
      %add3A_141 = arith.addi %add3A_131, %add3A_140 : i32
      %mul3A_142 = arith.constant 32 : i32
      %mul3A_143 = arith.muli %add3A_141, %mul3A_142 : i32
      %add3A_144 = arith.addi %add3A, %mul3A_143 : i32
      %lt3A_145 = arith.constant 4000 : i32
      %lt3A_146 = arith.cmpi slt, %add3A_144, %lt3A_145 : i32
      %convert_element_type3A_147 = arith.extui %lt3A_146 : i1 to i32
      %cond3A_148 = arith.constant 0 : i32
      %cond3A_149 = arith.cmpi ne, %convert_element_type3A_147, %cond3A_148 : i32
      scf.if %cond3A_149 {
        %ge3A = arith.constant 2 : i32
        %ge3A_150 = arith.cmpi sge, %add3A_131, %ge3A : i32
        %convert_element_type3A_151 = arith.extui %ge3A_150 : i1 to i32
        %cond3A_152 = arith.constant 0 : i32
        %cond3A_153 = arith.cmpi ne, %convert_element_type3A_151, %cond3A_152 : i32
        scf.if %cond3A_153 {
          %dma_wait3A_170 = arith.constant 1 : i32
          %dma_wait3A_171 = arith.constant 0 : i32
          %dma_wait3A_172 = arith.constant 0 : i32
          %dma_wait3A_173 = tpu.memref_slice %arg15[%dma_wait3A_170, %dma_wait3A_171, %dma_wait3A_172] : memref<4x80x128xf32, #tpu.memory_space<vmem>> -> memref<1x80x128xf32, #tpu.memory_space<vmem>>
          %dma_wait3A_174 = tpu.memref_squeeze %dma_wait3A_173 : memref<1x80x128xf32, #tpu.memory_space<vmem>> -> memref<80x128xf32, #tpu.memory_space<vmem>>
          %dma_wait3A_175 = arith.constant 0 : i32
          %dma_wait3A_176 = arith.constant 0 : i32
          %dma_wait3A_177 = tpu.memref_slice %arg16[%dma_wait3A_175, %dma_wait3A_176] : memref<10240x128xf32, #tpu.memory_space<vmem_shared>> -> memref<10240x128xf32, #tpu.memory_space<vmem_shared>>
          tpu.wait_indirect_dma semaphore(%arg22 : memref<!tpu.dma_semaphore, #tpu.memory_space<semaphore_mem>>) src(%dma_wait3A_174 : memref<80x128xf32, #tpu.memory_space<vmem>>) dst(%dma_wait3A_177 : memref<10240x128xf32, #tpu.memory_space<vmem_shared>>)
        } else {
        }
        %add3A_154 = arith.constant 2 : i32
        %add3A_155 = arith.addi %add3A_131, %add3A_154 : i32
        %mul3A_156 = arith.constant 32 : i32
        %mul3A_157 = arith.muli %add3A_155, %mul3A_156 : i32
        %add3A_158 = arith.addi %add3A, %mul3A_157 : i32
        %mul3A_159 = arith.constant 80 : i32
        %mul3A_160 = arith.muli %add3A_158, %mul3A_159 : i32
        %multiple_of3A_161 = tpu.assume_multiple %mul3A_160, 8 : i32
        "tpu.region"() ({
          %run_scoped3A = tpu.sem_alloc : memref<!tpu.dma_semaphore, #tpu.memory_space<semaphore_mem>>
          %dma_start3A_170 = tpu.memref_slice %arg3[%multiple_of3A_161] : memref<320000xi32, #tpu.memory_space<hbm>> -> memref<80xi32, #tpu.memory_space<hbm>>
          %dma_start3A_171 = tpu.memref_slice %arg3[%multiple_of3A_161] : memref<320000xi32, #tpu.memory_space<hbm>> -> memref<80xi32, #tpu.memory_space<hbm>>
          tpu.enqueue_dma source(%dma_start3A_171 : memref<80xi32, #tpu.memory_space<hbm>>) target(%arg8 : memref<80xi32, #tpu.memory_space<vmem>>) target_semaphore(%run_scoped3A : memref<!tpu.dma_semaphore, #tpu.memory_space<semaphore_mem>>)
          %dma_wait3A_172 = tpu.memref_slice %arg3[%multiple_of3A_161] : memref<320000xi32, #tpu.memory_space<hbm>> -> memref<80xi32, #tpu.memory_space<hbm>>
          %dma_wait3A_173 = tpu.memref_slice %arg3[%multiple_of3A_161] : memref<320000xi32, #tpu.memory_space<hbm>> -> memref<80xi32, #tpu.memory_space<hbm>>
          tpu.wait_dma2 semaphore(%run_scoped3A : memref<!tpu.dma_semaphore, #tpu.memory_space<semaphore_mem>>) src(%dma_wait3A_173 : memref<80xi32, #tpu.memory_space<hbm>>) dst(%arg8 : memref<80xi32, #tpu.memory_space<vmem>>)
          tpu.yield
        }) : () -> ()
        "tpu.region"() ({
          %run_scoped3A = tpu.sem_alloc : memref<!tpu.dma_semaphore, #tpu.memory_space<semaphore_mem>>
          %dma_start3A_170 = tpu.memref_slice %arg4[%multiple_of3A_161] : memref<320000xi32, #tpu.memory_space<hbm>> -> memref<80xi32, #tpu.memory_space<hbm>>
          %dma_start3A_171 = tpu.memref_slice %arg4[%multiple_of3A_161] : memref<320000xi32, #tpu.memory_space<hbm>> -> memref<80xi32, #tpu.memory_space<hbm>>
          tpu.enqueue_dma source(%dma_start3A_171 : memref<80xi32, #tpu.memory_space<hbm>>) target(%arg12 : memref<80xi32, #tpu.memory_space<vmem>>) target_semaphore(%run_scoped3A : memref<!tpu.dma_semaphore, #tpu.memory_space<semaphore_mem>>)
          %dma_wait3A_172 = tpu.memref_slice %arg4[%multiple_of3A_161] : memref<320000xi32, #tpu.memory_space<hbm>> -> memref<80xi32, #tpu.memory_space<hbm>>
          %dma_wait3A_173 = tpu.memref_slice %arg4[%multiple_of3A_161] : memref<320000xi32, #tpu.memory_space<hbm>> -> memref<80xi32, #tpu.memory_space<hbm>>
          tpu.wait_dma2 semaphore(%run_scoped3A : memref<!tpu.dma_semaphore, #tpu.memory_space<semaphore_mem>>) src(%dma_wait3A_173 : memref<80xi32, #tpu.memory_space<hbm>>) dst(%arg12 : memref<80xi32, #tpu.memory_space<vmem>>)
          tpu.yield
        }) : () -> ()
        %dma_start3A_162 = arith.constant 1 : i32
        %dma_start3A_163 = arith.constant 0 : i32
        %dma_start3A_164 = arith.constant 0 : i32
        %dma_start3A_165 = tpu.memref_slice %arg15[%dma_start3A_162, %dma_start3A_163, %dma_start3A_164] : memref<4x80x128xf32, #tpu.memory_space<vmem>> -> memref<1x80x128xf32, #tpu.memory_space<vmem>>
        %dma_start3A_166 = tpu.memref_squeeze %dma_start3A_165 : memref<1x80x128xf32, #tpu.memory_space<vmem>> -> memref<80x128xf32, #tpu.memory_space<vmem>>
        %dma_start3A_167 = arith.constant 0 : i32
        %dma_start3A_168 = arith.constant 0 : i32
        %dma_start3A_169 = tpu.memref_slice %arg2[%dma_start3A_167, %dma_start3A_168] : memref<10000x128xf32, #tpu.memory_space<hbm>> -> memref<10000x128xf32, #tpu.memory_space<hbm>>
        tpu.enqueue_indirect_dma source(%dma_start3A_169 : memref<10000x128xf32, #tpu.memory_space<hbm>>) target(%dma_start3A_166 : memref<80x128xf32, #tpu.memory_space<vmem>>) offsets(%arg8 : memref<80xi32, #tpu.memory_space<vmem>>) semaphore(%arg18 : memref<!tpu.dma_semaphore, #tpu.memory_space<semaphore_mem>>)
      } else {
      }
    }
    %scan3A_31 = arith.constant 32 : i32
    %dma_wait3A = arith.constant 0 : i32
    %dma_wait3A_32 = arith.constant 0 : i32
    %dma_wait3A_33 = arith.constant 0 : i32
    %dma_wait3A_34 = tpu.memref_slice %arg15[%dma_wait3A, %dma_wait3A_32, %dma_wait3A_33] : memref<4x80x128xf32, #tpu.memory_space<vmem>> -> memref<1x80x128xf32, #tpu.memory_space<vmem>>
    %dma_wait3A_35 = tpu.memref_squeeze %dma_wait3A_34 : memref<1x80x128xf32, #tpu.memory_space<vmem>> -> memref<80x128xf32, #tpu.memory_space<vmem>>
    %dma_wait3A_36 = arith.constant 0 : i32
    %dma_wait3A_37 = arith.constant 0 : i32
    %dma_wait3A_38 = tpu.memref_slice %arg16[%dma_wait3A_36, %dma_wait3A_37] : memref<10240x128xf32, #tpu.memory_space<vmem_shared>> -> memref<10240x128xf32, #tpu.memory_space<vmem_shared>>
    tpu.wait_indirect_dma semaphore(%arg21 : memref<!tpu.dma_semaphore, #tpu.memory_space<semaphore_mem>>) src(%dma_wait3A_35 : memref<80x128xf32, #tpu.memory_space<vmem>>) dst(%dma_wait3A_38 : memref<10240x128xf32, #tpu.memory_space<vmem_shared>>)
    %dma_wait3A_39 = arith.constant 1 : i32
    %dma_wait3A_40 = arith.constant 0 : i32
    %dma_wait3A_41 = arith.constant 0 : i32
    %dma_wait3A_42 = tpu.memref_slice %arg15[%dma_wait3A_39, %dma_wait3A_40, %dma_wait3A_41] : memref<4x80x128xf32, #tpu.memory_space<vmem>> -> memref<1x80x128xf32, #tpu.memory_space<vmem>>
    %dma_wait3A_43 = tpu.memref_squeeze %dma_wait3A_42 : memref<1x80x128xf32, #tpu.memory_space<vmem>> -> memref<80x128xf32, #tpu.memory_space<vmem>>
    %dma_wait3A_44 = arith.constant 0 : i32
    %dma_wait3A_45 = arith.constant 0 : i32
    %dma_wait3A_46 = tpu.memref_slice %arg16[%dma_wait3A_44, %dma_wait3A_45] : memref<10240x128xf32, #tpu.memory_space<vmem_shared>> -> memref<10240x128xf32, #tpu.memory_space<vmem_shared>>
    tpu.wait_indirect_dma semaphore(%arg22 : memref<!tpu.dma_semaphore, #tpu.memory_space<semaphore_mem>>) src(%dma_wait3A_43 : memref<80x128xf32, #tpu.memory_space<vmem>>) dst(%dma_wait3A_46 : memref<10240x128xf32, #tpu.memory_space<vmem_shared>>)
    %dma_wait3A_47 = arith.constant 2 : i32
    %dma_wait3A_48 = arith.constant 0 : i32
    %dma_wait3A_49 = arith.constant 0 : i32
    %dma_wait3A_50 = tpu.memref_slice %arg15[%dma_wait3A_47, %dma_wait3A_48, %dma_wait3A_49] : memref<4x80x128xf32, #tpu.memory_space<vmem>> -> memref<1x80x128xf32, #tpu.memory_space<vmem>>
    %dma_wait3A_51 = tpu.memref_squeeze %dma_wait3A_50 : memref<1x80x128xf32, #tpu.memory_space<vmem>> -> memref<80x128xf32, #tpu.memory_space<vmem>>
    %dma_wait3A_52 = arith.constant 0 : i32
    %dma_wait3A_53 = arith.constant 0 : i32
    %dma_wait3A_54 = tpu.memref_slice %arg16[%dma_wait3A_52, %dma_wait3A_53] : memref<10240x128xf32, #tpu.memory_space<vmem_shared>> -> memref<10240x128xf32, #tpu.memory_space<vmem_shared>>
    tpu.wait_indirect_dma semaphore(%arg23 : memref<!tpu.dma_semaphore, #tpu.memory_space<semaphore_mem>>) src(%dma_wait3A_51 : memref<80x128xf32, #tpu.memory_space<vmem>>) dst(%dma_wait3A_54 : memref<10240x128xf32, #tpu.memory_space<vmem_shared>>)
    %dma_wait3A_55 = arith.constant 3 : i32
    %dma_wait3A_56 = arith.constant 0 : i32
    %dma_wait3A_57 = arith.constant 0 : i32
    %dma_wait3A_58 = tpu.memref_slice %arg15[%dma_wait3A_55, %dma_wait3A_56, %dma_wait3A_57] : memref<4x80x128xf32, #tpu.memory_space<vmem>> -> memref<1x80x128xf32, #tpu.memory_space<vmem>>
    %dma_wait3A_59 = tpu.memref_squeeze %dma_wait3A_58 : memref<1x80x128xf32, #tpu.memory_space<vmem>> -> memref<80x128xf32, #tpu.memory_space<vmem>>
    %dma_wait3A_60 = arith.constant 0 : i32
    %dma_wait3A_61 = arith.constant 0 : i32
    %dma_wait3A_62 = tpu.memref_slice %arg16[%dma_wait3A_60, %dma_wait3A_61] : memref<10240x128xf32, #tpu.memory_space<vmem_shared>> -> memref<10240x128xf32, #tpu.memory_space<vmem_shared>>
    tpu.wait_indirect_dma semaphore(%arg24 : memref<!tpu.dma_semaphore, #tpu.memory_space<semaphore_mem>>) src(%dma_wait3A_59 : memref<80x128xf32, #tpu.memory_space<vmem>>) dst(%dma_wait3A_62 : memref<10240x128xf32, #tpu.memory_space<vmem_shared>>)
    %barrier3A_63 = arith.constant 0 : index
    tpu.barrier barrier_id(%barrier3A_63)
    "tpu.region"() ({
      %run_scoped3A = tpu.sem_alloc : memref<!tpu.dma_semaphore, #tpu.memory_space<semaphore_mem>>
      %dma_start3A_64 = arith.constant 0 : i32
      %dma_start3A_65 = tpu.memref_slice %arg6[%arg0, %mul3A_2, %dma_start3A_64] : memref<2x10240x128xf32, #tpu.memory_space<hbm>> -> memref<1x640x128xf32, #tpu.memory_space<hbm>>
      %dma_start3A_66 = tpu.memref_squeeze %dma_start3A_65 : memref<1x640x128xf32, #tpu.memory_space<hbm>> -> memref<640x128xf32, #tpu.memory_space<hbm>>
      %dma_start3A_67 = arith.constant 0 : i32
      %dma_start3A_68 = tpu.memref_slice %arg16[%mul3A_2, %dma_start3A_67] : memref<10240x128xf32, #tpu.memory_space<vmem_shared>> -> memref<640x128xf32, #tpu.memory_space<vmem_shared>>
      tpu.enqueue_dma source(%dma_start3A_68 : memref<640x128xf32, #tpu.memory_space<vmem_shared>>) target(%dma_start3A_66 : memref<640x128xf32, #tpu.memory_space<hbm>>) target_semaphore(%run_scoped3A : memref<!tpu.dma_semaphore, #tpu.memory_space<semaphore_mem>>)
      %dma_wait3A_69 = arith.constant 0 : i32
      %dma_wait3A_70 = tpu.memref_slice %arg6[%arg0, %mul3A_2, %dma_wait3A_69] : memref<2x10240x128xf32, #tpu.memory_space<hbm>> -> memref<1x640x128xf32, #tpu.memory_space<hbm>>
      %dma_wait3A_71 = tpu.memref_squeeze %dma_wait3A_70 : memref<1x640x128xf32, #tpu.memory_space<hbm>> -> memref<640x128xf32, #tpu.memory_space<hbm>>
      %dma_wait3A_72 = arith.constant 0 : i32
      %dma_wait3A_73 = tpu.memref_slice %arg16[%mul3A_2, %dma_wait3A_72] : memref<10240x128xf32, #tpu.memory_space<vmem_shared>> -> memref<640x128xf32, #tpu.memory_space<vmem_shared>>
      tpu.wait_dma2 semaphore(%run_scoped3A : memref<!tpu.dma_semaphore, #tpu.memory_space<semaphore_mem>>) src(%dma_wait3A_73 : memref<640x128xf32, #tpu.memory_space<vmem_shared>>) dst(%dma_wait3A_71 : memref<640x128xf32, #tpu.memory_space<hbm>>)
      tpu.yield
    }) : () -> ()
    return
  }
}

#map = affine_map<(d0, d1) -> (0, 0)>
#map1 = affine_map<(d0, d1) -> (0)>
#map2 = affine_map<(d0, d1) -> (0, 0, 0)>
module attributes {stable_mosaic.version = 14 : i64} {
  func.func @_sc_aggregate(%arg0: i32, %arg1: i32, %arg2: memref<10000x128xf32, #tpu.memory_space<hbm>>, %arg3: memref<320000xi32, #tpu.memory_space<hbm>>, %arg4: memref<320000xi32, #tpu.memory_space<hbm>>, %arg5: memref<640x128xf32, #tpu.memory_space<hbm>>, %arg6: memref<2x10240x128xf32, #tpu.memory_space<hbm>>, %arg7: memref<80xi32, #tpu.memory_space<vmem>>, %arg8: memref<80xi32, #tpu.memory_space<vmem>>, %arg9: memref<80xi32, #tpu.memory_space<vmem>>, %arg10: memref<80xi32, #tpu.memory_space<vmem>>, %arg11: memref<80xi32, #tpu.memory_space<vmem>>, %arg12: memref<80xi32, #tpu.memory_space<vmem>>, %arg13: memref<80xi32, #tpu.memory_space<vmem>>, %arg14: memref<80xi32, #tpu.memory_space<vmem>>, %arg15: memref<4x80x128xf32, #tpu.memory_space<vmem>>, %arg16: memref<10240x128xf32, #tpu.memory_space<vmem_shared>>, %arg17: memref<!tpu.dma_semaphore, #tpu.memory_space<semaphore_mem>>, %arg18: memref<!tpu.dma_semaphore, #tpu.memory_space<semaphore_mem>>, %arg19: memref<!tpu.dma_semaphore, #tpu.memory_space<semaphore_mem>>, %arg20: memref<!tpu.dma_semaphore, #tpu.memory_space<semaphore_mem>>, %arg21: memref<!tpu.dma_semaphore, #tpu.memory_space<semaphore_mem>>, %arg22: memref<!tpu.dma_semaphore, #tpu.memory_space<semaphore_mem>>, %arg23: memref<!tpu.dma_semaphore, #tpu.memory_space<semaphore_mem>>, %arg24: memref<!tpu.dma_semaphore, #tpu.memory_space<semaphore_mem>>) attributes {dimension_semantics = [#tpu.dimension_semantics<core_parallel>, #tpu.dimension_semantics<subcore_parallel>], iteration_bounds = array<i64: 2, 16>, scalar_prefetch = 0 : i64, scratch_operands = 18 : i64, tpu.core_type = #tpu.core_type<sc_vector_subcore>, window_params = [{transform_indices = #map}, {transform_indices = #map1}, {transform_indices = #map1}, {transform_indices = #map}, {transform_indices = #map2}]} {
    %mul3A = arith.constant 2 : i32
    %mul3A_0 = arith.muli %arg1, %mul3A : i32
    %add3A = arith.addi %mul3A_0, %arg0 : i32
    %mul3A_1 = arith.constant 640 : i32
    %mul3A_2 = arith.muli %arg1, %mul3A_1 : i32
    "tpu.region"() ({
      %run_scoped3A = tpu.sem_alloc : memref<!tpu.dma_semaphore, #tpu.memory_space<semaphore_mem>>
      %dma_start3A_64 = arith.constant 0 : i32
      %dma_start3A_65 = tpu.memref_slice %arg16[%mul3A_2, %dma_start3A_64] : memref<10240x128xf32, #tpu.memory_space<vmem_shared>> -> memref<640x128xf32, #tpu.memory_space<vmem_shared>>
      tpu.enqueue_dma source(%arg5 : memref<640x128xf32, #tpu.memory_space<hbm>>) target(%dma_start3A_65 : memref<640x128xf32, #tpu.memory_space<vmem_shared>>) target_semaphore(%run_scoped3A : memref<!tpu.dma_semaphore, #tpu.memory_space<semaphore_mem>>)
      %dma_wait3A_66 = arith.constant 0 : i32
      %dma_wait3A_67 = tpu.memref_slice %arg16[%mul3A_2, %dma_wait3A_66] : memref<10240x128xf32, #tpu.memory_space<vmem_shared>> -> memref<640x128xf32, #tpu.memory_space<vmem_shared>>
      tpu.wait_dma2 semaphore(%run_scoped3A : memref<!tpu.dma_semaphore, #tpu.memory_space<semaphore_mem>>) src(%arg5 : memref<640x128xf32, #tpu.memory_space<hbm>>) dst(%dma_wait3A_67 : memref<640x128xf32, #tpu.memory_space<vmem_shared>>)
      tpu.yield
    }) : () -> ()
    %barrier3A = arith.constant 0 : index
    tpu.barrier barrier_id(%barrier3A)
    %add3A_3 = arith.constant 0 : i32
    %add3A_4 = arith.addi %add3A, %add3A_3 : i32
    %mul3A_5 = arith.constant 80 : i32
    %mul3A_6 = arith.muli %add3A_4, %mul3A_5 : i32
    %multiple_of3A = tpu.assume_multiple %mul3A_6, 8 : i32
    "tpu.region"() ({
      %run_scoped3A = tpu.sem_alloc : memref<!tpu.dma_semaphore, #tpu.memory_space<semaphore_mem>>
      %dma_start3A_64 = tpu.memref_slice %arg3[%multiple_of3A] : memref<320000xi32, #tpu.memory_space<hbm>> -> memref<80xi32, #tpu.memory_space<hbm>>
      %dma_start3A_65 = tpu.memref_slice %arg3[%multiple_of3A] : memref<320000xi32, #tpu.memory_space<hbm>> -> memref<80xi32, #tpu.memory_space<hbm>>
      tpu.enqueue_dma source(%dma_start3A_65 : memref<80xi32, #tpu.memory_space<hbm>>) target(%arg7 : memref<80xi32, #tpu.memory_space<vmem>>) target_semaphore(%run_scoped3A : memref<!tpu.dma_semaphore, #tpu.memory_space<semaphore_mem>>)
      %dma_wait3A_66 = tpu.memref_slice %arg3[%multiple_of3A] : memref<320000xi32, #tpu.memory_space<hbm>> -> memref<80xi32, #tpu.memory_space<hbm>>
      %dma_wait3A_67 = tpu.memref_slice %arg3[%multiple_of3A] : memref<320000xi32, #tpu.memory_space<hbm>> -> memref<80xi32, #tpu.memory_space<hbm>>
      tpu.wait_dma2 semaphore(%run_scoped3A : memref<!tpu.dma_semaphore, #tpu.memory_space<semaphore_mem>>) src(%dma_wait3A_67 : memref<80xi32, #tpu.memory_space<hbm>>) dst(%arg7 : memref<80xi32, #tpu.memory_space<vmem>>)
      tpu.yield
    }) : () -> ()
    "tpu.region"() ({
      %run_scoped3A = tpu.sem_alloc : memref<!tpu.dma_semaphore, #tpu.memory_space<semaphore_mem>>
      %dma_start3A_64 = tpu.memref_slice %arg4[%multiple_of3A] : memref<320000xi32, #tpu.memory_space<hbm>> -> memref<80xi32, #tpu.memory_space<hbm>>
      %dma_start3A_65 = tpu.memref_slice %arg4[%multiple_of3A] : memref<320000xi32, #tpu.memory_space<hbm>> -> memref<80xi32, #tpu.memory_space<hbm>>
      tpu.enqueue_dma source(%dma_start3A_65 : memref<80xi32, #tpu.memory_space<hbm>>) target(%arg11 : memref<80xi32, #tpu.memory_space<vmem>>) target_semaphore(%run_scoped3A : memref<!tpu.dma_semaphore, #tpu.memory_space<semaphore_mem>>)
      %dma_wait3A_66 = tpu.memref_slice %arg4[%multiple_of3A] : memref<320000xi32, #tpu.memory_space<hbm>> -> memref<80xi32, #tpu.memory_space<hbm>>
      %dma_wait3A_67 = tpu.memref_slice %arg4[%multiple_of3A] : memref<320000xi32, #tpu.memory_space<hbm>> -> memref<80xi32, #tpu.memory_space<hbm>>
      tpu.wait_dma2 semaphore(%run_scoped3A : memref<!tpu.dma_semaphore, #tpu.memory_space<semaphore_mem>>) src(%dma_wait3A_67 : memref<80xi32, #tpu.memory_space<hbm>>) dst(%arg11 : memref<80xi32, #tpu.memory_space<vmem>>)
      tpu.yield
    }) : () -> ()
    %dma_start3A = arith.constant 0 : i32
    %dma_start3A_7 = arith.constant 0 : i32
    %dma_start3A_8 = arith.constant 0 : i32
    %dma_start3A_9 = tpu.memref_slice %arg15[%dma_start3A, %dma_start3A_7, %dma_start3A_8] : memref<4x80x128xf32, #tpu.memory_space<vmem>> -> memref<1x80x128xf32, #tpu.memory_space<vmem>>
    %dma_start3A_10 = tpu.memref_squeeze %dma_start3A_9 : memref<1x80x128xf32, #tpu.memory_space<vmem>> -> memref<80x128xf32, #tpu.memory_space<vmem>>
    %dma_start3A_11 = arith.constant 0 : i32
    %dma_start3A_12 = arith.constant 0 : i32
    %dma_start3A_13 = tpu.memref_slice %arg2[%dma_start3A_11, %dma_start3A_12] : memref<10000x128xf32, #tpu.memory_space<hbm>> -> memref<10000x128xf32, #tpu.memory_space<hbm>>
    tpu.enqueue_indirect_dma source(%dma_start3A_13 : memref<10000x128xf32, #tpu.memory_space<hbm>>) target(%dma_start3A_10 : memref<80x128xf32, #tpu.memory_space<vmem>>) offsets(%arg7 : memref<80xi32, #tpu.memory_space<vmem>>) semaphore(%arg17 : memref<!tpu.dma_semaphore, #tpu.memory_space<semaphore_mem>>)
    %add3A_14 = arith.constant 32 : i32
    %add3A_15 = arith.addi %add3A, %add3A_14 : i32
    %mul3A_16 = arith.constant 80 : i32
    %mul3A_17 = arith.muli %add3A_15, %mul3A_16 : i32
    %multiple_of3A_18 = tpu.assume_multiple %mul3A_17, 8 : i32
    "tpu.region"() ({
      %run_scoped3A = tpu.sem_alloc : memref<!tpu.dma_semaphore, #tpu.memory_space<semaphore_mem>>
      %dma_start3A_64 = tpu.memref_slice %arg3[%multiple_of3A_18] : memref<320000xi32, #tpu.memory_space<hbm>> -> memref<80xi32, #tpu.memory_space<hbm>>
      %dma_start3A_65 = tpu.memref_slice %arg3[%multiple_of3A_18] : memref<320000xi32, #tpu.memory_space<hbm>> -> memref<80xi32, #tpu.memory_space<hbm>>
      tpu.enqueue_dma source(%dma_start3A_65 : memref<80xi32, #tpu.memory_space<hbm>>) target(%arg8 : memref<80xi32, #tpu.memory_space<vmem>>) target_semaphore(%run_scoped3A : memref<!tpu.dma_semaphore, #tpu.memory_space<semaphore_mem>>)
      %dma_wait3A_66 = tpu.memref_slice %arg3[%multiple_of3A_18] : memref<320000xi32, #tpu.memory_space<hbm>> -> memref<80xi32, #tpu.memory_space<hbm>>
      %dma_wait3A_67 = tpu.memref_slice %arg3[%multiple_of3A_18] : memref<320000xi32, #tpu.memory_space<hbm>> -> memref<80xi32, #tpu.memory_space<hbm>>
      tpu.wait_dma2 semaphore(%run_scoped3A : memref<!tpu.dma_semaphore, #tpu.memory_space<semaphore_mem>>) src(%dma_wait3A_67 : memref<80xi32, #tpu.memory_space<hbm>>) dst(%arg8 : memref<80xi32, #tpu.memory_space<vmem>>)
      tpu.yield
    }) : () -> ()
    "tpu.region"() ({
      %run_scoped3A = tpu.sem_alloc : memref<!tpu.dma_semaphore, #tpu.memory_space<semaphore_mem>>
      %dma_start3A_64 = tpu.memref_slice %arg4[%multiple_of3A_18] : memref<320000xi32, #tpu.memory_space<hbm>> -> memref<80xi32, #tpu.memory_space<hbm>>
      %dma_start3A_65 = tpu.memref_slice %arg4[%multiple_of3A_18] : memref<320000xi32, #tpu.memory_space<hbm>> -> memref<80xi32, #tpu.memory_space<hbm>>
      tpu.enqueue_dma source(%dma_start3A_65 : memref<80xi32, #tpu.memory_space<hbm>>) target(%arg12 : memref<80xi32, #tpu.memory_space<vmem>>) target_semaphore(%run_scoped3A : memref<!tpu.dma_semaphore, #tpu.memory_space<semaphore_mem>>)
      %dma_wait3A_66 = tpu.memref_slice %arg4[%multiple_of3A_18] : memref<320000xi32, #tpu.memory_space<hbm>> -> memref<80xi32, #tpu.memory_space<hbm>>
      %dma_wait3A_67 = tpu.memref_slice %arg4[%multiple_of3A_18] : memref<320000xi32, #tpu.memory_space<hbm>> -> memref<80xi32, #tpu.memory_space<hbm>>
      tpu.wait_dma2 semaphore(%run_scoped3A : memref<!tpu.dma_semaphore, #tpu.memory_space<semaphore_mem>>) src(%dma_wait3A_67 : memref<80xi32, #tpu.memory_space<hbm>>) dst(%arg12 : memref<80xi32, #tpu.memory_space<vmem>>)
      tpu.yield
    }) : () -> ()
    %dma_start3A_19 = arith.constant 1 : i32
    %dma_start3A_20 = arith.constant 0 : i32
    %dma_start3A_21 = arith.constant 0 : i32
    %dma_start3A_22 = tpu.memref_slice %arg15[%dma_start3A_19, %dma_start3A_20, %dma_start3A_21] : memref<4x80x128xf32, #tpu.memory_space<vmem>> -> memref<1x80x128xf32, #tpu.memory_space<vmem>>
    %dma_start3A_23 = tpu.memref_squeeze %dma_start3A_22 : memref<1x80x128xf32, #tpu.memory_space<vmem>> -> memref<80x128xf32, #tpu.memory_space<vmem>>
    %dma_start3A_24 = arith.constant 0 : i32
    %dma_start3A_25 = arith.constant 0 : i32
    %dma_start3A_26 = tpu.memref_slice %arg2[%dma_start3A_24, %dma_start3A_25] : memref<10000x128xf32, #tpu.memory_space<hbm>> -> memref<10000x128xf32, #tpu.memory_space<hbm>>
    tpu.enqueue_indirect_dma source(%dma_start3A_26 : memref<10000x128xf32, #tpu.memory_space<hbm>>) target(%dma_start3A_23 : memref<80x128xf32, #tpu.memory_space<vmem>>) offsets(%arg8 : memref<80xi32, #tpu.memory_space<vmem>>) semaphore(%arg18 : memref<!tpu.dma_semaphore, #tpu.memory_space<semaphore_mem>>)
    %scan3A = arith.constant 0 : i32
    %scan3A_27 = arith.constant 0 : i32
    %scan3A_28 = arith.constant 32 : i32
    %scan3A_29 = arith.addi %scan3A_27, %scan3A_28 : i32
    %scan3A_30 = arith.constant 1 : i32
    scf.for %scan3A_64 = %scan3A_27 to %scan3A_29 step %scan3A_30  : i32 {
      %mul3A_65 = arith.constant 4 : i32
      %mul3A_66 = arith.muli %scan3A_64, %mul3A_65 : i32
      %add3A_67 = arith.constant 0 : i32
      %add3A_68 = arith.addi %mul3A_66, %add3A_67 : i32
      %mul3A_69 = arith.constant 32 : i32
      %mul3A_70 = arith.muli %add3A_68, %mul3A_69 : i32
      %add3A_71 = arith.addi %add3A, %mul3A_70 : i32
      %lt3A = arith.constant 4000 : i32
      %lt3A_72 = arith.cmpi slt, %add3A_71, %lt3A : i32
      %convert_element_type3A = arith.extui %lt3A_72 : i1 to i32
      %cond3A = arith.constant 0 : i32
      %cond3A_73 = arith.cmpi ne, %convert_element_type3A, %cond3A : i32
      scf.if %cond3A_73 {
        %dma_wait3A_150 = arith.constant 0 : i32
        %dma_wait3A_151 = arith.constant 0 : i32
        %dma_wait3A_152 = arith.constant 0 : i32
        %dma_wait3A_153 = tpu.memref_slice %arg15[%dma_wait3A_150, %dma_wait3A_151, %dma_wait3A_152] : memref<4x80x128xf32, #tpu.memory_space<vmem>> -> memref<1x80x128xf32, #tpu.memory_space<vmem>>
        %dma_wait3A_154 = tpu.memref_squeeze %dma_wait3A_153 : memref<1x80x128xf32, #tpu.memory_space<vmem>> -> memref<80x128xf32, #tpu.memory_space<vmem>>
        %dma_wait3A_155 = arith.constant 0 : i32
        %dma_wait3A_156 = arith.constant 0 : i32
        %dma_wait3A_157 = tpu.memref_slice %arg2[%dma_wait3A_155, %dma_wait3A_156] : memref<10000x128xf32, #tpu.memory_space<hbm>> -> memref<10000x128xf32, #tpu.memory_space<hbm>>
        tpu.wait_indirect_dma semaphore(%arg17 : memref<!tpu.dma_semaphore, #tpu.memory_space<semaphore_mem>>) src(%dma_wait3A_157 : memref<10000x128xf32, #tpu.memory_space<hbm>>) dst(%dma_wait3A_154 : memref<80x128xf32, #tpu.memory_space<vmem>>)
        %dma_start3A_158 = arith.constant 0 : i32
        %dma_start3A_159 = arith.constant 0 : i32
        %dma_start3A_160 = arith.constant 0 : i32
        %dma_start3A_161 = tpu.memref_slice %arg15[%dma_start3A_158, %dma_start3A_159, %dma_start3A_160] : memref<4x80x128xf32, #tpu.memory_space<vmem>> -> memref<1x80x128xf32, #tpu.memory_space<vmem>>
        %dma_start3A_162 = tpu.memref_squeeze %dma_start3A_161 : memref<1x80x128xf32, #tpu.memory_space<vmem>> -> memref<80x128xf32, #tpu.memory_space<vmem>>
        %dma_start3A_163 = arith.constant 0 : i32
        %dma_start3A_164 = arith.constant 0 : i32
        %dma_start3A_165 = tpu.memref_slice %arg16[%dma_start3A_163, %dma_start3A_164] : memref<10240x128xf32, #tpu.memory_space<vmem_shared>> -> memref<10240x128xf32, #tpu.memory_space<vmem_shared>>
        tpu.enqueue_indirect_dma source(%dma_start3A_162 : memref<80x128xf32, #tpu.memory_space<vmem>>) target(%dma_start3A_165 : memref<10240x128xf32, #tpu.memory_space<vmem_shared>>) offsets(%arg11 : memref<80xi32, #tpu.memory_space<vmem>>) semaphore(%arg21 : memref<!tpu.dma_semaphore, #tpu.memory_space<semaphore_mem>>) {add = true}
      } else {
      }
      %add3A_74 = arith.constant 2 : i32
      %add3A_75 = arith.addi %add3A_68, %add3A_74 : i32
      %mul3A_76 = arith.constant 32 : i32
      %mul3A_77 = arith.muli %add3A_75, %mul3A_76 : i32
      %add3A_78 = arith.addi %add3A, %mul3A_77 : i32
      %lt3A_79 = arith.constant 4000 : i32
      %lt3A_80 = arith.cmpi slt, %add3A_78, %lt3A_79 : i32
      %convert_element_type3A_81 = arith.extui %lt3A_80 : i1 to i32
      %cond3A_82 = arith.constant 0 : i32
      %cond3A_83 = arith.cmpi ne, %convert_element_type3A_81, %cond3A_82 : i32
      scf.if %cond3A_83 {
        %ge3A = arith.constant 2 : i32
        %ge3A_150 = arith.cmpi sge, %add3A_68, %ge3A : i32
        %convert_element_type3A_151 = arith.extui %ge3A_150 : i1 to i32
        %cond3A_152 = arith.constant 0 : i32
        %cond3A_153 = arith.cmpi ne, %convert_element_type3A_151, %cond3A_152 : i32
        scf.if %cond3A_153 {
          %dma_wait3A_170 = arith.constant 2 : i32
          %dma_wait3A_171 = arith.constant 0 : i32
          %dma_wait3A_172 = arith.constant 0 : i32
          %dma_wait3A_173 = tpu.memref_slice %arg15[%dma_wait3A_170, %dma_wait3A_171, %dma_wait3A_172] : memref<4x80x128xf32, #tpu.memory_space<vmem>> -> memref<1x80x128xf32, #tpu.memory_space<vmem>>
          %dma_wait3A_174 = tpu.memref_squeeze %dma_wait3A_173 : memref<1x80x128xf32, #tpu.memory_space<vmem>> -> memref<80x128xf32, #tpu.memory_space<vmem>>
          %dma_wait3A_175 = arith.constant 0 : i32
          %dma_wait3A_176 = arith.constant 0 : i32
          %dma_wait3A_177 = tpu.memref_slice %arg16[%dma_wait3A_175, %dma_wait3A_176] : memref<10240x128xf32, #tpu.memory_space<vmem_shared>> -> memref<10240x128xf32, #tpu.memory_space<vmem_shared>>
          tpu.wait_indirect_dma semaphore(%arg23 : memref<!tpu.dma_semaphore, #tpu.memory_space<semaphore_mem>>) src(%dma_wait3A_174 : memref<80x128xf32, #tpu.memory_space<vmem>>) dst(%dma_wait3A_177 : memref<10240x128xf32, #tpu.memory_space<vmem_shared>>)
        } else {
        }
        %add3A_154 = arith.constant 2 : i32
        %add3A_155 = arith.addi %add3A_68, %add3A_154 : i32
        %mul3A_156 = arith.constant 32 : i32
        %mul3A_157 = arith.muli %add3A_155, %mul3A_156 : i32
        %add3A_158 = arith.addi %add3A, %mul3A_157 : i32
        %mul3A_159 = arith.constant 80 : i32
        %mul3A_160 = arith.muli %add3A_158, %mul3A_159 : i32
        %multiple_of3A_161 = tpu.assume_multiple %mul3A_160, 8 : i32
        "tpu.region"() ({
          %run_scoped3A = tpu.sem_alloc : memref<!tpu.dma_semaphore, #tpu.memory_space<semaphore_mem>>
          %dma_start3A_170 = tpu.memref_slice %arg3[%multiple_of3A_161] : memref<320000xi32, #tpu.memory_space<hbm>> -> memref<80xi32, #tpu.memory_space<hbm>>
          %dma_start3A_171 = tpu.memref_slice %arg3[%multiple_of3A_161] : memref<320000xi32, #tpu.memory_space<hbm>> -> memref<80xi32, #tpu.memory_space<hbm>>
          tpu.enqueue_dma source(%dma_start3A_171 : memref<80xi32, #tpu.memory_space<hbm>>) target(%arg9 : memref<80xi32, #tpu.memory_space<vmem>>) target_semaphore(%run_scoped3A : memref<!tpu.dma_semaphore, #tpu.memory_space<semaphore_mem>>)
          %dma_wait3A_172 = tpu.memref_slice %arg3[%multiple_of3A_161] : memref<320000xi32, #tpu.memory_space<hbm>> -> memref<80xi32, #tpu.memory_space<hbm>>
          %dma_wait3A_173 = tpu.memref_slice %arg3[%multiple_of3A_161] : memref<320000xi32, #tpu.memory_space<hbm>> -> memref<80xi32, #tpu.memory_space<hbm>>
          tpu.wait_dma2 semaphore(%run_scoped3A : memref<!tpu.dma_semaphore, #tpu.memory_space<semaphore_mem>>) src(%dma_wait3A_173 : memref<80xi32, #tpu.memory_space<hbm>>) dst(%arg9 : memref<80xi32, #tpu.memory_space<vmem>>)
          tpu.yield
        }) : () -> ()
        "tpu.region"() ({
          %run_scoped3A = tpu.sem_alloc : memref<!tpu.dma_semaphore, #tpu.memory_space<semaphore_mem>>
          %dma_start3A_170 = tpu.memref_slice %arg4[%multiple_of3A_161] : memref<320000xi32, #tpu.memory_space<hbm>> -> memref<80xi32, #tpu.memory_space<hbm>>
          %dma_start3A_171 = tpu.memref_slice %arg4[%multiple_of3A_161] : memref<320000xi32, #tpu.memory_space<hbm>> -> memref<80xi32, #tpu.memory_space<hbm>>
          tpu.enqueue_dma source(%dma_start3A_171 : memref<80xi32, #tpu.memory_space<hbm>>) target(%arg13 : memref<80xi32, #tpu.memory_space<vmem>>) target_semaphore(%run_scoped3A : memref<!tpu.dma_semaphore, #tpu.memory_space<semaphore_mem>>)
          %dma_wait3A_172 = tpu.memref_slice %arg4[%multiple_of3A_161] : memref<320000xi32, #tpu.memory_space<hbm>> -> memref<80xi32, #tpu.memory_space<hbm>>
          %dma_wait3A_173 = tpu.memref_slice %arg4[%multiple_of3A_161] : memref<320000xi32, #tpu.memory_space<hbm>> -> memref<80xi32, #tpu.memory_space<hbm>>
          tpu.wait_dma2 semaphore(%run_scoped3A : memref<!tpu.dma_semaphore, #tpu.memory_space<semaphore_mem>>) src(%dma_wait3A_173 : memref<80xi32, #tpu.memory_space<hbm>>) dst(%arg13 : memref<80xi32, #tpu.memory_space<vmem>>)
          tpu.yield
        }) : () -> ()
        %dma_start3A_162 = arith.constant 2 : i32
        %dma_start3A_163 = arith.constant 0 : i32
        %dma_start3A_164 = arith.constant 0 : i32
        %dma_start3A_165 = tpu.memref_slice %arg15[%dma_start3A_162, %dma_start3A_163, %dma_start3A_164] : memref<4x80x128xf32, #tpu.memory_space<vmem>> -> memref<1x80x128xf32, #tpu.memory_space<vmem>>
        %dma_start3A_166 = tpu.memref_squeeze %dma_start3A_165 : memref<1x80x128xf32, #tpu.memory_space<vmem>> -> memref<80x128xf32, #tpu.memory_space<vmem>>
        %dma_start3A_167 = arith.constant 0 : i32
        %dma_start3A_168 = arith.constant 0 : i32
        %dma_start3A_169 = tpu.memref_slice %arg2[%dma_start3A_167, %dma_start3A_168] : memref<10000x128xf32, #tpu.memory_space<hbm>> -> memref<10000x128xf32, #tpu.memory_space<hbm>>
        tpu.enqueue_indirect_dma source(%dma_start3A_169 : memref<10000x128xf32, #tpu.memory_space<hbm>>) target(%dma_start3A_166 : memref<80x128xf32, #tpu.memory_space<vmem>>) offsets(%arg9 : memref<80xi32, #tpu.memory_space<vmem>>) semaphore(%arg19 : memref<!tpu.dma_semaphore, #tpu.memory_space<semaphore_mem>>)
      } else {
      }
      %mul3A_84 = arith.constant 4 : i32
      %mul3A_85 = arith.muli %scan3A_64, %mul3A_84 : i32
      %add3A_86 = arith.constant 1 : i32
      %add3A_87 = arith.addi %mul3A_85, %add3A_86 : i32
      %mul3A_88 = arith.constant 32 : i32
      %mul3A_89 = arith.muli %add3A_87, %mul3A_88 : i32
      %add3A_90 = arith.addi %add3A, %mul3A_89 : i32
      %lt3A_91 = arith.constant 4000 : i32
      %lt3A_92 = arith.cmpi slt, %add3A_90, %lt3A_91 : i32
      %convert_element_type3A_93 = arith.extui %lt3A_92 : i1 to i32
      %cond3A_94 = arith.constant 0 : i32
      %cond3A_95 = arith.cmpi ne, %convert_element_type3A_93, %cond3A_94 : i32
      scf.if %cond3A_95 {
        %dma_wait3A_150 = arith.constant 1 : i32
        %dma_wait3A_151 = arith.constant 0 : i32
        %dma_wait3A_152 = arith.constant 0 : i32
        %dma_wait3A_153 = tpu.memref_slice %arg15[%dma_wait3A_150, %dma_wait3A_151, %dma_wait3A_152] : memref<4x80x128xf32, #tpu.memory_space<vmem>> -> memref<1x80x128xf32, #tpu.memory_space<vmem>>
        %dma_wait3A_154 = tpu.memref_squeeze %dma_wait3A_153 : memref<1x80x128xf32, #tpu.memory_space<vmem>> -> memref<80x128xf32, #tpu.memory_space<vmem>>
        %dma_wait3A_155 = arith.constant 0 : i32
        %dma_wait3A_156 = arith.constant 0 : i32
        %dma_wait3A_157 = tpu.memref_slice %arg2[%dma_wait3A_155, %dma_wait3A_156] : memref<10000x128xf32, #tpu.memory_space<hbm>> -> memref<10000x128xf32, #tpu.memory_space<hbm>>
        tpu.wait_indirect_dma semaphore(%arg18 : memref<!tpu.dma_semaphore, #tpu.memory_space<semaphore_mem>>) src(%dma_wait3A_157 : memref<10000x128xf32, #tpu.memory_space<hbm>>) dst(%dma_wait3A_154 : memref<80x128xf32, #tpu.memory_space<vmem>>)
        %dma_start3A_158 = arith.constant 1 : i32
        %dma_start3A_159 = arith.constant 0 : i32
        %dma_start3A_160 = arith.constant 0 : i32
        %dma_start3A_161 = tpu.memref_slice %arg15[%dma_start3A_158, %dma_start3A_159, %dma_start3A_160] : memref<4x80x128xf32, #tpu.memory_space<vmem>> -> memref<1x80x128xf32, #tpu.memory_space<vmem>>
        %dma_start3A_162 = tpu.memref_squeeze %dma_start3A_161 : memref<1x80x128xf32, #tpu.memory_space<vmem>> -> memref<80x128xf32, #tpu.memory_space<vmem>>
        %dma_start3A_163 = arith.constant 0 : i32
        %dma_start3A_164 = arith.constant 0 : i32
        %dma_start3A_165 = tpu.memref_slice %arg16[%dma_start3A_163, %dma_start3A_164] : memref<10240x128xf32, #tpu.memory_space<vmem_shared>> -> memref<10240x128xf32, #tpu.memory_space<vmem_shared>>
        tpu.enqueue_indirect_dma source(%dma_start3A_162 : memref<80x128xf32, #tpu.memory_space<vmem>>) target(%dma_start3A_165 : memref<10240x128xf32, #tpu.memory_space<vmem_shared>>) offsets(%arg12 : memref<80xi32, #tpu.memory_space<vmem>>) semaphore(%arg22 : memref<!tpu.dma_semaphore, #tpu.memory_space<semaphore_mem>>) {add = true}
      } else {
      }
      %add3A_96 = arith.constant 2 : i32
      %add3A_97 = arith.addi %add3A_87, %add3A_96 : i32
      %mul3A_98 = arith.constant 32 : i32
      %mul3A_99 = arith.muli %add3A_97, %mul3A_98 : i32
      %add3A_100 = arith.addi %add3A, %mul3A_99 : i32
      %lt3A_101 = arith.constant 4000 : i32
      %lt3A_102 = arith.cmpi slt, %add3A_100, %lt3A_101 : i32
      %convert_element_type3A_103 = arith.extui %lt3A_102 : i1 to i32
      %cond3A_104 = arith.constant 0 : i32
      %cond3A_105 = arith.cmpi ne, %convert_element_type3A_103, %cond3A_104 : i32
      scf.if %cond3A_105 {
        %ge3A = arith.constant 2 : i32
        %ge3A_150 = arith.cmpi sge, %add3A_87, %ge3A : i32
        %convert_element_type3A_151 = arith.extui %ge3A_150 : i1 to i32
        %cond3A_152 = arith.constant 0 : i32
        %cond3A_153 = arith.cmpi ne, %convert_element_type3A_151, %cond3A_152 : i32
        scf.if %cond3A_153 {
          %dma_wait3A_170 = arith.constant 3 : i32
          %dma_wait3A_171 = arith.constant 0 : i32
          %dma_wait3A_172 = arith.constant 0 : i32
          %dma_wait3A_173 = tpu.memref_slice %arg15[%dma_wait3A_170, %dma_wait3A_171, %dma_wait3A_172] : memref<4x80x128xf32, #tpu.memory_space<vmem>> -> memref<1x80x128xf32, #tpu.memory_space<vmem>>
          %dma_wait3A_174 = tpu.memref_squeeze %dma_wait3A_173 : memref<1x80x128xf32, #tpu.memory_space<vmem>> -> memref<80x128xf32, #tpu.memory_space<vmem>>
          %dma_wait3A_175 = arith.constant 0 : i32
          %dma_wait3A_176 = arith.constant 0 : i32
          %dma_wait3A_177 = tpu.memref_slice %arg16[%dma_wait3A_175, %dma_wait3A_176] : memref<10240x128xf32, #tpu.memory_space<vmem_shared>> -> memref<10240x128xf32, #tpu.memory_space<vmem_shared>>
          tpu.wait_indirect_dma semaphore(%arg24 : memref<!tpu.dma_semaphore, #tpu.memory_space<semaphore_mem>>) src(%dma_wait3A_174 : memref<80x128xf32, #tpu.memory_space<vmem>>) dst(%dma_wait3A_177 : memref<10240x128xf32, #tpu.memory_space<vmem_shared>>)
        } else {
        }
        %add3A_154 = arith.constant 2 : i32
        %add3A_155 = arith.addi %add3A_87, %add3A_154 : i32
        %mul3A_156 = arith.constant 32 : i32
        %mul3A_157 = arith.muli %add3A_155, %mul3A_156 : i32
        %add3A_158 = arith.addi %add3A, %mul3A_157 : i32
        %mul3A_159 = arith.constant 80 : i32
        %mul3A_160 = arith.muli %add3A_158, %mul3A_159 : i32
        %multiple_of3A_161 = tpu.assume_multiple %mul3A_160, 8 : i32
        "tpu.region"() ({
          %run_scoped3A = tpu.sem_alloc : memref<!tpu.dma_semaphore, #tpu.memory_space<semaphore_mem>>
          %dma_start3A_170 = tpu.memref_slice %arg3[%multiple_of3A_161] : memref<320000xi32, #tpu.memory_space<hbm>> -> memref<80xi32, #tpu.memory_space<hbm>>
          %dma_start3A_171 = tpu.memref_slice %arg3[%multiple_of3A_161] : memref<320000xi32, #tpu.memory_space<hbm>> -> memref<80xi32, #tpu.memory_space<hbm>>
          tpu.enqueue_dma source(%dma_start3A_171 : memref<80xi32, #tpu.memory_space<hbm>>) target(%arg10 : memref<80xi32, #tpu.memory_space<vmem>>) target_semaphore(%run_scoped3A : memref<!tpu.dma_semaphore, #tpu.memory_space<semaphore_mem>>)
          %dma_wait3A_172 = tpu.memref_slice %arg3[%multiple_of3A_161] : memref<320000xi32, #tpu.memory_space<hbm>> -> memref<80xi32, #tpu.memory_space<hbm>>
          %dma_wait3A_173 = tpu.memref_slice %arg3[%multiple_of3A_161] : memref<320000xi32, #tpu.memory_space<hbm>> -> memref<80xi32, #tpu.memory_space<hbm>>
          tpu.wait_dma2 semaphore(%run_scoped3A : memref<!tpu.dma_semaphore, #tpu.memory_space<semaphore_mem>>) src(%dma_wait3A_173 : memref<80xi32, #tpu.memory_space<hbm>>) dst(%arg10 : memref<80xi32, #tpu.memory_space<vmem>>)
          tpu.yield
        }) : () -> ()
        "tpu.region"() ({
          %run_scoped3A = tpu.sem_alloc : memref<!tpu.dma_semaphore, #tpu.memory_space<semaphore_mem>>
          %dma_start3A_170 = tpu.memref_slice %arg4[%multiple_of3A_161] : memref<320000xi32, #tpu.memory_space<hbm>> -> memref<80xi32, #tpu.memory_space<hbm>>
          %dma_start3A_171 = tpu.memref_slice %arg4[%multiple_of3A_161] : memref<320000xi32, #tpu.memory_space<hbm>> -> memref<80xi32, #tpu.memory_space<hbm>>
          tpu.enqueue_dma source(%dma_start3A_171 : memref<80xi32, #tpu.memory_space<hbm>>) target(%arg14 : memref<80xi32, #tpu.memory_space<vmem>>) target_semaphore(%run_scoped3A : memref<!tpu.dma_semaphore, #tpu.memory_space<semaphore_mem>>)
          %dma_wait3A_172 = tpu.memref_slice %arg4[%multiple_of3A_161] : memref<320000xi32, #tpu.memory_space<hbm>> -> memref<80xi32, #tpu.memory_space<hbm>>
          %dma_wait3A_173 = tpu.memref_slice %arg4[%multiple_of3A_161] : memref<320000xi32, #tpu.memory_space<hbm>> -> memref<80xi32, #tpu.memory_space<hbm>>
          tpu.wait_dma2 semaphore(%run_scoped3A : memref<!tpu.dma_semaphore, #tpu.memory_space<semaphore_mem>>) src(%dma_wait3A_173 : memref<80xi32, #tpu.memory_space<hbm>>) dst(%arg14 : memref<80xi32, #tpu.memory_space<vmem>>)
          tpu.yield
        }) : () -> ()
        %dma_start3A_162 = arith.constant 3 : i32
        %dma_start3A_163 = arith.constant 0 : i32
        %dma_start3A_164 = arith.constant 0 : i32
        %dma_start3A_165 = tpu.memref_slice %arg15[%dma_start3A_162, %dma_start3A_163, %dma_start3A_164] : memref<4x80x128xf32, #tpu.memory_space<vmem>> -> memref<1x80x128xf32, #tpu.memory_space<vmem>>
        %dma_start3A_166 = tpu.memref_squeeze %dma_start3A_165 : memref<1x80x128xf32, #tpu.memory_space<vmem>> -> memref<80x128xf32, #tpu.memory_space<vmem>>
        %dma_start3A_167 = arith.constant 0 : i32
        %dma_start3A_168 = arith.constant 0 : i32
        %dma_start3A_169 = tpu.memref_slice %arg2[%dma_start3A_167, %dma_start3A_168] : memref<10000x128xf32, #tpu.memory_space<hbm>> -> memref<10000x128xf32, #tpu.memory_space<hbm>>
        tpu.enqueue_indirect_dma source(%dma_start3A_169 : memref<10000x128xf32, #tpu.memory_space<hbm>>) target(%dma_start3A_166 : memref<80x128xf32, #tpu.memory_space<vmem>>) offsets(%arg10 : memref<80xi32, #tpu.memory_space<vmem>>) semaphore(%arg20 : memref<!tpu.dma_semaphore, #tpu.memory_space<semaphore_mem>>)
      } else {
      }
      %mul3A_106 = arith.constant 4 : i32
      %mul3A_107 = arith.muli %scan3A_64, %mul3A_106 : i32
      %add3A_108 = arith.constant 2 : i32
      %add3A_109 = arith.addi %mul3A_107, %add3A_108 : i32
      %mul3A_110 = arith.constant 32 : i32
      %mul3A_111 = arith.muli %add3A_109, %mul3A_110 : i32
      %add3A_112 = arith.addi %add3A, %mul3A_111 : i32
      %lt3A_113 = arith.constant 4000 : i32
      %lt3A_114 = arith.cmpi slt, %add3A_112, %lt3A_113 : i32
      %convert_element_type3A_115 = arith.extui %lt3A_114 : i1 to i32
      %cond3A_116 = arith.constant 0 : i32
      %cond3A_117 = arith.cmpi ne, %convert_element_type3A_115, %cond3A_116 : i32
      scf.if %cond3A_117 {
        %dma_wait3A_150 = arith.constant 2 : i32
        %dma_wait3A_151 = arith.constant 0 : i32
        %dma_wait3A_152 = arith.constant 0 : i32
        %dma_wait3A_153 = tpu.memref_slice %arg15[%dma_wait3A_150, %dma_wait3A_151, %dma_wait3A_152] : memref<4x80x128xf32, #tpu.memory_space<vmem>> -> memref<1x80x128xf32, #tpu.memory_space<vmem>>
        %dma_wait3A_154 = tpu.memref_squeeze %dma_wait3A_153 : memref<1x80x128xf32, #tpu.memory_space<vmem>> -> memref<80x128xf32, #tpu.memory_space<vmem>>
        %dma_wait3A_155 = arith.constant 0 : i32
        %dma_wait3A_156 = arith.constant 0 : i32
        %dma_wait3A_157 = tpu.memref_slice %arg2[%dma_wait3A_155, %dma_wait3A_156] : memref<10000x128xf32, #tpu.memory_space<hbm>> -> memref<10000x128xf32, #tpu.memory_space<hbm>>
        tpu.wait_indirect_dma semaphore(%arg19 : memref<!tpu.dma_semaphore, #tpu.memory_space<semaphore_mem>>) src(%dma_wait3A_157 : memref<10000x128xf32, #tpu.memory_space<hbm>>) dst(%dma_wait3A_154 : memref<80x128xf32, #tpu.memory_space<vmem>>)
        %dma_start3A_158 = arith.constant 2 : i32
        %dma_start3A_159 = arith.constant 0 : i32
        %dma_start3A_160 = arith.constant 0 : i32
        %dma_start3A_161 = tpu.memref_slice %arg15[%dma_start3A_158, %dma_start3A_159, %dma_start3A_160] : memref<4x80x128xf32, #tpu.memory_space<vmem>> -> memref<1x80x128xf32, #tpu.memory_space<vmem>>
        %dma_start3A_162 = tpu.memref_squeeze %dma_start3A_161 : memref<1x80x128xf32, #tpu.memory_space<vmem>> -> memref<80x128xf32, #tpu.memory_space<vmem>>
        %dma_start3A_163 = arith.constant 0 : i32
        %dma_start3A_164 = arith.constant 0 : i32
        %dma_start3A_165 = tpu.memref_slice %arg16[%dma_start3A_163, %dma_start3A_164] : memref<10240x128xf32, #tpu.memory_space<vmem_shared>> -> memref<10240x128xf32, #tpu.memory_space<vmem_shared>>
        tpu.enqueue_indirect_dma source(%dma_start3A_162 : memref<80x128xf32, #tpu.memory_space<vmem>>) target(%dma_start3A_165 : memref<10240x128xf32, #tpu.memory_space<vmem_shared>>) offsets(%arg13 : memref<80xi32, #tpu.memory_space<vmem>>) semaphore(%arg23 : memref<!tpu.dma_semaphore, #tpu.memory_space<semaphore_mem>>) {add = true}
      } else {
      }
      %add3A_118 = arith.constant 2 : i32
      %add3A_119 = arith.addi %add3A_109, %add3A_118 : i32
      %mul3A_120 = arith.constant 32 : i32
      %mul3A_121 = arith.muli %add3A_119, %mul3A_120 : i32
      %add3A_122 = arith.addi %add3A, %mul3A_121 : i32
      %lt3A_123 = arith.constant 4000 : i32
      %lt3A_124 = arith.cmpi slt, %add3A_122, %lt3A_123 : i32
      %convert_element_type3A_125 = arith.extui %lt3A_124 : i1 to i32
      %cond3A_126 = arith.constant 0 : i32
      %cond3A_127 = arith.cmpi ne, %convert_element_type3A_125, %cond3A_126 : i32
      scf.if %cond3A_127 {
        %ge3A = arith.constant 2 : i32
        %ge3A_150 = arith.cmpi sge, %add3A_109, %ge3A : i32
        %convert_element_type3A_151 = arith.extui %ge3A_150 : i1 to i32
        %cond3A_152 = arith.constant 0 : i32
        %cond3A_153 = arith.cmpi ne, %convert_element_type3A_151, %cond3A_152 : i32
        scf.if %cond3A_153 {
          %dma_wait3A_170 = arith.constant 0 : i32
          %dma_wait3A_171 = arith.constant 0 : i32
          %dma_wait3A_172 = arith.constant 0 : i32
          %dma_wait3A_173 = tpu.memref_slice %arg15[%dma_wait3A_170, %dma_wait3A_171, %dma_wait3A_172] : memref<4x80x128xf32, #tpu.memory_space<vmem>> -> memref<1x80x128xf32, #tpu.memory_space<vmem>>
          %dma_wait3A_174 = tpu.memref_squeeze %dma_wait3A_173 : memref<1x80x128xf32, #tpu.memory_space<vmem>> -> memref<80x128xf32, #tpu.memory_space<vmem>>
          %dma_wait3A_175 = arith.constant 0 : i32
          %dma_wait3A_176 = arith.constant 0 : i32
          %dma_wait3A_177 = tpu.memref_slice %arg16[%dma_wait3A_175, %dma_wait3A_176] : memref<10240x128xf32, #tpu.memory_space<vmem_shared>> -> memref<10240x128xf32, #tpu.memory_space<vmem_shared>>
          tpu.wait_indirect_dma semaphore(%arg21 : memref<!tpu.dma_semaphore, #tpu.memory_space<semaphore_mem>>) src(%dma_wait3A_174 : memref<80x128xf32, #tpu.memory_space<vmem>>) dst(%dma_wait3A_177 : memref<10240x128xf32, #tpu.memory_space<vmem_shared>>)
        } else {
        }
        %add3A_154 = arith.constant 2 : i32
        %add3A_155 = arith.addi %add3A_109, %add3A_154 : i32
        %mul3A_156 = arith.constant 32 : i32
        %mul3A_157 = arith.muli %add3A_155, %mul3A_156 : i32
        %add3A_158 = arith.addi %add3A, %mul3A_157 : i32
        %mul3A_159 = arith.constant 80 : i32
        %mul3A_160 = arith.muli %add3A_158, %mul3A_159 : i32
        %multiple_of3A_161 = tpu.assume_multiple %mul3A_160, 8 : i32
        "tpu.region"() ({
          %run_scoped3A = tpu.sem_alloc : memref<!tpu.dma_semaphore, #tpu.memory_space<semaphore_mem>>
          %dma_start3A_170 = tpu.memref_slice %arg3[%multiple_of3A_161] : memref<320000xi32, #tpu.memory_space<hbm>> -> memref<80xi32, #tpu.memory_space<hbm>>
          %dma_start3A_171 = tpu.memref_slice %arg3[%multiple_of3A_161] : memref<320000xi32, #tpu.memory_space<hbm>> -> memref<80xi32, #tpu.memory_space<hbm>>
          tpu.enqueue_dma source(%dma_start3A_171 : memref<80xi32, #tpu.memory_space<hbm>>) target(%arg7 : memref<80xi32, #tpu.memory_space<vmem>>) target_semaphore(%run_scoped3A : memref<!tpu.dma_semaphore, #tpu.memory_space<semaphore_mem>>)
          %dma_wait3A_172 = tpu.memref_slice %arg3[%multiple_of3A_161] : memref<320000xi32, #tpu.memory_space<hbm>> -> memref<80xi32, #tpu.memory_space<hbm>>
          %dma_wait3A_173 = tpu.memref_slice %arg3[%multiple_of3A_161] : memref<320000xi32, #tpu.memory_space<hbm>> -> memref<80xi32, #tpu.memory_space<hbm>>
          tpu.wait_dma2 semaphore(%run_scoped3A : memref<!tpu.dma_semaphore, #tpu.memory_space<semaphore_mem>>) src(%dma_wait3A_173 : memref<80xi32, #tpu.memory_space<hbm>>) dst(%arg7 : memref<80xi32, #tpu.memory_space<vmem>>)
          tpu.yield
        }) : () -> ()
        "tpu.region"() ({
          %run_scoped3A = tpu.sem_alloc : memref<!tpu.dma_semaphore, #tpu.memory_space<semaphore_mem>>
          %dma_start3A_170 = tpu.memref_slice %arg4[%multiple_of3A_161] : memref<320000xi32, #tpu.memory_space<hbm>> -> memref<80xi32, #tpu.memory_space<hbm>>
          %dma_start3A_171 = tpu.memref_slice %arg4[%multiple_of3A_161] : memref<320000xi32, #tpu.memory_space<hbm>> -> memref<80xi32, #tpu.memory_space<hbm>>
          tpu.enqueue_dma source(%dma_start3A_171 : memref<80xi32, #tpu.memory_space<hbm>>) target(%arg11 : memref<80xi32, #tpu.memory_space<vmem>>) target_semaphore(%run_scoped3A : memref<!tpu.dma_semaphore, #tpu.memory_space<semaphore_mem>>)
          %dma_wait3A_172 = tpu.memref_slice %arg4[%multiple_of3A_161] : memref<320000xi32, #tpu.memory_space<hbm>> -> memref<80xi32, #tpu.memory_space<hbm>>
          %dma_wait3A_173 = tpu.memref_slice %arg4[%multiple_of3A_161] : memref<320000xi32, #tpu.memory_space<hbm>> -> memref<80xi32, #tpu.memory_space<hbm>>
          tpu.wait_dma2 semaphore(%run_scoped3A : memref<!tpu.dma_semaphore, #tpu.memory_space<semaphore_mem>>) src(%dma_wait3A_173 : memref<80xi32, #tpu.memory_space<hbm>>) dst(%arg11 : memref<80xi32, #tpu.memory_space<vmem>>)
          tpu.yield
        }) : () -> ()
        %dma_start3A_162 = arith.constant 0 : i32
        %dma_start3A_163 = arith.constant 0 : i32
        %dma_start3A_164 = arith.constant 0 : i32
        %dma_start3A_165 = tpu.memref_slice %arg15[%dma_start3A_162, %dma_start3A_163, %dma_start3A_164] : memref<4x80x128xf32, #tpu.memory_space<vmem>> -> memref<1x80x128xf32, #tpu.memory_space<vmem>>
        %dma_start3A_166 = tpu.memref_squeeze %dma_start3A_165 : memref<1x80x128xf32, #tpu.memory_space<vmem>> -> memref<80x128xf32, #tpu.memory_space<vmem>>
        %dma_start3A_167 = arith.constant 0 : i32
        %dma_start3A_168 = arith.constant 0 : i32
        %dma_start3A_169 = tpu.memref_slice %arg2[%dma_start3A_167, %dma_start3A_168] : memref<10000x128xf32, #tpu.memory_space<hbm>> -> memref<10000x128xf32, #tpu.memory_space<hbm>>
        tpu.enqueue_indirect_dma source(%dma_start3A_169 : memref<10000x128xf32, #tpu.memory_space<hbm>>) target(%dma_start3A_166 : memref<80x128xf32, #tpu.memory_space<vmem>>) offsets(%arg7 : memref<80xi32, #tpu.memory_space<vmem>>) semaphore(%arg17 : memref<!tpu.dma_semaphore, #tpu.memory_space<semaphore_mem>>)
      } else {
      }
      %mul3A_128 = arith.constant 4 : i32
      %mul3A_129 = arith.muli %scan3A_64, %mul3A_128 : i32
      %add3A_130 = arith.constant 3 : i32
      %add3A_131 = arith.addi %mul3A_129, %add3A_130 : i32
      %mul3A_132 = arith.constant 32 : i32
      %mul3A_133 = arith.muli %add3A_131, %mul3A_132 : i32
      %add3A_134 = arith.addi %add3A, %mul3A_133 : i32
      %lt3A_135 = arith.constant 4000 : i32
      %lt3A_136 = arith.cmpi slt, %add3A_134, %lt3A_135 : i32
      %convert_element_type3A_137 = arith.extui %lt3A_136 : i1 to i32
      %cond3A_138 = arith.constant 0 : i32
      %cond3A_139 = arith.cmpi ne, %convert_element_type3A_137, %cond3A_138 : i32
      scf.if %cond3A_139 {
        %dma_wait3A_150 = arith.constant 3 : i32
        %dma_wait3A_151 = arith.constant 0 : i32
        %dma_wait3A_152 = arith.constant 0 : i32
        %dma_wait3A_153 = tpu.memref_slice %arg15[%dma_wait3A_150, %dma_wait3A_151, %dma_wait3A_152] : memref<4x80x128xf32, #tpu.memory_space<vmem>> -> memref<1x80x128xf32, #tpu.memory_space<vmem>>
        %dma_wait3A_154 = tpu.memref_squeeze %dma_wait3A_153 : memref<1x80x128xf32, #tpu.memory_space<vmem>> -> memref<80x128xf32, #tpu.memory_space<vmem>>
        %dma_wait3A_155 = arith.constant 0 : i32
        %dma_wait3A_156 = arith.constant 0 : i32
        %dma_wait3A_157 = tpu.memref_slice %arg2[%dma_wait3A_155, %dma_wait3A_156] : memref<10000x128xf32, #tpu.memory_space<hbm>> -> memref<10000x128xf32, #tpu.memory_space<hbm>>
        tpu.wait_indirect_dma semaphore(%arg20 : memref<!tpu.dma_semaphore, #tpu.memory_space<semaphore_mem>>) src(%dma_wait3A_157 : memref<10000x128xf32, #tpu.memory_space<hbm>>) dst(%dma_wait3A_154 : memref<80x128xf32, #tpu.memory_space<vmem>>)
        %dma_start3A_158 = arith.constant 3 : i32
        %dma_start3A_159 = arith.constant 0 : i32
        %dma_start3A_160 = arith.constant 0 : i32
        %dma_start3A_161 = tpu.memref_slice %arg15[%dma_start3A_158, %dma_start3A_159, %dma_start3A_160] : memref<4x80x128xf32, #tpu.memory_space<vmem>> -> memref<1x80x128xf32, #tpu.memory_space<vmem>>
        %dma_start3A_162 = tpu.memref_squeeze %dma_start3A_161 : memref<1x80x128xf32, #tpu.memory_space<vmem>> -> memref<80x128xf32, #tpu.memory_space<vmem>>
        %dma_start3A_163 = arith.constant 0 : i32
        %dma_start3A_164 = arith.constant 0 : i32
        %dma_start3A_165 = tpu.memref_slice %arg16[%dma_start3A_163, %dma_start3A_164] : memref<10240x128xf32, #tpu.memory_space<vmem_shared>> -> memref<10240x128xf32, #tpu.memory_space<vmem_shared>>
        tpu.enqueue_indirect_dma source(%dma_start3A_162 : memref<80x128xf32, #tpu.memory_space<vmem>>) target(%dma_start3A_165 : memref<10240x128xf32, #tpu.memory_space<vmem_shared>>) offsets(%arg14 : memref<80xi32, #tpu.memory_space<vmem>>) semaphore(%arg24 : memref<!tpu.dma_semaphore, #tpu.memory_space<semaphore_mem>>) {add = true}
      } else {
      }
      %add3A_140 = arith.constant 2 : i32
      %add3A_141 = arith.addi %add3A_131, %add3A_140 : i32
      %mul3A_142 = arith.constant 32 : i32
      %mul3A_143 = arith.muli %add3A_141, %mul3A_142 : i32
      %add3A_144 = arith.addi %add3A, %mul3A_143 : i32
      %lt3A_145 = arith.constant 4000 : i32
      %lt3A_146 = arith.cmpi slt, %add3A_144, %lt3A_145 : i32
      %convert_element_type3A_147 = arith.extui %lt3A_146 : i1 to i32
      %cond3A_148 = arith.constant 0 : i32
      %cond3A_149 = arith.cmpi ne, %convert_element_type3A_147, %cond3A_148 : i32
      scf.if %cond3A_149 {
        %ge3A = arith.constant 2 : i32
        %ge3A_150 = arith.cmpi sge, %add3A_131, %ge3A : i32
        %convert_element_type3A_151 = arith.extui %ge3A_150 : i1 to i32
        %cond3A_152 = arith.constant 0 : i32
        %cond3A_153 = arith.cmpi ne, %convert_element_type3A_151, %cond3A_152 : i32
        scf.if %cond3A_153 {
          %dma_wait3A_170 = arith.constant 1 : i32
          %dma_wait3A_171 = arith.constant 0 : i32
          %dma_wait3A_172 = arith.constant 0 : i32
          %dma_wait3A_173 = tpu.memref_slice %arg15[%dma_wait3A_170, %dma_wait3A_171, %dma_wait3A_172] : memref<4x80x128xf32, #tpu.memory_space<vmem>> -> memref<1x80x128xf32, #tpu.memory_space<vmem>>
          %dma_wait3A_174 = tpu.memref_squeeze %dma_wait3A_173 : memref<1x80x128xf32, #tpu.memory_space<vmem>> -> memref<80x128xf32, #tpu.memory_space<vmem>>
          %dma_wait3A_175 = arith.constant 0 : i32
          %dma_wait3A_176 = arith.constant 0 : i32
          %dma_wait3A_177 = tpu.memref_slice %arg16[%dma_wait3A_175, %dma_wait3A_176] : memref<10240x128xf32, #tpu.memory_space<vmem_shared>> -> memref<10240x128xf32, #tpu.memory_space<vmem_shared>>
          tpu.wait_indirect_dma semaphore(%arg22 : memref<!tpu.dma_semaphore, #tpu.memory_space<semaphore_mem>>) src(%dma_wait3A_174 : memref<80x128xf32, #tpu.memory_space<vmem>>) dst(%dma_wait3A_177 : memref<10240x128xf32, #tpu.memory_space<vmem_shared>>)
        } else {
        }
        %add3A_154 = arith.constant 2 : i32
        %add3A_155 = arith.addi %add3A_131, %add3A_154 : i32
        %mul3A_156 = arith.constant 32 : i32
        %mul3A_157 = arith.muli %add3A_155, %mul3A_156 : i32
        %add3A_158 = arith.addi %add3A, %mul3A_157 : i32
        %mul3A_159 = arith.constant 80 : i32
        %mul3A_160 = arith.muli %add3A_158, %mul3A_159 : i32
        %multiple_of3A_161 = tpu.assume_multiple %mul3A_160, 8 : i32
        "tpu.region"() ({
          %run_scoped3A = tpu.sem_alloc : memref<!tpu.dma_semaphore, #tpu.memory_space<semaphore_mem>>
          %dma_start3A_170 = tpu.memref_slice %arg3[%multiple_of3A_161] : memref<320000xi32, #tpu.memory_space<hbm>> -> memref<80xi32, #tpu.memory_space<hbm>>
          %dma_start3A_171 = tpu.memref_slice %arg3[%multiple_of3A_161] : memref<320000xi32, #tpu.memory_space<hbm>> -> memref<80xi32, #tpu.memory_space<hbm>>
          tpu.enqueue_dma source(%dma_start3A_171 : memref<80xi32, #tpu.memory_space<hbm>>) target(%arg8 : memref<80xi32, #tpu.memory_space<vmem>>) target_semaphore(%run_scoped3A : memref<!tpu.dma_semaphore, #tpu.memory_space<semaphore_mem>>)
          %dma_wait3A_172 = tpu.memref_slice %arg3[%multiple_of3A_161] : memref<320000xi32, #tpu.memory_space<hbm>> -> memref<80xi32, #tpu.memory_space<hbm>>
          %dma_wait3A_173 = tpu.memref_slice %arg3[%multiple_of3A_161] : memref<320000xi32, #tpu.memory_space<hbm>> -> memref<80xi32, #tpu.memory_space<hbm>>
          tpu.wait_dma2 semaphore(%run_scoped3A : memref<!tpu.dma_semaphore, #tpu.memory_space<semaphore_mem>>) src(%dma_wait3A_173 : memref<80xi32, #tpu.memory_space<hbm>>) dst(%arg8 : memref<80xi32, #tpu.memory_space<vmem>>)
          tpu.yield
        }) : () -> ()
        "tpu.region"() ({
          %run_scoped3A = tpu.sem_alloc : memref<!tpu.dma_semaphore, #tpu.memory_space<semaphore_mem>>
          %dma_start3A_170 = tpu.memref_slice %arg4[%multiple_of3A_161] : memref<320000xi32, #tpu.memory_space<hbm>> -> memref<80xi32, #tpu.memory_space<hbm>>
          %dma_start3A_171 = tpu.memref_slice %arg4[%multiple_of3A_161] : memref<320000xi32, #tpu.memory_space<hbm>> -> memref<80xi32, #tpu.memory_space<hbm>>
          tpu.enqueue_dma source(%dma_start3A_171 : memref<80xi32, #tpu.memory_space<hbm>>) target(%arg12 : memref<80xi32, #tpu.memory_space<vmem>>) target_semaphore(%run_scoped3A : memref<!tpu.dma_semaphore, #tpu.memory_space<semaphore_mem>>)
          %dma_wait3A_172 = tpu.memref_slice %arg4[%multiple_of3A_161] : memref<320000xi32, #tpu.memory_space<hbm>> -> memref<80xi32, #tpu.memory_space<hbm>>
          %dma_wait3A_173 = tpu.memref_slice %arg4[%multiple_of3A_161] : memref<320000xi32, #tpu.memory_space<hbm>> -> memref<80xi32, #tpu.memory_space<hbm>>
          tpu.wait_dma2 semaphore(%run_scoped3A : memref<!tpu.dma_semaphore, #tpu.memory_space<semaphore_mem>>) src(%dma_wait3A_173 : memref<80xi32, #tpu.memory_space<hbm>>) dst(%arg12 : memref<80xi32, #tpu.memory_space<vmem>>)
          tpu.yield
        }) : () -> ()
        %dma_start3A_162 = arith.constant 1 : i32
        %dma_start3A_163 = arith.constant 0 : i32
        %dma_start3A_164 = arith.constant 0 : i32
        %dma_start3A_165 = tpu.memref_slice %arg15[%dma_start3A_162, %dma_start3A_163, %dma_start3A_164] : memref<4x80x128xf32, #tpu.memory_space<vmem>> -> memref<1x80x128xf32, #tpu.memory_space<vmem>>
        %dma_start3A_166 = tpu.memref_squeeze %dma_start3A_165 : memref<1x80x128xf32, #tpu.memory_space<vmem>> -> memref<80x128xf32, #tpu.memory_space<vmem>>
        %dma_start3A_167 = arith.constant 0 : i32
        %dma_start3A_168 = arith.constant 0 : i32
        %dma_start3A_169 = tpu.memref_slice %arg2[%dma_start3A_167, %dma_start3A_168] : memref<10000x128xf32, #tpu.memory_space<hbm>> -> memref<10000x128xf32, #tpu.memory_space<hbm>>
        tpu.enqueue_indirect_dma source(%dma_start3A_169 : memref<10000x128xf32, #tpu.memory_space<hbm>>) target(%dma_start3A_166 : memref<80x128xf32, #tpu.memory_space<vmem>>) offsets(%arg8 : memref<80xi32, #tpu.memory_space<vmem>>) semaphore(%arg18 : memref<!tpu.dma_semaphore, #tpu.memory_space<semaphore_mem>>)
      } else {
      }
    }
    %scan3A_31 = arith.constant 32 : i32
    %dma_wait3A = arith.constant 0 : i32
    %dma_wait3A_32 = arith.constant 0 : i32
    %dma_wait3A_33 = arith.constant 0 : i32
    %dma_wait3A_34 = tpu.memref_slice %arg15[%dma_wait3A, %dma_wait3A_32, %dma_wait3A_33] : memref<4x80x128xf32, #tpu.memory_space<vmem>> -> memref<1x80x128xf32, #tpu.memory_space<vmem>>
    %dma_wait3A_35 = tpu.memref_squeeze %dma_wait3A_34 : memref<1x80x128xf32, #tpu.memory_space<vmem>> -> memref<80x128xf32, #tpu.memory_space<vmem>>
    %dma_wait3A_36 = arith.constant 0 : i32
    %dma_wait3A_37 = arith.constant 0 : i32
    %dma_wait3A_38 = tpu.memref_slice %arg16[%dma_wait3A_36, %dma_wait3A_37] : memref<10240x128xf32, #tpu.memory_space<vmem_shared>> -> memref<10240x128xf32, #tpu.memory_space<vmem_shared>>
    tpu.wait_indirect_dma semaphore(%arg21 : memref<!tpu.dma_semaphore, #tpu.memory_space<semaphore_mem>>) src(%dma_wait3A_35 : memref<80x128xf32, #tpu.memory_space<vmem>>) dst(%dma_wait3A_38 : memref<10240x128xf32, #tpu.memory_space<vmem_shared>>)
    %dma_wait3A_39 = arith.constant 1 : i32
    %dma_wait3A_40 = arith.constant 0 : i32
    %dma_wait3A_41 = arith.constant 0 : i32
    %dma_wait3A_42 = tpu.memref_slice %arg15[%dma_wait3A_39, %dma_wait3A_40, %dma_wait3A_41] : memref<4x80x128xf32, #tpu.memory_space<vmem>> -> memref<1x80x128xf32, #tpu.memory_space<vmem>>
    %dma_wait3A_43 = tpu.memref_squeeze %dma_wait3A_42 : memref<1x80x128xf32, #tpu.memory_space<vmem>> -> memref<80x128xf32, #tpu.memory_space<vmem>>
    %dma_wait3A_44 = arith.constant 0 : i32
    %dma_wait3A_45 = arith.constant 0 : i32
    %dma_wait3A_46 = tpu.memref_slice %arg16[%dma_wait3A_44, %dma_wait3A_45] : memref<10240x128xf32, #tpu.memory_space<vmem_shared>> -> memref<10240x128xf32, #tpu.memory_space<vmem_shared>>
    tpu.wait_indirect_dma semaphore(%arg22 : memref<!tpu.dma_semaphore, #tpu.memory_space<semaphore_mem>>) src(%dma_wait3A_43 : memref<80x128xf32, #tpu.memory_space<vmem>>) dst(%dma_wait3A_46 : memref<10240x128xf32, #tpu.memory_space<vmem_shared>>)
    %dma_wait3A_47 = arith.constant 2 : i32
    %dma_wait3A_48 = arith.constant 0 : i32
    %dma_wait3A_49 = arith.constant 0 : i32
    %dma_wait3A_50 = tpu.memref_slice %arg15[%dma_wait3A_47, %dma_wait3A_48, %dma_wait3A_49] : memref<4x80x128xf32, #tpu.memory_space<vmem>> -> memref<1x80x128xf32, #tpu.memory_space<vmem>>
    %dma_wait3A_51 = tpu.memref_squeeze %dma_wait3A_50 : memref<1x80x128xf32, #tpu.memory_space<vmem>> -> memref<80x128xf32, #tpu.memory_space<vmem>>
    %dma_wait3A_52 = arith.constant 0 : i32
    %dma_wait3A_53 = arith.constant 0 : i32
    %dma_wait3A_54 = tpu.memref_slice %arg16[%dma_wait3A_52, %dma_wait3A_53] : memref<10240x128xf32, #tpu.memory_space<vmem_shared>> -> memref<10240x128xf32, #tpu.memory_space<vmem_shared>>
    tpu.wait_indirect_dma semaphore(%arg23 : memref<!tpu.dma_semaphore, #tpu.memory_space<semaphore_mem>>) src(%dma_wait3A_51 : memref<80x128xf32, #tpu.memory_space<vmem>>) dst(%dma_wait3A_54 : memref<10240x128xf32, #tpu.memory_space<vmem_shared>>)
    %dma_wait3A_55 = arith.constant 3 : i32
    %dma_wait3A_56 = arith.constant 0 : i32
    %dma_wait3A_57 = arith.constant 0 : i32
    %dma_wait3A_58 = tpu.memref_slice %arg15[%dma_wait3A_55, %dma_wait3A_56, %dma_wait3A_57] : memref<4x80x128xf32, #tpu.memory_space<vmem>> -> memref<1x80x128xf32, #tpu.memory_space<vmem>>
    %dma_wait3A_59 = tpu.memref_squeeze %dma_wait3A_58 : memref<1x80x128xf32, #tpu.memory_space<vmem>> -> memref<80x128xf32, #tpu.memory_space<vmem>>
    %dma_wait3A_60 = arith.constant 0 : i32
    %dma_wait3A_61 = arith.constant 0 : i32
    %dma_wait3A_62 = tpu.memref_slice %arg16[%dma_wait3A_60, %dma_wait3A_61] : memref<10240x128xf32, #tpu.memory_space<vmem_shared>> -> memref<10240x128xf32, #tpu.memory_space<vmem_shared>>
    tpu.wait_indirect_dma semaphore(%arg24 : memref<!tpu.dma_semaphore, #tpu.memory_space<semaphore_mem>>) src(%dma_wait3A_59 : memref<80x128xf32, #tpu.memory_space<vmem>>) dst(%dma_wait3A_62 : memref<10240x128xf32, #tpu.memory_space<vmem_shared>>)
    %barrier3A_63 = arith.constant 0 : index
    tpu.barrier barrier_id(%barrier3A_63)
    "tpu.region"() ({
      %run_scoped3A = tpu.sem_alloc : memref<!tpu.dma_semaphore, #tpu.memory_space<semaphore_mem>>
      %dma_start3A_64 = arith.constant 0 : i32
      %dma_start3A_65 = tpu.memref_slice %arg6[%arg0, %mul3A_2, %dma_start3A_64] : memref<2x10240x128xf32, #tpu.memory_space<hbm>> -> memref<1x640x128xf32, #tpu.memory_space<hbm>>
      %dma_start3A_66 = tpu.memref_squeeze %dma_start3A_65 : memref<1x640x128xf32, #tpu.memory_space<hbm>> -> memref<640x128xf32, #tpu.memory_space<hbm>>
      %dma_start3A_67 = arith.constant 0 : i32
      %dma_start3A_68 = tpu.memref_slice %arg16[%mul3A_2, %dma_start3A_67] : memref<10240x128xf32, #tpu.memory_space<vmem_shared>> -> memref<640x128xf32, #tpu.memory_space<vmem_shared>>
      tpu.enqueue_dma source(%dma_start3A_68 : memref<640x128xf32, #tpu.memory_space<vmem_shared>>) target(%dma_start3A_66 : memref<640x128xf32, #tpu.memory_space<hbm>>) target_semaphore(%run_scoped3A : memref<!tpu.dma_semaphore, #tpu.memory_space<semaphore_mem>>)
      %dma_wait3A_69 = arith.constant 0 : i32
      %dma_wait3A_70 = tpu.memref_slice %arg6[%arg0, %mul3A_2, %dma_wait3A_69] : memref<2x10240x128xf32, #tpu.memory_space<hbm>> -> memref<1x640x128xf32, #tpu.memory_space<hbm>>
      %dma_wait3A_71 = tpu.memref_squeeze %dma_wait3A_70 : memref<1x640x128xf32, #tpu.memory_space<hbm>> -> memref<640x128xf32, #tpu.memory_space<hbm>>
      %dma_wait3A_72 = arith.constant 0 : i32
      %dma_wait3A_73 = tpu.memref_slice %arg16[%mul3A_2, %dma_wait3A_72] : memref<10240x128xf32, #tpu.memory_space<vmem_shared>> -> memref<640x128xf32, #tpu.memory_space<vmem_shared>>
      tpu.wait_dma2 semaphore(%run_scoped3A : memref<!tpu.dma_semaphore, #tpu.memory_space<semaphore_mem>>) src(%dma_wait3A_73 : memref<640x128xf32, #tpu.memory_space<vmem_shared>>) dst(%dma_wait3A_71 : memref<640x128xf32, #tpu.memory_space<hbm>>)
      tpu.yield
    }) : () -> ()
    return
  }
}

module attributes {stable_mosaic.version = 14 : i64} {
  func.func @_prep_body(%arg0: i32, %arg1: memref<1280x128xf32, #tpu.memory_space<vmem>>, %arg2: memref<2x1280x128xf32, #tpu.memory_space<vmem>>, %arg3: memref<1280x128xf32, #tpu.memory_space<vmem>>, %arg4: memref<1280x16xf32, #tpu.memory_space<vmem>>, %arg5: memref<1280x16xf32, #tpu.memory_space<vmem>>) attributes {dimension_semantics = [#tpu.dimension_semantics<arbitrary>], iteration_bounds = array<i64: 8>, scalar_prefetch = 0 : i64, scratch_operands = 0 : i64, tpu.core_type = #tpu.core_type<tc>, window_params = [{transform_indices = @transform_0, window_bounds = array<i64: 1280, 128>}, {transform_indices = @transform_1, window_bounds = array<i64: 2, 1280, 128>}, {transform_indices = @transform_2, window_bounds = array<i64: 1280, 128>}, {transform_indices = @transform_3, window_bounds = array<i64: 1280, 16>}, {transform_indices = @transform_4, window_bounds = array<i64: 1280, 16>}]} {
    %get3A = arith.constant 0 : index
    %get3A_0 = arith.constant 0 : index
    %get3A_1 = arith.constant 0 : index
    %get3A_2 = vector.load %arg2[%get3A, %get3A_0, %get3A_1] : memref<2x1280x128xf32, #tpu.memory_space<vmem>>, vector<1x1280x128xf32>
    %get3A_3 = vector.shape_cast %get3A_2 : vector<1x1280x128xf32> to vector<1280x128xf32>
    %get3A_4 = arith.constant 1 : index
    %get3A_5 = arith.constant 0 : index
    %get3A_6 = arith.constant 0 : index
    %get3A_7 = vector.load %arg2[%get3A_4, %get3A_5, %get3A_6] : memref<2x1280x128xf32, #tpu.memory_space<vmem>>, vector<1x1280x128xf32>
    %get3A_8 = vector.shape_cast %get3A_7 : vector<1x1280x128xf32> to vector<1280x128xf32>
    %add3A = arith.addf %get3A_3, %get3A_8 : vector<1280x128xf32>
    %slice3A = vector.extract_strided_slice %add3A {offsets = [0, 0], sizes = [1280, 1], strides = [1, 1]} : vector<1280x128xf32> to vector<1280x1xf32>
    %max3A = arith.constant 1.000000e+00 : f32
    %max3A_9 = vector.broadcast %max3A : f32 to vector<1280x1xf32>
    %max3A_10 = arith.maximumf %slice3A, %max3A_9 : vector<1280x1xf32>
    %rsqrt3A = math.rsqrt %max3A_10 : vector<1280x1xf32>
    %slice3A_11 = vector.extract_strided_slice %add3A {offsets = [0, 64], sizes = [1280, 1], strides = [1, 1]} : vector<1280x128xf32> to vector<1280x1xf32>
    %max3A_12 = arith.constant 1.000000e+00 : f32
    %max3A_13 = vector.broadcast %max3A_12 : f32 to vector<1280x1xf32>
    %max3A_14 = arith.maximumf %slice3A_11, %max3A_13 : vector<1280x1xf32>
    %rsqrt3A_15 = math.rsqrt %max3A_14 : vector<1280x1xf32>
    %broadcast_in_dim3A = vector.shape_cast %rsqrt3A : vector<1280x1xf32> to vector<1280x1xf32>
    %broadcast_in_dim3A_16 = vector.broadcast %broadcast_in_dim3A : vector<1280x1xf32> to vector<1280x16xf32>
    %swap3A = arith.constant 0 : index
    %swap3A_17 = arith.constant 0 : index
    %swap3A_18 = vector.load %arg4[%swap3A, %swap3A_17] : memref<1280x16xf32, #tpu.memory_space<vmem>>, vector<1280x16xf32>
    tpu.vector_store %arg4[%swap3A, %swap3A_17], %broadcast_in_dim3A_16 {strides = array<i32>} : memref<1280x16xf32, #tpu.memory_space<vmem>>, vector<1280x16xf32>,
    %broadcast_in_dim3A_19 = vector.shape_cast %rsqrt3A_15 : vector<1280x1xf32> to vector<1280x1xf32>
    %broadcast_in_dim3A_20 = vector.broadcast %broadcast_in_dim3A_19 : vector<1280x1xf32> to vector<1280x16xf32>
    %swap3A_21 = arith.constant 0 : index
    %swap3A_22 = arith.constant 0 : index
    %swap3A_23 = vector.load %arg5[%swap3A_21, %swap3A_22] : memref<1280x16xf32, #tpu.memory_space<vmem>>, vector<1280x16xf32>
    tpu.vector_store %arg5[%swap3A_21, %swap3A_22], %broadcast_in_dim3A_20 {strides = array<i32>} : memref<1280x16xf32, #tpu.memory_space<vmem>>, vector<1280x16xf32>,
    %get3A_24 = arith.constant 0 : index
    %get3A_25 = arith.constant 0 : index
    %get3A_26 = vector.load %arg1[%get3A_24, %get3A_25] : memref<1280x128xf32, #tpu.memory_space<vmem>>, vector<1280x128xf32>
    %mul3A = vector.broadcast %rsqrt3A : vector<1280x1xf32> to vector<1280x128xf32>
    %mul3A_27 = arith.mulf %get3A_26, %mul3A : vector<1280x128xf32>
    %swap3A_28 = arith.constant 0 : index
    %swap3A_29 = arith.constant 0 : index
    %swap3A_30 = vector.load %arg3[%swap3A_28, %swap3A_29] : memref<1280x128xf32, #tpu.memory_space<vmem>>, vector<1280x128xf32>
    tpu.vector_store %arg3[%swap3A_28, %swap3A_29], %mul3A_27 {strides = array<i32>} : memref<1280x128xf32, #tpu.memory_space<vmem>>, vector<1280x128xf32>,
    return
  }
  func.func @transform_0(%arg0: i32) -> (i32, i32) {
    %c0_i32 = arith.constant 0 : i32
    %c0_i32_0 = arith.constant 0 : i32
    return %arg0, %c0_i32 : i32, i32
  }
  func.func @transform_1(%arg0: i32) -> (i32, i32, i32) {
    %c0_i32 = arith.constant 0 : i32
    %c0_i32_0 = arith.constant 0 : i32
    %c0_i32_1 = arith.constant 0 : i32
    return %c0_i32, %arg0, %c0_i32_0 : i32, i32, i32
  }
  func.func @transform_2(%arg0: i32) -> (i32, i32) {
    %c0_i32 = arith.constant 0 : i32
    %c0_i32_0 = arith.constant 0 : i32
    return %arg0, %c0_i32 : i32, i32
  }
  func.func @transform_3(%arg0: i32) -> (i32, i32) {
    %c0_i32 = arith.constant 0 : i32
    %c0_i32_0 = arith.constant 0 : i32
    return %arg0, %c0_i32 : i32, i32
  }
  func.func @transform_4(%arg0: i32) -> (i32, i32) {
    %c0_i32 = arith.constant 0 : i32
    %c0_i32_0 = arith.constant 0 : i32
    return %arg0, %c0_i32 : i32, i32
  }
}

module attributes {stable_mosaic.version = 14 : i64} {
  func.func @_layer_body(%arg0: i32, %arg1: memref<2x1280x128xf32, #tpu.memory_space<vmem>>, %arg2: memref<1280x16xf32, #tpu.memory_space<vmem>>, %arg3: memref<1280x16xf32, #tpu.memory_space<vmem>>, %arg4: memref<128x128xf32, #tpu.memory_space<vmem>>, %arg5: memref<1x128xf32, #tpu.memory_space<vmem>>, %arg6: memref<1280x128xf32, #tpu.memory_space<vmem>>) attributes {dimension_semantics = [#tpu.dimension_semantics<arbitrary>], iteration_bounds = array<i64: 8>, scalar_prefetch = 0 : i64, scratch_operands = 0 : i64, tpu.core_type = #tpu.core_type<tc>, window_params = [{transform_indices = @transform_0, window_bounds = array<i64: 2, 1280, 128>}, {transform_indices = @transform_1, window_bounds = array<i64: 1280, 16>}, {transform_indices = @transform_2, window_bounds = array<i64: 1280, 16>}, {pipeline_mode = #tpu.pipeline_mode<synchronous>, transform_indices = @transform_3, window_bounds = array<i64: 128, 128>}, {pipeline_mode = #tpu.pipeline_mode<synchronous>, transform_indices = @transform_4, window_bounds = array<i64: 1, 128>}, {transform_indices = @transform_5, window_bounds = array<i64: 1280, 128>}]} {
    %get3A = arith.constant 0 : index
    %get3A_0 = arith.constant 0 : index
    %get3A_1 = arith.constant 0 : index
    %get3A_2 = vector.load %arg1[%get3A, %get3A_0, %get3A_1] : memref<2x1280x128xf32, #tpu.memory_space<vmem>>, vector<1x1280x128xf32>
    %get3A_3 = vector.shape_cast %get3A_2 : vector<1x1280x128xf32> to vector<1280x128xf32>
    %get3A_4 = arith.constant 1 : index
    %get3A_5 = arith.constant 0 : index
    %get3A_6 = arith.constant 0 : index
    %get3A_7 = vector.load %arg1[%get3A_4, %get3A_5, %get3A_6] : memref<2x1280x128xf32, #tpu.memory_space<vmem>>, vector<1x1280x128xf32>
    %get3A_8 = vector.shape_cast %get3A_7 : vector<1x1280x128xf32> to vector<1280x128xf32>
    %add3A = arith.addf %get3A_3, %get3A_8 : vector<1280x128xf32>
    %get3A_9 = arith.constant 0 : index
    %get3A_10 = arith.constant 0 : index
    %get3A_11 = vector.load %arg2[%get3A_9, %get3A_10] : memref<1280x16xf32, #tpu.memory_space<vmem>>, vector<1280x16xf32>
    %slice3A = vector.extract_strided_slice %get3A_11 {offsets = [0, 0], sizes = [1280, 1], strides = [1, 1]} : vector<1280x16xf32> to vector<1280x1xf32>
    %mul3A = vector.broadcast %slice3A : vector<1280x1xf32> to vector<1280x128xf32>
    %mul3A_12 = arith.mulf %add3A, %mul3A : vector<1280x128xf32>
    %get3A_13 = arith.constant 0 : index
    %get3A_14 = arith.constant 0 : index
    %get3A_15 = vector.load %arg4[%get3A_13, %get3A_14] : memref<128x128xf32, #tpu.memory_space<vmem>>, vector<128x128xf32>
    %dot_general3A = arith.constant dense<0.000000e+00> : vector<1280x128xf32>
    %dot_general3A_16 = tpu.matmul %mul3A_12, %get3A_15, %dot_general3A {dimension_numbers = #tpu.dot_dimension_numbers<[1], [0], [0], [1], [0, 0, 1, 1], [], []>, transpose_lhs_hint = false} : vector<1280x128xf32>, vector<128x128xf32>, vector<1280x128xf32> -> vector<1280x128xf32>
    %get3A_17 = arith.constant 0 : index
    %get3A_18 = arith.constant 0 : index
    %get3A_19 = vector.load %arg5[%get3A_17, %get3A_18] : memref<1x128xf32, #tpu.memory_space<vmem>>, vector<1x128xf32>
    %add3A_20 = vector.broadcast %get3A_19 : vector<1x128xf32> to vector<1280x128xf32>
    %add3A_21 = arith.addf %dot_general3A_16, %add3A_20 : vector<1280x128xf32>
    %max3A = arith.constant 0.000000e+00 : f32
    %max3A_22 = vector.broadcast %max3A : f32 to vector<1280x128xf32>
    %max3A_23 = arith.maximumf %add3A_21, %max3A_22 : vector<1280x128xf32>
    %get3A_24 = arith.constant 0 : index
    %get3A_25 = arith.constant 0 : index
    %get3A_26 = vector.load %arg3[%get3A_24, %get3A_25] : memref<1280x16xf32, #tpu.memory_space<vmem>>, vector<1280x16xf32>
    %slice3A_27 = vector.extract_strided_slice %get3A_26 {offsets = [0, 0], sizes = [1280, 1], strides = [1, 1]} : vector<1280x16xf32> to vector<1280x1xf32>
    %mul3A_28 = vector.broadcast %slice3A_27 : vector<1280x1xf32> to vector<1280x128xf32>
    %mul3A_29 = arith.mulf %max3A_23, %mul3A_28 : vector<1280x128xf32>
    %swap3A = arith.constant 0 : index
    %swap3A_30 = arith.constant 0 : index
    %swap3A_31 = vector.load %arg6[%swap3A, %swap3A_30] : memref<1280x128xf32, #tpu.memory_space<vmem>>, vector<1280x128xf32>
    tpu.vector_store %arg6[%swap3A, %swap3A_30], %mul3A_29 {strides = array<i32>} : memref<1280x128xf32, #tpu.memory_space<vmem>>, vector<1280x128xf32>,
    return
  }
  func.func @transform_0(%arg0: i32) -> (i32, i32, i32) {
    %c0_i32 = arith.constant 0 : i32
    %c0_i32_0 = arith.constant 0 : i32
    %c0_i32_1 = arith.constant 0 : i32
    return %c0_i32, %arg0, %c0_i32_0 : i32, i32, i32
  }
  func.func @transform_1(%arg0: i32) -> (i32, i32) {
    %c0_i32 = arith.constant 0 : i32
    %c0_i32_0 = arith.constant 0 : i32
    return %arg0, %c0_i32 : i32, i32
  }
  func.func @transform_2(%arg0: i32) -> (i32, i32) {
    %c0_i32 = arith.constant 0 : i32
    %c0_i32_0 = arith.constant 0 : i32
    return %arg0, %c0_i32 : i32, i32
  }
  func.func @transform_3(%arg0: i32) -> (i32, i32) {
    %c0_i32 = arith.constant 0 : i32
    %c0_i32_0 = arith.constant 0 : i32
    %c0_i32_1 = arith.constant 0 : i32
    return %c0_i32, %c0_i32_0 : i32, i32
  }
  func.func @transform_4(%arg0: i32) -> (i32, i32) {
    %c0_i32 = arith.constant 0 : i32
    %c0_i32_0 = arith.constant 0 : i32
    %c0_i32_1 = arith.constant 0 : i32
    return %c0_i32, %c0_i32_0 : i32, i32
  }
  func.func @transform_5(%arg0: i32) -> (i32, i32) {
    %c0_i32 = arith.constant 0 : i32
    %c0_i32_0 = arith.constant 0 : i32
    return %arg0, %c0_i32 : i32, i32
  }
}

module attributes {stable_mosaic.version = 14 : i64} {
  func.func @_layer_body(%arg0: i32, %arg1: memref<2x1280x128xf32, #tpu.memory_space<vmem>>, %arg2: memref<1280x16xf32, #tpu.memory_space<vmem>>, %arg3: memref<1280x16xf32, #tpu.memory_space<vmem>>, %arg4: memref<128x128xf32, #tpu.memory_space<vmem>>, %arg5: memref<1x128xf32, #tpu.memory_space<vmem>>, %arg6: memref<1280x128xf32, #tpu.memory_space<vmem>>) attributes {dimension_semantics = [#tpu.dimension_semantics<arbitrary>], iteration_bounds = array<i64: 8>, scalar_prefetch = 0 : i64, scratch_operands = 0 : i64, tpu.core_type = #tpu.core_type<tc>, window_params = [{transform_indices = @transform_0, window_bounds = array<i64: 2, 1280, 128>}, {transform_indices = @transform_1, window_bounds = array<i64: 1280, 16>}, {transform_indices = @transform_2, window_bounds = array<i64: 1280, 16>}, {pipeline_mode = #tpu.pipeline_mode<synchronous>, transform_indices = @transform_3, window_bounds = array<i64: 128, 128>}, {pipeline_mode = #tpu.pipeline_mode<synchronous>, transform_indices = @transform_4, window_bounds = array<i64: 1, 128>}, {transform_indices = @transform_5, window_bounds = array<i64: 1280, 128>}]} {
    %get3A = arith.constant 0 : index
    %get3A_0 = arith.constant 0 : index
    %get3A_1 = arith.constant 0 : index
    %get3A_2 = vector.load %arg1[%get3A, %get3A_0, %get3A_1] : memref<2x1280x128xf32, #tpu.memory_space<vmem>>, vector<1x1280x128xf32>
    %get3A_3 = vector.shape_cast %get3A_2 : vector<1x1280x128xf32> to vector<1280x128xf32>
    %get3A_4 = arith.constant 1 : index
    %get3A_5 = arith.constant 0 : index
    %get3A_6 = arith.constant 0 : index
    %get3A_7 = vector.load %arg1[%get3A_4, %get3A_5, %get3A_6] : memref<2x1280x128xf32, #tpu.memory_space<vmem>>, vector<1x1280x128xf32>
    %get3A_8 = vector.shape_cast %get3A_7 : vector<1x1280x128xf32> to vector<1280x128xf32>
    %add3A = arith.addf %get3A_3, %get3A_8 : vector<1280x128xf32>
    %get3A_9 = arith.constant 0 : index
    %get3A_10 = arith.constant 0 : index
    %get3A_11 = vector.load %arg2[%get3A_9, %get3A_10] : memref<1280x16xf32, #tpu.memory_space<vmem>>, vector<1280x16xf32>
    %slice3A = vector.extract_strided_slice %get3A_11 {offsets = [0, 0], sizes = [1280, 1], strides = [1, 1]} : vector<1280x16xf32> to vector<1280x1xf32>
    %mul3A = vector.broadcast %slice3A : vector<1280x1xf32> to vector<1280x128xf32>
    %mul3A_12 = arith.mulf %add3A, %mul3A : vector<1280x128xf32>
    %get3A_13 = arith.constant 0 : index
    %get3A_14 = arith.constant 0 : index
    %get3A_15 = vector.load %arg4[%get3A_13, %get3A_14] : memref<128x128xf32, #tpu.memory_space<vmem>>, vector<128x128xf32>
    %dot_general3A = arith.constant dense<0.000000e+00> : vector<1280x128xf32>
    %dot_general3A_16 = tpu.matmul %mul3A_12, %get3A_15, %dot_general3A {dimension_numbers = #tpu.dot_dimension_numbers<[1], [0], [0], [1], [0, 0, 1, 1], [], []>, transpose_lhs_hint = false} : vector<1280x128xf32>, vector<128x128xf32>, vector<1280x128xf32> -> vector<1280x128xf32>
    %get3A_17 = arith.constant 0 : index
    %get3A_18 = arith.constant 0 : index
    %get3A_19 = vector.load %arg5[%get3A_17, %get3A_18] : memref<1x128xf32, #tpu.memory_space<vmem>>, vector<1x128xf32>
    %add3A_20 = vector.broadcast %get3A_19 : vector<1x128xf32> to vector<1280x128xf32>
    %add3A_21 = arith.addf %dot_general3A_16, %add3A_20 : vector<1280x128xf32>
    %swap3A = arith.constant 0 : index
    %swap3A_22 = arith.constant 0 : index
    %swap3A_23 = vector.load %arg6[%swap3A, %swap3A_22] : memref<1280x128xf32, #tpu.memory_space<vmem>>, vector<1280x128xf32>
    tpu.vector_store %arg6[%swap3A, %swap3A_22], %add3A_21 {strides = array<i32>} : memref<1280x128xf32, #tpu.memory_space<vmem>>, vector<1280x128xf32>,
    return
  }
  func.func @transform_0(%arg0: i32) -> (i32, i32, i32) {
    %c0_i32 = arith.constant 0 : i32
    %c0_i32_0 = arith.constant 0 : i32
    %c0_i32_1 = arith.constant 0 : i32
    return %c0_i32, %arg0, %c0_i32_0 : i32, i32, i32
  }
  func.func @transform_1(%arg0: i32) -> (i32, i32) {
    %c0_i32 = arith.constant 0 : i32
    %c0_i32_0 = arith.constant 0 : i32
    return %arg0, %c0_i32 : i32, i32
  }
  func.func @transform_2(%arg0: i32) -> (i32, i32) {
    %c0_i32 = arith.constant 0 : i32
    %c0_i32_0 = arith.constant 0 : i32
    return %arg0, %c0_i32 : i32, i32
  }
  func.func @transform_3(%arg0: i32) -> (i32, i32) {
    %c0_i32 = arith.constant 0 : i32
    %c0_i32_0 = arith.constant 0 : i32
    %c0_i32_1 = arith.constant 0 : i32
    return %c0_i32, %c0_i32_0 : i32, i32
  }
  func.func @transform_4(%arg0: i32) -> (i32, i32) {
    %c0_i32 = arith.constant 0 : i32
    %c0_i32_0 = arith.constant 0 : i32
    %c0_i32_1 = arith.constant 0 : i32
    return %c0_i32, %c0_i32_0 : i32, i32
  }
  func.func @transform_5(%arg0: i32) -> (i32, i32) {
    %c0_i32 = arith.constant 0 : i32
    %c0_i32_0 = arith.constant 0 : i32
    return %arg0, %c0_i32 : i32, i32
  }
}

</mosaic_0001>

<sc_bundles>
// kernel: kernel.10.cloned.1.call-start
scs
__scs_entry_jumppad:
0x0: {  	(pc) =	sbr.rel $0x88, $3  }
0x1: {  	(tag) =	ssettag $0x0;
	lr =	simm.s32 $0x1  }
0x2: {  	[smem:$0x3F99] =	sst lr;
	_ =	strace $0xD0000000  }
0x3: {  	_ = 	snop  }
0x4: {  	_ = 	snop  }
0x5: {  	_ = 	snop  }
0x6: {  	_ = 	snop  }
0x7: {  	_ = 	snop  }
__scs_overlays_trampoline_lowered:
0x8: {  	[smem:$0x3FA8] =	sst s0  }
0x9: {  	[smem:$0x3FA9] =	sst s1  }
0xa: {  	[smem:$0x3FAA] =	sst s2  }
0xb: {  	[smem:$0x3FAB] =	sst s3  }
0xc: {  	[smem:$0x3FAC] =	sst s4  }
0xd: {  	[smem:$0x3FAD] =	sst s5  }
0xe: {  	[smem:$0x3FAE] =	sst s6  }
0xf: {  	[smem:$0x3FAF] =	sst s7  }
0x10: {  	[smem:$0x3FB0] =	sst s8  }
0x11: {  	[smem:$0x3FB1] =	sst s9;
	s0 =	simm.s32 @!p0 $0x0  }
0x12: {  	s1 =	sld [smem:$0x3F97];
	s0 =	simm.s32 @p0 $0x1  }
0x13: {  	[smem:$0x3FB2] =	sst s0;
	s0 =	simm.s32 @!p1 $0x0  }
0x14: {  	s2 =	sld [smem:$0x3F96];
	s0 =	simm.s32 @p1 $0x1  }
0x15: {  	[smem:$0x3FB3] =	sst s0;
	s0 =	simm.s32 @!p2 $0x0  }
0x16: {  	s3 =	sld [smem:$0x3FDB];
	s0 =	simm.s32 @p2 $0x1  }
0x17: {  	s4 =	simm.s32 $0x1BF5;
	[smem:$0x3FB5] =	sst s0  }
0x18: {  	s0 =	sld [smem:$0x3F98];
	_ =	swait.ge [sflag:s4], $0x0  }
0x19: {  	s7 =	sld [smem:$0x3F99]  }
0x1a: {  	s8 =	sadd.s32 $0xFFFFE003, lr  }
0x1b: {  	s9 =	sadd.s32 $0xFFFFFEF7, lr;
	s5 =	simm.s32 $0xFFFFFFFF;
	p2 =	slt.u32 s8, $0xFFFFF086  }
0x1c: {  	p1 =	slt.u32 s9, $0xF7A;
	s5 =	simm.s32 @!p2 $0x0  }
0x1d: {  	s5 =	simm.s32 @p1 $0x1;
	p0 =	seq.s32 s7, s2  }
0x1e: {  	s7 =	smul.u32 @!p0 $0xF7A, s2;
	p2 =	seq.s32 @!p0 s5, $0x0  }
0x1f: {  	s9 =	smul.u32 $0xF7A, s1;
	s8 =	simm.s32 @!p0 $0x1BF5;
	p2 =	por !p2, p0  }
0x20: {  	[sflag:s8] =	ssyncset.s32 @!p0 $0xFFFFF086;
	s6 =	sadd.s32 @!p0 s3, s7;
	s7 =	simm.s32 @!p0 $0x108  }
0x21: {  	s3 =	sadd.s32 s3, s9;
	s6 =	sadd.s32 @!p0 $0x88, s6;
	s7 =	simm.s32 @p2 $0x1082  }
0x22: {  	[simem:s7], [sflag:s8] =	dma.local @!p0 [hbm:s6], $0xF7A  }
0x23: {  	s9 =	sor.u32 $0xD0000000, s2;
	s6 =	simm.s32 $0x108;
	_ =	swait.ge @!p0 [sflag:s8], $0x0  }
0x24: {  	s3 =	sadd.s32 $0x88, s3;
	s6 =	simm.s32 @!p1 $0x1082;
	[sflag:s4] =	ssyncset.s32 $0xFFFFF086  }
0x25: {  	[simem:s6], [sflag:s4] =	dma.local [hbm:s3], $0xF7A  }
0x26: {  	[smem:$0x3F99] =	sst s1;
	(tag) =	ssettag s2;
	_ =	strace s9  }
0x27: {  	s1 =	sld [smem:$0x3FA9]  }
0x28: {  	s2 =	sld [smem:$0x3FAA]  }
0x29: {  	s4 =	sld [smem:$0x3FAC]  }
0x2a: {  	p0 =	seq.s32 s5, $0x0;
	s5 =	sld [smem:$0x3FAD]  }
0x2b: {  	s6 =	sld [smem:$0x3FAE]  }
0x2c: {  	s7 =	sld [smem:$0x3FAF]  }
0x2d: {  	s3 =	simm.s32 $0x108;
	s8 =	sld [smem:$0x3FB0]  }
0x2e: {  	s3 =	simm.s32 @!p0 $0x1082;
	s9 =	sld [smem:$0x3FB1]  }
0x2f: {  	lr =	sadd.s32 s0, s3;
	s0 =	sld [smem:$0x3FA8]  }
0x30: {  	s3 =	sld [smem:$0x3FAB]  }
0x31: {  	[smem:$0x3FB4] =	sst s10  }
0x32: {  	s10 =	sld [smem:$0x3FB2];
	_ =	sdelay $0x3  }
0x33: {  	p0 =	seq.s32 s10, $0x1;
	s10 =	sld [smem:$0x3FB4];
	_ =	sdelay $0x3  }
0x34: {  	[smem:$0x3FB4] =	sst s10  }
0x35: {  	s10 =	sld [smem:$0x3FB3];
	_ =	sdelay $0x3  }
0x36: {  	p1 =	seq.s32 s10, $0x1;
	s10 =	sld [smem:$0x3FB4];
	_ =	sdelay $0x3  }
0x37: {  	[smem:$0x3FB4] =	sst s10  }
0x38: {  	s10 =	sld [smem:$0x3FB5]  }
0x39: {  	_ = 	snop;
	(pc) =	sbr.ind lr, $3  }
0x3a: {  	_ = 	snop  }
0x3b: {  	_ = 	snop  }
0x3c: {  	p2 =	seq.s32 s10, $0x1;
	s10 =	sld [smem:$0x3FB4]  }
0x3d: {  	_ =	shalt  }
0x3e: {  	_ =	shalt  }
0x3f: {  	_ =	shalt  }
0x40: {  	_ =	shalt  }
0x41: {  	_ =	shalt  }
0x42: {  	_ =	shalt  }
0x43: {  	_ =	shalt  }
0x44: {  	_ =	shalt  }
0x45: {  	_ =	shalt  }
0x46: {  	_ =	shalt  }
0x47: {  	_ =	shalt  }
0x48: {  	_ =	shalt  }
0x49: {  	_ =	shalt  }
0x4a: {  	_ =	shalt  }
0x4b: {  	_ =	shalt  }
0x4c: {  	_ =	shalt  }
0x4d: {  	_ =	shalt  }
0x4e: {  	_ =	shalt  }
0x4f: {  	_ =	shalt  }
0x50: {  	_ =	shalt  }
0x51: {  	_ =	shalt  }
0x52: {  	_ =	shalt  }
0x53: {  	_ =	shalt  }
0x54: {  	_ =	shalt  }
0x55: {  	_ =	shalt  }
0x56: {  	_ =	shalt  }
0x57: {  	_ =	shalt  }
0x58: {  	_ =	shalt  }
0x59: {  	_ =	shalt  }
0x5a: {  	_ =	shalt  }
0x5b: {  	_ =	shalt  }
0x5c: {  	_ =	shalt  }
0x5d: {  	_ =	shalt  }
0x5e: {  	_ =	shalt  }
0x5f: {  	_ =	shalt  }
0x60: {  	_ =	shalt  }
0x61: {  	_ =	shalt  }
0x62: {  	_ =	shalt  }
0x63: {  	_ =	shalt  }
0x64: {  	_ =	shalt  }
0x65: {  	_ =	shalt  }
0x66: {  	_ =	shalt  }
0x67: {  	_ =	shalt  }
0x68: {  	_ =	shalt  }
0x69: {  	_ =	shalt  }
0x6a: {  	_ =	shalt  }
0x6b: {  	_ =	shalt  }
0x6c: {  	_ =	shalt  }
0x6d: {  	_ =	shalt  }
0x6e: {  	_ =	shalt  }
0x6f: {  	_ =	shalt  }
0x70: {  	_ =	shalt  }
0x71: {  	_ =	shalt  }
0x72: {  	_ =	shalt  }
0x73: {  	_ =	shalt  }
0x74: {  	_ =	shalt  }
0x75: {  	_ =	shalt  }
0x76: {  	_ =	shalt  }
0x77: {  	_ =	shalt  }
0x78: {  	_ =	shalt  }
0x79: {  	_ =	shalt  }
0x7a: {  	_ =	shalt  }
0x7b: {  	_ =	shalt  }
0x7c: {  	_ =	shalt  }
0x7d: {  	_ =	shalt  }
0x7e: {  	_ =	shalt  }
0x7f: {  	_ =	shalt  }
0x80: {  	_ =	shalt  }
0x81: {  	_ =	shalt  }
0x82: {  	_ =	shalt  }
0x83: {  	_ =	shalt  }
0x84: {  	_ =	shalt  }
0x85: {  	_ =	shalt  }
0x86: {  	_ =	shalt  }
0x87: {  	_ =	shalt  }
.Lfunc_end0:
.L_simem_size_0:
called_computation_lowered:
.L_overlay_start_0:
0x88: {  	s2 =	sld [smem:$0x3FD9]  }
0x89: {  	s3 =	sld [smem:$0x3FFE];
	_ =	sdelay $0x1  }
0x8a: {  	s1 =	srdreg.scid  }
0x8b: {  	s0 =	sand.u32 $0x1, s1  }
0x8c: {  	s17 =	sshll.u32 s0, $0xA;
	s2 =	sadd.s32 s3, s2  }
0x8d: {  	s2 =	sadd.s32 s2, s17  }
0x8e: {  	[smem:$0x3FC0] =	sst s2  }
0x8f: {  	_ = 	snop  }
0x90: {  	s2 =	sld [smem:$0x3FD0];
	(tm) =	ssettm $0x1  }
0x91: {  	s18 =	sld [smem:$0x3FFB];
	_ =	sdelay $0x3  }
0x92: {  	_ =	strace s18  }
0x93: {  	s3 =	sld [smem:$0x3FFC];
	_ =	sdelay $0x3  }
0x94: {  	_ =	strace s3  }
0x95: {  	s3 =	sld [smem:$0x3FFD];
	_ =	sdelay $0x3  }
0x96: {  	_ =	strace s3  }
0x97: {  	_ =	strace $0x8FFFFFFF  }
0x98: {  	s19 =	sld [smem:$0x3FDB];
	_ =	sdelay $0x1  }
0x99: {  	s4 =	simm.s32 $_scs_section_size  }
0x9a: {  	s5 =	simm.s32 $_size__tile_overlayer_lowered;
	s6 =	simm.s32 $_tile_overlayer_lowered  }
0x9b: {  	s22 =	simm.s32 $0x1BFF;
	s21 =	sshll.u32 s6, $0x1;
	s3 =	sadd.s32 s4, s19  }
0x9c: {  	s7 =	simm.s32 $0x0;
	s20 =	sshll.u32 s5, $0x1;
	s5 =	sadd.s32 s21, s3  }
0x9d: {  	[timem:s7], [sflag:s22] =	dma.local [hbm:s5], s20  }
0x9e: {  	_ =	swait.ge [sflag:s22], s20  }
0x9f: {  	s4 =	ssub.s32 $0x0, s20;
	[sflag:s22] =	ssyncset.done $0x0  }
0xa0: {  	[sflag:s22] =	ssyncadd.s32 s4;
	_ =	sdelay $0x1  }
0xa1: {  	s23 =	simm.s32 $0x1B8B  }
0xa2: {  	_ =	swait.ge [sflag:s23], $0x1  }
0xa3: {  	[sflag:s23] =	ssyncset.done $0x0  }
0xa4: {  	s25 =	simm.s32 $0x1B8E;
	s24 =	sld [smem:$0x3FFE];
	[sflag:s23] =	ssyncadd.s32 $0xFFFFFFFF  }
0xa5: {  	s26 =	simm.s32 $execute0_lowered;
	[smem:$0x3FD2] =	sst s25  }
0xa6: {  	s5 =	sshll.u32 s26, $0x1;
	_ =	strace $0x80000046;
	[dreg:$0x1] =	wrdreg $0xFFFFFFFF  }
0xa7: {  	s28 =	simm.s32 $_size_execute0_lowered;
	s3 =	sadd.s32 s3, s5;
	[dreg:$0x0] =	wrdreg $0x0  }
0xa8: {  	s5 =	sshll.u32 s28, $0x1;
	[dreg:$0x2] =	wrdreg s3  }
0xa9: {  	[dreg:$0x3] =	wrdreg s5  }
0xaa: {  	[dreg:$0x4] =	wrdreg $0xC0  }
0xab: {  	_ =	task [dreg:s7], $0x5FFFF  }
0xac: {  	[dreg:$0x1] =	wrdreg $0xFFFFFFFF  }
0xad: {  	[dreg:$0x0] =	wrdreg $0x60  }
0xae: {  	[dreg:$0x2] =	wrdreg s24  }
0xaf: {  	[dreg:$0x3] =	wrdreg s2  }
0xb0: {  	[dreg:$0x4] =	wrdreg $0x54000  }
0xb1: {  	[dreg:$0x5] =	wrdreg $0x9  }
0xb2: {  	_ =	task.clear_ibuf [dreg:s7], $0x6FFFF;
	_ =	strace $0x90000046  }
0xb3: {  	s29 =	simm.s32 $0x9;
	_ =	strace $0x80000048  }
0xb4: {  	_ =	swait.ge [sflag:s29], $0x1  }
0xb5: {  	[sflag:s29] =	ssyncadd.s32 $0xFFFFFFFF  }
0xb6: {  	_ =	strace $0x90000048  }
0xb7: {  	_ =	sfence  }
0xb8: {  	s30 =	sld [smem:$0x0];
	_ =	sdelay $0x2  }
0xb9: {  	s31 =	sshll.u32 s1, $0xD;
	s1 =	sshrl.u32 s1, $0x2  }
0xba: {  	s3 =	sand.u32 $0x4000, s31;
	s1 =	sadd.s32 s1, s30  }
0xbb: {  	s0 =	sor.u32 s3, s0;
	s1 =	sshll.u32 s1, $0x11  }
0xbc: {  	s0 =	sor.u32 s1, s0  }
0xbd: {  	s0 =	sadd.s32 $0x8F2B, s0  }
0xbe: {  	[sflag:s0] =	ssyncadd.remote.s32 $0x1  }
0xbf: {  	_ =	sfence.sel $0xFFFF  }
0xc0: {  	[dreg:$0x0] =	wrdreg $0xFFFFFFFF;
	(pc) =	sbr.abs _section_cstart, $3  }
0xc1: {  	[dreg:$0x1] =	wrdreg $0xFFFFFFFF  }
0xc2: {  	_ =	task.clear_ibuf [dreg:s7], $0x2FFFF;
	_ =	strace $0x9FFFFFFF  }
0xc3: {  	(tm) =	ssettm $0x7FFFFFFF  }
tec
execute0_lowered:
.L_overlay_start_1:
0x0: {  	(tag) =	ssettag $0x1  }
0x1: {  	s0 =	rddreg [dreg:$0x0]  }
0x2: {  	s2 =	rddreg [dreg:$0x2];
	s1 =	srdreg.scid  }
0x3: {  	s4 =	simm.s32 $0x0;
	s10 =	stileid.u32;
	s28 =	simm.s32 $0x200  }
0x4: {  	s31 =	simm.s32 $0x1;
	s1 =	sand.u32 $0x1, s1;
	s7 =	smul.u32 $0x14000, s10  }
0x5: {  	[smem:$0x7FF] =	sst s4;
	s5 =	sadd.s32 $0xB800, s0;
	s9 =	smul.u32 $0x50000, s10  }
0x6: {  	s6 =	sadd.s32 $0x1A00, s0;
	s8 =	sadd.s32 $0x15600, s0;
	s19 =	smul.u32 $0x4E20, s10  }
0x7: {  	s14 =	sadd.s32 $0x15C00, s0;
	s15 =	sshll.u32 s10, $0x1;
	s3 =	smul.u32 $0x140000, s1  }
0x8: {  	_ =	strace $0x80000047;
	[dreg:$0x4] =	wrdreg s8;
	s16 =	ssub.s32 $0x2, s1  }
0x9: {  	s10 =	sshll.u32 s10, $0x6;
	[dreg:$0x5] =	wrdreg s14;
	s17 =	sshrl.u32 s16, $0x1  }
0xa: {  	s18 =	sshrl.u32 s9, $0x2;
	s3 =	sadd.s32 s7, s3;
	s7 =	sor.u32 s1, s15  }
0xb: {  	s1 =	smul.u32 $0x2710, s1;
	s8 =	sadd.s32 s18, s2;
	s3 =	sshrl.u32 s3, $0x3  }
0xc: {  	s7 =	smul.u32 $0x2710, s7;
	[dreg:$0x6] =	wrdreg s8;
	s8 =	sor.u32 $0x1C09, s10  }
0xd: {  	s0 =	sadd.s32 s3, s0;
	s3 =	ssub.s32 s16, s17;
	s1 =	sadd.s32 s1, s19  }
0xe: {  	[dreg:$0x7] =	wrdreg s8;
	s7 =	sshrl.u32 s7, $0x3;
	s23 =	sadd.s32 $0x190, s1  }
0xf: {  	s0 =	sadd.s32 $0x18400, s0;
	s24 =	smax.u32 s3, $0x1;
	s26 =	sadd.s32 $0xF0, s1  }
0x10: {  	s29 =	sadd.s32 $0x140, s1;
	s1 =	sadd.s32 $0xA0, s1;
	s3 =	simm.s32 $0x5  }
0x11: {  	s20 =	sadd.s32 s5, s7;
	s21 =	sadd.s32 s6, s7;
	[dreg:$0xc] =	wrdreg s0  }
0x12: {  	s7 =	sadd.s32 $0xA, s7;
	[dreg:$0xd] =	wrdreg s24;
	s25 =	sshrl.u32 s23, $0x3  }
0x13: {  	[dreg:$0xe] =	wrdreg s29;
	s0 =	sshrl.u32 s26, $0x3;
	s30 =	sshrl.u32 s1, $0x3  }
0x14: {  	s24 =	simm.s32 $0x9;
	s26 =	simm.s32 $0x2C00;
	[dreg:$0x8] =	wrdreg s20  }
.Ltmp0:
0x15: {  	[dreg:$0x9] =	wrdreg s21;
	s22 =	sadd.s32 s5, s7;
	(pc) =	sbr.rel .LBB2_1-.Ltmp0, $4  }
0x16: {  	s7 =	sadd.s32 s6, s7;
	s17 =	sadd.s32 s25, s6;
	s18 =	sadd.s32 s25, s5  }
0x17: {  	s20 =	sadd.s32 s0, s6;
	s21 =	sadd.s32 s0, s5;
	s23 =	sadd.s32 s30, s5  }
0x18: {  	s25 =	simm.s32 $0x400;
	s0 =	simm.s32 $0x50;
	[dreg:$0xa] =	wrdreg s22  }
0x19: {  	[dreg:$0xb] =	wrdreg s7;
	s22 =	sadd.s32 s30, s6;
	s7 =	simm.s32 $0x0  }
.LBB2_4:
0x1a: {  	s1 =	simm.s32 $0x6  }
0x1b: {  	_ =	swait.ge [sflag:s1], $0x2800  }
0x1c: {  	[sflag:s1] =	ssyncset.done $0x0  }
0x1d: {  	[sflag:s1] =	ssyncadd.s32 $0xFFFFD800  }
0x1e: {  	_ =	swait.ge [sflag:s1], $0x2800  }
0x1f: {  	[sflag:s1] =	ssyncset.done $0x0  }
0x20: {  	s16 =	simm.s32 $0x7;
	[sflag:s1] =	ssyncadd.s32 $0xFFFFD800  }
0x21: {  	_ =	swait.ge [sflag:s16], $0x2800  }
0x22: {  	[sflag:s16] =	ssyncset.done $0x0  }
0x23: {  	[sflag:s16] =	ssyncadd.s32 $0xFFFFD800  }
0x24: {  	_ =	swait.ge [sflag:s16], $0x2800  }
0x25: {  	[sflag:s16] =	ssyncset.done $0x0  }
0x26: {  	s19 =	simm.s32 $0x8;
	[sflag:s16] =	ssyncadd.s32 $0xFFFFD800  }
0x27: {  	_ =	swait.ge [sflag:s19], $0x2800  }
0x28: {  	[sflag:s19] =	ssyncset.done $0x0  }
0x29: {  	[sflag:s19] =	ssyncadd.s32 $0xFFFFD800  }
0x2a: {  	_ =	swait.ge [sflag:s19], $0x2800  }
0x2b: {  	[sflag:s19] =	ssyncset.done $0x0  }
0x2c: {  	[sflag:s19] =	ssyncadd.s32 $0xFFFFD800  }
0x2d: {  	[bflag:$0x0] =	sbarrier.arrive $0xFFFF  }
0x2e: {  	s8 =	rddreg [dreg:$0x7]  }
0x2f: {  	s29 =	rddreg [dreg:$0xc]  }
0x30: {  	s9 =	rddreg [dreg:$0xf]  }
0x31: {  	[hbm:s29], [sflag:s8] =	dma.local [spmem:s9], $0x2800  }
0x32: {  	_ =	swait.ge [sflag:s24], $0x2800  }
0x33: {  	s7 =	sadd.s32 $0x1, s7;
	s30 =	rddreg [dreg:$0xd]  }
0x34: {  	p0 =	sne.s32 s7, s30  }
.Ltmp1:
0x35: {  	_ = 	snop;
	(pc) =	sbr.rel @!p0 .LBB2_5-.Ltmp1, $3  }
0x36: {  	_ =	sdelay $0x1  }
0x37: {  	[sflag:s24] =	ssyncset.done $0x0  }
0x38: {  	[sflag:s24] =	ssyncadd.s32 $0xFFFFD800  }
.LBB2_1:
0x39: {  	s1 =	rddreg [dreg:$0x6]  }
0x3a: {  	s11 =	rddreg [dreg:$0x5];
	s9 =	sshrl.u32 s1, $0x3  }
0x3b: {  	[dreg:$0xf] =	wrdreg s9  }
0x3c: {  	[spmem:s9], [sflag:s8] =	dma.local [hbm:s11], $0x2800  }
0x3d: {  	_ =	swait.ge [sflag:s24], $0x2800  }
0x3e: {  	[sflag:s24] =	ssyncset.done $0x0  }
0x3f: {  	[sflag:s24] =	ssyncadd.s32 $0xFFFFD800  }
0x40: {  	s12 =	rddreg [dreg:$0x1]  }
0x41: {  	[tilespmem:s25], [sflag:$0x9] =	stream.linear.gather [hbm4b:s12+s4], $0x2800, $0x38;
	[tilespmem:$0x19400] =	vst v63  }
0x42: {  	_ =	swait.ge [sflag:s24], $0x2800  }
0x43: {  	[sflag:s24] =	ssyncset.done $0x0  }
0x44: {  	s13 =	rddreg [dreg:$0x4];
	[sflag:s24] =	ssyncadd.s32 $0xFFFFD800  }
0x45: {  	[tilespmem:s26], [sflag:$0x9] =	stream.linear.gather [hbm4b:s13+s4], $0x2800, $0x38;
	[tilespmem:$0x19400] =	vst v63  }
0x46: {  	_ =	swait.ge [sflag:s24], $0x2800  }
0x47: {  	[sflag:s24] =	ssyncset.done $0x0  }
0x48: {  	[sflag:s24] =	ssyncadd.s32 $0xFFFFD800  }
0x49: {  	[bflag:$0x0] =	sbarrier.arrive $0xFFFF  }
0x4a: {  	s14 =	rddreg [dreg:$0x8]  }
0x4b: {  	s15 =	rddreg [dreg:$0x9]  }
0x4c: {  	[tilespmem:s4], [sflag:$0x1] =	stream.linear.gather [hbm4b:s14+s4], $0x50, $0x38;
	[tilespmem:$0x19400] =	vst v63  }
0x4d: {  	s19 =	simm.s32 $0x80;
	s16 =	rddreg [dreg:$0xa]  }
0x4e: {  	[tilespmem:s28], [sflag:$0x1] =	stream.linear.gather [hbm4b:s15+s4], $0x50, $0x38;
	[tilespmem:$0x19400] =	vst v63  }
0x4f: {  	s30 =	simm.s32 $0x280;
	s9 =	simm.s32 $0x2;
	s29 =	rddreg [dreg:$0xb]  }
0x50: {  	[tilespmem:s19], [sflag:$0x2] =	stream.linear.gather [hbm4b:s16+s4], $0x50, $0x38;
	[tilespmem:$0x19400] =	vst v63  }
0x51: {  	s12 =	simm.s32 $0x0;
	s13 =	simm.s32 $0x0;
	s19 =	rddreg [dreg:$0xe]  }
0x52: {  	[tilespmem:s30], [sflag:$0x2] =	stream.linear.gather [hbm4b:s29+s4], $0x50, $0x38;
	[tilespmem:$0x19400] =	vst v63  }
.LBB2_2:
0x53: {  	_ =	swait.ge [sflag:s31], $0x50  }
0x54: {  	[sflag:s31] =	ssyncset.done $0x0  }
0x55: {  	[sflag:s31] =	ssyncadd.s32 $0xFFFFFFB0  }
0x56: {  	p1 =	sgt.u32 s9, $0x7C;
	_ =	swait.ge [sflag:s31], $0x50  }
0x57: {  	p0 =	seq.s32 @!p1 s12, $0x0;
	[sflag:s31] =	ssyncset.done $0x0  }
0x58: {  	p0 =	por p0, p1;
	[sflag:s31] =	ssyncadd.s32 $0xFFFFFFB0  }
0x59: {  	[spmem:s2] =	stream.indirect.scatter.add.f32 [tilespmem:s25], [sflag:$0x5], $0x80, s4, s0, $0xb8;
	[tilespmem:$0x19400] =	vst v63  }
0x5a: {  	s10 =	simm.s32 @!p0 $0x7  }
0x5b: {  	[spmem:s2] =	stream.indirect.scatter.add.f32 [tilespmem:s26], [sflag:$0x5], $0x80, s28, s0, $0xb8;
	[tilespmem:$0x19400] =	vst v63  }
0x5c: {  	_ =	swait.ge @!p0 [sflag:s10], $0x2800  }
0x5d: {  	[sflag:s10] =	ssyncset.done @!p0 $0x0  }
0x5e: {  	[sflag:s10] =	ssyncadd.s32 @!p0 $0xFFFFD800  }
0x5f: {  	_ =	swait.ge @!p0 [sflag:s10], $0x2800  }
0x60: {  	s11 =	simm.s32 @!p1 $0x0;
	[sflag:s10] =	ssyncset.done @!p0 $0x0  }
0x61: {  	s1 =	simm.s32 @!p1 $0x100;
	[sflag:s10] =	ssyncadd.s32 @!p0 $0xFFFFD800;
	s10 =	sadd.s32 @!p1 s12, s23  }
0x62: {  	[tilespmem:s1], [sflag:$0x3] =	stream.linear.gather @!p1 [hbm4b:s10+s11], $0x50, $0x38;
	[tilespmem:$0x19400] =	vst v63  }
0x63: {  	s29 =	simm.s32 @!p1 $0x300;
	p0 =	sgt.u32 s13, $0x1E;
	s10 =	sadd.s32 @!p1 s12, s22  }
0x64: {  	[tilespmem:s29], [sflag:$0x3] =	stream.linear.gather @!p1 [hbm4b:s10+s11], $0x50, $0x38;
	[tilespmem:$0x19400] =	vst v63  }
0x65: {  	s10 =	simm.s32 @!p0 $0x2  }
0x66: {  	_ =	swait.ge @!p0 [sflag:s10], $0x50  }
0x67: {  	[sflag:s10] =	ssyncset.done @!p0 $0x0  }
0x68: {  	[sflag:s10] =	ssyncadd.s32 @!p0 $0xFFFFFFB0  }
0x69: {  	_ =	swait.ge @!p0 [sflag:s10], $0x50  }
0x6a: {  	s14 =	simm.s32 @!p0 $0x50;
	s15 =	simm.s32 @!p0 $0x400;
	[sflag:s10] =	ssyncset.done @!p0 $0x0  }
0x6b: {  	p2 =	seq.s32 @!p0 s12, $0x0;
	[sflag:s10] =	ssyncadd.s32 @!p0 $0xFFFFFFB0;
	s10 =	simm.s32 @!p0 $0x80  }
0x6c: {  	[spmem:s2] =	stream.indirect.scatter.add.f32 @!p0 [tilespmem:s15], [sflag:$0x6], $0x80, s10, s14, $0xb8;
	[tilespmem:$0x19400] =	vst v63  }
0x6d: {  	s16 =	simm.s32 @!p0 $0x2C00;
	p2 =	por p2, p0;
	s10 =	simm.s32 @!p0 $0x280  }
0x6e: {  	[spmem:s2] =	stream.indirect.scatter.add.f32 @!p0 [tilespmem:s16], [sflag:$0x6], $0x80, s10, s14, $0xb8;
	[tilespmem:$0x19400] =	vst v63  }
0x6f: {  	s10 =	simm.s32 @!p2 $0x8  }
0x70: {  	_ =	swait.ge @!p2 [sflag:s10], $0x2800  }
0x71: {  	[sflag:s10] =	ssyncset.done @!p2 $0x0  }
0x72: {  	[sflag:s10] =	ssyncadd.s32 @!p2 $0xFFFFD800  }
0x73: {  	_ =	swait.ge @!p2 [sflag:s10], $0x2800  }
0x74: {  	s30 =	simm.s32 @!p0 $0x0;
	[sflag:s10] =	ssyncset.done @!p2 $0x0  }
0x75: {  	s11 =	simm.s32 @!p0 $0x180;
	[sflag:s10] =	ssyncadd.s32 @!p2 $0xFFFFD800;
	s10 =	sadd.s32 @!p0 s12, s21  }
0x76: {  	[tilespmem:s11], [sflag:$0x4] =	stream.linear.gather @!p0 [hbm4b:s10+s30], $0x50, $0x38;
	[tilespmem:$0x19400] =	vst v63  }
0x77: {  	s8 =	sadd.s32 @!p0 s12, s20;
	s10 =	simm.s32 @!p0 $0x380  }
0x78: {  	[tilespmem:s10], [sflag:$0x4] =	stream.linear.gather @!p0 [hbm4b:s8+s30], $0x50, $0x38;
	[tilespmem:$0x19400] =	vst v63  }
0x79: {  	s8 =	simm.s32 @!p1 $0x3  }
0x7a: {  	_ =	swait.ge @!p1 [sflag:s8], $0x50  }
0x7b: {  	[sflag:s8] =	ssyncset.done @!p1 $0x0  }
0x7c: {  	[sflag:s8] =	ssyncadd.s32 @!p1 $0xFFFFFFB0  }
0x7d: {  	_ =	swait.ge @!p1 [sflag:s8], $0x50  }
0x7e: {  	[sflag:s8] =	ssyncset.done @!p1 $0x0  }
0x7f: {  	s30 =	simm.s32 @!p1 $0x400;
	[sflag:s8] =	ssyncadd.s32 @!p1 $0xFFFFFFB0;
	s8 =	simm.s32 @!p1 $0x50  }
0x80: {  	[spmem:s2] =	stream.indirect.scatter.add.f32 @!p1 [tilespmem:s30], [sflag:$0x7], $0x80, s1, s8, $0xb8;
	[tilespmem:$0x19400] =	vst v63  }
0x81: {  	s1 =	simm.s32 @!p1 $0x2C00  }
0x82: {  	[spmem:s2] =	stream.indirect.scatter.add.f32 @!p1 [tilespmem:s1], [sflag:$0x7], $0x80, s29, s8, $0xb8;
	[tilespmem:$0x19400] =	vst v63  }
0x83: {  	p1 =	seq.s32 s12, $0x4D8;
	_ =	swait.ge [sflag:s3], $0x2800  }
.Ltmp2:
0x84: {  	[sflag:s3] =	ssyncset.done $0x0;
	(pc) =	sbr.rel @p1 .LBB2_4-.Ltmp2, $4  }
0x85: {  	[sflag:s3] =	ssyncadd.s32 $0xFFFFD800  }
0x86: {  	_ =	swait.ge [sflag:s3], $0x2800  }
0x87: {  	[sflag:s3] =	ssyncset.done $0x0  }
0x88: {  	[sflag:s3] =	ssyncadd.s32 $0xFFFFD800  }
0x89: {  	s1 =	sshrl.u32 s19, $0x3  }
0x8a: {  	s8 =	sadd.s32 s5, s1  }
0x8b: {  	[tilespmem:s4], [sflag:$0x1] =	stream.linear.gather [hbm4b:s8+s4], $0x50, $0x38;
	[tilespmem:$0x19400] =	vst v63  }
0x8c: {  	s1 =	sadd.s32 s6, s1  }
0x8d: {  	[tilespmem:s28], [sflag:$0x1] =	stream.linear.gather [hbm4b:s1+s4], $0x50, $0x38;
	[tilespmem:$0x19400] =	vst v63  }
0x8e: {  	s1 =	simm.s32 @!p0 $0x4  }
0x8f: {  	_ =	swait.ge @!p0 [sflag:s1], $0x50  }
0x90: {  	[sflag:s1] =	ssyncset.done @!p0 $0x0  }
0x91: {  	[sflag:s1] =	ssyncadd.s32 @!p0 $0xFFFFFFB0  }
0x92: {  	_ =	swait.ge @!p0 [sflag:s1], $0x50  }
0x93: {  	[sflag:s1] =	ssyncset.done @!p0 $0x0  }
0x94: {  	[sflag:s1] =	ssyncadd.s32 @!p0 $0xFFFFFFB0  }
0x95: {  	[spmem:s2] =	stream.indirect.scatter.add.f32 @!p0 [tilespmem:s15], [sflag:$0x8], $0x80, s11, s14, $0xb8;
	[tilespmem:$0x19400] =	vst v63  }
0x96: {  	p1 =	seq.s32 @!p0 s12, $0x4B0  }
0x97: {  	[spmem:s2] =	stream.indirect.scatter.add.f32 @!p0 [tilespmem:s16], [sflag:$0x8], $0x80, s10, s14, $0xb8;
	[tilespmem:$0x19400] =	vst v63  }
0x98: {  	p0 =	por p1, p0  }
0x99: {  	s1 =	simm.s32 @!p0 $0x6  }
0x9a: {  	_ =	swait.ge @!p0 [sflag:s1], $0x2800  }
0x9b: {  	[sflag:s1] =	ssyncset.done @!p0 $0x0  }
0x9c: {  	s13 =	sadd.s32 $0x1, s13;
	[sflag:s1] =	ssyncadd.s32 @!p0 $0xFFFFD800  }
0x9d: {  	s19 =	sadd.s32 $0x140, s19;
	s9 =	sadd.s32 $0x4, s9;
	_ =	swait.ge @!p0 [sflag:s1], $0x2800  }
.Ltmp3:
0x9e: {  	s8 =	simm.s32 @!p0 $0x0;
	[sflag:s1] =	ssyncset.done @!p0 $0x0;
	(pc) =	sbr.rel .LBB2_2-.Ltmp3, $4  }
0x9f: {  	s10 =	simm.s32 @!p0 $0x80;
	[sflag:s1] =	ssyncadd.s32 @!p0 $0xFFFFD800;
	s1 =	sadd.s32 @!p0 s12, s18  }
0xa0: {  	[tilespmem:s10], [sflag:$0x2] =	stream.linear.gather @!p0 [hbm4b:s1+s8], $0x50, $0x38;
	[tilespmem:$0x19400] =	vst v63  }
0xa1: {  	s1 =	sadd.s32 @!p0 s12, s17;
	s10 =	simm.s32 @!p0 $0x280;
	s12 =	sadd.s32 $0x28, s12  }
0xa2: {  	[tilespmem:s10], [sflag:$0x2] =	stream.linear.gather @!p0 [hbm4b:s1+s8], $0x50, $0x38;
	[tilespmem:$0x19400] =	vst v63  }
.LBB2_5:
0xa3: {  	_ =	sfence.sel $0x180000  }
0xa4: {  	[bflag:$0x0] =	sbarrier.arrive $0xFFFF  }
0xa5: {  	_ =	strace $0x90000047  }
0xa6: {  	s0 =	stileid.u32;
	[bflag:$0x2] =	sbarrier.arrive $0xFFFF  }
0xa7: {  	p0 =	sne.s32 s0, $0x0;
	s0 =	rddreg [dreg:$0x3]  }
0xa8: {  	s0 =	sadd.s32 @!p0 $0x100000, s0  }
0xa9: {  	[sflag:s0] =	ssyncadd.tile.s32 @!p0 $0x1;
	_ =	shalt  }
.Lfunc_end2:
_tile_overlayer_lowered:
.L_overlay_start_2:
0xaa: {  	(tag) =	ssettag $0x2  }
0xab: {  	s0 =	rddreg [dreg:$0x0];
	s2 =	stileid.u32  }
0xac: {  	s1 =	rddreg [dreg:$0x1];
	p0 =	sne.s32 s2, $0x0  }
0xad: {  	s3 =	rddreg [dreg:$0x2];
	[bflag:$0x3] =	sbarrier.arrive $0xFFFF;
	s2 =	simm.s32 @!p0 $0x1C09  }
0xae: {  	[timem:s3], [sflag:s2] =	dma.local @!p0 [hbm:s0], s1  }
0xaf: {  	s0 =	simm.s32 @!p0 $0x9  }
0xb0: {  	_ =	swait.ge @!p0 [sflag:s0], s1  }
0xb1: {  	s1 =	ssub.s32 @!p0 $0x0, s1;
	[sflag:s0] =	ssyncset.done @!p0 $0x0  }
0xb2: {  	[sflag:s0] =	ssyncadd.s32 @!p0 s1  }
0xb3: {  	[bflag:$0x3] =	sbarrier.arrive $0xFFFF  }
0xb4: {  	_ =	shalt  }

// kernel: kernel.13.cloned.1.call-start
scs
__scs_entry_jumppad:
0x0: {  	(pc) =	sbr.rel $0x88, $3  }
0x1: {  	(tag) =	ssettag $0x0;
	lr =	simm.s32 $0x1  }
0x2: {  	[smem:$0x3F99] =	sst lr;
	_ =	strace $0xD0000000  }
0x3: {  	_ = 	snop  }
0x4: {  	_ = 	snop  }
0x5: {  	_ = 	snop  }
0x6: {  	_ = 	snop  }
0x7: {  	_ = 	snop  }
__scs_overlays_trampoline_lowered:
0x8: {  	[smem:$0x3FA8] =	sst s0  }
0x9: {  	[smem:$0x3FA9] =	sst s1  }
0xa: {  	[smem:$0x3FAA] =	sst s2  }
0xb: {  	[smem:$0x3FAB] =	sst s3  }
0xc: {  	[smem:$0x3FAC] =	sst s4  }
0xd: {  	[smem:$0x3FAD] =	sst s5  }
0xe: {  	[smem:$0x3FAE] =	sst s6  }
0xf: {  	[smem:$0x3FAF] =	sst s7  }
0x10: {  	[smem:$0x3FB0] =	sst s8  }
0x11: {  	[smem:$0x3FB1] =	sst s9;
	s0 =	simm.s32 @!p0 $0x0  }
0x12: {  	s1 =	sld [smem:$0x3F97];
	s0 =	simm.s32 @p0 $0x1  }
0x13: {  	[smem:$0x3FB2] =	sst s0;
	s0 =	simm.s32 @!p1 $0x0  }
0x14: {  	s2 =	sld [smem:$0x3F96];
	s0 =	simm.s32 @p1 $0x1  }
0x15: {  	[smem:$0x3FB3] =	sst s0;
	s0 =	simm.s32 @!p2 $0x0  }
0x16: {  	s3 =	sld [smem:$0x3FDB];
	s0 =	simm.s32 @p2 $0x1  }
0x17: {  	s4 =	simm.s32 $0x1BF5;
	[smem:$0x3FB5] =	sst s0  }
0x18: {  	s0 =	sld [smem:$0x3F98];
	_ =	swait.ge [sflag:s4], $0x0  }
0x19: {  	s7 =	sld [smem:$0x3F99]  }
0x1a: {  	s8 =	sadd.s32 $0xFFFFE003, lr  }
0x1b: {  	s9 =	sadd.s32 $0xFFFFFEF7, lr;
	s5 =	simm.s32 $0xFFFFFFFF;
	p2 =	slt.u32 s8, $0xFFFFF086  }
0x1c: {  	p1 =	slt.u32 s9, $0xF7A;
	s5 =	simm.s32 @!p2 $0x0  }
0x1d: {  	s5 =	simm.s32 @p1 $0x1;
	p0 =	seq.s32 s7, s2  }
0x1e: {  	s7 =	smul.u32 @!p0 $0xF7A, s2;
	p2 =	seq.s32 @!p0 s5, $0x0  }
0x1f: {  	s9 =	smul.u32 $0xF7A, s1;
	s8 =	simm.s32 @!p0 $0x1BF5;
	p2 =	por !p2, p0  }
0x20: {  	[sflag:s8] =	ssyncset.s32 @!p0 $0xFFFFF086;
	s6 =	sadd.s32 @!p0 s3, s7;
	s7 =	simm.s32 @!p0 $0x108  }
0x21: {  	s3 =	sadd.s32 s3, s9;
	s6 =	sadd.s32 @!p0 $0x88, s6;
	s7 =	simm.s32 @p2 $0x1082  }
0x22: {  	[simem:s7], [sflag:s8] =	dma.local @!p0 [hbm:s6], $0xF7A  }
0x23: {  	s9 =	sor.u32 $0xD0000000, s2;
	s6 =	simm.s32 $0x108;
	_ =	swait.ge @!p0 [sflag:s8], $0x0  }
0x24: {  	s3 =	sadd.s32 $0x88, s3;
	s6 =	simm.s32 @!p1 $0x1082;
	[sflag:s4] =	ssyncset.s32 $0xFFFFF086  }
0x25: {  	[simem:s6], [sflag:s4] =	dma.local [hbm:s3], $0xF7A  }
0x26: {  	[smem:$0x3F99] =	sst s1;
	(tag) =	ssettag s2;
	_ =	strace s9  }
0x27: {  	s1 =	sld [smem:$0x3FA9]  }
0x28: {  	s2 =	sld [smem:$0x3FAA]  }
0x29: {  	s4 =	sld [smem:$0x3FAC]  }
0x2a: {  	p0 =	seq.s32 s5, $0x0;
	s5 =	sld [smem:$0x3FAD]  }
0x2b: {  	s6 =	sld [smem:$0x3FAE]  }
0x2c: {  	s7 =	sld [smem:$0x3FAF]  }
0x2d: {  	s3 =	simm.s32 $0x108;
	s8 =	sld [smem:$0x3FB0]  }
0x2e: {  	s3 =	simm.s32 @!p0 $0x1082;
	s9 =	sld [smem:$0x3FB1]  }
0x2f: {  	lr =	sadd.s32 s0, s3;
	s0 =	sld [smem:$0x3FA8]  }
0x30: {  	s3 =	sld [smem:$0x3FAB]  }
0x31: {  	[smem:$0x3FB4] =	sst s10  }
0x32: {  	s10 =	sld [smem:$0x3FB2];
	_ =	sdelay $0x3  }
0x33: {  	p0 =	seq.s32 s10, $0x1;
	s10 =	sld [smem:$0x3FB4];
	_ =	sdelay $0x3  }
0x34: {  	[smem:$0x3FB4] =	sst s10  }
0x35: {  	s10 =	sld [smem:$0x3FB3];
	_ =	sdelay $0x3  }
0x36: {  	p1 =	seq.s32 s10, $0x1;
	s10 =	sld [smem:$0x3FB4];
	_ =	sdelay $0x3  }
0x37: {  	[smem:$0x3FB4] =	sst s10  }
0x38: {  	s10 =	sld [smem:$0x3FB5]  }
0x39: {  	_ = 	snop;
	(pc) =	sbr.ind lr, $3  }
0x3a: {  	_ = 	snop  }
0x3b: {  	_ = 	snop  }
0x3c: {  	p2 =	seq.s32 s10, $0x1;
	s10 =	sld [smem:$0x3FB4]  }
0x3d: {  	_ =	shalt  }
0x3e: {  	_ =	shalt  }
0x3f: {  	_ =	shalt  }
0x40: {  	_ =	shalt  }
0x41: {  	_ =	shalt  }
0x42: {  	_ =	shalt  }
0x43: {  	_ =	shalt  }
0x44: {  	_ =	shalt  }
0x45: {  	_ =	shalt  }
0x46: {  	_ =	shalt  }
0x47: {  	_ =	shalt  }
0x48: {  	_ =	shalt  }
0x49: {  	_ =	shalt  }
0x4a: {  	_ =	shalt  }
0x4b: {  	_ =	shalt  }
0x4c: {  	_ =	shalt  }
0x4d: {  	_ =	shalt  }
0x4e: {  	_ =	shalt  }
0x4f: {  	_ =	shalt  }
0x50: {  	_ =	shalt  }
0x51: {  	_ =	shalt  }
0x52: {  	_ =	shalt  }
0x53: {  	_ =	shalt  }
0x54: {  	_ =	shalt  }
0x55: {  	_ =	shalt  }
0x56: {  	_ =	shalt  }
0x57: {  	_ =	shalt  }
0x58: {  	_ =	shalt  }
0x59: {  	_ =	shalt  }
0x5a: {  	_ =	shalt  }
0x5b: {  	_ =	shalt  }
0x5c: {  	_ =	shalt  }
0x5d: {  	_ =	shalt  }
0x5e: {  	_ =	shalt  }
0x5f: {  	_ =	shalt  }
0x60: {  	_ =	shalt  }
0x61: {  	_ =	shalt  }
0x62: {  	_ =	shalt  }
0x63: {  	_ =	shalt  }
0x64: {  	_ =	shalt  }
0x65: {  	_ =	shalt  }
0x66: {  	_ =	shalt  }
0x67: {  	_ =	shalt  }
0x68: {  	_ =	shalt  }
0x69: {  	_ =	shalt  }
0x6a: {  	_ =	shalt  }
0x6b: {  	_ =	shalt  }
0x6c: {  	_ =	shalt  }
0x6d: {  	_ =	shalt  }
0x6e: {  	_ =	shalt  }
0x6f: {  	_ =	shalt  }
0x70: {  	_ =	shalt  }
0x71: {  	_ =	shalt  }
0x72: {  	_ =	shalt  }
0x73: {  	_ =	shalt  }
0x74: {  	_ =	shalt  }
0x75: {  	_ =	shalt  }
0x76: {  	_ =	shalt  }
0x77: {  	_ =	shalt  }
0x78: {  	_ =	shalt  }
0x79: {  	_ =	shalt  }
0x7a: {  	_ =	shalt  }
0x7b: {  	_ =	shalt  }
0x7c: {  	_ =	shalt  }
0x7d: {  	_ =	shalt  }
0x7e: {  	_ =	shalt  }
0x7f: {  	_ =	shalt  }
0x80: {  	_ =	shalt  }
0x81: {  	_ =	shalt  }
0x82: {  	_ =	shalt  }
0x83: {  	_ =	shalt  }
0x84: {  	_ =	shalt  }
0x85: {  	_ =	shalt  }
0x86: {  	_ =	shalt  }
0x87: {  	_ =	shalt  }
.Lfunc_end0:
.L_simem_size_0:
called_computation.1_lowered:
.L_overlay_start_0:
0x88: {  	s2 =	sld [smem:$0x3FD9]  }
0x89: {  	s3 =	sld [smem:$0x3FFE];
	_ =	sdelay $0x1  }
0x8a: {  	s1 =	srdreg.scid  }
0x8b: {  	s0 =	sand.u32 $0x1, s1  }
0x8c: {  	s17 =	sshll.u32 s0, $0xA;
	s2 =	sadd.s32 s3, s2  }
0x8d: {  	s2 =	sadd.s32 s2, s17  }
0x8e: {  	[smem:$0x3FC0] =	sst s2  }
0x8f: {  	_ = 	snop  }
0x90: {  	s2 =	sld [smem:$0x3FD0];
	(tm) =	ssettm $0x1  }
0x91: {  	s18 =	sld [smem:$0x3FFB];
	_ =	sdelay $0x3  }
0x92: {  	_ =	strace s18  }
0x93: {  	s3 =	sld [smem:$0x3FFC];
	_ =	sdelay $0x3  }
0x94: {  	_ =	strace s3  }
0x95: {  	s3 =	sld [smem:$0x3FFD];
	_ =	sdelay $0x3  }
0x96: {  	_ =	strace s3  }
0x97: {  	_ =	strace $0x8FFFFFFF  }
0x98: {  	s19 =	sld [smem:$0x3FDB];
	_ =	sdelay $0x1  }
0x99: {  	s4 =	simm.s32 $_scs_section_size  }
0x9a: {  	s5 =	simm.s32 $_size__tile_overlayer_lowered;
	s6 =	simm.s32 $_tile_overlayer_lowered  }
0x9b: {  	s22 =	simm.s32 $0x1BFF;
	s21 =	sshll.u32 s6, $0x1;
	s3 =	sadd.s32 s4, s19  }
0x9c: {  	s7 =	simm.s32 $0x0;
	s20 =	sshll.u32 s5, $0x1;
	s5 =	sadd.s32 s21, s3  }
0x9d: {  	[timem:s7], [sflag:s22] =	dma.local [hbm:s5], s20  }
0x9e: {  	_ =	swait.ge [sflag:s22], s20  }
0x9f: {  	s4 =	ssub.s32 $0x0, s20;
	[sflag:s22] =	ssyncset.done $0x0  }
0xa0: {  	[sflag:s22] =	ssyncadd.s32 s4;
	_ =	sdelay $0x1  }
0xa1: {  	s23 =	simm.s32 $0x1B8B  }
0xa2: {  	_ =	swait.ge [sflag:s23], $0x1  }
0xa3: {  	[sflag:s23] =	ssyncset.done $0x0  }
0xa4: {  	s25 =	simm.s32 $0x1B8E;
	s24 =	sld [smem:$0x3FFE];
	[sflag:s23] =	ssyncadd.s32 $0xFFFFFFFF  }
0xa5: {  	s26 =	simm.s32 $execute0_lowered;
	[smem:$0x3FD2] =	sst s25  }
0xa6: {  	s5 =	sshll.u32 s26, $0x1;
	_ =	strace $0x80000049;
	[dreg:$0x1] =	wrdreg $0xFFFFFFFF  }
0xa7: {  	s28 =	simm.s32 $_size_execute0_lowered;
	s3 =	sadd.s32 s3, s5;
	[dreg:$0x0] =	wrdreg $0x0  }
0xa8: {  	s5 =	sshll.u32 s28, $0x1;
	[dreg:$0x2] =	wrdreg s3  }
0xa9: {  	[dreg:$0x3] =	wrdreg s5  }
0xaa: {  	[dreg:$0x4] =	wrdreg $0xC0  }
0xab: {  	_ =	task [dreg:s7], $0x5FFFF  }
0xac: {  	[dreg:$0x1] =	wrdreg $0xFFFFFFFF  }
0xad: {  	[dreg:$0x0] =	wrdreg $0x60  }
0xae: {  	[dreg:$0x2] =	wrdreg s2  }
0xaf: {  	[dreg:$0x3] =	wrdreg s24  }
0xb0: {  	[dreg:$0x4] =	wrdreg $0xA4000  }
0xb1: {  	[dreg:$0x5] =	wrdreg $0x9  }
0xb2: {  	_ =	task.clear_ibuf [dreg:s7], $0x6FFFF;
	_ =	strace $0x90000049  }
0xb3: {  	s29 =	simm.s32 $0x9;
	_ =	strace $0x8000004B  }
0xb4: {  	_ =	swait.ge [sflag:s29], $0x1  }
0xb5: {  	[sflag:s29] =	ssyncadd.s32 $0xFFFFFFFF  }
0xb6: {  	_ =	strace $0x9000004B  }
0xb7: {  	_ =	sfence  }
0xb8: {  	s30 =	sld [smem:$0x0];
	_ =	sdelay $0x2  }
0xb9: {  	s31 =	sshll.u32 s1, $0xD;
	s1 =	sshrl.u32 s1, $0x2  }
0xba: {  	s3 =	sand.u32 $0x4000, s31;
	s1 =	sadd.s32 s1, s30  }
0xbb: {  	s0 =	sor.u32 s3, s0;
	s1 =	sshll.u32 s1, $0x11  }
0xbc: {  	s0 =	sor.u32 s1, s0  }
0xbd: {  	s0 =	sadd.s32 $0x8F2B, s0  }
0xbe: {  	[sflag:s0] =	ssyncadd.remote.s32 $0x1  }
0xbf: {  	_ =	sfence.sel $0xFFFF  }
0xc0: {  	[dreg:$0x0] =	wrdreg $0xFFFFFFFF;
	(pc) =	sbr.abs _section_cstart, $3  }
0xc1: {  	[dreg:$0x1] =	wrdreg $0xFFFFFFFF  }
0xc2: {  	_ =	task.clear_ibuf [dreg:s7], $0x2FFFF;
	_ =	strace $0x9FFFFFFF  }
0xc3: {  	(tm) =	ssettm $0x7FFFFFFF  }
tec
execute0_lowered:
.L_overlay_start_1:
0x0: {  	(tag) =	ssettag $0x1  }
0x1: {  	s1 =	rddreg [dreg:$0x0]  }
0x2: {  	s0 =	rddreg [dreg:$0x1]  }
0x3: {  	s2 =	rddreg [dreg:$0x2];
	s3 =	srdreg.scid;
	s4 =	simm.s32 $0x0  }
0x4: {  	s5 =	stileid.u32;
	s28 =	simm.s32 $0x8;
	s29 =	simm.s32 $0x0  }
0x5: {  	s3 =	sand.u32 $0x1, s3;
	[smem:$0x7FF] =	sst s4;
	s7 =	smul.u32 $0x14000, s5  }
0x6: {  	s14 =	sadd.s32 $0xB800, s0;
	s12 =	sadd.s32 $0x1A00, s0;
	s8 =	sadd.s32 $0x15C00, s0  }
0x7: {  	s17 =	sshll.u32 s5, $0x1;
	s10 =	smul.u32 $0x50000, s5;
	s20 =	sshll.u32 s5, $0x6  }
0x8: {  	s6 =	smul.u32 $0x140000, s3;
	_ =	strace $0x8000004A;
	[dreg:$0x4] =	wrdreg s8  }
0x9: {  	s16 =	ssub.s32 $0x2, s3;
	s8 =	sor.u32 s3, s17;
	s3 =	smul.u32 $0xA, s3  }
0xa: {  	s17 =	simm.s32 $0x200;
	s9 =	sshrl.u32 s16, $0x1;
	s18 =	smul.u32 $0x50, s8  }
0xb: {  	s19 =	sshrl.u32 s10, $0x2;
	s8 =	smul.u32 $0xA, s8;
	s6 =	sadd.s32 s7, s6  }
0xc: {  	s13 =	ssub.s32 s16, s9;
	s15 =	sadd.s32 s19, s2;
	s16 =	smul.u32 $0x14, s5  }
0xd: {  	s19 =	simm.s32 $0x400;
	s6 =	sshrl.u32 s6, $0x3;
	s21 =	sshrl.u32 s18, $0x3  }
0xe: {  	s22 =	sadd.s32 s14, s8;
	s24 =	sadd.s32 s12, s8;
	s15 =	sshrl.u32 s15, $0x3  }
0xf: {  	s18 =	simm.s32 $0x50;
	s0 =	sadd.s32 s6, s0;
	[dreg:$0x5] =	wrdreg s22  }
0x10: {  	s6 =	sor.u32 $0x1C09, s20;
	s23 =	sadd.s32 $0x140, s21;
	[dreg:$0x6] =	wrdreg s24  }
0x11: {  	s30 =	sadd.s32 s16, s12;
	s31 =	sadd.s32 s16, s14;
	s16 =	simm.s32 $0x9  }
.Ltmp0:
0x12: {  	s20 =	simm.s32 $0x80;
	s24 =	simm.s32 $0x5;
	(pc) =	sbr.rel .LBB2_1-.Ltmp0, $4  }
0x13: {  	s25 =	sadd.s32 s14, s23;
	s26 =	sadd.s32 s12, s23;
	s0 =	sadd.s32 $0x18400, s0  }
0x14: {  	s12 =	smax.u32 s13, $0x1;
	s13 =	sadd.s32 s3, s30;
	[dreg:$0x7] =	wrdreg s25  }
0x15: {  	s14 =	sadd.s32 s3, s31;
	s23 =	simm.s32 $0x1;
	[dreg:$0x8] =	wrdreg s26  }
0x16: {  	[dreg:$0x9] =	wrdreg s0;
	s25 =	simm.s32 $0x6;
	s26 =	simm.s32 $0x7  }
.LBB2_4:
0x17: {  	_ =	swait.ge [sflag:s24], $0x2800  }
0x18: {  	[sflag:s24] =	ssyncset.done $0x0  }
0x19: {  	[sflag:s24] =	ssyncadd.s32 $0xFFFFD800  }
0x1a: {  	_ =	swait.ge [sflag:s25], $0x2800  }
0x1b: {  	[sflag:s25] =	ssyncset.done $0x0  }
0x1c: {  	[sflag:s25] =	ssyncadd.s32 $0xFFFFD800  }
0x1d: {  	_ =	swait.ge [sflag:s26], $0x2800  }
0x1e: {  	[sflag:s26] =	ssyncset.done $0x0  }
0x1f: {  	[sflag:s26] =	ssyncadd.s32 $0xFFFFD800  }
0x20: {  	_ =	swait.ge [sflag:s28], $0x2800  }
0x21: {  	[sflag:s28] =	ssyncset.done $0x0  }
0x22: {  	s29 =	sadd.s32 $0x1, s29;
	[sflag:s28] =	ssyncadd.s32 $0xFFFFD800  }
0x23: {  	p0 =	sne.s32 s29, s12;
	[bflag:$0x0] =	sbarrier.arrive $0xFFFF  }
.Ltmp1:
0x24: {  	s0 =	rddreg [dreg:$0x9];
	(pc) =	sbr.rel @!p0 .LBB2_5-.Ltmp1, $4  }
0x25: {  	[hbm:s0], [sflag:s6] =	dma.local [spmem:s15], $0x2800  }
0x26: {  	_ =	swait.ge [sflag:s16], $0x2800  }
0x27: {  	[sflag:s16] =	ssyncset.done $0x0  }
0x28: {  	[sflag:s16] =	ssyncadd.s32 $0xFFFFD800  }
.LBB2_1:
0x29: {  	s0 =	rddreg [dreg:$0x4]  }
0x2a: {  	[spmem:s15], [sflag:s6] =	dma.local [hbm:s0], $0x2800  }
0x2b: {  	_ =	swait.ge [sflag:s16], $0x2800  }
0x2c: {  	[sflag:s16] =	ssyncset.done $0x0  }
0x2d: {  	[sflag:s16] =	ssyncadd.s32 $0xFFFFD800  }
0x2e: {  	[bflag:$0x0] =	sbarrier.arrive $0xFFFF  }
0x2f: {  	s9 =	rddreg [dreg:$0x5]  }
0x30: {  	[tilespmem:s4], [sflag:$0x9] =	stream.linear.gather [hbm4b:s9+s4], $0x50, $0x38;
	[tilespmem:$0x1E400] =	vst v63  }
0x31: {  	_ =	swait.ge [sflag:s16], $0x50  }
0x32: {  	[sflag:s16] =	ssyncset.done $0x0  }
0x33: {  	s10 =	rddreg [dreg:$0x6];
	[sflag:s16] =	ssyncadd.s32 $0xFFFFFFB0  }
0x34: {  	[tilespmem:s17], [sflag:$0x9] =	stream.linear.gather [hbm4b:s10+s4], $0x50, $0x38;
	[tilespmem:$0x1E400] =	vst v63  }
0x35: {  	_ =	swait.ge [sflag:s16], $0x50  }
0x36: {  	[sflag:s16] =	ssyncset.done $0x0  }
0x37: {  	[sflag:s16] =	ssyncadd.s32 $0xFFFFFFB0  }
0x38: {  	[tilespmem:s19], [sflag:$0x1] =	stream.indirect.gather [hbm4b:s1+s18], $0x80, s4, s18, $0xb8;
	[tilespmem:$0x1E400] =	vst v63  }
0x39: {  	s11 =	rddreg [dreg:$0x7]  }
0x3a: {  	[tilespmem:s20], [sflag:$0x9] =	stream.linear.gather [hbm4b:s11+s4], $0x50, $0x38;
	[tilespmem:$0x1E400] =	vst v63  }
0x3b: {  	_ =	swait.ge [sflag:s16], $0x50  }
0x3c: {  	[sflag:s16] =	ssyncset.done $0x0  }
0x3d: {  	s3 =	simm.s32 $0x280;
	s21 =	rddreg [dreg:$0x8];
	[sflag:s16] =	ssyncadd.s32 $0xFFFFFFB0  }
0x3e: {  	[tilespmem:s3], [sflag:$0x9] =	stream.linear.gather [hbm4b:s21+s4], $0x50, $0x38;
	[tilespmem:$0x1E400] =	vst v63  }
0x3f: {  	_ =	swait.ge [sflag:s16], $0x50  }
0x40: {  	s22 =	simm.s32 $0x2C00;
	s30 =	simm.s32 $0x40;
	[sflag:s16] =	ssyncset.done $0x0  }
0x41: {  	s31 =	simm.s32 $0x0;
	s0 =	simm.s32 $0x0;
	[sflag:s16] =	ssyncadd.s32 $0xFFFFFFB0  }
0x42: {  	[tilespmem:s22], [sflag:$0x2] =	stream.indirect.gather [hbm4b:s1+s18], $0x80, s20, s18, $0xb8;
	[tilespmem:$0x1E400] =	vst v63  }
.LBB2_2:
0x43: {  	_ =	swait.ge [sflag:s23], $0x2800;
	p1 =	sgt.u32 s30, $0xF9F  }
0x44: {  	[sflag:s23] =	ssyncset.done $0x0;
	p0 =	seq.s32 @!p1 s31, $0x0  }
0x45: {  	[sflag:s23] =	ssyncadd.s32 $0xFFFFD800;
	p0 =	por p0, p1  }
0x46: {  	[spmem:s2] =	stream.indirect.scatter.add.f32 [tilespmem:s19], [sflag:$0x5], $0x80, s17, s18, $0xb8;
	[tilespmem:$0x1E400] =	vst v63  }
0x47: {  	s3 =	simm.s32 @!p0 $0x7  }
0x48: {  	_ =	swait.ge @!p0 [sflag:s3], $0x2800  }
0x49: {  	[sflag:s3] =	ssyncset.done @!p0 $0x0  }
0x4a: {  	[sflag:s3] =	ssyncadd.s32 @!p0 $0xFFFFD800;
	s3 =	sadd.s32 @!p1 s31, s14  }
0x4b: {  	s21 =	simm.s32 @!p1 $0x0;
	s22 =	simm.s32 @!p1 $0x100;
	s3 =	sadd.s32 @!p1 $0x280, s3  }
0x4c: {  	[tilespmem:s22], [sflag:$0x9] =	stream.linear.gather @!p1 [hbm4b:s3+s21], $0x50, $0x38;
	[tilespmem:$0x1E400] =	vst v63  }
0x4d: {  	s3 =	simm.s32 @!p1 $0x9  }
0x4e: {  	_ =	swait.ge @!p1 [sflag:s3], $0x50  }
0x4f: {  	s5 =	sadd.s32 @!p1 s31, s13;
	[sflag:s3] =	ssyncset.done @!p1 $0x0  }
0x50: {  	s7 =	simm.s32 @!p1 $0x300;
	s5 =	sadd.s32 @!p1 $0x280, s5;
	[sflag:s3] =	ssyncadd.s32 @!p1 $0xFFFFFFB0  }
0x51: {  	[tilespmem:s7], [sflag:$0x9] =	stream.linear.gather @!p1 [hbm4b:s5+s21], $0x50, $0x38;
	[tilespmem:$0x1E400] =	vst v63  }
0x52: {  	_ =	swait.ge @!p1 [sflag:s3], $0x50  }
0x53: {  	s8 =	simm.s32 @!p1 $0x5400;
	p0 =	sgt.u32 s0, $0x1E;
	[sflag:s3] =	ssyncset.done @!p1 $0x0  }
0x54: {  	s5 =	simm.s32 @!p1 $0x50;
	[sflag:s3] =	ssyncadd.s32 @!p1 $0xFFFFFFB0;
	s3 =	simm.s32 @!p0 $0x2  }
0x55: {  	[tilespmem:s8], [sflag:$0x3] =	stream.indirect.gather @!p1 [hbm4b:s1+s5], $0x80, s22, s5, $0xb8;
	[tilespmem:$0x1E400] =	vst v63  }
0x56: {  	p2 =	seq.s32 @!p0 s31, $0x0;
	_ =	swait.ge @!p0 [sflag:s3], $0x2800  }
0x57: {  	p2 =	por p2, p0;
	s21 =	simm.s32 @!p0 $0x280;
	[sflag:s3] =	ssyncset.done @!p0 $0x0  }
0x58: {  	s22 =	simm.s32 @!p0 $0x2C00;
	[sflag:s3] =	ssyncadd.s32 @!p0 $0xFFFFD800;
	s3 =	simm.s32 @!p0 $0x50  }
0x59: {  	[spmem:s2] =	stream.indirect.scatter.add.f32 @!p0 [tilespmem:s22], [sflag:$0x6], $0x80, s21, s3, $0xb8;
	[tilespmem:$0x1E400] =	vst v63  }
0x5a: {  	s21 =	simm.s32 @!p2 $0x8  }
0x5b: {  	_ =	swait.ge @!p2 [sflag:s21], $0x2800  }
0x5c: {  	[sflag:s21] =	ssyncset.done @!p2 $0x0  }
0x5d: {  	s9 =	simm.s32 @!p0 $0x180;
	[sflag:s21] =	ssyncadd.s32 @!p2 $0xFFFFD800;
	s21 =	sadd.s32 @!p0 s31, s14  }
0x5e: {  	s10 =	simm.s32 @!p0 $0x9;
	s22 =	simm.s32 @!p0 $0x0;
	s21 =	sadd.s32 @!p0 $0x3C0, s21  }
0x5f: {  	[tilespmem:s9], [sflag:$0x9] =	stream.linear.gather @!p0 [hbm4b:s21+s22], $0x50, $0x38;
	[tilespmem:$0x1E400] =	vst v63  }
0x60: {  	_ =	swait.ge @!p0 [sflag:s10], $0x50  }
0x61: {  	s21 =	sadd.s32 @!p0 s31, s13;
	[sflag:s10] =	ssyncset.done @!p0 $0x0  }
0x62: {  	s11 =	sadd.s32 @!p0 $0x3C0, s21;
	s21 =	simm.s32 @!p0 $0x380;
	[sflag:s10] =	ssyncadd.s32 @!p0 $0xFFFFFFB0  }
0x63: {  	[tilespmem:s21], [sflag:$0x9] =	stream.linear.gather @!p0 [hbm4b:s11+s22], $0x50, $0x38;
	[tilespmem:$0x1E400] =	vst v63  }
0x64: {  	_ =	swait.ge @!p0 [sflag:s10], $0x50  }
0x65: {  	[sflag:s10] =	ssyncset.done @!p0 $0x0  }
0x66: {  	s22 =	simm.s32 @!p0 $0x7C00;
	[sflag:s10] =	ssyncadd.s32 @!p0 $0xFFFFFFB0  }
0x67: {  	[tilespmem:s22], [sflag:$0x4] =	stream.indirect.gather @!p0 [hbm4b:s1+s3], $0x80, s9, s3, $0xb8;
	[tilespmem:$0x1E400] =	vst v63  }
0x68: {  	s9 =	simm.s32 @!p1 $0x3  }
0x69: {  	_ =	swait.ge @!p1 [sflag:s9], $0x2800  }
0x6a: {  	[sflag:s9] =	ssyncset.done @!p1 $0x0  }
0x6b: {  	[sflag:s9] =	ssyncadd.s32 @!p1 $0xFFFFD800  }
0x6c: {  	[spmem:s2] =	stream.indirect.scatter.add.f32 @!p1 [tilespmem:s8], [sflag:$0x7], $0x80, s7, s5, $0xb8;
	[tilespmem:$0x1E400] =	vst v63  }
0x6d: {  	p1 =	seq.s32 s31, $0x9B00  }
.Ltmp2:
0x6e: {  	_ = 	snop;
	(pc) =	sbr.rel @p1 .LBB2_4-.Ltmp2, $1  }
0x6f: {  	_ =	sdelay $0x3  }
0x70: {  	_ =	swait.ge [sflag:s24], $0x2800  }
0x71: {  	s5 =	sadd.s32 s31, s14;
	[sflag:s24] =	ssyncset.done $0x0  }
0x72: {  	s5 =	sadd.s32 $0x500, s5;
	[sflag:s24] =	ssyncadd.s32 $0xFFFFD800  }
0x73: {  	[tilespmem:s4], [sflag:$0x9] =	stream.linear.gather [hbm4b:s5+s4], $0x50, $0x38;
	[tilespmem:$0x1E400] =	vst v63  }
0x74: {  	_ =	swait.ge [sflag:s16], $0x50  }
0x75: {  	s11 =	sadd.s32 s31, s13;
	[sflag:s16] =	ssyncset.done $0x0  }
0x76: {  	s5 =	sadd.s32 $0x500, s11;
	[sflag:s16] =	ssyncadd.s32 $0xFFFFFFB0  }
0x77: {  	[tilespmem:s17], [sflag:$0x9] =	stream.linear.gather [hbm4b:s5+s4], $0x50, $0x38;
	[tilespmem:$0x1E400] =	vst v63  }
0x78: {  	_ =	swait.ge [sflag:s16], $0x50  }
0x79: {  	[sflag:s16] =	ssyncset.done $0x0  }
0x7a: {  	s5 =	simm.s32 @!p0 $0x4;
	[sflag:s16] =	ssyncadd.s32 $0xFFFFFFB0  }
0x7b: {  	[tilespmem:s19], [sflag:$0x1] =	stream.indirect.gather [hbm4b:s1+s18], $0x80, s4, s18, $0xb8;
	[tilespmem:$0x1E400] =	vst v63  }
0x7c: {  	_ =	swait.ge @!p0 [sflag:s5], $0x2800  }
0x7d: {  	[sflag:s5] =	ssyncset.done @!p0 $0x0  }
0x7e: {  	p1 =	seq.s32 @!p0 s31, $0x9600;
	[sflag:s5] =	ssyncadd.s32 @!p0 $0xFFFFD800  }
0x7f: {  	[spmem:s2] =	stream.indirect.scatter.add.f32 @!p0 [tilespmem:s22], [sflag:$0x8], $0x80, s21, s3, $0xb8;
	[tilespmem:$0x1E400] =	vst v63  }
0x80: {  	p0 =	por p1, p0  }
0x81: {  	s3 =	simm.s32 @!p0 $0x6  }
0x82: {  	_ =	swait.ge @!p0 [sflag:s3], $0x2800  }
0x83: {  	[sflag:s3] =	ssyncset.done @!p0 $0x0  }
0x84: {  	[sflag:s3] =	ssyncadd.s32 @!p0 $0xFFFFD800;
	s3 =	sadd.s32 @!p0 s31, s14  }
0x85: {  	s5 =	simm.s32 @!p0 $0x0;
	s7 =	simm.s32 @!p0 $0x80;
	s3 =	sadd.s32 @!p0 $0x640, s3  }
0x86: {  	[tilespmem:s7], [sflag:$0x9] =	stream.linear.gather @!p0 [hbm4b:s3+s5], $0x50, $0x38;
	[tilespmem:$0x1E400] =	vst v63  }
0x87: {  	s3 =	simm.s32 @!p0 $0x9  }
0x88: {  	_ =	swait.ge @!p0 [sflag:s3], $0x50  }
0x89: {  	s8 =	sadd.s32 @!p0 s31, s13;
	[sflag:s3] =	ssyncset.done @!p0 $0x0  }
0x8a: {  	s9 =	simm.s32 @!p0 $0x280;
	s8 =	sadd.s32 @!p0 $0x640, s8;
	[sflag:s3] =	ssyncadd.s32 @!p0 $0xFFFFFFB0  }
0x8b: {  	[tilespmem:s9], [sflag:$0x9] =	stream.linear.gather @!p0 [hbm4b:s8+s5], $0x50, $0x38;
	[tilespmem:$0x1E400] =	vst v63  }
.Ltmp3:
0x8c: {  	_ = 	snop;
	(pc) =	sbr.rel .LBB2_2-.Ltmp3, $4  }
0x8d: {  	s0 =	sadd.s32 $0x1, s0;
	_ =	swait.ge @!p0 [sflag:s3], $0x50  }
0x8e: {  	s30 =	sadd.s32 $0x80, s30;
	s31 =	sadd.s32 $0x500, s31;
	[sflag:s3] =	ssyncset.done @!p0 $0x0  }
0x8f: {  	s5 =	simm.s32 @!p0 $0x2C00;
	[sflag:s3] =	ssyncadd.s32 @!p0 $0xFFFFFFB0;
	s3 =	simm.s32 @!p0 $0x50  }
0x90: {  	[tilespmem:s5], [sflag:$0x2] =	stream.indirect.gather @!p0 [hbm4b:s1+s3], $0x80, s7, s3, $0xb8;
	[tilespmem:$0x1E400] =	vst v63  }
.LBB2_5:
0x91: {  	_ =	sfence.sel $0x180000  }
0x92: {  	[bflag:$0x0] =	sbarrier.arrive $0xFFFF  }
0x93: {  	_ =	strace $0x9000004A  }
0x94: {  	s0 =	stileid.u32;
	[bflag:$0x2] =	sbarrier.arrive $0xFFFF  }
0x95: {  	p0 =	sne.s32 s0, $0x0;
	s0 =	rddreg [dreg:$0x3]  }
0x96: {  	s0 =	sadd.s32 @!p0 $0x100000, s0  }
0x97: {  	[sflag:s0] =	ssyncadd.tile.s32 @!p0 $0x1;
	_ =	shalt  }
.Lfunc_end2:
_tile_overlayer_lowered:
.L_overlay_start_2:
0x98: {  	(tag) =	ssettag $0x2  }
0x99: {  	s0 =	rddreg [dreg:$0x0];
	s2 =	stileid.u32  }
0x9a: {  	s1 =	rddreg [dreg:$0x1];
	p0 =	sne.s32 s2, $0x0  }
0x9b: {  	s3 =	rddreg [dreg:$0x2];
	[bflag:$0x3] =	sbarrier.arrive $0xFFFF;
	s2 =	simm.s32 @!p0 $0x1C09  }
0x9c: {  	[timem:s3], [sflag:s2] =	dma.local @!p0 [hbm:s0], s1  }
0x9d: {  	s0 =	simm.s32 @!p0 $0x9  }
0x9e: {  	_ =	swait.ge @!p0 [sflag:s0], s1  }
0x9f: {  	s1 =	ssub.s32 @!p0 $0x0, s1;
	[sflag:s0] =	ssyncset.done @!p0 $0x0  }
0xa0: {  	[sflag:s0] =	ssyncadd.s32 @!p0 s1  }
0xa1: {  	[bflag:$0x3] =	sbarrier.arrive $0xFFFF  }
0xa2: {  	_ =	shalt  }

// kernel: kernel.16.cloned.1.call-start
scs
__scs_entry_jumppad:
0x0: {  	(pc) =	sbr.rel $0x88, $3  }
0x1: {  	(tag) =	ssettag $0x0;
	lr =	simm.s32 $0x1  }
0x2: {  	[smem:$0x3F99] =	sst lr;
	_ =	strace $0xD0000000  }
0x3: {  	_ = 	snop  }
0x4: {  	_ = 	snop  }
0x5: {  	_ = 	snop  }
0x6: {  	_ = 	snop  }
0x7: {  	_ = 	snop  }
__scs_overlays_trampoline_lowered:
0x8: {  	[smem:$0x3FA8] =	sst s0  }
0x9: {  	[smem:$0x3FA9] =	sst s1  }
0xa: {  	[smem:$0x3FAA] =	sst s2  }
0xb: {  	[smem:$0x3FAB] =	sst s3  }
0xc: {  	[smem:$0x3FAC] =	sst s4  }
0xd: {  	[smem:$0x3FAD] =	sst s5  }
0xe: {  	[smem:$0x3FAE] =	sst s6  }
0xf: {  	[smem:$0x3FAF] =	sst s7  }
0x10: {  	[smem:$0x3FB0] =	sst s8  }
0x11: {  	[smem:$0x3FB1] =	sst s9;
	s0 =	simm.s32 @!p0 $0x0  }
0x12: {  	s1 =	sld [smem:$0x3F97];
	s0 =	simm.s32 @p0 $0x1  }
0x13: {  	[smem:$0x3FB2] =	sst s0;
	s0 =	simm.s32 @!p1 $0x0  }
0x14: {  	s2 =	sld [smem:$0x3F96];
	s0 =	simm.s32 @p1 $0x1  }
0x15: {  	[smem:$0x3FB3] =	sst s0;
	s0 =	simm.s32 @!p2 $0x0  }
0x16: {  	s3 =	sld [smem:$0x3FDB];
	s0 =	simm.s32 @p2 $0x1  }
0x17: {  	s4 =	simm.s32 $0x1BF5;
	[smem:$0x3FB5] =	sst s0  }
0x18: {  	s0 =	sld [smem:$0x3F98];
	_ =	swait.ge [sflag:s4], $0x0  }
0x19: {  	s7 =	sld [smem:$0x3F99]  }
0x1a: {  	s8 =	sadd.s32 $0xFFFFE003, lr  }
0x1b: {  	s9 =	sadd.s32 $0xFFFFFEF7, lr;
	s5 =	simm.s32 $0xFFFFFFFF;
	p2 =	slt.u32 s8, $0xFFFFF086  }
0x1c: {  	p1 =	slt.u32 s9, $0xF7A;
	s5 =	simm.s32 @!p2 $0x0  }
0x1d: {  	s5 =	simm.s32 @p1 $0x1;
	p0 =	seq.s32 s7, s2  }
0x1e: {  	s7 =	smul.u32 @!p0 $0xF7A, s2;
	p2 =	seq.s32 @!p0 s5, $0x0  }
0x1f: {  	s9 =	smul.u32 $0xF7A, s1;
	s8 =	simm.s32 @!p0 $0x1BF5;
	p2 =	por !p2, p0  }
0x20: {  	[sflag:s8] =	ssyncset.s32 @!p0 $0xFFFFF086;
	s6 =	sadd.s32 @!p0 s3, s7;
	s7 =	simm.s32 @!p0 $0x108  }
0x21: {  	s3 =	sadd.s32 s3, s9;
	s6 =	sadd.s32 @!p0 $0x88, s6;
	s7 =	simm.s32 @p2 $0x1082  }
0x22: {  	[simem:s7], [sflag:s8] =	dma.local @!p0 [hbm:s6], $0xF7A  }
0x23: {  	s9 =	sor.u32 $0xD0000000, s2;
	s6 =	simm.s32 $0x108;
	_ =	swait.ge @!p0 [sflag:s8], $0x0  }
0x24: {  	s3 =	sadd.s32 $0x88, s3;
	s6 =	simm.s32 @!p1 $0x1082;
	[sflag:s4] =	ssyncset.s32 $0xFFFFF086  }
0x25: {  	[simem:s6], [sflag:s4] =	dma.local [hbm:s3], $0xF7A  }
0x26: {  	[smem:$0x3F99] =	sst s1;
	(tag) =	ssettag s2;
	_ =	strace s9  }
0x27: {  	s1 =	sld [smem:$0x3FA9]  }
0x28: {  	s2 =	sld [smem:$0x3FAA]  }
0x29: {  	s4 =	sld [smem:$0x3FAC]  }
0x2a: {  	p0 =	seq.s32 s5, $0x0;
	s5 =	sld [smem:$0x3FAD]  }
0x2b: {  	s6 =	sld [smem:$0x3FAE]  }
0x2c: {  	s7 =	sld [smem:$0x3FAF]  }
0x2d: {  	s3 =	simm.s32 $0x108;
	s8 =	sld [smem:$0x3FB0]  }
0x2e: {  	s3 =	simm.s32 @!p0 $0x1082;
	s9 =	sld [smem:$0x3FB1]  }
0x2f: {  	lr =	sadd.s32 s0, s3;
	s0 =	sld [smem:$0x3FA8]  }
0x30: {  	s3 =	sld [smem:$0x3FAB]  }
0x31: {  	[smem:$0x3FB4] =	sst s10  }
0x32: {  	s10 =	sld [smem:$0x3FB2];
	_ =	sdelay $0x3  }
0x33: {  	p0 =	seq.s32 s10, $0x1;
	s10 =	sld [smem:$0x3FB4];
	_ =	sdelay $0x3  }
0x34: {  	[smem:$0x3FB4] =	sst s10  }
0x35: {  	s10 =	sld [smem:$0x3FB3];
	_ =	sdelay $0x3  }
0x36: {  	p1 =	seq.s32 s10, $0x1;
	s10 =	sld [smem:$0x3FB4];
	_ =	sdelay $0x3  }
0x37: {  	[smem:$0x3FB4] =	sst s10  }
0x38: {  	s10 =	sld [smem:$0x3FB5]  }
0x39: {  	_ = 	snop;
	(pc) =	sbr.ind lr, $3  }
0x3a: {  	_ = 	snop  }
0x3b: {  	_ = 	snop  }
0x3c: {  	p2 =	seq.s32 s10, $0x1;
	s10 =	sld [smem:$0x3FB4]  }
0x3d: {  	_ =	shalt  }
0x3e: {  	_ =	shalt  }
0x3f: {  	_ =	shalt  }
0x40: {  	_ =	shalt  }
0x41: {  	_ =	shalt  }
0x42: {  	_ =	shalt  }
0x43: {  	_ =	shalt  }
0x44: {  	_ =	shalt  }
0x45: {  	_ =	shalt  }
0x46: {  	_ =	shalt  }
0x47: {  	_ =	shalt  }
0x48: {  	_ =	shalt  }
0x49: {  	_ =	shalt  }
0x4a: {  	_ =	shalt  }
0x4b: {  	_ =	shalt  }
0x4c: {  	_ =	shalt  }
0x4d: {  	_ =	shalt  }
0x4e: {  	_ =	shalt  }
0x4f: {  	_ =	shalt  }
0x50: {  	_ =	shalt  }
0x51: {  	_ =	shalt  }
0x52: {  	_ =	shalt  }
0x53: {  	_ =	shalt  }
0x54: {  	_ =	shalt  }
0x55: {  	_ =	shalt  }
0x56: {  	_ =	shalt  }
0x57: {  	_ =	shalt  }
0x58: {  	_ =	shalt  }
0x59: {  	_ =	shalt  }
0x5a: {  	_ =	shalt  }
0x5b: {  	_ =	shalt  }
0x5c: {  	_ =	shalt  }
0x5d: {  	_ =	shalt  }
0x5e: {  	_ =	shalt  }
0x5f: {  	_ =	shalt  }
0x60: {  	_ =	shalt  }
0x61: {  	_ =	shalt  }
0x62: {  	_ =	shalt  }
0x63: {  	_ =	shalt  }
0x64: {  	_ =	shalt  }
0x65: {  	_ =	shalt  }
0x66: {  	_ =	shalt  }
0x67: {  	_ =	shalt  }
0x68: {  	_ =	shalt  }
0x69: {  	_ =	shalt  }
0x6a: {  	_ =	shalt  }
0x6b: {  	_ =	shalt  }
0x6c: {  	_ =	shalt  }
0x6d: {  	_ =	shalt  }
0x6e: {  	_ =	shalt  }
0x6f: {  	_ =	shalt  }
0x70: {  	_ =	shalt  }
0x71: {  	_ =	shalt  }
0x72: {  	_ =	shalt  }
0x73: {  	_ =	shalt  }
0x74: {  	_ =	shalt  }
0x75: {  	_ =	shalt  }
0x76: {  	_ =	shalt  }
0x77: {  	_ =	shalt  }
0x78: {  	_ =	shalt  }
0x79: {  	_ =	shalt  }
0x7a: {  	_ =	shalt  }
0x7b: {  	_ =	shalt  }
0x7c: {  	_ =	shalt  }
0x7d: {  	_ =	shalt  }
0x7e: {  	_ =	shalt  }
0x7f: {  	_ =	shalt  }
0x80: {  	_ =	shalt  }
0x81: {  	_ =	shalt  }
0x82: {  	_ =	shalt  }
0x83: {  	_ =	shalt  }
0x84: {  	_ =	shalt  }
0x85: {  	_ =	shalt  }
0x86: {  	_ =	shalt  }
0x87: {  	_ =	shalt  }
.Lfunc_end0:
.L_simem_size_0:
called_computation.2_lowered:
.L_overlay_start_0:
0x88: {  	s2 =	sld [smem:$0x3FD9]  }
0x89: {  	s3 =	sld [smem:$0x3FFE];
	_ =	sdelay $0x1  }
0x8a: {  	s1 =	srdreg.scid  }
0x8b: {  	s0 =	sand.u32 $0x1, s1  }
0x8c: {  	s17 =	sshll.u32 s0, $0xA;
	s2 =	sadd.s32 s3, s2  }
0x8d: {  	s2 =	sadd.s32 s2, s17  }
0x8e: {  	[smem:$0x3FC0] =	sst s2  }
0x8f: {  	_ = 	snop  }
0x90: {  	s2 =	sld [smem:$0x3FD0];
	(tm) =	ssettm $0x1  }
0x91: {  	s18 =	sld [smem:$0x3FFB];
	_ =	sdelay $0x3  }
0x92: {  	_ =	strace s18  }
0x93: {  	s3 =	sld [smem:$0x3FFC];
	_ =	sdelay $0x3  }
0x94: {  	_ =	strace s3  }
0x95: {  	s3 =	sld [smem:$0x3FFD];
	_ =	sdelay $0x3  }
0x96: {  	_ =	strace s3  }
0x97: {  	_ =	strace $0x8FFFFFFF  }
0x98: {  	s19 =	sld [smem:$0x3FDB];
	_ =	sdelay $0x1  }
0x99: {  	s4 =	simm.s32 $_scs_section_size  }
0x9a: {  	s5 =	simm.s32 $_size__tile_overlayer_lowered;
	s6 =	simm.s32 $_tile_overlayer_lowered  }
0x9b: {  	s22 =	simm.s32 $0x1BFF;
	s21 =	sshll.u32 s6, $0x1;
	s3 =	sadd.s32 s4, s19  }
0x9c: {  	s7 =	simm.s32 $0x0;
	s20 =	sshll.u32 s5, $0x1;
	s5 =	sadd.s32 s21, s3  }
0x9d: {  	[timem:s7], [sflag:s22] =	dma.local [hbm:s5], s20  }
0x9e: {  	_ =	swait.ge [sflag:s22], s20  }
0x9f: {  	s4 =	ssub.s32 $0x0, s20;
	[sflag:s22] =	ssyncset.done $0x0  }
0xa0: {  	[sflag:s22] =	ssyncadd.s32 s4;
	_ =	sdelay $0x1  }
0xa1: {  	s23 =	simm.s32 $0x1B8B  }
0xa2: {  	_ =	swait.ge [sflag:s23], $0x1  }
0xa3: {  	[sflag:s23] =	ssyncset.done $0x0  }
0xa4: {  	s25 =	simm.s32 $0x1B8E;
	s24 =	sld [smem:$0x3FFE];
	[sflag:s23] =	ssyncadd.s32 $0xFFFFFFFF  }
0xa5: {  	s26 =	simm.s32 $execute0_lowered;
	[smem:$0x3FD2] =	sst s25  }
0xa6: {  	s5 =	sshll.u32 s26, $0x1;
	_ =	strace $0x8000004C;
	[dreg:$0x1] =	wrdreg $0xFFFFFFFF  }
0xa7: {  	s28 =	simm.s32 $_size_execute0_lowered;
	s3 =	sadd.s32 s3, s5;
	[dreg:$0x0] =	wrdreg $0x0  }
0xa8: {  	s5 =	sshll.u32 s28, $0x1;
	[dreg:$0x2] =	wrdreg s3  }
0xa9: {  	[dreg:$0x3] =	wrdreg s5  }
0xaa: {  	[dreg:$0x4] =	wrdreg $0xC0  }
0xab: {  	_ =	task [dreg:s7], $0x5FFFF  }
0xac: {  	[dreg:$0x1] =	wrdreg $0xFFFFFFFF  }
0xad: {  	[dreg:$0x0] =	wrdreg $0x60  }
0xae: {  	[dreg:$0x2] =	wrdreg s2  }
0xaf: {  	[dreg:$0x3] =	wrdreg s24  }
0xb0: {  	[dreg:$0x4] =	wrdreg $0xA4000  }
0xb1: {  	[dreg:$0x5] =	wrdreg $0x9  }
0xb2: {  	_ =	task.clear_ibuf [dreg:s7], $0x6FFFF;
	_ =	strace $0x9000004C  }
0xb3: {  	s29 =	simm.s32 $0x9;
	_ =	strace $0x8000004E  }
0xb4: {  	_ =	swait.ge [sflag:s29], $0x1  }
0xb5: {  	[sflag:s29] =	ssyncadd.s32 $0xFFFFFFFF  }
0xb6: {  	_ =	strace $0x9000004E  }
0xb7: {  	_ =	sfence  }
0xb8: {  	s30 =	sld [smem:$0x0];
	_ =	sdelay $0x2  }
0xb9: {  	s31 =	sshll.u32 s1, $0xD;
	s1 =	sshrl.u32 s1, $0x2  }
0xba: {  	s3 =	sand.u32 $0x4000, s31;
	s1 =	sadd.s32 s1, s30  }
0xbb: {  	s0 =	sor.u32 s3, s0;
	s1 =	sshll.u32 s1, $0x11  }
0xbc: {  	s0 =	sor.u32 s1, s0  }
0xbd: {  	s0 =	sadd.s32 $0x8F2B, s0  }
0xbe: {  	[sflag:s0] =	ssyncadd.remote.s32 $0x1  }
0xbf: {  	_ =	sfence.sel $0xFFFF  }
0xc0: {  	[dreg:$0x0] =	wrdreg $0xFFFFFFFF;
	(pc) =	sbr.abs _section_cstart, $3  }
0xc1: {  	[dreg:$0x1] =	wrdreg $0xFFFFFFFF  }
0xc2: {  	_ =	task.clear_ibuf [dreg:s7], $0x2FFFF;
	_ =	strace $0x9FFFFFFF  }
0xc3: {  	(tm) =	ssettm $0x7FFFFFFF  }
tec
execute0_lowered:
.L_overlay_start_1:
0x0: {  	(tag) =	ssettag $0x1  }
0x1: {  	s1 =	rddreg [dreg:$0x0]  }
0x2: {  	s0 =	rddreg [dreg:$0x1]  }
0x3: {  	s2 =	rddreg [dreg:$0x2];
	s3 =	srdreg.scid;
	s4 =	simm.s32 $0x0  }
0x4: {  	s5 =	stileid.u32;
	s28 =	simm.s32 $0x8;
	s29 =	simm.s32 $0x0  }
0x5: {  	s3 =	sand.u32 $0x1, s3;
	[smem:$0x7FF] =	sst s4;
	s7 =	smul.u32 $0x14000, s5  }
0x6: {  	s14 =	sadd.s32 $0xB800, s0;
	s12 =	sadd.s32 $0x1A00, s0;
	s8 =	sadd.s32 $0x15C00, s0  }
0x7: {  	s17 =	sshll.u32 s5, $0x1;
	s10 =	smul.u32 $0x50000, s5;
	s20 =	sshll.u32 s5, $0x6  }
0x8: {  	s6 =	smul.u32 $0x140000, s3;
	_ =	strace $0x8000004D;
	[dreg:$0x4] =	wrdreg s8  }
0x9: {  	s16 =	ssub.s32 $0x2, s3;
	s8 =	sor.u32 s3, s17;
	s3 =	smul.u32 $0xA, s3  }
0xa: {  	s17 =	simm.s32 $0x200;
	s9 =	sshrl.u32 s16, $0x1;
	s18 =	smul.u32 $0x50, s8  }
0xb: {  	s19 =	sshrl.u32 s10, $0x2;
	s8 =	smul.u32 $0xA, s8;
	s6 =	sadd.s32 s7, s6  }
0xc: {  	s13 =	ssub.s32 s16, s9;
	s15 =	sadd.s32 s19, s2;
	s16 =	smul.u32 $0x14, s5  }
0xd: {  	s19 =	simm.s32 $0x400;
	s6 =	sshrl.u32 s6, $0x3;
	s21 =	sshrl.u32 s18, $0x3  }
0xe: {  	s22 =	sadd.s32 s14, s8;
	s24 =	sadd.s32 s12, s8;
	s15 =	sshrl.u32 s15, $0x3  }
0xf: {  	s18 =	simm.s32 $0x50;
	s0 =	sadd.s32 s6, s0;
	[dreg:$0x5] =	wrdreg s22  }
0x10: {  	s6 =	sor.u32 $0x1C09, s20;
	s23 =	sadd.s32 $0x140, s21;
	[dreg:$0x6] =	wrdreg s24  }
0x11: {  	s30 =	sadd.s32 s16, s12;
	s31 =	sadd.s32 s16, s14;
	s16 =	simm.s32 $0x9  }
.Ltmp0:
0x12: {  	s20 =	simm.s32 $0x80;
	s24 =	simm.s32 $0x5;
	(pc) =	sbr.rel .LBB2_1-.Ltmp0, $4  }
0x13: {  	s25 =	sadd.s32 s14, s23;
	s26 =	sadd.s32 s12, s23;
	s0 =	sadd.s32 $0x18400, s0  }
0x14: {  	s12 =	smax.u32 s13, $0x1;
	s13 =	sadd.s32 s3, s30;
	[dreg:$0x7] =	wrdreg s25  }
0x15: {  	s14 =	sadd.s32 s3, s31;
	s23 =	simm.s32 $0x1;
	[dreg:$0x8] =	wrdreg s26  }
0x16: {  	[dreg:$0x9] =	wrdreg s0;
	s25 =	simm.s32 $0x6;
	s26 =	simm.s32 $0x7  }
.LBB2_4:
0x17: {  	_ =	swait.ge [sflag:s24], $0x2800  }
0x18: {  	[sflag:s24] =	ssyncset.done $0x0  }
0x19: {  	[sflag:s24] =	ssyncadd.s32 $0xFFFFD800  }
0x1a: {  	_ =	swait.ge [sflag:s25], $0x2800  }
0x1b: {  	[sflag:s25] =	ssyncset.done $0x0  }
0x1c: {  	[sflag:s25] =	ssyncadd.s32 $0xFFFFD800  }
0x1d: {  	_ =	swait.ge [sflag:s26], $0x2800  }
0x1e: {  	[sflag:s26] =	ssyncset.done $0x0  }
0x1f: {  	[sflag:s26] =	ssyncadd.s32 $0xFFFFD800  }
0x20: {  	_ =	swait.ge [sflag:s28], $0x2800  }
0x21: {  	[sflag:s28] =	ssyncset.done $0x0  }
0x22: {  	s29 =	sadd.s32 $0x1, s29;
	[sflag:s28] =	ssyncadd.s32 $0xFFFFD800  }
0x23: {  	p0 =	sne.s32 s29, s12;
	[bflag:$0x0] =	sbarrier.arrive $0xFFFF  }
.Ltmp1:
0x24: {  	s0 =	rddreg [dreg:$0x9];
	(pc) =	sbr.rel @!p0 .LBB2_5-.Ltmp1, $4  }
0x25: {  	[hbm:s0], [sflag:s6] =	dma.local [spmem:s15], $0x2800  }
0x26: {  	_ =	swait.ge [sflag:s16], $0x2800  }
0x27: {  	[sflag:s16] =	ssyncset.done $0x0  }
0x28: {  	[sflag:s16] =	ssyncadd.s32 $0xFFFFD800  }
.LBB2_1:
0x29: {  	s0 =	rddreg [dreg:$0x4]  }
0x2a: {  	[spmem:s15], [sflag:s6] =	dma.local [hbm:s0], $0x2800  }
0x2b: {  	_ =	swait.ge [sflag:s16], $0x2800  }
0x2c: {  	[sflag:s16] =	ssyncset.done $0x0  }
0x2d: {  	[sflag:s16] =	ssyncadd.s32 $0xFFFFD800  }
0x2e: {  	[bflag:$0x0] =	sbarrier.arrive $0xFFFF  }
0x2f: {  	s9 =	rddreg [dreg:$0x5]  }
0x30: {  	[tilespmem:s4], [sflag:$0x9] =	stream.linear.gather [hbm4b:s9+s4], $0x50, $0x38;
	[tilespmem:$0x1E400] =	vst v63  }
0x31: {  	_ =	swait.ge [sflag:s16], $0x50  }
0x32: {  	[sflag:s16] =	ssyncset.done $0x0  }
0x33: {  	s10 =	rddreg [dreg:$0x6];
	[sflag:s16] =	ssyncadd.s32 $0xFFFFFFB0  }
0x34: {  	[tilespmem:s17], [sflag:$0x9] =	stream.linear.gather [hbm4b:s10+s4], $0x50, $0x38;
	[tilespmem:$0x1E400] =	vst v63  }
0x35: {  	_ =	swait.ge [sflag:s16], $0x50  }
0x36: {  	[sflag:s16] =	ssyncset.done $0x0  }
0x37: {  	[sflag:s16] =	ssyncadd.s32 $0xFFFFFFB0  }
0x38: {  	[tilespmem:s19], [sflag:$0x1] =	stream.indirect.gather [hbm4b:s1+s18], $0x80, s4, s18, $0xb8;
	[tilespmem:$0x1E400] =	vst v63  }
0x39: {  	s11 =	rddreg [dreg:$0x7]  }
0x3a: {  	[tilespmem:s20], [sflag:$0x9] =	stream.linear.gather [hbm4b:s11+s4], $0x50, $0x38;
	[tilespmem:$0x1E400] =	vst v63  }
0x3b: {  	_ =	swait.ge [sflag:s16], $0x50  }
0x3c: {  	[sflag:s16] =	ssyncset.done $0x0  }
0x3d: {  	s3 =	simm.s32 $0x280;
	s21 =	rddreg [dreg:$0x8];
	[sflag:s16] =	ssyncadd.s32 $0xFFFFFFB0  }
0x3e: {  	[tilespmem:s3], [sflag:$0x9] =	stream.linear.gather [hbm4b:s21+s4], $0x50, $0x38;
	[tilespmem:$0x1E400] =	vst v63  }
0x3f: {  	_ =	swait.ge [sflag:s16], $0x50  }
0x40: {  	s22 =	simm.s32 $0x2C00;
	s30 =	simm.s32 $0x40;
	[sflag:s16] =	ssyncset.done $0x0  }
0x41: {  	s31 =	simm.s32 $0x0;
	s0 =	simm.s32 $0x0;
	[sflag:s16] =	ssyncadd.s32 $0xFFFFFFB0  }
0x42: {  	[tilespmem:s22], [sflag:$0x2] =	stream.indirect.gather [hbm4b:s1+s18], $0x80, s20, s18, $0xb8;
	[tilespmem:$0x1E400] =	vst v63  }
.LBB2_2:
0x43: {  	_ =	swait.ge [sflag:s23], $0x2800;
	p1 =	sgt.u32 s30, $0xF9F  }
0x44: {  	[sflag:s23] =	ssyncset.done $0x0;
	p0 =	seq.s32 @!p1 s31, $0x0  }
0x45: {  	[sflag:s23] =	ssyncadd.s32 $0xFFFFD800;
	p0 =	por p0, p1  }
0x46: {  	[spmem:s2] =	stream.indirect.scatter.add.f32 [tilespmem:s19], [sflag:$0x5], $0x80, s17, s18, $0xb8;
	[tilespmem:$0x1E400] =	vst v63  }
0x47: {  	s3 =	simm.s32 @!p0 $0x7  }
0x48: {  	_ =	swait.ge @!p0 [sflag:s3], $0x2800  }
0x49: {  	[sflag:s3] =	ssyncset.done @!p0 $0x0  }
0x4a: {  	[sflag:s3] =	ssyncadd.s32 @!p0 $0xFFFFD800;
	s3 =	sadd.s32 @!p1 s31, s14  }
0x4b: {  	s21 =	simm.s32 @!p1 $0x0;
	s22 =	simm.s32 @!p1 $0x100;
	s3 =	sadd.s32 @!p1 $0x280, s3  }
0x4c: {  	[tilespmem:s22], [sflag:$0x9] =	stream.linear.gather @!p1 [hbm4b:s3+s21], $0x50, $0x38;
	[tilespmem:$0x1E400] =	vst v63  }
0x4d: {  	s3 =	simm.s32 @!p1 $0x9  }
0x4e: {  	_ =	swait.ge @!p1 [sflag:s3], $0x50  }
0x4f: {  	s5 =	sadd.s32 @!p1 s31, s13;
	[sflag:s3] =	ssyncset.done @!p1 $0x0  }
0x50: {  	s7 =	simm.s32 @!p1 $0x300;
	s5 =	sadd.s32 @!p1 $0x280, s5;
	[sflag:s3] =	ssyncadd.s32 @!p1 $0xFFFFFFB0  }
0x51: {  	[tilespmem:s7], [sflag:$0x9] =	stream.linear.gather @!p1 [hbm4b:s5+s21], $0x50, $0x38;
	[tilespmem:$0x1E400] =	vst v63  }
0x52: {  	_ =	swait.ge @!p1 [sflag:s3], $0x50  }
0x53: {  	s8 =	simm.s32 @!p1 $0x5400;
	p0 =	sgt.u32 s0, $0x1E;
	[sflag:s3] =	ssyncset.done @!p1 $0x0  }
0x54: {  	s5 =	simm.s32 @!p1 $0x50;
	[sflag:s3] =	ssyncadd.s32 @!p1 $0xFFFFFFB0;
	s3 =	simm.s32 @!p0 $0x2  }
0x55: {  	[tilespmem:s8], [sflag:$0x3] =	stream.indirect.gather @!p1 [hbm4b:s1+s5], $0x80, s22, s5, $0xb8;
	[tilespmem:$0x1E400] =	vst v63  }
0x56: {  	p2 =	seq.s32 @!p0 s31, $0x0;
	_ =	swait.ge @!p0 [sflag:s3], $0x2800  }
0x57: {  	p2 =	por p2, p0;
	s21 =	simm.s32 @!p0 $0x280;
	[sflag:s3] =	ssyncset.done @!p0 $0x0  }
0x58: {  	s22 =	simm.s32 @!p0 $0x2C00;
	[sflag:s3] =	ssyncadd.s32 @!p0 $0xFFFFD800;
	s3 =	simm.s32 @!p0 $0x50  }
0x59: {  	[spmem:s2] =	stream.indirect.scatter.add.f32 @!p0 [tilespmem:s22], [sflag:$0x6], $0x80, s21, s3, $0xb8;
	[tilespmem:$0x1E400] =	vst v63  }
0x5a: {  	s21 =	simm.s32 @!p2 $0x8  }
0x5b: {  	_ =	swait.ge @!p2 [sflag:s21], $0x2800  }
0x5c: {  	[sflag:s21] =	ssyncset.done @!p2 $0x0  }
0x5d: {  	s9 =	simm.s32 @!p0 $0x180;
	[sflag:s21] =	ssyncadd.s32 @!p2 $0xFFFFD800;
	s21 =	sadd.s32 @!p0 s31, s14  }
0x5e: {  	s10 =	simm.s32 @!p0 $0x9;
	s22 =	simm.s32 @!p0 $0x0;
	s21 =	sadd.s32 @!p0 $0x3C0, s21  }
0x5f: {  	[tilespmem:s9], [sflag:$0x9] =	stream.linear.gather @!p0 [hbm4b:s21+s22], $0x50, $0x38;
	[tilespmem:$0x1E400] =	vst v63  }
0x60: {  	_ =	swait.ge @!p0 [sflag:s10], $0x50  }
0x61: {  	s21 =	sadd.s32 @!p0 s31, s13;
	[sflag:s10] =	ssyncset.done @!p0 $0x0  }
0x62: {  	s11 =	sadd.s32 @!p0 $0x3C0, s21;
	s21 =	simm.s32 @!p0 $0x380;
	[sflag:s10] =	ssyncadd.s32 @!p0 $0xFFFFFFB0  }
0x63: {  	[tilespmem:s21], [sflag:$0x9] =	stream.linear.gather @!p0 [hbm4b:s11+s22], $0x50, $0x38;
	[tilespmem:$0x1E400] =	vst v63  }
0x64: {  	_ =	swait.ge @!p0 [sflag:s10], $0x50  }
0x65: {  	[sflag:s10] =	ssyncset.done @!p0 $0x0  }
0x66: {  	s22 =	simm.s32 @!p0 $0x7C00;
	[sflag:s10] =	ssyncadd.s32 @!p0 $0xFFFFFFB0  }
0x67: {  	[tilespmem:s22], [sflag:$0x4] =	stream.indirect.gather @!p0 [hbm4b:s1+s3], $0x80, s9, s3, $0xb8;
	[tilespmem:$0x1E400] =	vst v63  }
0x68: {  	s9 =	simm.s32 @!p1 $0x3  }
0x69: {  	_ =	swait.ge @!p1 [sflag:s9], $0x2800  }
0x6a: {  	[sflag:s9] =	ssyncset.done @!p1 $0x0  }
0x6b: {  	[sflag:s9] =	ssyncadd.s32 @!p1 $0xFFFFD800  }
0x6c: {  	[spmem:s2] =	stream.indirect.scatter.add.f32 @!p1 [tilespmem:s8], [sflag:$0x7], $0x80, s7, s5, $0xb8;
	[tilespmem:$0x1E400] =	vst v63  }
0x6d: {  	p1 =	seq.s32 s31, $0x9B00  }
.Ltmp2:
0x6e: {  	_ = 	snop;
	(pc) =	sbr.rel @p1 .LBB2_4-.Ltmp2, $1  }
0x6f: {  	_ =	sdelay $0x3  }
0x70: {  	_ =	swait.ge [sflag:s24], $0x2800  }
0x71: {  	s5 =	sadd.s32 s31, s14;
	[sflag:s24] =	ssyncset.done $0x0  }
0x72: {  	s5 =	sadd.s32 $0x500, s5;
	[sflag:s24] =	ssyncadd.s32 $0xFFFFD800  }
0x73: {  	[tilespmem:s4], [sflag:$0x9] =	stream.linear.gather [hbm4b:s5+s4], $0x50, $0x38;
	[tilespmem:$0x1E400] =	vst v63  }
0x74: {  	_ =	swait.ge [sflag:s16], $0x50  }
0x75: {  	s11 =	sadd.s32 s31, s13;
	[sflag:s16] =	ssyncset.done $0x0  }
0x76: {  	s5 =	sadd.s32 $0x500, s11;
	[sflag:s16] =	ssyncadd.s32 $0xFFFFFFB0  }
0x77: {  	[tilespmem:s17], [sflag:$0x9] =	stream.linear.gather [hbm4b:s5+s4], $0x50, $0x38;
	[tilespmem:$0x1E400] =	vst v63  }
0x78: {  	_ =	swait.ge [sflag:s16], $0x50  }
0x79: {  	[sflag:s16] =	ssyncset.done $0x0  }
0x7a: {  	s5 =	simm.s32 @!p0 $0x4;
	[sflag:s16] =	ssyncadd.s32 $0xFFFFFFB0  }
0x7b: {  	[tilespmem:s19], [sflag:$0x1] =	stream.indirect.gather [hbm4b:s1+s18], $0x80, s4, s18, $0xb8;
	[tilespmem:$0x1E400] =	vst v63  }
0x7c: {  	_ =	swait.ge @!p0 [sflag:s5], $0x2800  }
0x7d: {  	[sflag:s5] =	ssyncset.done @!p0 $0x0  }
0x7e: {  	p1 =	seq.s32 @!p0 s31, $0x9600;
	[sflag:s5] =	ssyncadd.s32 @!p0 $0xFFFFD800  }
0x7f: {  	[spmem:s2] =	stream.indirect.scatter.add.f32 @!p0 [tilespmem:s22], [sflag:$0x8], $0x80, s21, s3, $0xb8;
	[tilespmem:$0x1E400] =	vst v63  }
0x80: {  	p0 =	por p1, p0  }
0x81: {  	s3 =	simm.s32 @!p0 $0x6  }
0x82: {  	_ =	swait.ge @!p0 [sflag:s3], $0x2800  }
0x83: {  	[sflag:s3] =	ssyncset.done @!p0 $0x0  }
0x84: {  	[sflag:s3] =	ssyncadd.s32 @!p0 $0xFFFFD800;
	s3 =	sadd.s32 @!p0 s31, s14  }
0x85: {  	s5 =	simm.s32 @!p0 $0x0;
	s7 =	simm.s32 @!p0 $0x80;
	s3 =	sadd.s32 @!p0 $0x640, s3  }
0x86: {  	[tilespmem:s7], [sflag:$0x9] =	stream.linear.gather @!p0 [hbm4b:s3+s5], $0x50, $0x38;
	[tilespmem:$0x1E400] =	vst v63  }
0x87: {  	s3 =	simm.s32 @!p0 $0x9  }
0x88: {  	_ =	swait.ge @!p0 [sflag:s3], $0x50  }
0x89: {  	s8 =	sadd.s32 @!p0 s31, s13;
	[sflag:s3] =	ssyncset.done @!p0 $0x0  }
0x8a: {  	s9 =	simm.s32 @!p0 $0x280;
	s8 =	sadd.s32 @!p0 $0x640, s8;
	[sflag:s3] =	ssyncadd.s32 @!p0 $0xFFFFFFB0  }
0x8b: {  	[tilespmem:s9], [sflag:$0x9] =	stream.linear.gather @!p0 [hbm4b:s8+s5], $0x50, $0x38;
	[tilespmem:$0x1E400] =	vst v63  }
.Ltmp3:
0x8c: {  	_ = 	snop;
	(pc) =	sbr.rel .LBB2_2-.Ltmp3, $4  }
0x8d: {  	s0 =	sadd.s32 $0x1, s0;
	_ =	swait.ge @!p0 [sflag:s3], $0x50  }
0x8e: {  	s30 =	sadd.s32 $0x80, s30;
	s31 =	sadd.s32 $0x500, s31;
	[sflag:s3] =	ssyncset.done @!p0 $0x0  }
0x8f: {  	s5 =	simm.s32 @!p0 $0x2C00;
	[sflag:s3] =	ssyncadd.s32 @!p0 $0xFFFFFFB0;
	s3 =	simm.s32 @!p0 $0x50  }
0x90: {  	[tilespmem:s5], [sflag:$0x2] =	stream.indirect.gather @!p0 [hbm4b:s1+s3], $0x80, s7, s3, $0xb8;
	[tilespmem:$0x1E400] =	vst v63  }
.LBB2_5:
0x91: {  	_ =	sfence.sel $0x180000  }
0x92: {  	[bflag:$0x0] =	sbarrier.arrive $0xFFFF  }
0x93: {  	_ =	strace $0x9000004D  }
0x94: {  	s0 =	stileid.u32;
	[bflag:$0x2] =	sbarrier.arrive $0xFFFF  }
0x95: {  	p0 =	sne.s32 s0, $0x0;
	s0 =	rddreg [dreg:$0x3]  }
0x96: {  	s0 =	sadd.s32 @!p0 $0x100000, s0  }
0x97: {  	[sflag:s0] =	ssyncadd.tile.s32 @!p0 $0x1;
	_ =	shalt  }
.Lfunc_end2:
_tile_overlayer_lowered:
.L_overlay_start_2:
0x98: {  	(tag) =	ssettag $0x2  }
0x99: {  	s0 =	rddreg [dreg:$0x0];
	s2 =	stileid.u32  }
0x9a: {  	s1 =	rddreg [dreg:$0x1];
	p0 =	sne.s32 s2, $0x0  }
0x9b: {  	s3 =	rddreg [dreg:$0x2];
	[bflag:$0x3] =	sbarrier.arrive $0xFFFF;
	s2 =	simm.s32 @!p0 $0x1C09  }
0x9c: {  	[timem:s3], [sflag:s2] =	dma.local @!p0 [hbm:s0], s1  }
0x9d: {  	s0 =	simm.s32 @!p0 $0x9  }
0x9e: {  	_ =	swait.ge @!p0 [sflag:s0], s1  }
0x9f: {  	s1 =	ssub.s32 @!p0 $0x0, s1;
	[sflag:s0] =	ssyncset.done @!p0 $0x0  }
0xa0: {  	[sflag:s0] =	ssyncadd.s32 @!p0 s1  }
0xa1: {  	[bflag:$0x3] =	sbarrier.arrive $0xFFFF  }
0xa2: {  	_ =	shalt  }

// kernel: kernel.19.cloned.1.call-start
scs
__scs_entry_jumppad:
0x0: {  	(pc) =	sbr.rel $0x88, $3  }
0x1: {  	(tag) =	ssettag $0x0;
	lr =	simm.s32 $0x1  }
0x2: {  	[smem:$0x3F99] =	sst lr;
	_ =	strace $0xD0000000  }
0x3: {  	_ = 	snop  }
0x4: {  	_ = 	snop  }
0x5: {  	_ = 	snop  }
0x6: {  	_ = 	snop  }
0x7: {  	_ = 	snop  }
__scs_overlays_trampoline_lowered:
0x8: {  	[smem:$0x3FA8] =	sst s0  }
0x9: {  	[smem:$0x3FA9] =	sst s1  }
0xa: {  	[smem:$0x3FAA] =	sst s2  }
0xb: {  	[smem:$0x3FAB] =	sst s3  }
0xc: {  	[smem:$0x3FAC] =	sst s4  }
0xd: {  	[smem:$0x3FAD] =	sst s5  }
0xe: {  	[smem:$0x3FAE] =	sst s6  }
0xf: {  	[smem:$0x3FAF] =	sst s7  }
0x10: {  	[smem:$0x3FB0] =	sst s8  }
0x11: {  	[smem:$0x3FB1] =	sst s9;
	s0 =	simm.s32 @!p0 $0x0  }
0x12: {  	s1 =	sld [smem:$0x3F97];
	s0 =	simm.s32 @p0 $0x1  }
0x13: {  	[smem:$0x3FB2] =	sst s0;
	s0 =	simm.s32 @!p1 $0x0  }
0x14: {  	s2 =	sld [smem:$0x3F96];
	s0 =	simm.s32 @p1 $0x1  }
0x15: {  	[smem:$0x3FB3] =	sst s0;
	s0 =	simm.s32 @!p2 $0x0  }
0x16: {  	s3 =	sld [smem:$0x3FDB];
	s0 =	simm.s32 @p2 $0x1  }
0x17: {  	s4 =	simm.s32 $0x1BF5;
	[smem:$0x3FB5] =	sst s0  }
0x18: {  	s0 =	sld [smem:$0x3F98];
	_ =	swait.ge [sflag:s4], $0x0  }
0x19: {  	s7 =	sld [smem:$0x3F99]  }
0x1a: {  	s8 =	sadd.s32 $0xFFFFE003, lr  }
0x1b: {  	s9 =	sadd.s32 $0xFFFFFEF7, lr;
	s5 =	simm.s32 $0xFFFFFFFF;
	p2 =	slt.u32 s8, $0xFFFFF086  }
0x1c: {  	p1 =	slt.u32 s9, $0xF7A;
	s5 =	simm.s32 @!p2 $0x0  }
0x1d: {  	s5 =	simm.s32 @p1 $0x1;
	p0 =	seq.s32 s7, s2  }
0x1e: {  	s7 =	smul.u32 @!p0 $0xF7A, s2;
	p2 =	seq.s32 @!p0 s5, $0x0  }
0x1f: {  	s9 =	smul.u32 $0xF7A, s1;
	s8 =	simm.s32 @!p0 $0x1BF5;
	p2 =	por !p2, p0  }
0x20: {  	[sflag:s8] =	ssyncset.s32 @!p0 $0xFFFFF086;
	s6 =	sadd.s32 @!p0 s3, s7;
	s7 =	simm.s32 @!p0 $0x108  }
0x21: {  	s3 =	sadd.s32 s3, s9;
	s6 =	sadd.s32 @!p0 $0x88, s6;
	s7 =	simm.s32 @p2 $0x1082  }
0x22: {  	[simem:s7], [sflag:s8] =	dma.local @!p0 [hbm:s6], $0xF7A  }
0x23: {  	s9 =	sor.u32 $0xD0000000, s2;
	s6 =	simm.s32 $0x108;
	_ =	swait.ge @!p0 [sflag:s8], $0x0  }
0x24: {  	s3 =	sadd.s32 $0x88, s3;
	s6 =	simm.s32 @!p1 $0x1082;
	[sflag:s4] =	ssyncset.s32 $0xFFFFF086  }
0x25: {  	[simem:s6], [sflag:s4] =	dma.local [hbm:s3], $0xF7A  }
0x26: {  	[smem:$0x3F99] =	sst s1;
	(tag) =	ssettag s2;
	_ =	strace s9  }
0x27: {  	s1 =	sld [smem:$0x3FA9]  }
0x28: {  	s2 =	sld [smem:$0x3FAA]  }
0x29: {  	s4 =	sld [smem:$0x3FAC]  }
0x2a: {  	p0 =	seq.s32 s5, $0x0;
	s5 =	sld [smem:$0x3FAD]  }
0x2b: {  	s6 =	sld [smem:$0x3FAE]  }
0x2c: {  	s7 =	sld [smem:$0x3FAF]  }
0x2d: {  	s3 =	simm.s32 $0x108;
	s8 =	sld [smem:$0x3FB0]  }
0x2e: {  	s3 =	simm.s32 @!p0 $0x1082;
	s9 =	sld [smem:$0x3FB1]  }
0x2f: {  	lr =	sadd.s32 s0, s3;
	s0 =	sld [smem:$0x3FA8]  }
0x30: {  	s3 =	sld [smem:$0x3FAB]  }
0x31: {  	[smem:$0x3FB4] =	sst s10  }
0x32: {  	s10 =	sld [smem:$0x3FB2];
	_ =	sdelay $0x3  }
0x33: {  	p0 =	seq.s32 s10, $0x1;
	s10 =	sld [smem:$0x3FB4];
	_ =	sdelay $0x3  }
0x34: {  	[smem:$0x3FB4] =	sst s10  }
0x35: {  	s10 =	sld [smem:$0x3FB3];
	_ =	sdelay $0x3  }
0x36: {  	p1 =	seq.s32 s10, $0x1;
	s10 =	sld [smem:$0x3FB4];
	_ =	sdelay $0x3  }
0x37: {  	[smem:$0x3FB4] =	sst s10  }
0x38: {  	s10 =	sld [smem:$0x3FB5]  }
0x39: {  	_ = 	snop;
	(pc) =	sbr.ind lr, $3  }
0x3a: {  	_ = 	snop  }
0x3b: {  	_ = 	snop  }
0x3c: {  	p2 =	seq.s32 s10, $0x1;
	s10 =	sld [smem:$0x3FB4]  }
0x3d: {  	_ =	shalt  }
0x3e: {  	_ =	shalt  }
0x3f: {  	_ =	shalt  }
0x40: {  	_ =	shalt  }
0x41: {  	_ =	shalt  }
0x42: {  	_ =	shalt  }
0x43: {  	_ =	shalt  }
0x44: {  	_ =	shalt  }
0x45: {  	_ =	shalt  }
0x46: {  	_ =	shalt  }
0x47: {  	_ =	shalt  }
0x48: {  	_ =	shalt  }
0x49: {  	_ =	shalt  }
0x4a: {  	_ =	shalt  }
0x4b: {  	_ =	shalt  }
0x4c: {  	_ =	shalt  }
0x4d: {  	_ =	shalt  }
0x4e: {  	_ =	shalt  }
0x4f: {  	_ =	shalt  }
0x50: {  	_ =	shalt  }
0x51: {  	_ =	shalt  }
0x52: {  	_ =	shalt  }
0x53: {  	_ =	shalt  }
0x54: {  	_ =	shalt  }
0x55: {  	_ =	shalt  }
0x56: {  	_ =	shalt  }
0x57: {  	_ =	shalt  }
0x58: {  	_ =	shalt  }
0x59: {  	_ =	shalt  }
0x5a: {  	_ =	shalt  }
0x5b: {  	_ =	shalt  }
0x5c: {  	_ =	shalt  }
0x5d: {  	_ =	shalt  }
0x5e: {  	_ =	shalt  }
0x5f: {  	_ =	shalt  }
0x60: {  	_ =	shalt  }
0x61: {  	_ =	shalt  }
0x62: {  	_ =	shalt  }
0x63: {  	_ =	shalt  }
0x64: {  	_ =	shalt  }
0x65: {  	_ =	shalt  }
0x66: {  	_ =	shalt  }
0x67: {  	_ =	shalt  }
0x68: {  	_ =	shalt  }
0x69: {  	_ =	shalt  }
0x6a: {  	_ =	shalt  }
0x6b: {  	_ =	shalt  }
0x6c: {  	_ =	shalt  }
0x6d: {  	_ =	shalt  }
0x6e: {  	_ =	shalt  }
0x6f: {  	_ =	shalt  }
0x70: {  	_ =	shalt  }
0x71: {  	_ =	shalt  }
0x72: {  	_ =	shalt  }
0x73: {  	_ =	shalt  }
0x74: {  	_ =	shalt  }
0x75: {  	_ =	shalt  }
0x76: {  	_ =	shalt  }
0x77: {  	_ =	shalt  }
0x78: {  	_ =	shalt  }
0x79: {  	_ =	shalt  }
0x7a: {  	_ =	shalt  }
0x7b: {  	_ =	shalt  }
0x7c: {  	_ =	shalt  }
0x7d: {  	_ =	shalt  }
0x7e: {  	_ =	shalt  }
0x7f: {  	_ =	shalt  }
0x80: {  	_ =	shalt  }
0x81: {  	_ =	shalt  }
0x82: {  	_ =	shalt  }
0x83: {  	_ =	shalt  }
0x84: {  	_ =	shalt  }
0x85: {  	_ =	shalt  }
0x86: {  	_ =	shalt  }
0x87: {  	_ =	shalt  }
.Lfunc_end0:
.L_simem_size_0:
called_computation.3_lowered:
.L_overlay_start_0:
0x88: {  	s2 =	sld [smem:$0x3FD9]  }
0x89: {  	s3 =	sld [smem:$0x3FFE];
	_ =	sdelay $0x1  }
0x8a: {  	s1 =	srdreg.scid  }
0x8b: {  	s0 =	sand.u32 $0x1, s1  }
0x8c: {  	s17 =	sshll.u32 s0, $0xA;
	s2 =	sadd.s32 s3, s2  }
0x8d: {  	s2 =	sadd.s32 s2, s17  }
0x8e: {  	[smem:$0x3FC0] =	sst s2  }
0x8f: {  	_ = 	snop  }
0x90: {  	s2 =	sld [smem:$0x3FD0];
	(tm) =	ssettm $0x1  }
0x91: {  	s18 =	sld [smem:$0x3FFB];
	_ =	sdelay $0x3  }
0x92: {  	_ =	strace s18  }
0x93: {  	s3 =	sld [smem:$0x3FFC];
	_ =	sdelay $0x3  }
0x94: {  	_ =	strace s3  }
0x95: {  	s3 =	sld [smem:$0x3FFD];
	_ =	sdelay $0x3  }
0x96: {  	_ =	strace s3  }
0x97: {  	_ =	strace $0x8FFFFFFF  }
0x98: {  	s19 =	sld [smem:$0x3FDB];
	_ =	sdelay $0x1  }
0x99: {  	s4 =	simm.s32 $_scs_section_size  }
0x9a: {  	s5 =	simm.s32 $_size__tile_overlayer_lowered;
	s6 =	simm.s32 $_tile_overlayer_lowered  }
0x9b: {  	s22 =	simm.s32 $0x1BFF;
	s21 =	sshll.u32 s6, $0x1;
	s3 =	sadd.s32 s4, s19  }
0x9c: {  	s7 =	simm.s32 $0x0;
	s20 =	sshll.u32 s5, $0x1;
	s5 =	sadd.s32 s21, s3  }
0x9d: {  	[timem:s7], [sflag:s22] =	dma.local [hbm:s5], s20  }
0x9e: {  	_ =	swait.ge [sflag:s22], s20  }
0x9f: {  	s4 =	ssub.s32 $0x0, s20;
	[sflag:s22] =	ssyncset.done $0x0  }
0xa0: {  	[sflag:s22] =	ssyncadd.s32 s4;
	_ =	sdelay $0x1  }
0xa1: {  	s23 =	simm.s32 $0x1B8B  }
0xa2: {  	_ =	swait.ge [sflag:s23], $0x1  }
0xa3: {  	[sflag:s23] =	ssyncset.done $0x0  }
0xa4: {  	s25 =	simm.s32 $0x1B8E;
	s24 =	sld [smem:$0x3FFE];
	[sflag:s23] =	ssyncadd.s32 $0xFFFFFFFF  }
0xa5: {  	s26 =	simm.s32 $execute0_lowered;
	[smem:$0x3FD2] =	sst s25  }
0xa6: {  	s5 =	sshll.u32 s26, $0x1;
	_ =	strace $0x8000004F;
	[dreg:$0x1] =	wrdreg $0xFFFFFFFF  }
0xa7: {  	s28 =	simm.s32 $_size_execute0_lowered;
	s3 =	sadd.s32 s3, s5;
	[dreg:$0x0] =	wrdreg $0x0  }
0xa8: {  	s5 =	sshll.u32 s28, $0x1;
	[dreg:$0x2] =	wrdreg s3  }
0xa9: {  	[dreg:$0x3] =	wrdreg s5  }
0xaa: {  	[dreg:$0x4] =	wrdreg $0xC0  }
0xab: {  	_ =	task [dreg:s7], $0x5FFFF  }
0xac: {  	[dreg:$0x1] =	wrdreg $0xFFFFFFFF  }
0xad: {  	[dreg:$0x0] =	wrdreg $0x60  }
0xae: {  	[dreg:$0x2] =	wrdreg s2  }
0xaf: {  	[dreg:$0x3] =	wrdreg s24  }
0xb0: {  	[dreg:$0x4] =	wrdreg $0xA4000  }
0xb1: {  	[dreg:$0x5] =	wrdreg $0x9  }
0xb2: {  	_ =	task.clear_ibuf [dreg:s7], $0x6FFFF;
	_ =	strace $0x9000004F  }
0xb3: {  	s29 =	simm.s32 $0x9;
	_ =	strace $0x80000051  }
0xb4: {  	_ =	swait.ge [sflag:s29], $0x1  }
0xb5: {  	[sflag:s29] =	ssyncadd.s32 $0xFFFFFFFF  }
0xb6: {  	_ =	strace $0x90000051  }
0xb7: {  	_ =	sfence  }
0xb8: {  	s30 =	sld [smem:$0x0];
	_ =	sdelay $0x2  }
0xb9: {  	s31 =	sshll.u32 s1, $0xD;
	s1 =	sshrl.u32 s1, $0x2  }
0xba: {  	s3 =	sand.u32 $0x4000, s31;
	s1 =	sadd.s32 s1, s30  }
0xbb: {  	s0 =	sor.u32 s3, s0;
	s1 =	sshll.u32 s1, $0x11  }
0xbc: {  	s0 =	sor.u32 s1, s0  }
0xbd: {  	s0 =	sadd.s32 $0x8F2B, s0  }
0xbe: {  	[sflag:s0] =	ssyncadd.remote.s32 $0x1  }
0xbf: {  	_ =	sfence.sel $0xFFFF  }
0xc0: {  	[dreg:$0x0] =	wrdreg $0xFFFFFFFF;
	(pc) =	sbr.abs _section_cstart, $3  }
0xc1: {  	[dreg:$0x1] =	wrdreg $0xFFFFFFFF  }
0xc2: {  	_ =	task.clear_ibuf [dreg:s7], $0x2FFFF;
	_ =	strace $0x9FFFFFFF  }
0xc3: {  	(tm) =	ssettm $0x7FFFFFFF  }
tec
execute0_lowered:
.L_overlay_start_1:
0x0: {  	(tag) =	ssettag $0x1  }
0x1: {  	s1 =	rddreg [dreg:$0x0]  }
0x2: {  	s0 =	rddreg [dreg:$0x1]  }
0x3: {  	s2 =	rddreg [dreg:$0x2];
	s3 =	srdreg.scid;
	s4 =	simm.s32 $0x0  }
0x4: {  	s5 =	stileid.u32;
	s28 =	simm.s32 $0x8;
	s29 =	simm.s32 $0x0  }
0x5: {  	s3 =	sand.u32 $0x1, s3;
	[smem:$0x7FF] =	sst s4;
	s7 =	smul.u32 $0x14000, s5  }
0x6: {  	s14 =	sadd.s32 $0xB800, s0;
	s12 =	sadd.s32 $0x1A00, s0;
	s8 =	sadd.s32 $0x15C00, s0  }
0x7: {  	s17 =	sshll.u32 s5, $0x1;
	s10 =	smul.u32 $0x50000, s5;
	s20 =	sshll.u32 s5, $0x6  }
0x8: {  	s6 =	smul.u32 $0x140000, s3;
	_ =	strace $0x80000050;
	[dreg:$0x4] =	wrdreg s8  }
0x9: {  	s16 =	ssub.s32 $0x2, s3;
	s8 =	sor.u32 s3, s17;
	s3 =	smul.u32 $0xA, s3  }
0xa: {  	s17 =	simm.s32 $0x200;
	s9 =	sshrl.u32 s16, $0x1;
	s18 =	smul.u32 $0x50, s8  }
0xb: {  	s19 =	sshrl.u32 s10, $0x2;
	s8 =	smul.u32 $0xA, s8;
	s6 =	sadd.s32 s7, s6  }
0xc: {  	s13 =	ssub.s32 s16, s9;
	s15 =	sadd.s32 s19, s2;
	s16 =	smul.u32 $0x14, s5  }
0xd: {  	s19 =	simm.s32 $0x400;
	s6 =	sshrl.u32 s6, $0x3;
	s21 =	sshrl.u32 s18, $0x3  }
0xe: {  	s22 =	sadd.s32 s14, s8;
	s24 =	sadd.s32 s12, s8;
	s15 =	sshrl.u32 s15, $0x3  }
0xf: {  	s18 =	simm.s32 $0x50;
	s0 =	sadd.s32 s6, s0;
	[dreg:$0x5] =	wrdreg s22  }
0x10: {  	s6 =	sor.u32 $0x1C09, s20;
	s23 =	sadd.s32 $0x140, s21;
	[dreg:$0x6] =	wrdreg s24  }
0x11: {  	s30 =	sadd.s32 s16, s12;
	s31 =	sadd.s32 s16, s14;
	s16 =	simm.s32 $0x9  }
.Ltmp0:
0x12: {  	s20 =	simm.s32 $0x80;
	s24 =	simm.s32 $0x5;
	(pc) =	sbr.rel .LBB2_1-.Ltmp0, $4  }
0x13: {  	s25 =	sadd.s32 s14, s23;
	s26 =	sadd.s32 s12, s23;
	s0 =	sadd.s32 $0x18400, s0  }
0x14: {  	s12 =	smax.u32 s13, $0x1;
	s13 =	sadd.s32 s3, s30;
	[dreg:$0x7] =	wrdreg s25  }
0x15: {  	s14 =	sadd.s32 s3, s31;
	s23 =	simm.s32 $0x1;
	[dreg:$0x8] =	wrdreg s26  }
0x16: {  	[dreg:$0x9] =	wrdreg s0;
	s25 =	simm.s32 $0x6;
	s26 =	simm.s32 $0x7  }
.LBB2_4:
0x17: {  	_ =	swait.ge [sflag:s24], $0x2800  }
0x18: {  	[sflag:s24] =	ssyncset.done $0x0  }
0x19: {  	[sflag:s24] =	ssyncadd.s32 $0xFFFFD800  }
0x1a: {  	_ =	swait.ge [sflag:s25], $0x2800  }
0x1b: {  	[sflag:s25] =	ssyncset.done $0x0  }
0x1c: {  	[sflag:s25] =	ssyncadd.s32 $0xFFFFD800  }
0x1d: {  	_ =	swait.ge [sflag:s26], $0x2800  }
0x1e: {  	[sflag:s26] =	ssyncset.done $0x0  }
0x1f: {  	[sflag:s26] =	ssyncadd.s32 $0xFFFFD800  }
0x20: {  	_ =	swait.ge [sflag:s28], $0x2800  }
0x21: {  	[sflag:s28] =	ssyncset.done $0x0  }
0x22: {  	s29 =	sadd.s32 $0x1, s29;
	[sflag:s28] =	ssyncadd.s32 $0xFFFFD800  }
0x23: {  	p0 =	sne.s32 s29, s12;
	[bflag:$0x0] =	sbarrier.arrive $0xFFFF  }
.Ltmp1:
0x24: {  	s0 =	rddreg [dreg:$0x9];
	(pc) =	sbr.rel @!p0 .LBB2_5-.Ltmp1, $4  }
0x25: {  	[hbm:s0], [sflag:s6] =	dma.local [spmem:s15], $0x2800  }
0x26: {  	_ =	swait.ge [sflag:s16], $0x2800  }
0x27: {  	[sflag:s16] =	ssyncset.done $0x0  }
0x28: {  	[sflag:s16] =	ssyncadd.s32 $0xFFFFD800  }
.LBB2_1:
0x29: {  	s0 =	rddreg [dreg:$0x4]  }
0x2a: {  	[spmem:s15], [sflag:s6] =	dma.local [hbm:s0], $0x2800  }
0x2b: {  	_ =	swait.ge [sflag:s16], $0x2800  }
0x2c: {  	[sflag:s16] =	ssyncset.done $0x0  }
0x2d: {  	[sflag:s16] =	ssyncadd.s32 $0xFFFFD800  }
0x2e: {  	[bflag:$0x0] =	sbarrier.arrive $0xFFFF  }
0x2f: {  	s9 =	rddreg [dreg:$0x5]  }
0x30: {  	[tilespmem:s4], [sflag:$0x9] =	stream.linear.gather [hbm4b:s9+s4], $0x50, $0x38;
	[tilespmem:$0x1E400] =	vst v63  }
0x31: {  	_ =	swait.ge [sflag:s16], $0x50  }
0x32: {  	[sflag:s16] =	ssyncset.done $0x0  }
0x33: {  	s10 =	rddreg [dreg:$0x6];
	[sflag:s16] =	ssyncadd.s32 $0xFFFFFFB0  }
0x34: {  	[tilespmem:s17], [sflag:$0x9] =	stream.linear.gather [hbm4b:s10+s4], $0x50, $0x38;
	[tilespmem:$0x1E400] =	vst v63  }
0x35: {  	_ =	swait.ge [sflag:s16], $0x50  }
0x36: {  	[sflag:s16] =	ssyncset.done $0x0  }
0x37: {  	[sflag:s16] =	ssyncadd.s32 $0xFFFFFFB0  }
0x38: {  	[tilespmem:s19], [sflag:$0x1] =	stream.indirect.gather [hbm4b:s1+s18], $0x80, s4, s18, $0xb8;
	[tilespmem:$0x1E400] =	vst v63  }
0x39: {  	s11 =	rddreg [dreg:$0x7]  }
0x3a: {  	[tilespmem:s20], [sflag:$0x9] =	stream.linear.gather [hbm4b:s11+s4], $0x50, $0x38;
	[tilespmem:$0x1E400] =	vst v63  }
0x3b: {  	_ =	swait.ge [sflag:s16], $0x50  }
0x3c: {  	[sflag:s16] =	ssyncset.done $0x0  }
0x3d: {  	s3 =	simm.s32 $0x280;
	s21 =	rddreg [dreg:$0x8];
	[sflag:s16] =	ssyncadd.s32 $0xFFFFFFB0  }
0x3e: {  	[tilespmem:s3], [sflag:$0x9] =	stream.linear.gather [hbm4b:s21+s4], $0x50, $0x38;
	[tilespmem:$0x1E400] =	vst v63  }
0x3f: {  	_ =	swait.ge [sflag:s16], $0x50  }
0x40: {  	s22 =	simm.s32 $0x2C00;
	s30 =	simm.s32 $0x40;
	[sflag:s16] =	ssyncset.done $0x0  }
0x41: {  	s31 =	simm.s32 $0x0;
	s0 =	simm.s32 $0x0;
	[sflag:s16] =	ssyncadd.s32 $0xFFFFFFB0  }
0x42: {  	[tilespmem:s22], [sflag:$0x2] =	stream.indirect.gather [hbm4b:s1+s18], $0x80, s20, s18, $0xb8;
	[tilespmem:$0x1E400] =	vst v63  }
.LBB2_2:
0x43: {  	_ =	swait.ge [sflag:s23], $0x2800;
	p1 =	sgt.u32 s30, $0xF9F  }
0x44: {  	[sflag:s23] =	ssyncset.done $0x0;
	p0 =	seq.s32 @!p1 s31, $0x0  }
0x45: {  	[sflag:s23] =	ssyncadd.s32 $0xFFFFD800;
	p0 =	por p0, p1  }
0x46: {  	[spmem:s2] =	stream.indirect.scatter.add.f32 [tilespmem:s19], [sflag:$0x5], $0x80, s17, s18, $0xb8;
	[tilespmem:$0x1E400] =	vst v63  }
0x47: {  	s3 =	simm.s32 @!p0 $0x7  }
0x48: {  	_ =	swait.ge @!p0 [sflag:s3], $0x2800  }
0x49: {  	[sflag:s3] =	ssyncset.done @!p0 $0x0  }
0x4a: {  	[sflag:s3] =	ssyncadd.s32 @!p0 $0xFFFFD800;
	s3 =	sadd.s32 @!p1 s31, s14  }
0x4b: {  	s21 =	simm.s32 @!p1 $0x0;
	s22 =	simm.s32 @!p1 $0x100;
	s3 =	sadd.s32 @!p1 $0x280, s3  }
0x4c: {  	[tilespmem:s22], [sflag:$0x9] =	stream.linear.gather @!p1 [hbm4b:s3+s21], $0x50, $0x38;
	[tilespmem:$0x1E400] =	vst v63  }
0x4d: {  	s3 =	simm.s32 @!p1 $0x9  }
0x4e: {  	_ =	swait.ge @!p1 [sflag:s3], $0x50  }
0x4f: {  	s5 =	sadd.s32 @!p1 s31, s13;
	[sflag:s3] =	ssyncset.done @!p1 $0x0  }
0x50: {  	s7 =	simm.s32 @!p1 $0x300;
	s5 =	sadd.s32 @!p1 $0x280, s5;
	[sflag:s3] =	ssyncadd.s32 @!p1 $0xFFFFFFB0  }
0x51: {  	[tilespmem:s7], [sflag:$0x9] =	stream.linear.gather @!p1 [hbm4b:s5+s21], $0x50, $0x38;
	[tilespmem:$0x1E400] =	vst v63  }
0x52: {  	_ =	swait.ge @!p1 [sflag:s3], $0x50  }
0x53: {  	s8 =	simm.s32 @!p1 $0x5400;
	p0 =	sgt.u32 s0, $0x1E;
	[sflag:s3] =	ssyncset.done @!p1 $0x0  }
0x54: {  	s5 =	simm.s32 @!p1 $0x50;
	[sflag:s3] =	ssyncadd.s32 @!p1 $0xFFFFFFB0;
	s3 =	simm.s32 @!p0 $0x2  }
0x55: {  	[tilespmem:s8], [sflag:$0x3] =	stream.indirect.gather @!p1 [hbm4b:s1+s5], $0x80, s22, s5, $0xb8;
	[tilespmem:$0x1E400] =	vst v63  }
0x56: {  	p2 =	seq.s32 @!p0 s31, $0x0;
	_ =	swait.ge @!p0 [sflag:s3], $0x2800  }
0x57: {  	p2 =	por p2, p0;
	s21 =	simm.s32 @!p0 $0x280;
	[sflag:s3] =	ssyncset.done @!p0 $0x0  }
0x58: {  	s22 =	simm.s32 @!p0 $0x2C00;
	[sflag:s3] =	ssyncadd.s32 @!p0 $0xFFFFD800;
	s3 =	simm.s32 @!p0 $0x50  }
0x59: {  	[spmem:s2] =	stream.indirect.scatter.add.f32 @!p0 [tilespmem:s22], [sflag:$0x6], $0x80, s21, s3, $0xb8;
	[tilespmem:$0x1E400] =	vst v63  }
0x5a: {  	s21 =	simm.s32 @!p2 $0x8  }
0x5b: {  	_ =	swait.ge @!p2 [sflag:s21], $0x2800  }
0x5c: {  	[sflag:s21] =	ssyncset.done @!p2 $0x0  }
0x5d: {  	s9 =	simm.s32 @!p0 $0x180;
	[sflag:s21] =	ssyncadd.s32 @!p2 $0xFFFFD800;
	s21 =	sadd.s32 @!p0 s31, s14  }
0x5e: {  	s10 =	simm.s32 @!p0 $0x9;
	s22 =	simm.s32 @!p0 $0x0;
	s21 =	sadd.s32 @!p0 $0x3C0, s21  }
0x5f: {  	[tilespmem:s9], [sflag:$0x9] =	stream.linear.gather @!p0 [hbm4b:s21+s22], $0x50, $0x38;
	[tilespmem:$0x1E400] =	vst v63  }
0x60: {  	_ =	swait.ge @!p0 [sflag:s10], $0x50  }
0x61: {  	s21 =	sadd.s32 @!p0 s31, s13;
	[sflag:s10] =	ssyncset.done @!p0 $0x0  }
0x62: {  	s11 =	sadd.s32 @!p0 $0x3C0, s21;
	s21 =	simm.s32 @!p0 $0x380;
	[sflag:s10] =	ssyncadd.s32 @!p0 $0xFFFFFFB0  }
0x63: {  	[tilespmem:s21], [sflag:$0x9] =	stream.linear.gather @!p0 [hbm4b:s11+s22], $0x50, $0x38;
	[tilespmem:$0x1E400] =	vst v63  }
0x64: {  	_ =	swait.ge @!p0 [sflag:s10], $0x50  }
0x65: {  	[sflag:s10] =	ssyncset.done @!p0 $0x0  }
0x66: {  	s22 =	simm.s32 @!p0 $0x7C00;
	[sflag:s10] =	ssyncadd.s32 @!p0 $0xFFFFFFB0  }
0x67: {  	[tilespmem:s22], [sflag:$0x4] =	stream.indirect.gather @!p0 [hbm4b:s1+s3], $0x80, s9, s3, $0xb8;
	[tilespmem:$0x1E400] =	vst v63  }
0x68: {  	s9 =	simm.s32 @!p1 $0x3  }
0x69: {  	_ =	swait.ge @!p1 [sflag:s9], $0x2800  }
0x6a: {  	[sflag:s9] =	ssyncset.done @!p1 $0x0  }
0x6b: {  	[sflag:s9] =	ssyncadd.s32 @!p1 $0xFFFFD800  }
0x6c: {  	[spmem:s2] =	stream.indirect.scatter.add.f32 @!p1 [tilespmem:s8], [sflag:$0x7], $0x80, s7, s5, $0xb8;
	[tilespmem:$0x1E400] =	vst v63  }
0x6d: {  	p1 =	seq.s32 s31, $0x9B00  }
.Ltmp2:
0x6e: {  	_ = 	snop;
	(pc) =	sbr.rel @p1 .LBB2_4-.Ltmp2, $1  }
0x6f: {  	_ =	sdelay $0x3  }
0x70: {  	_ =	swait.ge [sflag:s24], $0x2800  }
0x71: {  	s5 =	sadd.s32 s31, s14;
	[sflag:s24] =	ssyncset.done $0x0  }
0x72: {  	s5 =	sadd.s32 $0x500, s5;
	[sflag:s24] =	ssyncadd.s32 $0xFFFFD800  }
0x73: {  	[tilespmem:s4], [sflag:$0x9] =	stream.linear.gather [hbm4b:s5+s4], $0x50, $0x38;
	[tilespmem:$0x1E400] =	vst v63  }
0x74: {  	_ =	swait.ge [sflag:s16], $0x50  }
0x75: {  	s11 =	sadd.s32 s31, s13;
	[sflag:s16] =	ssyncset.done $0x0  }
0x76: {  	s5 =	sadd.s32 $0x500, s11;
	[sflag:s16] =	ssyncadd.s32 $0xFFFFFFB0  }
0x77: {  	[tilespmem:s17], [sflag:$0x9] =	stream.linear.gather [hbm4b:s5+s4], $0x50, $0x38;
	[tilespmem:$0x1E400] =	vst v63  }
0x78: {  	_ =	swait.ge [sflag:s16], $0x50  }
0x79: {  	[sflag:s16] =	ssyncset.done $0x0  }
0x7a: {  	s5 =	simm.s32 @!p0 $0x4;
	[sflag:s16] =	ssyncadd.s32 $0xFFFFFFB0  }
0x7b: {  	[tilespmem:s19], [sflag:$0x1] =	stream.indirect.gather [hbm4b:s1+s18], $0x80, s4, s18, $0xb8;
	[tilespmem:$0x1E400] =	vst v63  }
0x7c: {  	_ =	swait.ge @!p0 [sflag:s5], $0x2800  }
0x7d: {  	[sflag:s5] =	ssyncset.done @!p0 $0x0  }
0x7e: {  	p1 =	seq.s32 @!p0 s31, $0x9600;
	[sflag:s5] =	ssyncadd.s32 @!p0 $0xFFFFD800  }
0x7f: {  	[spmem:s2] =	stream.indirect.scatter.add.f32 @!p0 [tilespmem:s22], [sflag:$0x8], $0x80, s21, s3, $0xb8;
	[tilespmem:$0x1E400] =	vst v63  }
0x80: {  	p0 =	por p1, p0  }
0x81: {  	s3 =	simm.s32 @!p0 $0x6  }
0x82: {  	_ =	swait.ge @!p0 [sflag:s3], $0x2800  }
0x83: {  	[sflag:s3] =	ssyncset.done @!p0 $0x0  }
0x84: {  	[sflag:s3] =	ssyncadd.s32 @!p0 $0xFFFFD800;
	s3 =	sadd.s32 @!p0 s31, s14  }
0x85: {  	s5 =	simm.s32 @!p0 $0x0;
	s7 =	simm.s32 @!p0 $0x80;
	s3 =	sadd.s32 @!p0 $0x640, s3  }
0x86: {  	[tilespmem:s7], [sflag:$0x9] =	stream.linear.gather @!p0 [hbm4b:s3+s5], $0x50, $0x38;
	[tilespmem:$0x1E400] =	vst v63  }
0x87: {  	s3 =	simm.s32 @!p0 $0x9  }
0x88: {  	_ =	swait.ge @!p0 [sflag:s3], $0x50  }
0x89: {  	s8 =	sadd.s32 @!p0 s31, s13;
	[sflag:s3] =	ssyncset.done @!p0 $0x0  }
0x8a: {  	s9 =	simm.s32 @!p0 $0x280;
	s8 =	sadd.s32 @!p0 $0x640, s8;
	[sflag:s3] =	ssyncadd.s32 @!p0 $0xFFFFFFB0  }
0x8b: {  	[tilespmem:s9], [sflag:$0x9] =	stream.linear.gather @!p0 [hbm4b:s8+s5], $0x50, $0x38;
	[tilespmem:$0x1E400] =	vst v63  }
.Ltmp3:
0x8c: {  	_ = 	snop;
	(pc) =	sbr.rel .LBB2_2-.Ltmp3, $4  }
0x8d: {  	s0 =	sadd.s32 $0x1, s0;
	_ =	swait.ge @!p0 [sflag:s3], $0x50  }
0x8e: {  	s30 =	sadd.s32 $0x80, s30;
	s31 =	sadd.s32 $0x500, s31;
	[sflag:s3] =	ssyncset.done @!p0 $0x0  }
0x8f: {  	s5 =	simm.s32 @!p0 $0x2C00;
	[sflag:s3] =	ssyncadd.s32 @!p0 $0xFFFFFFB0;
	s3 =	simm.s32 @!p0 $0x50  }
0x90: {  	[tilespmem:s5], [sflag:$0x2] =	stream.indirect.gather @!p0 [hbm4b:s1+s3], $0x80, s7, s3, $0xb8;
	[tilespmem:$0x1E400] =	vst v63  }
.LBB2_5:
0x91: {  	_ =	sfence.sel $0x180000  }
0x92: {  	[bflag:$0x0] =	sbarrier.arrive $0xFFFF  }
0x93: {  	_ =	strace $0x90000050  }
0x94: {  	s0 =	stileid.u32;
	[bflag:$0x2] =	sbarrier.arrive $0xFFFF  }
0x95: {  	p0 =	sne.s32 s0, $0x0;
	s0 =	rddreg [dreg:$0x3]  }
0x96: {  	s0 =	sadd.s32 @!p0 $0x100000, s0  }
0x97: {  	[sflag:s0] =	ssyncadd.tile.s32 @!p0 $0x1;
	_ =	shalt  }
.Lfunc_end2:
_tile_overlayer_lowered:
.L_overlay_start_2:
0x98: {  	(tag) =	ssettag $0x2  }
0x99: {  	s0 =	rddreg [dreg:$0x0];
	s2 =	stileid.u32  }
0x9a: {  	s1 =	rddreg [dreg:$0x1];
	p0 =	sne.s32 s2, $0x0  }
0x9b: {  	s3 =	rddreg [dreg:$0x2];
	[bflag:$0x3] =	sbarrier.arrive $0xFFFF;
	s2 =	simm.s32 @!p0 $0x1C09  }
0x9c: {  	[timem:s3], [sflag:s2] =	dma.local @!p0 [hbm:s0], s1  }
0x9d: {  	s0 =	simm.s32 @!p0 $0x9  }
0x9e: {  	_ =	swait.ge @!p0 [sflag:s0], s1  }
0x9f: {  	s1 =	ssub.s32 @!p0 $0x0, s1;
	[sflag:s0] =	ssyncset.done @!p0 $0x0  }
0xa0: {  	[sflag:s0] =	ssyncadd.s32 @!p0 s1  }
0xa1: {  	[bflag:$0x3] =	sbarrier.arrive $0xFFFF  }
0xa2: {  	_ =	shalt  }

</sc_bundles>
